<compile_context>
chip_gen: v7x
topology: tpu7x:2x2x1
jax: 0.10.2.dev20260603
libtpu: 0.0.44.dev20260713+nightly
codegen_flags: <defaults>
</compile_context>

<pallas_src>
import functools

import jax
import jax.numpy as jnp
from jax import lax
from jax.experimental import pallas as pl
from jax.experimental.pallas import tpu as pltpu
from jax.experimental.pallas import tpu_sc as plsc

HIDDEN = 128
N_SUBCORES = 16

_DN = (((1,), (1,)), ((), ()))
_PREC = jax.lax.Precision.DEFAULT



def _embed_body(x_ref, w1_ref, xe_ref, mu_ref):
    xe = lax.dot_general(x_ref[...], w1_ref[...], _DN,
                         preferred_element_type=jnp.float32, precision=_PREC)
    xe_ref[...] = xe
    mu_ref[...] = jnp.maximum(xe, 0.0)


def _iter_body(xe_ref, mi_ref, mo_ref, w2_ref, w3_ref, mu_ref):
    t = lax.dot_general(mi_ref[...], w2_ref[...], _DN,
                        preferred_element_type=jnp.float32, precision=_PREC)
    t = t + lax.dot_general(mo_ref[...], w3_ref[...], _DN,
                            preferred_element_type=jnp.float32, precision=_PREC)
    mu_ref[...] = jnp.maximum(xe_ref[...] + t, 0.0)


def _final_body(xe_ref, mi_ref, mo_ref, w2_ref, w3_ref, h_ref):
    t = lax.dot_general(mi_ref[...], w2_ref[...], _DN,
                        preferred_element_type=jnp.float32, precision=_PREC)
    t = t + lax.dot_general(mo_ref[...], w3_ref[...], _DN,
                            preferred_element_type=jnp.float32, precision=_PREC)
    mu = jnp.maximum(xe_ref[...] + t, 0.0)
    h_ref[...] = jnp.sum(mu, axis=0, keepdims=True)



@functools.cache
def _make_sc_msgs(n_nodes, n_edges):
    per_sub = n_edges // N_SUBCORES
    assert per_sub * N_SUBCORES == n_edges
    win = 0
    for w in range(128, 7, -8):
        if per_sub % w == 0:
            win = w
            break
    assert win > 0
    n_win = per_sub // win
    rows_per_sub = (n_nodes // (8 * N_SUBCORES)) * 8
    rows_rem = n_nodes - rows_per_sub * N_SUBCORES
    assert rows_rem % 8 == 0

    mesh = plsc.VectorSubcoreMesh(core_axis_name="c", subcore_axis_name="s")
    out = jax.ShapeDtypeStruct((n_nodes, HIDDEN), jnp.float32)
    NROW = 4
    NIDX = 8

    @functools.partial(
        pl.kernel,
        out_type=[out, out],
        mesh=mesh,
        scratch_types=[
            pltpu.VMEM((NIDX, 2, win), jnp.int32),
            pltpu.VMEM((NROW, win, HIDDEN), jnp.float32),
            pltpu.VMEM_SHARED((n_nodes, HIDDEN), jnp.float32),
            pltpu.SemaphoreType.DMA((NIDX,)),
            pltpu.SemaphoreType.DMA((NROW,)),
            pltpu.SemaphoreType.DMA((NROW,)),
        ],
    )
    def sc_msgs(mu_hbm, pk_hbm, min_hbm, mout_hbm,
                idx_v, rows_v, acc_sh, sem_i, sem_g, sem_s):
        cid = lax.axis_index("c")
        sid = lax.axis_index("s")
        row0 = sid * rows_per_sub
        rem0 = N_SUBCORES * rows_per_sub

        z = jnp.zeros((16,), jnp.float32)

        @pl.loop(0, win)
        def _(r):
            @pl.loop(0, HIDDEN, step=16)
            def _(c):
                rows_v[0, r, pl.ds(c, 16)] = z

        n_blk = rows_per_sub // win
        blk_rem = rows_per_sub - n_blk * win

        def zero_copy(j):
            return pltpu.make_async_copy(
                rows_v.at[0], acc_sh.at[pl.ds(row0 + j * win, win)],
                sem_g.at[0])

        for j in range(n_blk):
            zero_copy(j).start()
        if blk_rem:
            pltpu.async_copy(rows_v.at[0, pl.ds(0, blk_rem)],
                             acc_sh.at[pl.ds(row0 + n_blk * win, blk_rem)],
                             sem_g.at[1])
        if rows_rem:
            @pl.when(sid == N_SUBCORES - 1)
            def _():
                pltpu.async_copy(rows_v.at[0, pl.ds(0, rows_rem)],
                                 acc_sh.at[pl.ds(rem0, rows_rem)],
                                 sem_g.at[2])
        for j in range(n_blk):
            zero_copy(j).wait()
        if blk_rem:
            pltpu.make_async_copy(
                rows_v.at[0, pl.ds(0, blk_rem)],
                acc_sh.at[pl.ds(row0 + n_blk * win, blk_rem)],
                sem_g.at[1]).wait()
        if rows_rem:
            @pl.when(sid == N_SUBCORES - 1)
            def _():
                pltpu.make_async_copy(
                    rows_v.at[0, pl.ds(0, rows_rem)],
                    acc_sh.at[pl.ds(rem0, rows_rem)],
                    sem_g.at[2]).wait()
        plsc.subcore_barrier()

        def direction(g, s):
            def idx_copy(k):
                return pltpu.make_async_copy(pk_hbm.at[sid, k],
                                             idx_v.at[k % NIDX],
                                             sem_i.at[k % NIDX])

            def gather_copy(k):
                return pltpu.make_async_copy(mu_hbm.at[idx_v.at[k % NIDX, g]],
                                             rows_v.at[k % NROW],
                                             sem_g.at[k % NROW])

            def scatter_copy(k):
                return pltpu.make_async_copy(rows_v.at[k % NROW],
                                             acc_sh.at[idx_v.at[k % NIDX, s]],
                                             sem_s.at[k % NROW])

            for k in range(6):
                idx_copy(k).start()
            for k in range(2):
                idx_copy(k).wait()
                gather_copy(k).start()

            @pl.loop(0, n_win)
            def _(wi):
                @pl.when(wi >= 2)
                def _():
                    scatter_copy(wi - 2).wait()

                @pl.when(wi + 6 < n_win)
                def _():
                    idx_copy(wi + 6).start()

                @pl.when(wi + 2 < n_win)
                def _():
                    idx_copy(wi + 2).wait()
                    gather_copy(wi + 2).start()

                gather_copy(wi).wait()
                scatter_copy(wi).start(add=True)

            scatter_copy(n_win - 2).wait()
            scatter_copy(n_win - 1).wait()

        @pl.when(cid == 0)
        def _():
            direction(0, 1)

        @pl.when(cid == 1)
        def _():
            direction(1, 0)

        plsc.subcore_barrier()

        def write_out(o_hbm):
            pltpu.sync_copy(acc_sh.at[pl.ds(row0, rows_per_sub)],
                            o_hbm.at[pl.ds(row0, rows_per_sub)])
            if rows_rem:
                @pl.when(sid == N_SUBCORES - 1)
                def _():
                    pltpu.sync_copy(acc_sh.at[pl.ds(rem0, rows_rem)],
                                    o_hbm.at[pl.ds(rem0, rows_rem)])

        @pl.when(cid == 0)
        def _():
            write_out(min_hbm)

        @pl.when(cid == 1)
        def _():
            write_out(mout_hbm)

    return sc_msgs



@jax.jit
def kernel(x_log, edge_index, W1, W2, W3):
    n_nodes, d_in = x_log.shape
    n_edges = edge_index.shape[1]
    ei = edge_index.astype(jnp.int32)
    per_sub = n_edges // N_SUBCORES
    win = 0
    for w in range(128, 7, -8):
        if per_sub % w == 0:
            win = w
            break
    n_win = per_sub // win
    pk = ei.reshape(2, N_SUBCORES, n_win, win).transpose(1, 2, 0, 3)

    node_mat = jax.ShapeDtypeStruct((n_nodes, HIDDEN), jnp.float32)

    xe, mu = pl.pallas_call(
        _embed_body,
        out_shape=[node_mat, node_mat],
    )(x_log, W1)

    sc_msgs = _make_sc_msgs(n_nodes, n_edges)

    m_in, m_out = sc_msgs(mu, pk)
    mu = pl.pallas_call(
        _iter_body,
        out_shape=node_mat,
    )(xe, m_in, m_out, W2, W3)

    m_in, m_out = sc_msgs(mu, pk)
    h = pl.pallas_call(
        _final_body,
        out_shape=jax.ShapeDtypeStruct((1, HIDDEN), jnp.float32),
    )(xe, m_in, m_out, W2, W3)

    return h.reshape((HIDDEN,))

# --- scband reference (transcript-rebuilt; emitter-appended) ---
"""Pipeline reference for scband-tdag-structure2-vec-13958643712644 (READ-ONLY COPY).

The authoritative reference and input builder live on the scoring server;
editing this copy changes nothing except your own understanding.
"""

import jax, jax.numpy as jnp
import numpy as np

ITERATIONS = 3
HIDDEN = 128

def setup_inputs(seed: int = 0) -> dict:
    key = jax.random.key(seed)
    k1, k2, k3, k4, k5 = jax.random.split(key, 5)
    n_nodes = 10000
    n_edges = 320000
    d_in = 128
    x_log = jax.random.normal(k1, (n_nodes, d_in), dtype=jnp.float32)
    edge_index = jax.random.randint(k2, (2, n_edges), 0, n_nodes, dtype=jnp.int64)
    # Linear weights (torch nn.Linear stores [out, in]; y = x @ W.T)
    W1 = jax.random.normal(k3, (HIDDEN, d_in), dtype=jnp.float32) * (1.0 / np.sqrt(d_in))
    W2 = jax.random.normal(k4, (HIDDEN, HIDDEN), dtype=jnp.float32) * (1.0 / np.sqrt(HIDDEN))
    W3 = jax.random.normal(k5, (HIDDEN, HIDDEN), dtype=jnp.float32) * (1.0 / np.sqrt(HIDDEN))
    return {"x_log": x_log, "edge_index": edge_index, "W1": W1, "W2": W2, "W3": W3}

def reference(x_log, edge_index, W1, W2, W3):
    num_gates = x_log.shape[0]
    hidden = W1.shape[0]
    x_embedded = x_log @ W1.T
    mu = jnp.zeros((num_gates, hidden), dtype=x_log.dtype)
    src = edge_index[0]
    dst = edge_index[1]
    for k in range(ITERATIONS):
        msg_in = jax.ops.segment_sum(mu[src], dst, num_segments=num_gates)
        msg_out = jax.ops.segment_sum(mu[dst], src, num_segments=num_gates)
        mu_next = x_embedded + msg_in @ W2.T + msg_out @ W3.T
        mu = jax.nn.relu(mu_next)
    h_G = jnp.sum(mu, axis=0)
    return h_G

if __name__ == "__main__":
    import jax
    _d = setup_inputs()
    print(jax.jit(kernel)(*tuple(_d.values())))

</pallas_src>

<mosaic_0001>
#map = affine_map<(d0, d1) -> (0, 0)>
#map1 = affine_map<(d0, d1) -> (0, 0, 0, 0)>
module attributes {stable_mosaic.version = 14 : i64} {
  func.func @sc_msgs(%arg0: i32, %arg1: i32, %arg2: memref<10000x128xf32, #tpu.memory_space<hbm>>, %arg3: memref<16x250x2x80xi32, #tpu.memory_space<hbm>>, %arg4: memref<10000x128xf32, #tpu.memory_space<hbm>>, %arg5: memref<10000x128xf32, #tpu.memory_space<hbm>>, %arg6: memref<8x2x80xi32, #tpu.memory_space<vmem>>, %arg7: memref<4x80x128xf32, #tpu.memory_space<vmem>>, %arg8: memref<10000x128xf32, #tpu.memory_space<vmem_shared>>, %arg9: memref<8x!tpu.dma_semaphore, #tpu.memory_space<semaphore_mem>>, %arg10: memref<4x!tpu.dma_semaphore, #tpu.memory_space<semaphore_mem>>, %arg11: memref<4x!tpu.dma_semaphore, #tpu.memory_space<semaphore_mem>>) attributes {dimension_semantics = [#tpu.dimension_semantics<core_parallel>, #tpu.dimension_semantics<subcore_parallel>], iteration_bounds = array<i64: 2, 16>, scalar_prefetch = 0 : i64, scratch_operands = 6 : i64, tpu.core_type = #tpu.core_type<sc_vector_subcore>, window_params = [{transform_indices = #map}, {transform_indices = #map1}, {transform_indices = #map}, {transform_indices = #map}]} {
    %mul3A = arith.constant 624 : i32
    %mul3A_0 = arith.muli %arg1, %mul3A : i32
    %broadcast_in_dim3A = arith.constant 0.000000e+00 : f32
    %broadcast_in_dim3A_1 = vector.broadcast %broadcast_in_dim3A : f32 to vector<16xf32>
    %scan3A = arith.constant 0 : i32
    %scan3A_2 = arith.constant 80 : i32
    %scan3A_3 = arith.addi %scan3A, %scan3A_2 : i32
    %scan3A_4 = arith.constant 1 : i32
    scf.for %scan3A_319 = %scan3A to %scan3A_3 step %scan3A_4  : i32 {
      %mul3A_320 = arith.constant 1 : i32
      %mul3A_321 = arith.muli %scan3A_319, %mul3A_320 : i32
      %add3A_322 = arith.constant 0 : i32
      %add3A_323 = arith.addi %add3A_322, %mul3A_321 : i32
      %scan3A_324 = arith.constant 0 : i32
      %scan3A_325 = arith.constant 8 : i32
      %scan3A_326 = arith.addi %scan3A_324, %scan3A_325 : i32
      %scan3A_327 = arith.constant 1 : i32
      scf.for %scan3A_329 = %scan3A_324 to %scan3A_326 step %scan3A_327  : i32 {
        %mul3A_330 = arith.constant 16 : i32
        %mul3A_331 = arith.muli %scan3A_329, %mul3A_330 : i32
        %add3A_332 = arith.constant 0 : i32
        %add3A_333 = arith.addi %add3A_332, %mul3A_331 : i32
        %swap3A = arith.constant 0 : i32
        %swap3A_334 = arith.index_cast %swap3A : i32 to index
        %swap3A_335 = arith.index_cast %add3A_323 : i32 to index
        %swap3A_336 = arith.index_cast %add3A_333 : i32 to index
        %swap3A_337 = tpu.vector_load %arg7[%swap3A_334, %swap3A_335, %swap3A_336] {strides = array<i32>} : memref<4x80x128xf32, #tpu.memory_space<vmem>>, vector<1x1x16xf32>,
        %swap3A_338 = vector.shape_cast %swap3A_337 : vector<1x1x16xf32> to vector<16xf32>
        %swap3A_339 = vector.shape_cast %broadcast_in_dim3A_1 : vector<16xf32> to vector<1x1x16xf32>
        tpu.vector_store %arg7[%swap3A_334, %swap3A_335, %swap3A_336], %swap3A_339 {strides = array<i32>} : memref<4x80x128xf32, #tpu.memory_space<vmem>>, vector<1x1x16xf32>,
      }
      %scan3A_328 = arith.constant 8 : i32
    }
    %scan3A_5 = arith.constant 80 : i32
    %add3A = arith.constant 0 : i32
    %add3A_6 = arith.addi %mul3A_0, %add3A : i32
    %dma_start3A = arith.constant 0 : i32
    %dma_start3A_7 = arith.constant 0 : i32
    %dma_start3A_8 = arith.constant 0 : i32
    %dma_start3A_9 = arith.constant 0 : i32
    %dma_start3A_10 = tpu.memref_slice %arg7[%dma_start3A, %dma_start3A_8, %dma_start3A_9] : memref<4x80x128xf32, #tpu.memory_space<vmem>> -> memref<1x80x128xf32, #tpu.memory_space<vmem>>
    %dma_start3A_11 = tpu.memref_squeeze %dma_start3A_10 : memref<1x80x128xf32, #tpu.memory_space<vmem>> -> memref<80x128xf32, #tpu.memory_space<vmem>>
    %dma_start3A_12 = arith.constant 0 : i32
    %dma_start3A_13 = tpu.memref_slice %arg8[%add3A_6, %dma_start3A_12] : memref<10000x128xf32, #tpu.memory_space<vmem_shared>> -> memref<80x128xf32, #tpu.memory_space<vmem_shared>>
    %dma_start3A_14 = tpu.memref_slice %arg10[%dma_start3A_7] : memref<4x!tpu.dma_semaphore, #tpu.memory_space<semaphore_mem>> -> memref<1x!tpu.dma_semaphore, #tpu.memory_space<semaphore_mem>>
    %dma_start3A_15 = tpu.memref_squeeze %dma_start3A_14 : memref<1x!tpu.dma_semaphore, #tpu.memory_space<semaphore_mem>> -> memref<!tpu.dma_semaphore, #tpu.memory_space<semaphore_mem>>
    %dma_start3A_16 = arith.constant 0 : i32
    %dma_start3A_17 = tpu.memref_slice %arg8[%add3A_6, %dma_start3A_16] : memref<10000x128xf32, #tpu.memory_space<vmem_shared>> -> memref<80x128xf32, #tpu.memory_space<vmem_shared>>
    %dma_start3A_18 = arith.constant 0 : i32
    %dma_start3A_19 = arith.constant 0 : i32
    %dma_start3A_20 = tpu.memref_slice %arg7[%dma_start3A, %dma_start3A_18, %dma_start3A_19] : memref<4x80x128xf32, #tpu.memory_space<vmem>> -> memref<1x80x128xf32, #tpu.memory_space<vmem>>
    %dma_start3A_21 = tpu.memref_squeeze %dma_start3A_20 : memref<1x80x128xf32, #tpu.memory_space<vmem>> -> memref<80x128xf32, #tpu.memory_space<vmem>>
    tpu.enqueue_dma source(%dma_start3A_21 : memref<80x128xf32, #tpu.memory_space<vmem>>) target(%dma_start3A_17 : memref<80x128xf32, #tpu.memory_space<vmem_shared>>) target_semaphore(%dma_start3A_15 : memref<!tpu.dma_semaphore, #tpu.memory_space<semaphore_mem>>)
    %add3A_22 = arith.constant 80 : i32
    %add3A_23 = arith.addi %mul3A_0, %add3A_22 : i32
    %dma_start3A_24 = arith.constant 0 : i32
    %dma_start3A_25 = arith.constant 0 : i32
    %dma_start3A_26 = arith.constant 0 : i32
    %dma_start3A_27 = arith.constant 0 : i32
    %dma_start3A_28 = tpu.memref_slice %arg7[%dma_start3A_24, %dma_start3A_26, %dma_start3A_27] : memref<4x80x128xf32, #tpu.memory_space<vmem>> -> memref<1x80x128xf32, #tpu.memory_space<vmem>>
    %dma_start3A_29 = tpu.memref_squeeze %dma_start3A_28 : memref<1x80x128xf32, #tpu.memory_space<vmem>> -> memref<80x128xf32, #tpu.memory_space<vmem>>
    %dma_start3A_30 = arith.constant 0 : i32
    %dma_start3A_31 = tpu.memref_slice %arg8[%add3A_23, %dma_start3A_30] : memref<10000x128xf32, #tpu.memory_space<vmem_shared>> -> memref<80x128xf32, #tpu.memory_space<vmem_shared>>
    %dma_start3A_32 = tpu.memref_slice %arg10[%dma_start3A_25] : memref<4x!tpu.dma_semaphore, #tpu.memory_space<semaphore_mem>> -> memref<1x!tpu.dma_semaphore, #tpu.memory_space<semaphore_mem>>
    %dma_start3A_33 = tpu.memref_squeeze %dma_start3A_32 : memref<1x!tpu.dma_semaphore, #tpu.memory_space<semaphore_mem>> -> memref<!tpu.dma_semaphore, #tpu.memory_space<semaphore_mem>>
    %dma_start3A_34 = arith.constant 0 : i32
    %dma_start3A_35 = tpu.memref_slice %arg8[%add3A_23, %dma_start3A_34] : memref<10000x128xf32, #tpu.memory_space<vmem_shared>> -> memref<80x128xf32, #tpu.memory_space<vmem_shared>>
    %dma_start3A_36 = arith.constant 0 : i32
    %dma_start3A_37 = arith.constant 0 : i32
    %dma_start3A_38 = tpu.memref_slice %arg7[%dma_start3A_24, %dma_start3A_36, %dma_start3A_37] : memref<4x80x128xf32, #tpu.memory_space<vmem>> -> memref<1x80x128xf32, #tpu.memory_space<vmem>>
    %dma_start3A_39 = tpu.memref_squeeze %dma_start3A_38 : memref<1x80x128xf32, #tpu.memory_space<vmem>> -> memref<80x128xf32, #tpu.memory_space<vmem>>
    tpu.enqueue_dma source(%dma_start3A_39 : memref<80x128xf32, #tpu.memory_space<vmem>>) target(%dma_start3A_35 : memref<80x128xf32, #tpu.memory_space<vmem_shared>>) target_semaphore(%dma_start3A_33 : memref<!tpu.dma_semaphore, #tpu.memory_space<semaphore_mem>>)
    %add3A_40 = arith.constant 160 : i32
    %add3A_41 = arith.addi %mul3A_0, %add3A_40 : i32
    %dma_start3A_42 = arith.constant 0 : i32
    %dma_start3A_43 = arith.constant 0 : i32
    %dma_start3A_44 = arith.constant 0 : i32
    %dma_start3A_45 = arith.constant 0 : i32
    %dma_start3A_46 = tpu.memref_slice %arg7[%dma_start3A_42, %dma_start3A_44, %dma_start3A_45] : memref<4x80x128xf32, #tpu.memory_space<vmem>> -> memref<1x80x128xf32, #tpu.memory_space<vmem>>
    %dma_start3A_47 = tpu.memref_squeeze %dma_start3A_46 : memref<1x80x128xf32, #tpu.memory_space<vmem>> -> memref<80x128xf32, #tpu.memory_space<vmem>>
    %dma_start3A_48 = arith.constant 0 : i32
    %dma_start3A_49 = tpu.memref_slice %arg8[%add3A_41, %dma_start3A_48] : memref<10000x128xf32, #tpu.memory_space<vmem_shared>> -> memref<80x128xf32, #tpu.memory_space<vmem_shared>>
    %dma_start3A_50 = tpu.memref_slice %arg10[%dma_start3A_43] : memref<4x!tpu.dma_semaphore, #tpu.memory_space<semaphore_mem>> -> memref<1x!tpu.dma_semaphore, #tpu.memory_space<semaphore_mem>>
    %dma_start3A_51 = tpu.memref_squeeze %dma_start3A_50 : memref<1x!tpu.dma_semaphore, #tpu.memory_space<semaphore_mem>> -> memref<!tpu.dma_semaphore, #tpu.memory_space<semaphore_mem>>
    %dma_start3A_52 = arith.constant 0 : i32
    %dma_start3A_53 = tpu.memref_slice %arg8[%add3A_41, %dma_start3A_52] : memref<10000x128xf32, #tpu.memory_space<vmem_shared>> -> memref<80x128xf32, #tpu.memory_space<vmem_shared>>
    %dma_start3A_54 = arith.constant 0 : i32
    %dma_start3A_55 = arith.constant 0 : i32
    %dma_start3A_56 = tpu.memref_slice %arg7[%dma_start3A_42, %dma_start3A_54, %dma_start3A_55] : memref<4x80x128xf32, #tpu.memory_space<vmem>> -> memref<1x80x128xf32, #tpu.memory_space<vmem>>
    %dma_start3A_57 = tpu.memref_squeeze %dma_start3A_56 : memref<1x80x128xf32, #tpu.memory_space<vmem>> -> memref<80x128xf32, #tpu.memory_space<vmem>>
    tpu.enqueue_dma source(%dma_start3A_57 : memref<80x128xf32, #tpu.memory_space<vmem>>) target(%dma_start3A_53 : memref<80x128xf32, #tpu.memory_space<vmem_shared>>) target_semaphore(%dma_start3A_51 : memref<!tpu.dma_semaphore, #tpu.memory_space<semaphore_mem>>)
    %add3A_58 = arith.constant 240 : i32
    %add3A_59 = arith.addi %mul3A_0, %add3A_58 : i32
    %dma_start3A_60 = arith.constant 0 : i32
    %dma_start3A_61 = arith.constant 0 : i32
    %dma_start3A_62 = arith.constant 0 : i32
    %dma_start3A_63 = arith.constant 0 : i32
    %dma_start3A_64 = tpu.memref_slice %arg7[%dma_start3A_60, %dma_start3A_62, %dma_start3A_63] : memref<4x80x128xf32, #tpu.memory_space<vmem>> -> memref<1x80x128xf32, #tpu.memory_space<vmem>>
    %dma_start3A_65 = tpu.memref_squeeze %dma_start3A_64 : memref<1x80x128xf32, #tpu.memory_space<vmem>> -> memref<80x128xf32, #tpu.memory_space<vmem>>
    %dma_start3A_66 = arith.constant 0 : i32
    %dma_start3A_67 = tpu.memref_slice %arg8[%add3A_59, %dma_start3A_66] : memref<10000x128xf32, #tpu.memory_space<vmem_shared>> -> memref<80x128xf32, #tpu.memory_space<vmem_shared>>
    %dma_start3A_68 = tpu.memref_slice %arg10[%dma_start3A_61] : memref<4x!tpu.dma_semaphore, #tpu.memory_space<semaphore_mem>> -> memref<1x!tpu.dma_semaphore, #tpu.memory_space<semaphore_mem>>
    %dma_start3A_69 = tpu.memref_squeeze %dma_start3A_68 : memref<1x!tpu.dma_semaphore, #tpu.memory_space<semaphore_mem>> -> memref<!tpu.dma_semaphore, #tpu.memory_space<semaphore_mem>>
    %dma_start3A_70 = arith.constant 0 : i32
    %dma_start3A_71 = tpu.memref_slice %arg8[%add3A_59, %dma_start3A_70] : memref<10000x128xf32, #tpu.memory_space<vmem_shared>> -> memref<80x128xf32, #tpu.memory_space<vmem_shared>>
    %dma_start3A_72 = arith.constant 0 : i32
    %dma_start3A_73 = arith.constant 0 : i32
    %dma_start3A_74 = tpu.memref_slice %arg7[%dma_start3A_60, %dma_start3A_72, %dma_start3A_73] : memref<4x80x128xf32, #tpu.memory_space<vmem>> -> memref<1x80x128xf32, #tpu.memory_space<vmem>>
    %dma_start3A_75 = tpu.memref_squeeze %dma_start3A_74 : memref<1x80x128xf32, #tpu.memory_space<vmem>> -> memref<80x128xf32, #tpu.memory_space<vmem>>
    tpu.enqueue_dma source(%dma_start3A_75 : memref<80x128xf32, #tpu.memory_space<vmem>>) target(%dma_start3A_71 : memref<80x128xf32, #tpu.memory_space<vmem_shared>>) target_semaphore(%dma_start3A_69 : memref<!tpu.dma_semaphore, #tpu.memory_space<semaphore_mem>>)
    %add3A_76 = arith.constant 320 : i32
    %add3A_77 = arith.addi %mul3A_0, %add3A_76 : i32
    %dma_start3A_78 = arith.constant 0 : i32
    %dma_start3A_79 = arith.constant 0 : i32
    %dma_start3A_80 = arith.constant 0 : i32
    %dma_start3A_81 = arith.constant 0 : i32
    %dma_start3A_82 = tpu.memref_slice %arg7[%dma_start3A_78, %dma_start3A_80, %dma_start3A_81] : memref<4x80x128xf32, #tpu.memory_space<vmem>> -> memref<1x80x128xf32, #tpu.memory_space<vmem>>
    %dma_start3A_83 = tpu.memref_squeeze %dma_start3A_82 : memref<1x80x128xf32, #tpu.memory_space<vmem>> -> memref<80x128xf32, #tpu.memory_space<vmem>>
    %dma_start3A_84 = arith.constant 0 : i32
    %dma_start3A_85 = tpu.memref_slice %arg8[%add3A_77, %dma_start3A_84] : memref<10000x128xf32, #tpu.memory_space<vmem_shared>> -> memref<80x128xf32, #tpu.memory_space<vmem_shared>>
    %dma_start3A_86 = tpu.memref_slice %arg10[%dma_start3A_79] : memref<4x!tpu.dma_semaphore, #tpu.memory_space<semaphore_mem>> -> memref<1x!tpu.dma_semaphore, #tpu.memory_space<semaphore_mem>>
    %dma_start3A_87 = tpu.memref_squeeze %dma_start3A_86 : memref<1x!tpu.dma_semaphore, #tpu.memory_space<semaphore_mem>> -> memref<!tpu.dma_semaphore, #tpu.memory_space<semaphore_mem>>
    %dma_start3A_88 = arith.constant 0 : i32
    %dma_start3A_89 = tpu.memref_slice %arg8[%add3A_77, %dma_start3A_88] : memref<10000x128xf32, #tpu.memory_space<vmem_shared>> -> memref<80x128xf32, #tpu.memory_space<vmem_shared>>
    %dma_start3A_90 = arith.constant 0 : i32
    %dma_start3A_91 = arith.constant 0 : i32
    %dma_start3A_92 = tpu.memref_slice %arg7[%dma_start3A_78, %dma_start3A_90, %dma_start3A_91] : memref<4x80x128xf32, #tpu.memory_space<vmem>> -> memref<1x80x128xf32, #tpu.memory_space<vmem>>
    %dma_start3A_93 = tpu.memref_squeeze %dma_start3A_92 : memref<1x80x128xf32, #tpu.memory_space<vmem>> -> memref<80x128xf32, #tpu.memory_space<vmem>>
    tpu.enqueue_dma source(%dma_start3A_93 : memref<80x128xf32, #tpu.memory_space<vmem>>) target(%dma_start3A_89 : memref<80x128xf32, #tpu.memory_space<vmem_shared>>) target_semaphore(%dma_start3A_87 : memref<!tpu.dma_semaphore, #tpu.memory_space<semaphore_mem>>)
    %add3A_94 = arith.constant 400 : i32
    %add3A_95 = arith.addi %mul3A_0, %add3A_94 : i32
    %dma_start3A_96 = arith.constant 0 : i32
    %dma_start3A_97 = arith.constant 0 : i32
    %dma_start3A_98 = arith.constant 0 : i32
    %dma_start3A_99 = arith.constant 0 : i32
    %dma_start3A_100 = tpu.memref_slice %arg7[%dma_start3A_96, %dma_start3A_98, %dma_start3A_99] : memref<4x80x128xf32, #tpu.memory_space<vmem>> -> memref<1x80x128xf32, #tpu.memory_space<vmem>>
    %dma_start3A_101 = tpu.memref_squeeze %dma_start3A_100 : memref<1x80x128xf32, #tpu.memory_space<vmem>> -> memref<80x128xf32, #tpu.memory_space<vmem>>
    %dma_start3A_102 = arith.constant 0 : i32
    %dma_start3A_103 = tpu.memref_slice %arg8[%add3A_95, %dma_start3A_102] : memref<10000x128xf32, #tpu.memory_space<vmem_shared>> -> memref<80x128xf32, #tpu.memory_space<vmem_shared>>
    %dma_start3A_104 = tpu.memref_slice %arg10[%dma_start3A_97] : memref<4x!tpu.dma_semaphore, #tpu.memory_space<semaphore_mem>> -> memref<1x!tpu.dma_semaphore, #tpu.memory_space<semaphore_mem>>
    %dma_start3A_105 = tpu.memref_squeeze %dma_start3A_104 : memref<1x!tpu.dma_semaphore, #tpu.memory_space<semaphore_mem>> -> memref<!tpu.dma_semaphore, #tpu.memory_space<semaphore_mem>>
    %dma_start3A_106 = arith.constant 0 : i32
    %dma_start3A_107 = tpu.memref_slice %arg8[%add3A_95, %dma_start3A_106] : memref<10000x128xf32, #tpu.memory_space<vmem_shared>> -> memref<80x128xf32, #tpu.memory_space<vmem_shared>>
    %dma_start3A_108 = arith.constant 0 : i32
    %dma_start3A_109 = arith.constant 0 : i32
    %dma_start3A_110 = tpu.memref_slice %arg7[%dma_start3A_96, %dma_start3A_108, %dma_start3A_109] : memref<4x80x128xf32, #tpu.memory_space<vmem>> -> memref<1x80x128xf32, #tpu.memory_space<vmem>>
    %dma_start3A_111 = tpu.memref_squeeze %dma_start3A_110 : memref<1x80x128xf32, #tpu.memory_space<vmem>> -> memref<80x128xf32, #tpu.memory_space<vmem>>
    tpu.enqueue_dma source(%dma_start3A_111 : memref<80x128xf32, #tpu.memory_space<vmem>>) target(%dma_start3A_107 : memref<80x128xf32, #tpu.memory_space<vmem_shared>>) target_semaphore(%dma_start3A_105 : memref<!tpu.dma_semaphore, #tpu.memory_space<semaphore_mem>>)
    %add3A_112 = arith.constant 480 : i32
    %add3A_113 = arith.addi %mul3A_0, %add3A_112 : i32
    %dma_start3A_114 = arith.constant 0 : i32
    %dma_start3A_115 = arith.constant 0 : i32
    %dma_start3A_116 = arith.constant 0 : i32
    %dma_start3A_117 = arith.constant 0 : i32
    %dma_start3A_118 = tpu.memref_slice %arg7[%dma_start3A_114, %dma_start3A_116, %dma_start3A_117] : memref<4x80x128xf32, #tpu.memory_space<vmem>> -> memref<1x80x128xf32, #tpu.memory_space<vmem>>
    %dma_start3A_119 = tpu.memref_squeeze %dma_start3A_118 : memref<1x80x128xf32, #tpu.memory_space<vmem>> -> memref<80x128xf32, #tpu.memory_space<vmem>>
    %dma_start3A_120 = arith.constant 0 : i32
    %dma_start3A_121 = tpu.memref_slice %arg8[%add3A_113, %dma_start3A_120] : memref<10000x128xf32, #tpu.memory_space<vmem_shared>> -> memref<80x128xf32, #tpu.memory_space<vmem_shared>>
    %dma_start3A_122 = tpu.memref_slice %arg10[%dma_start3A_115] : memref<4x!tpu.dma_semaphore, #tpu.memory_space<semaphore_mem>> -> memref<1x!tpu.dma_semaphore, #tpu.memory_space<semaphore_mem>>
    %dma_start3A_123 = tpu.memref_squeeze %dma_start3A_122 : memref<1x!tpu.dma_semaphore, #tpu.memory_space<semaphore_mem>> -> memref<!tpu.dma_semaphore, #tpu.memory_space<semaphore_mem>>
    %dma_start3A_124 = arith.constant 0 : i32
    %dma_start3A_125 = tpu.memref_slice %arg8[%add3A_113, %dma_start3A_124] : memref<10000x128xf32, #tpu.memory_space<vmem_shared>> -> memref<80x128xf32, #tpu.memory_space<vmem_shared>>
    %dma_start3A_126 = arith.constant 0 : i32
    %dma_start3A_127 = arith.constant 0 : i32
    %dma_start3A_128 = tpu.memref_slice %arg7[%dma_start3A_114, %dma_start3A_126, %dma_start3A_127] : memref<4x80x128xf32, #tpu.memory_space<vmem>> -> memref<1x80x128xf32, #tpu.memory_space<vmem>>
    %dma_start3A_129 = tpu.memref_squeeze %dma_start3A_128 : memref<1x80x128xf32, #tpu.memory_space<vmem>> -> memref<80x128xf32, #tpu.memory_space<vmem>>
    tpu.enqueue_dma source(%dma_start3A_129 : memref<80x128xf32, #tpu.memory_space<vmem>>) target(%dma_start3A_125 : memref<80x128xf32, #tpu.memory_space<vmem_shared>>) target_semaphore(%dma_start3A_123 : memref<!tpu.dma_semaphore, #tpu.memory_space<semaphore_mem>>)
    %add3A_130 = arith.constant 560 : i32
    %add3A_131 = arith.addi %mul3A_0, %add3A_130 : i32
    %dma_start3A_132 = arith.constant 0 : i32
    %dma_start3A_133 = arith.constant 1 : i32
    %dma_start3A_134 = arith.constant 0 : i32
    %dma_start3A_135 = arith.constant 0 : i32
    %dma_start3A_136 = tpu.memref_slice %arg7[%dma_start3A_132, %dma_start3A_134, %dma_start3A_135] : memref<4x80x128xf32, #tpu.memory_space<vmem>> -> memref<1x64x128xf32, #tpu.memory_space<vmem>>
    %dma_start3A_137 = tpu.memref_squeeze %dma_start3A_136 : memref<1x64x128xf32, #tpu.memory_space<vmem>> -> memref<64x128xf32, #tpu.memory_space<vmem>>
    %dma_start3A_138 = arith.constant 0 : i32
    %dma_start3A_139 = tpu.memref_slice %arg8[%add3A_131, %dma_start3A_138] : memref<10000x128xf32, #tpu.memory_space<vmem_shared>> -> memref<64x128xf32, #tpu.memory_space<vmem_shared>>
    %dma_start3A_140 = tpu.memref_slice %arg10[%dma_start3A_133] : memref<4x!tpu.dma_semaphore, #tpu.memory_space<semaphore_mem>> -> memref<1x!tpu.dma_semaphore, #tpu.memory_space<semaphore_mem>>
    %dma_start3A_141 = tpu.memref_squeeze %dma_start3A_140 : memref<1x!tpu.dma_semaphore, #tpu.memory_space<semaphore_mem>> -> memref<!tpu.dma_semaphore, #tpu.memory_space<semaphore_mem>>
    %dma_start3A_142 = arith.constant 0 : i32
    %dma_start3A_143 = tpu.memref_slice %arg8[%add3A_131, %dma_start3A_142] : memref<10000x128xf32, #tpu.memory_space<vmem_shared>> -> memref<64x128xf32, #tpu.memory_space<vmem_shared>>
    %dma_start3A_144 = arith.constant 0 : i32
    %dma_start3A_145 = arith.constant 0 : i32
    %dma_start3A_146 = tpu.memref_slice %arg7[%dma_start3A_132, %dma_start3A_144, %dma_start3A_145] : memref<4x80x128xf32, #tpu.memory_space<vmem>> -> memref<1x64x128xf32, #tpu.memory_space<vmem>>
    %dma_start3A_147 = tpu.memref_squeeze %dma_start3A_146 : memref<1x64x128xf32, #tpu.memory_space<vmem>> -> memref<64x128xf32, #tpu.memory_space<vmem>>
    tpu.enqueue_dma source(%dma_start3A_147 : memref<64x128xf32, #tpu.memory_space<vmem>>) target(%dma_start3A_143 : memref<64x128xf32, #tpu.memory_space<vmem_shared>>) target_semaphore(%dma_start3A_141 : memref<!tpu.dma_semaphore, #tpu.memory_space<semaphore_mem>>)
    %eq3A = arith.constant 15 : i32
    %eq3A_148 = arith.cmpi eq, %arg1, %eq3A : i32
    %convert_element_type3A = arith.extui %eq3A_148 : i1 to i32
    %cond3A = arith.constant 0 : i32
    %cond3A_149 = arith.cmpi ne, %convert_element_type3A, %cond3A : i32
    scf.if %cond3A_149 {
      %dma_start3A_319 = arith.constant 0 : i32
      %dma_start3A_320 = arith.constant 2 : i32
      %dma_start3A_321 = arith.constant 0 : i32
      %dma_start3A_322 = arith.constant 0 : i32
      %dma_start3A_323 = tpu.memref_slice %arg7[%dma_start3A_319, %dma_start3A_321, %dma_start3A_322] : memref<4x80x128xf32, #tpu.memory_space<vmem>> -> memref<1x16x128xf32, #tpu.memory_space<vmem>>
      %dma_start3A_324 = tpu.memref_squeeze %dma_start3A_323 : memref<1x16x128xf32, #tpu.memory_space<vmem>> -> memref<16x128xf32, #tpu.memory_space<vmem>>
      %dma_start3A_325 = arith.constant 9984 : i32
      %dma_start3A_326 = arith.constant 0 : i32
      %dma_start3A_327 = tpu.memref_slice %arg8[%dma_start3A_325, %dma_start3A_326] : memref<10000x128xf32, #tpu.memory_space<vmem_shared>> -> memref<16x128xf32, #tpu.memory_space<vmem_shared>>
      %dma_start3A_328 = tpu.memref_slice %arg10[%dma_start3A_320] : memref<4x!tpu.dma_semaphore, #tpu.memory_space<semaphore_mem>> -> memref<1x!tpu.dma_semaphore, #tpu.memory_space<semaphore_mem>>
      %dma_start3A_329 = tpu.memref_squeeze %dma_start3A_328 : memref<1x!tpu.dma_semaphore, #tpu.memory_space<semaphore_mem>> -> memref<!tpu.dma_semaphore, #tpu.memory_space<semaphore_mem>>
      %dma_start3A_330 = arith.constant 9984 : i32
      %dma_start3A_331 = arith.constant 0 : i32
      %dma_start3A_332 = tpu.memref_slice %arg8[%dma_start3A_330, %dma_start3A_331] : memref<10000x128xf32, #tpu.memory_space<vmem_shared>> -> memref<16x128xf32, #tpu.memory_space<vmem_shared>>
      %dma_start3A_333 = arith.constant 0 : i32
      %dma_start3A_334 = arith.constant 0 : i32
      %dma_start3A_335 = tpu.memref_slice %arg7[%dma_start3A_319, %dma_start3A_333, %dma_start3A_334] : memref<4x80x128xf32, #tpu.memory_space<vmem>> -> memref<1x16x128xf32, #tpu.memory_space<vmem>>
      %dma_start3A_336 = tpu.memref_squeeze %dma_start3A_335 : memref<1x16x128xf32, #tpu.memory_space<vmem>> -> memref<16x128xf32, #tpu.memory_space<vmem>>
      tpu.enqueue_dma source(%dma_start3A_336 : memref<16x128xf32, #tpu.memory_space<vmem>>) target(%dma_start3A_332 : memref<16x128xf32, #tpu.memory_space<vmem_shared>>) target_semaphore(%dma_start3A_329 : memref<!tpu.dma_semaphore, #tpu.memory_space<semaphore_mem>>)
    } else {
    }
    %add3A_150 = arith.constant 0 : i32
    %add3A_151 = arith.addi %mul3A_0, %add3A_150 : i32
    %dma_wait3A = arith.constant 0 : i32
    %dma_wait3A_152 = arith.constant 0 : i32
    %dma_wait3A_153 = arith.constant 0 : i32
    %dma_wait3A_154 = arith.constant 0 : i32
    %dma_wait3A_155 = tpu.memref_slice %arg7[%dma_wait3A, %dma_wait3A_153, %dma_wait3A_154] : memref<4x80x128xf32, #tpu.memory_space<vmem>> -> memref<1x80x128xf32, #tpu.memory_space<vmem>>
    %dma_wait3A_156 = tpu.memref_squeeze %dma_wait3A_155 : memref<1x80x128xf32, #tpu.memory_space<vmem>> -> memref<80x128xf32, #tpu.memory_space<vmem>>
    %dma_wait3A_157 = arith.constant 0 : i32
    %dma_wait3A_158 = tpu.memref_slice %arg8[%add3A_151, %dma_wait3A_157] : memref<10000x128xf32, #tpu.memory_space<vmem_shared>> -> memref<80x128xf32, #tpu.memory_space<vmem_shared>>
    %dma_wait3A_159 = tpu.memref_slice %arg10[%dma_wait3A_152] : memref<4x!tpu.dma_semaphore, #tpu.memory_space<semaphore_mem>> -> memref<1x!tpu.dma_semaphore, #tpu.memory_space<semaphore_mem>>
    %dma_wait3A_160 = tpu.memref_squeeze %dma_wait3A_159 : memref<1x!tpu.dma_semaphore, #tpu.memory_space<semaphore_mem>> -> memref<!tpu.dma_semaphore, #tpu.memory_space<semaphore_mem>>
    %dma_wait3A_161 = arith.constant 0 : i32
    %dma_wait3A_162 = tpu.memref_slice %arg8[%add3A_151, %dma_wait3A_161] : memref<10000x128xf32, #tpu.memory_space<vmem_shared>> -> memref<80x128xf32, #tpu.memory_space<vmem_shared>>
    %dma_wait3A_163 = arith.constant 0 : i32
    %dma_wait3A_164 = arith.constant 0 : i32
    %dma_wait3A_165 = tpu.memref_slice %arg7[%dma_wait3A, %dma_wait3A_163, %dma_wait3A_164] : memref<4x80x128xf32, #tpu.memory_space<vmem>> -> memref<1x80x128xf32, #tpu.memory_space<vmem>>
    %dma_wait3A_166 = tpu.memref_squeeze %dma_wait3A_165 : memref<1x80x128xf32, #tpu.memory_space<vmem>> -> memref<80x128xf32, #tpu.memory_space<vmem>>
    tpu.wait_dma2 semaphore(%dma_wait3A_160 : memref<!tpu.dma_semaphore, #tpu.memory_space<semaphore_mem>>) src(%dma_wait3A_166 : memref<80x128xf32, #tpu.memory_space<vmem>>) dst(%dma_wait3A_162 : memref<80x128xf32, #tpu.memory_space<vmem_shared>>)
    %add3A_167 = arith.constant 80 : i32
    %add3A_168 = arith.addi %mul3A_0, %add3A_167 : i32
    %dma_wait3A_169 = arith.constant 0 : i32
    %dma_wait3A_170 = arith.constant 0 : i32
    %dma_wait3A_171 = arith.constant 0 : i32
    %dma_wait3A_172 = arith.constant 0 : i32
    %dma_wait3A_173 = tpu.memref_slice %arg7[%dma_wait3A_169, %dma_wait3A_171, %dma_wait3A_172] : memref<4x80x128xf32, #tpu.memory_space<vmem>> -> memref<1x80x128xf32, #tpu.memory_space<vmem>>
    %dma_wait3A_174 = tpu.memref_squeeze %dma_wait3A_173 : memref<1x80x128xf32, #tpu.memory_space<vmem>> -> memref<80x128xf32, #tpu.memory_space<vmem>>
    %dma_wait3A_175 = arith.constant 0 : i32
    %dma_wait3A_176 = tpu.memref_slice %arg8[%add3A_168, %dma_wait3A_175] : memref<10000x128xf32, #tpu.memory_space<vmem_shared>> -> memref<80x128xf32, #tpu.memory_space<vmem_shared>>
    %dma_wait3A_177 = tpu.memref_slice %arg10[%dma_wait3A_170] : memref<4x!tpu.dma_semaphore, #tpu.memory_space<semaphore_mem>> -> memref<1x!tpu.dma_semaphore, #tpu.memory_space<semaphore_mem>>
    %dma_wait3A_178 = tpu.memref_squeeze %dma_wait3A_177 : memref<1x!tpu.dma_semaphore, #tpu.memory_space<semaphore_mem>> -> memref<!tpu.dma_semaphore, #tpu.memory_space<semaphore_mem>>
    %dma_wait3A_179 = arith.constant 0 : i32
    %dma_wait3A_180 = tpu.memref_slice %arg8[%add3A_168, %dma_wait3A_179] : memref<10000x128xf32, #tpu.memory_space<vmem_shared>> -> memref<80x128xf32, #tpu.memory_space<vmem_shared>>
    %dma_wait3A_181 = arith.constant 0 : i32
    %dma_wait3A_182 = arith.constant 0 : i32
    %dma_wait3A_183 = tpu.memref_slice %arg7[%dma_wait3A_169, %dma_wait3A_181, %dma_wait3A_182] : memref<4x80x128xf32, #tpu.memory_space<vmem>> -> memref<1x80x128xf32, #tpu.memory_space<vmem>>
    %dma_wait3A_184 = tpu.memref_squeeze %dma_wait3A_183 : memref<1x80x128xf32, #tpu.memory_space<vmem>> -> memref<80x128xf32, #tpu.memory_space<vmem>>
    tpu.wait_dma2 semaphore(%dma_wait3A_178 : memref<!tpu.dma_semaphore, #tpu.memory_space<semaphore_mem>>) src(%dma_wait3A_184 : memref<80x128xf32, #tpu.memory_space<vmem>>) dst(%dma_wait3A_180 : memref<80x128xf32, #tpu.memory_space<vmem_shared>>)
    %add3A_185 = arith.constant 160 : i32
    %add3A_186 = arith.addi %mul3A_0, %add3A_185 : i32
    %dma_wait3A_187 = arith.constant 0 : i32
    %dma_wait3A_188 = arith.constant 0 : i32
    %dma_wait3A_189 = arith.constant 0 : i32
    %dma_wait3A_190 = arith.constant 0 : i32
    %dma_wait3A_191 = tpu.memref_slice %arg7[%dma_wait3A_187, %dma_wait3A_189, %dma_wait3A_190] : memref<4x80x128xf32, #tpu.memory_space<vmem>> -> memref<1x80x128xf32, #tpu.memory_space<vmem>>
    %dma_wait3A_192 = tpu.memref_squeeze %dma_wait3A_191 : memref<1x80x128xf32, #tpu.memory_space<vmem>> -> memref<80x128xf32, #tpu.memory_space<vmem>>
    %dma_wait3A_193 = arith.constant 0 : i32
    %dma_wait3A_194 = tpu.memref_slice %arg8[%add3A_186, %dma_wait3A_193] : memref<10000x128xf32, #tpu.memory_space<vmem_shared>> -> memref<80x128xf32, #tpu.memory_space<vmem_shared>>
    %dma_wait3A_195 = tpu.memref_slice %arg10[%dma_wait3A_188] : memref<4x!tpu.dma_semaphore, #tpu.memory_space<semaphore_mem>> -> memref<1x!tpu.dma_semaphore, #tpu.memory_space<semaphore_mem>>
    %dma_wait3A_196 = tpu.memref_squeeze %dma_wait3A_195 : memref<1x!tpu.dma_semaphore, #tpu.memory_space<semaphore_mem>> -> memref<!tpu.dma_semaphore, #tpu.memory_space<semaphore_mem>>
    %dma_wait3A_197 = arith.constant 0 : i32
    %dma_wait3A_198 = tpu.memref_slice %arg8[%add3A_186, %dma_wait3A_197] : memref<10000x128xf32, #tpu.memory_space<vmem_shared>> -> memref<80x128xf32, #tpu.memory_space<vmem_shared>>
    %dma_wait3A_199 = arith.constant 0 : i32
    %dma_wait3A_200 = arith.constant 0 : i32
    %dma_wait3A_201 = tpu.memref_slice %arg7[%dma_wait3A_187, %dma_wait3A_199, %dma_wait3A_200] : memref<4x80x128xf32, #tpu.memory_space<vmem>> -> memref<1x80x128xf32, #tpu.memory_space<vmem>>
    %dma_wait3A_202 = tpu.memref_squeeze %dma_wait3A_201 : memref<1x80x128xf32, #tpu.memory_space<vmem>> -> memref<80x128xf32, #tpu.memory_space<vmem>>
    tpu.wait_dma2 semaphore(%dma_wait3A_196 : memref<!tpu.dma_semaphore, #tpu.memory_space<semaphore_mem>>) src(%dma_wait3A_202 : memref<80x128xf32, #tpu.memory_space<vmem>>) dst(%dma_wait3A_198 : memref<80x128xf32, #tpu.memory_space<vmem_shared>>)
    %add3A_203 = arith.constant 240 : i32
    %add3A_204 = arith.addi %mul3A_0, %add3A_203 : i32
    %dma_wait3A_205 = arith.constant 0 : i32
    %dma_wait3A_206 = arith.constant 0 : i32
    %dma_wait3A_207 = arith.constant 0 : i32
    %dma_wait3A_208 = arith.constant 0 : i32
    %dma_wait3A_209 = tpu.memref_slice %arg7[%dma_wait3A_205, %dma_wait3A_207, %dma_wait3A_208] : memref<4x80x128xf32, #tpu.memory_space<vmem>> -> memref<1x80x128xf32, #tpu.memory_space<vmem>>
    %dma_wait3A_210 = tpu.memref_squeeze %dma_wait3A_209 : memref<1x80x128xf32, #tpu.memory_space<vmem>> -> memref<80x128xf32, #tpu.memory_space<vmem>>
    %dma_wait3A_211 = arith.constant 0 : i32
    %dma_wait3A_212 = tpu.memref_slice %arg8[%add3A_204, %dma_wait3A_211] : memref<10000x128xf32, #tpu.memory_space<vmem_shared>> -> memref<80x128xf32, #tpu.memory_space<vmem_shared>>
    %dma_wait3A_213 = tpu.memref_slice %arg10[%dma_wait3A_206] : memref<4x!tpu.dma_semaphore, #tpu.memory_space<semaphore_mem>> -> memref<1x!tpu.dma_semaphore, #tpu.memory_space<semaphore_mem>>
    %dma_wait3A_214 = tpu.memref_squeeze %dma_wait3A_213 : memref<1x!tpu.dma_semaphore, #tpu.memory_space<semaphore_mem>> -> memref<!tpu.dma_semaphore, #tpu.memory_space<semaphore_mem>>
    %dma_wait3A_215 = arith.constant 0 : i32
    %dma_wait3A_216 = tpu.memref_slice %arg8[%add3A_204, %dma_wait3A_215] : memref<10000x128xf32, #tpu.memory_space<vmem_shared>> -> memref<80x128xf32, #tpu.memory_space<vmem_shared>>
    %dma_wait3A_217 = arith.constant 0 : i32
    %dma_wait3A_218 = arith.constant 0 : i32
    %dma_wait3A_219 = tpu.memref_slice %arg7[%dma_wait3A_205, %dma_wait3A_217, %dma_wait3A_218] : memref<4x80x128xf32, #tpu.memory_space<vmem>> -> memref<1x80x128xf32, #tpu.memory_space<vmem>>
    %dma_wait3A_220 = tpu.memref_squeeze %dma_wait3A_219 : memref<1x80x128xf32, #tpu.memory_space<vmem>> -> memref<80x128xf32, #tpu.memory_space<vmem>>
    tpu.wait_dma2 semaphore(%dma_wait3A_214 : memref<!tpu.dma_semaphore, #tpu.memory_space<semaphore_mem>>) src(%dma_wait3A_220 : memref<80x128xf32, #tpu.memory_space<vmem>>) dst(%dma_wait3A_216 : memref<80x128xf32, #tpu.memory_space<vmem_shared>>)
    %add3A_221 = arith.constant 320 : i32
    %add3A_222 = arith.addi %mul3A_0, %add3A_221 : i32
    %dma_wait3A_223 = arith.constant 0 : i32
    %dma_wait3A_224 = arith.constant 0 : i32
    %dma_wait3A_225 = arith.constant 0 : i32
    %dma_wait3A_226 = arith.constant 0 : i32
    %dma_wait3A_227 = tpu.memref_slice %arg7[%dma_wait3A_223, %dma_wait3A_225, %dma_wait3A_226] : memref<4x80x128xf32, #tpu.memory_space<vmem>> -> memref<1x80x128xf32, #tpu.memory_space<vmem>>
    %dma_wait3A_228 = tpu.memref_squeeze %dma_wait3A_227 : memref<1x80x128xf32, #tpu.memory_space<vmem>> -> memref<80x128xf32, #tpu.memory_space<vmem>>
    %dma_wait3A_229 = arith.constant 0 : i32
    %dma_wait3A_230 = tpu.memref_slice %arg8[%add3A_222, %dma_wait3A_229] : memref<10000x128xf32, #tpu.memory_space<vmem_shared>> -> memref<80x128xf32, #tpu.memory_space<vmem_shared>>
    %dma_wait3A_231 = tpu.memref_slice %arg10[%dma_wait3A_224] : memref<4x!tpu.dma_semaphore, #tpu.memory_space<semaphore_mem>> -> memref<1x!tpu.dma_semaphore, #tpu.memory_space<semaphore_mem>>
    %dma_wait3A_232 = tpu.memref_squeeze %dma_wait3A_231 : memref<1x!tpu.dma_semaphore, #tpu.memory_space<semaphore_mem>> -> memref<!tpu.dma_semaphore, #tpu.memory_space<semaphore_mem>>
    %dma_wait3A_233 = arith.constant 0 : i32
    %dma_wait3A_234 = tpu.memref_slice %arg8[%add3A_222, %dma_wait3A_233] : memref<10000x128xf32, #tpu.memory_space<vmem_shared>> -> memref<80x128xf32, #tpu.memory_space<vmem_shared>>
    %dma_wait3A_235 = arith.constant 0 : i32
    %dma_wait3A_236 = arith.constant 0 : i32
    %dma_wait3A_237 = tpu.memref_slice %arg7[%dma_wait3A_223, %dma_wait3A_235, %dma_wait3A_236] : memref<4x80x128xf32, #tpu.memory_space<vmem>> -> memref<1x80x128xf32, #tpu.memory_space<vmem>>
    %dma_wait3A_238 = tpu.memref_squeeze %dma_wait3A_237 : memref<1x80x128xf32, #tpu.memory_space<vmem>> -> memref<80x128xf32, #tpu.memory_space<vmem>>
    tpu.wait_dma2 semaphore(%dma_wait3A_232 : memref<!tpu.dma_semaphore, #tpu.memory_space<semaphore_mem>>) src(%dma_wait3A_238 : memref<80x128xf32, #tpu.memory_space<vmem>>) dst(%dma_wait3A_234 : memref<80x128xf32, #tpu.memory_space<vmem_shared>>)
    %add3A_239 = arith.constant 400 : i32
    %add3A_240 = arith.addi %mul3A_0, %add3A_239 : i32
    %dma_wait3A_241 = arith.constant 0 : i32
    %dma_wait3A_242 = arith.constant 0 : i32
    %dma_wait3A_243 = arith.constant 0 : i32
    %dma_wait3A_244 = arith.constant 0 : i32
    %dma_wait3A_245 = tpu.memref_slice %arg7[%dma_wait3A_241, %dma_wait3A_243, %dma_wait3A_244] : memref<4x80x128xf32, #tpu.memory_space<vmem>> -> memref<1x80x128xf32, #tpu.memory_space<vmem>>
    %dma_wait3A_246 = tpu.memref_squeeze %dma_wait3A_245 : memref<1x80x128xf32, #tpu.memory_space<vmem>> -> memref<80x128xf32, #tpu.memory_space<vmem>>
    %dma_wait3A_247 = arith.constant 0 : i32
    %dma_wait3A_248 = tpu.memref_slice %arg8[%add3A_240, %dma_wait3A_247] : memref<10000x128xf32, #tpu.memory_space<vmem_shared>> -> memref<80x128xf32, #tpu.memory_space<vmem_shared>>
    %dma_wait3A_249 = tpu.memref_slice %arg10[%dma_wait3A_242] : memref<4x!tpu.dma_semaphore, #tpu.memory_space<semaphore_mem>> -> memref<1x!tpu.dma_semaphore, #tpu.memory_space<semaphore_mem>>
    %dma_wait3A_250 = tpu.memref_squeeze %dma_wait3A_249 : memref<1x!tpu.dma_semaphore, #tpu.memory_space<semaphore_mem>> -> memref<!tpu.dma_semaphore, #tpu.memory_space<semaphore_mem>>
    %dma_wait3A_251 = arith.constant 0 : i32
    %dma_wait3A_252 = tpu.memref_slice %arg8[%add3A_240, %dma_wait3A_251] : memref<10000x128xf32, #tpu.memory_space<vmem_shared>> -> memref<80x128xf32, #tpu.memory_space<vmem_shared>>
    %dma_wait3A_253 = arith.constant 0 : i32
    %dma_wait3A_254 = arith.constant 0 : i32
    %dma_wait3A_255 = tpu.memref_slice %arg7[%dma_wait3A_241, %dma_wait3A_253, %dma_wait3A_254] : memref<4x80x128xf32, #tpu.memory_space<vmem>> -> memref<1x80x128xf32, #tpu.memory_space<vmem>>
    %dma_wait3A_256 = tpu.memref_squeeze %dma_wait3A_255 : memref<1x80x128xf32, #tpu.memory_space<vmem>> -> memref<80x128xf32, #tpu.memory_space<vmem>>
    tpu.wait_dma2 semaphore(%dma_wait3A_250 : memref<!tpu.dma_semaphore, #tpu.memory_space<semaphore_mem>>) src(%dma_wait3A_256 : memref<80x128xf32, #tpu.memory_space<vmem>>) dst(%dma_wait3A_252 : memref<80x128xf32, #tpu.memory_space<vmem_shared>>)
    %add3A_257 = arith.constant 480 : i32
    %add3A_258 = arith.addi %mul3A_0, %add3A_257 : i32
    %dma_wait3A_259 = arith.constant 0 : i32
    %dma_wait3A_260 = arith.constant 0 : i32
    %dma_wait3A_261 = arith.constant 0 : i32
    %dma_wait3A_262 = arith.constant 0 : i32
    %dma_wait3A_263 = tpu.memref_slice %arg7[%dma_wait3A_259, %dma_wait3A_261, %dma_wait3A_262] : memref<4x80x128xf32, #tpu.memory_space<vmem>> -> memref<1x80x128xf32, #tpu.memory_space<vmem>>
    %dma_wait3A_264 = tpu.memref_squeeze %dma_wait3A_263 : memref<1x80x128xf32, #tpu.memory_space<vmem>> -> memref<80x128xf32, #tpu.memory_space<vmem>>
    %dma_wait3A_265 = arith.constant 0 : i32
    %dma_wait3A_266 = tpu.memref_slice %arg8[%add3A_258, %dma_wait3A_265] : memref<10000x128xf32, #tpu.memory_space<vmem_shared>> -> memref<80x128xf32, #tpu.memory_space<vmem_shared>>
    %dma_wait3A_267 = tpu.memref_slice %arg10[%dma_wait3A_260] : memref<4x!tpu.dma_semaphore, #tpu.memory_space<semaphore_mem>> -> memref<1x!tpu.dma_semaphore, #tpu.memory_space<semaphore_mem>>
    %dma_wait3A_268 = tpu.memref_squeeze %dma_wait3A_267 : memref<1x!tpu.dma_semaphore, #tpu.memory_space<semaphore_mem>> -> memref<!tpu.dma_semaphore, #tpu.memory_space<semaphore_mem>>
    %dma_wait3A_269 = arith.constant 0 : i32
    %dma_wait3A_270 = tpu.memref_slice %arg8[%add3A_258, %dma_wait3A_269] : memref<10000x128xf32, #tpu.memory_space<vmem_shared>> -> memref<80x128xf32, #tpu.memory_space<vmem_shared>>
    %dma_wait3A_271 = arith.constant 0 : i32
    %dma_wait3A_272 = arith.constant 0 : i32
    %dma_wait3A_273 = tpu.memref_slice %arg7[%dma_wait3A_259, %dma_wait3A_271, %dma_wait3A_272] : memref<4x80x128xf32, #tpu.memory_space<vmem>> -> memref<1x80x128xf32, #tpu.memory_space<vmem>>
    %dma_wait3A_274 = tpu.memref_squeeze %dma_wait3A_273 : memref<1x80x128xf32, #tpu.memory_space<vmem>> -> memref<80x128xf32, #tpu.memory_space<vmem>>
    tpu.wait_dma2 semaphore(%dma_wait3A_268 : memref<!tpu.dma_semaphore, #tpu.memory_space<semaphore_mem>>) src(%dma_wait3A_274 : memref<80x128xf32, #tpu.memory_space<vmem>>) dst(%dma_wait3A_270 : memref<80x128xf32, #tpu.memory_space<vmem_shared>>)
    %add3A_275 = arith.constant 560 : i32
    %add3A_276 = arith.addi %mul3A_0, %add3A_275 : i32
    %dma_wait3A_277 = arith.constant 0 : i32
    %dma_wait3A_278 = arith.constant 1 : i32
    %dma_wait3A_279 = arith.constant 0 : i32
    %dma_wait3A_280 = arith.constant 0 : i32
    %dma_wait3A_281 = tpu.memref_slice %arg7[%dma_wait3A_277, %dma_wait3A_279, %dma_wait3A_280] : memref<4x80x128xf32, #tpu.memory_space<vmem>> -> memref<1x64x128xf32, #tpu.memory_space<vmem>>
    %dma_wait3A_282 = tpu.memref_squeeze %dma_wait3A_281 : memref<1x64x128xf32, #tpu.memory_space<vmem>> -> memref<64x128xf32, #tpu.memory_space<vmem>>
    %dma_wait3A_283 = arith.constant 0 : i32
    %dma_wait3A_284 = tpu.memref_slice %arg8[%add3A_276, %dma_wait3A_283] : memref<10000x128xf32, #tpu.memory_space<vmem_shared>> -> memref<64x128xf32, #tpu.memory_space<vmem_shared>>
    %dma_wait3A_285 = tpu.memref_slice %arg10[%dma_wait3A_278] : memref<4x!tpu.dma_semaphore, #tpu.memory_space<semaphore_mem>> -> memref<1x!tpu.dma_semaphore, #tpu.memory_space<semaphore_mem>>
    %dma_wait3A_286 = tpu.memref_squeeze %dma_wait3A_285 : memref<1x!tpu.dma_semaphore, #tpu.memory_space<semaphore_mem>> -> memref<!tpu.dma_semaphore, #tpu.memory_space<semaphore_mem>>
    %dma_wait3A_287 = arith.constant 0 : i32
    %dma_wait3A_288 = tpu.memref_slice %arg8[%add3A_276, %dma_wait3A_287] : memref<10000x128xf32, #tpu.memory_space<vmem_shared>> -> memref<64x128xf32, #tpu.memory_space<vmem_shared>>
    %dma_wait3A_289 = arith.constant 0 : i32
    %dma_wait3A_290 = arith.constant 0 : i32
    %dma_wait3A_291 = tpu.memref_slice %arg7[%dma_wait3A_277, %dma_wait3A_289, %dma_wait3A_290] : memref<4x80x128xf32, #tpu.memory_space<vmem>> -> memref<1x64x128xf32, #tpu.memory_space<vmem>>
    %dma_wait3A_292 = tpu.memref_squeeze %dma_wait3A_291 : memref<1x64x128xf32, #tpu.memory_space<vmem>> -> memref<64x128xf32, #tpu.memory_space<vmem>>
    tpu.wait_dma2 semaphore(%dma_wait3A_286 : memref<!tpu.dma_semaphore, #tpu.memory_space<semaphore_mem>>) src(%dma_wait3A_292 : memref<64x128xf32, #tpu.memory_space<vmem>>) dst(%dma_wait3A_288 : memref<64x128xf32, #tpu.memory_space<vmem_shared>>)
    %eq3A_293 = arith.constant 15 : i32
    %eq3A_294 = arith.cmpi eq, %arg1, %eq3A_293 : i32
    %convert_element_type3A_295 = arith.extui %eq3A_294 : i1 to i32
    %cond3A_296 = arith.constant 0 : i32
    %cond3A_297 = arith.cmpi ne, %convert_element_type3A_295, %cond3A_296 : i32
    scf.if %cond3A_297 {
      %dma_wait3A_319 = arith.constant 0 : i32
      %dma_wait3A_320 = arith.constant 2 : i32
      %dma_wait3A_321 = arith.constant 0 : i32
      %dma_wait3A_322 = arith.constant 0 : i32
      %dma_wait3A_323 = tpu.memref_slice %arg7[%dma_wait3A_319, %dma_wait3A_321, %dma_wait3A_322] : memref<4x80x128xf32, #tpu.memory_space<vmem>> -> memref<1x16x128xf32, #tpu.memory_space<vmem>>
      %dma_wait3A_324 = tpu.memref_squeeze %dma_wait3A_323 : memref<1x16x128xf32, #tpu.memory_space<vmem>> -> memref<16x128xf32, #tpu.memory_space<vmem>>
      %dma_wait3A_325 = arith.constant 9984 : i32
      %dma_wait3A_326 = arith.constant 0 : i32
      %dma_wait3A_327 = tpu.memref_slice %arg8[%dma_wait3A_325, %dma_wait3A_326] : memref<10000x128xf32, #tpu.memory_space<vmem_shared>> -> memref<16x128xf32, #tpu.memory_space<vmem_shared>>
      %dma_wait3A_328 = tpu.memref_slice %arg10[%dma_wait3A_320] : memref<4x!tpu.dma_semaphore, #tpu.memory_space<semaphore_mem>> -> memref<1x!tpu.dma_semaphore, #tpu.memory_space<semaphore_mem>>
      %dma_wait3A_329 = tpu.memref_squeeze %dma_wait3A_328 : memref<1x!tpu.dma_semaphore, #tpu.memory_space<semaphore_mem>> -> memref<!tpu.dma_semaphore, #tpu.memory_space<semaphore_mem>>
      %dma_wait3A_330 = arith.constant 9984 : i32
      %dma_wait3A_331 = arith.constant 0 : i32
      %dma_wait3A_332 = tpu.memref_slice %arg8[%dma_wait3A_330, %dma_wait3A_331] : memref<10000x128xf32, #tpu.memory_space<vmem_shared>> -> memref<16x128xf32, #tpu.memory_space<vmem_shared>>
      %dma_wait3A_333 = arith.constant 0 : i32
      %dma_wait3A_334 = arith.constant 0 : i32
      %dma_wait3A_335 = tpu.memref_slice %arg7[%dma_wait3A_319, %dma_wait3A_333, %dma_wait3A_334] : memref<4x80x128xf32, #tpu.memory_space<vmem>> -> memref<1x16x128xf32, #tpu.memory_space<vmem>>
      %dma_wait3A_336 = tpu.memref_squeeze %dma_wait3A_335 : memref<1x16x128xf32, #tpu.memory_space<vmem>> -> memref<16x128xf32, #tpu.memory_space<vmem>>
      tpu.wait_dma2 semaphore(%dma_wait3A_329 : memref<!tpu.dma_semaphore, #tpu.memory_space<semaphore_mem>>) src(%dma_wait3A_336 : memref<16x128xf32, #tpu.memory_space<vmem>>) dst(%dma_wait3A_332 : memref<16x128xf32, #tpu.memory_space<vmem_shared>>)
    } else {
    }
    %barrier3A = arith.constant 0 : index
    tpu.barrier barrier_id(%barrier3A)
    %eq3A_298 = arith.constant 0 : i32
    %eq3A_299 = arith.cmpi eq, %arg0, %eq3A_298 : i32
    %convert_element_type3A_300 = arith.extui %eq3A_299 : i1 to i32
    %cond3A_301 = arith.constant 0 : i32
    %cond3A_302 = arith.cmpi ne, %convert_element_type3A_300, %cond3A_301 : i32
    scf.if %cond3A_302 {
      %dma_start3A_319 = arith.constant 0 : i32
      %dma_start3A_320 = arith.constant 0 : i32
      %dma_start3A_321 = arith.constant 0 : i32
      %dma_start3A_322 = arith.constant 0 : i32
      %dma_start3A_323 = arith.constant 0 : i32
      %dma_start3A_324 = tpu.memref_slice %arg6[%dma_start3A_320, %dma_start3A_322, %dma_start3A_323] : memref<8x2x80xi32, #tpu.memory_space<vmem>> -> memref<1x2x80xi32, #tpu.memory_space<vmem>>
      %dma_start3A_325 = tpu.memref_squeeze %dma_start3A_324 : memref<1x2x80xi32, #tpu.memory_space<vmem>> -> memref<2x80xi32, #tpu.memory_space<vmem>>
      %dma_start3A_326 = arith.constant 0 : i32
      %dma_start3A_327 = arith.constant 0 : i32
      %dma_start3A_328 = tpu.memref_slice %arg3[%arg1, %dma_start3A_319, %dma_start3A_326, %dma_start3A_327] : memref<16x250x2x80xi32, #tpu.memory_space<hbm>> -> memref<1x1x2x80xi32, #tpu.memory_space<hbm>>
      %dma_start3A_329 = tpu.memref_squeeze %dma_start3A_328 : memref<1x1x2x80xi32, #tpu.memory_space<hbm>> -> memref<2x80xi32, #tpu.memory_space<hbm>>
      %dma_start3A_330 = tpu.memref_slice %arg9[%dma_start3A_321] : memref<8x!tpu.dma_semaphore, #tpu.memory_space<semaphore_mem>> -> memref<1x!tpu.dma_semaphore, #tpu.memory_space<semaphore_mem>>
      %dma_start3A_331 = tpu.memref_squeeze %dma_start3A_330 : memref<1x!tpu.dma_semaphore, #tpu.memory_space<semaphore_mem>> -> memref<!tpu.dma_semaphore, #tpu.memory_space<semaphore_mem>>
      %dma_start3A_332 = arith.constant 0 : i32
      %dma_start3A_333 = arith.constant 0 : i32
      %dma_start3A_334 = tpu.memref_slice %arg6[%dma_start3A_320, %dma_start3A_332, %dma_start3A_333] : memref<8x2x80xi32, #tpu.memory_space<vmem>> -> memref<1x2x80xi32, #tpu.memory_space<vmem>>
      %dma_start3A_335 = tpu.memref_squeeze %dma_start3A_334 : memref<1x2x80xi32, #tpu.memory_space<vmem>> -> memref<2x80xi32, #tpu.memory_space<vmem>>
      %dma_start3A_336 = arith.constant 0 : i32
      %dma_start3A_337 = arith.constant 0 : i32
      %dma_start3A_338 = tpu.memref_slice %arg3[%arg1, %dma_start3A_319, %dma_start3A_336, %dma_start3A_337] : memref<16x250x2x80xi32, #tpu.memory_space<hbm>> -> memref<1x1x2x80xi32, #tpu.memory_space<hbm>>
      %dma_start3A_339 = tpu.memref_squeeze %dma_start3A_338 : memref<1x1x2x80xi32, #tpu.memory_space<hbm>> -> memref<2x80xi32, #tpu.memory_space<hbm>>
      tpu.enqueue_dma source(%dma_start3A_339 : memref<2x80xi32, #tpu.memory_space<hbm>>) target(%dma_start3A_335 : memref<2x80xi32, #tpu.memory_space<vmem>>) target_semaphore(%dma_start3A_331 : memref<!tpu.dma_semaphore, #tpu.memory_space<semaphore_mem>>)
      %dma_start3A_340 = arith.constant 1 : i32
      %dma_start3A_341 = arith.constant 1 : i32
      %dma_start3A_342 = arith.constant 1 : i32
      %dma_start3A_343 = arith.constant 0 : i32
      %dma_start3A_344 = arith.constant 0 : i32
      %dma_start3A_345 = tpu.memref_slice %arg6[%dma_start3A_341, %dma_start3A_343, %dma_start3A_344] : memref<8x2x80xi32, #tpu.memory_space<vmem>> -> memref<1x2x80xi32, #tpu.memory_space<vmem>>
      %dma_start3A_346 = tpu.memref_squeeze %dma_start3A_345 : memref<1x2x80xi32, #tpu.memory_space<vmem>> -> memref<2x80xi32, #tpu.memory_space<vmem>>
      %dma_start3A_347 = arith.constant 0 : i32
      %dma_start3A_348 = arith.constant 0 : i32
      %dma_start3A_349 = tpu.memref_slice %arg3[%arg1, %dma_start3A_340, %dma_start3A_347, %dma_start3A_348] : memref<16x250x2x80xi32, #tpu.memory_space<hbm>> -> memref<1x1x2x80xi32, #tpu.memory_space<hbm>>
      %dma_start3A_350 = tpu.memref_squeeze %dma_start3A_349 : memref<1x1x2x80xi32, #tpu.memory_space<hbm>> -> memref<2x80xi32, #tpu.memory_space<hbm>>
      %dma_start3A_351 = tpu.memref_slice %arg9[%dma_start3A_342] : memref<8x!tpu.dma_semaphore, #tpu.memory_space<semaphore_mem>> -> memref<1x!tpu.dma_semaphore, #tpu.memory_space<semaphore_mem>>
      %dma_start3A_352 = tpu.memref_squeeze %dma_start3A_351 : memref<1x!tpu.dma_semaphore, #tpu.memory_space<semaphore_mem>> -> memref<!tpu.dma_semaphore, #tpu.memory_space<semaphore_mem>>
      %dma_start3A_353 = arith.constant 0 : i32
      %dma_start3A_354 = arith.constant 0 : i32
      %dma_start3A_355 = tpu.memref_slice %arg6[%dma_start3A_341, %dma_start3A_353, %dma_start3A_354] : memref<8x2x80xi32, #tpu.memory_space<vmem>> -> memref<1x2x80xi32, #tpu.memory_space<vmem>>
      %dma_start3A_356 = tpu.memref_squeeze %dma_start3A_355 : memref<1x2x80xi32, #tpu.memory_space<vmem>> -> memref<2x80xi32, #tpu.memory_space<vmem>>
      %dma_start3A_357 = arith.constant 0 : i32
      %dma_start3A_358 = arith.constant 0 : i32
      %dma_start3A_359 = tpu.memref_slice %arg3[%arg1, %dma_start3A_340, %dma_start3A_357, %dma_start3A_358] : memref<16x250x2x80xi32, #tpu.memory_space<hbm>> -> memref<1x1x2x80xi32, #tpu.memory_space<hbm>>
      %dma_start3A_360 = tpu.memref_squeeze %dma_start3A_359 : memref<1x1x2x80xi32, #tpu.memory_space<hbm>> -> memref<2x80xi32, #tpu.memory_space<hbm>>
      tpu.enqueue_dma source(%dma_start3A_360 : memref<2x80xi32, #tpu.memory_space<hbm>>) target(%dma_start3A_356 : memref<2x80xi32, #tpu.memory_space<vmem>>) target_semaphore(%dma_start3A_352 : memref<!tpu.dma_semaphore, #tpu.memory_space<semaphore_mem>>)
      %dma_start3A_361 = arith.constant 2 : i32
      %dma_start3A_362 = arith.constant 2 : i32
      %dma_start3A_363 = arith.constant 2 : i32
      %dma_start3A_364 = arith.constant 0 : i32
      %dma_start3A_365 = arith.constant 0 : i32
      %dma_start3A_366 = tpu.memref_slice %arg6[%dma_start3A_362, %dma_start3A_364, %dma_start3A_365] : memref<8x2x80xi32, #tpu.memory_space<vmem>> -> memref<1x2x80xi32, #tpu.memory_space<vmem>>
      %dma_start3A_367 = tpu.memref_squeeze %dma_start3A_366 : memref<1x2x80xi32, #tpu.memory_space<vmem>> -> memref<2x80xi32, #tpu.memory_space<vmem>>
      %dma_start3A_368 = arith.constant 0 : i32
      %dma_start3A_369 = arith.constant 0 : i32
      %dma_start3A_370 = tpu.memref_slice %arg3[%arg1, %dma_start3A_361, %dma_start3A_368, %dma_start3A_369] : memref<16x250x2x80xi32, #tpu.memory_space<hbm>> -> memref<1x1x2x80xi32, #tpu.memory_space<hbm>>
      %dma_start3A_371 = tpu.memref_squeeze %dma_start3A_370 : memref<1x1x2x80xi32, #tpu.memory_space<hbm>> -> memref<2x80xi32, #tpu.memory_space<hbm>>
      %dma_start3A_372 = tpu.memref_slice %arg9[%dma_start3A_363] : memref<8x!tpu.dma_semaphore, #tpu.memory_space<semaphore_mem>> -> memref<1x!tpu.dma_semaphore, #tpu.memory_space<semaphore_mem>>
      %dma_start3A_373 = tpu.memref_squeeze %dma_start3A_372 : memref<1x!tpu.dma_semaphore, #tpu.memory_space<semaphore_mem>> -> memref<!tpu.dma_semaphore, #tpu.memory_space<semaphore_mem>>
      %dma_start3A_374 = arith.constant 0 : i32
      %dma_start3A_375 = arith.constant 0 : i32
      %dma_start3A_376 = tpu.memref_slice %arg6[%dma_start3A_362, %dma_start3A_374, %dma_start3A_375] : memref<8x2x80xi32, #tpu.memory_space<vmem>> -> memref<1x2x80xi32, #tpu.memory_space<vmem>>
      %dma_start3A_377 = tpu.memref_squeeze %dma_start3A_376 : memref<1x2x80xi32, #tpu.memory_space<vmem>> -> memref<2x80xi32, #tpu.memory_space<vmem>>
      %dma_start3A_378 = arith.constant 0 : i32
      %dma_start3A_379 = arith.constant 0 : i32
      %dma_start3A_380 = tpu.memref_slice %arg3[%arg1, %dma_start3A_361, %dma_start3A_378, %dma_start3A_379] : memref<16x250x2x80xi32, #tpu.memory_space<hbm>> -> memref<1x1x2x80xi32, #tpu.memory_space<hbm>>
      %dma_start3A_381 = tpu.memref_squeeze %dma_start3A_380 : memref<1x1x2x80xi32, #tpu.memory_space<hbm>> -> memref<2x80xi32, #tpu.memory_space<hbm>>
      tpu.enqueue_dma source(%dma_start3A_381 : memref<2x80xi32, #tpu.memory_space<hbm>>) target(%dma_start3A_377 : memref<2x80xi32, #tpu.memory_space<vmem>>) target_semaphore(%dma_start3A_373 : memref<!tpu.dma_semaphore, #tpu.memory_space<semaphore_mem>>)
      %dma_start3A_382 = arith.constant 3 : i32
      %dma_start3A_383 = arith.constant 3 : i32
      %dma_start3A_384 = arith.constant 3 : i32
      %dma_start3A_385 = arith.constant 0 : i32
      %dma_start3A_386 = arith.constant 0 : i32
      %dma_start3A_387 = tpu.memref_slice %arg6[%dma_start3A_383, %dma_start3A_385, %dma_start3A_386] : memref<8x2x80xi32, #tpu.memory_space<vmem>> -> memref<1x2x80xi32, #tpu.memory_space<vmem>>
      %dma_start3A_388 = tpu.memref_squeeze %dma_start3A_387 : memref<1x2x80xi32, #tpu.memory_space<vmem>> -> memref<2x80xi32, #tpu.memory_space<vmem>>
      %dma_start3A_389 = arith.constant 0 : i32
      %dma_start3A_390 = arith.constant 0 : i32
      %dma_start3A_391 = tpu.memref_slice %arg3[%arg1, %dma_start3A_382, %dma_start3A_389, %dma_start3A_390] : memref<16x250x2x80xi32, #tpu.memory_space<hbm>> -> memref<1x1x2x80xi32, #tpu.memory_space<hbm>>
      %dma_start3A_392 = tpu.memref_squeeze %dma_start3A_391 : memref<1x1x2x80xi32, #tpu.memory_space<hbm>> -> memref<2x80xi32, #tpu.memory_space<hbm>>
      %dma_start3A_393 = tpu.memref_slice %arg9[%dma_start3A_384] : memref<8x!tpu.dma_semaphore, #tpu.memory_space<semaphore_mem>> -> memref<1x!tpu.dma_semaphore, #tpu.memory_space<semaphore_mem>>
      %dma_start3A_394 = tpu.memref_squeeze %dma_start3A_393 : memref<1x!tpu.dma_semaphore, #tpu.memory_space<semaphore_mem>> -> memref<!tpu.dma_semaphore, #tpu.memory_space<semaphore_mem>>
      %dma_start3A_395 = arith.constant 0 : i32
      %dma_start3A_396 = arith.constant 0 : i32
      %dma_start3A_397 = tpu.memref_slice %arg6[%dma_start3A_383, %dma_start3A_395, %dma_start3A_396] : memref<8x2x80xi32, #tpu.memory_space<vmem>> -> memref<1x2x80xi32, #tpu.memory_space<vmem>>
      %dma_start3A_398 = tpu.memref_squeeze %dma_start3A_397 : memref<1x2x80xi32, #tpu.memory_space<vmem>> -> memref<2x80xi32, #tpu.memory_space<vmem>>
      %dma_start3A_399 = arith.constant 0 : i32
      %dma_start3A_400 = arith.constant 0 : i32
      %dma_start3A_401 = tpu.memref_slice %arg3[%arg1, %dma_start3A_382, %dma_start3A_399, %dma_start3A_400] : memref<16x250x2x80xi32, #tpu.memory_space<hbm>> -> memref<1x1x2x80xi32, #tpu.memory_space<hbm>>
      %dma_start3A_402 = tpu.memref_squeeze %dma_start3A_401 : memref<1x1x2x80xi32, #tpu.memory_space<hbm>> -> memref<2x80xi32, #tpu.memory_space<hbm>>
      tpu.enqueue_dma source(%dma_start3A_402 : memref<2x80xi32, #tpu.memory_space<hbm>>) target(%dma_start3A_398 : memref<2x80xi32, #tpu.memory_space<vmem>>) target_semaphore(%dma_start3A_394 : memref<!tpu.dma_semaphore, #tpu.memory_space<semaphore_mem>>)
      %dma_start3A_403 = arith.constant 4 : i32
      %dma_start3A_404 = arith.constant 4 : i32
      %dma_start3A_405 = arith.constant 4 : i32
      %dma_start3A_406 = arith.constant 0 : i32
      %dma_start3A_407 = arith.constant 0 : i32
      %dma_start3A_408 = tpu.memref_slice %arg6[%dma_start3A_404, %dma_start3A_406, %dma_start3A_407] : memref<8x2x80xi32, #tpu.memory_space<vmem>> -> memref<1x2x80xi32, #tpu.memory_space<vmem>>
      %dma_start3A_409 = tpu.memref_squeeze %dma_start3A_408 : memref<1x2x80xi32, #tpu.memory_space<vmem>> -> memref<2x80xi32, #tpu.memory_space<vmem>>
      %dma_start3A_410 = arith.constant 0 : i32
      %dma_start3A_411 = arith.constant 0 : i32
      %dma_start3A_412 = tpu.memref_slice %arg3[%arg1, %dma_start3A_403, %dma_start3A_410, %dma_start3A_411] : memref<16x250x2x80xi32, #tpu.memory_space<hbm>> -> memref<1x1x2x80xi32, #tpu.memory_space<hbm>>
      %dma_start3A_413 = tpu.memref_squeeze %dma_start3A_412 : memref<1x1x2x80xi32, #tpu.memory_space<hbm>> -> memref<2x80xi32, #tpu.memory_space<hbm>>
      %dma_start3A_414 = tpu.memref_slice %arg9[%dma_start3A_405] : memref<8x!tpu.dma_semaphore, #tpu.memory_space<semaphore_mem>> -> memref<1x!tpu.dma_semaphore, #tpu.memory_space<semaphore_mem>>
      %dma_start3A_415 = tpu.memref_squeeze %dma_start3A_414 : memref<1x!tpu.dma_semaphore, #tpu.memory_space<semaphore_mem>> -> memref<!tpu.dma_semaphore, #tpu.memory_space<semaphore_mem>>
      %dma_start3A_416 = arith.constant 0 : i32
      %dma_start3A_417 = arith.constant 0 : i32
      %dma_start3A_418 = tpu.memref_slice %arg6[%dma_start3A_404, %dma_start3A_416, %dma_start3A_417] : memref<8x2x80xi32, #tpu.memory_space<vmem>> -> memref<1x2x80xi32, #tpu.memory_space<vmem>>
      %dma_start3A_419 = tpu.memref_squeeze %dma_start3A_418 : memref<1x2x80xi32, #tpu.memory_space<vmem>> -> memref<2x80xi32, #tpu.memory_space<vmem>>
      %dma_start3A_420 = arith.constant 0 : i32
      %dma_start3A_421 = arith.constant 0 : i32
      %dma_start3A_422 = tpu.memref_slice %arg3[%arg1, %dma_start3A_403, %dma_start3A_420, %dma_start3A_421] : memref<16x250x2x80xi32, #tpu.memory_space<hbm>> -> memref<1x1x2x80xi32, #tpu.memory_space<hbm>>
      %dma_start3A_423 = tpu.memref_squeeze %dma_start3A_422 : memref<1x1x2x80xi32, #tpu.memory_space<hbm>> -> memref<2x80xi32, #tpu.memory_space<hbm>>
      tpu.enqueue_dma source(%dma_start3A_423 : memref<2x80xi32, #tpu.memory_space<hbm>>) target(%dma_start3A_419 : memref<2x80xi32, #tpu.memory_space<vmem>>) target_semaphore(%dma_start3A_415 : memref<!tpu.dma_semaphore, #tpu.memory_space<semaphore_mem>>)
      %dma_start3A_424 = arith.constant 5 : i32
      %dma_start3A_425 = arith.constant 5 : i32
      %dma_start3A_426 = arith.constant 5 : i32
      %dma_start3A_427 = arith.constant 0 : i32
      %dma_start3A_428 = arith.constant 0 : i32
      %dma_start3A_429 = tpu.memref_slice %arg6[%dma_start3A_425, %dma_start3A_427, %dma_start3A_428] : memref<8x2x80xi32, #tpu.memory_space<vmem>> -> memref<1x2x80xi32, #tpu.memory_space<vmem>>
      %dma_start3A_430 = tpu.memref_squeeze %dma_start3A_429 : memref<1x2x80xi32, #tpu.memory_space<vmem>> -> memref<2x80xi32, #tpu.memory_space<vmem>>
      %dma_start3A_431 = arith.constant 0 : i32
      %dma_start3A_432 = arith.constant 0 : i32
      %dma_start3A_433 = tpu.memref_slice %arg3[%arg1, %dma_start3A_424, %dma_start3A_431, %dma_start3A_432] : memref<16x250x2x80xi32, #tpu.memory_space<hbm>> -> memref<1x1x2x80xi32, #tpu.memory_space<hbm>>
      %dma_start3A_434 = tpu.memref_squeeze %dma_start3A_433 : memref<1x1x2x80xi32, #tpu.memory_space<hbm>> -> memref<2x80xi32, #tpu.memory_space<hbm>>
      %dma_start3A_435 = tpu.memref_slice %arg9[%dma_start3A_426] : memref<8x!tpu.dma_semaphore, #tpu.memory_space<semaphore_mem>> -> memref<1x!tpu.dma_semaphore, #tpu.memory_space<semaphore_mem>>
      %dma_start3A_436 = tpu.memref_squeeze %dma_start3A_435 : memref<1x!tpu.dma_semaphore, #tpu.memory_space<semaphore_mem>> -> memref<!tpu.dma_semaphore, #tpu.memory_space<semaphore_mem>>
      %dma_start3A_437 = arith.constant 0 : i32
      %dma_start3A_438 = arith.constant 0 : i32
      %dma_start3A_439 = tpu.memref_slice %arg6[%dma_start3A_425, %dma_start3A_437, %dma_start3A_438] : memref<8x2x80xi32, #tpu.memory_space<vmem>> -> memref<1x2x80xi32, #tpu.memory_space<vmem>>
      %dma_start3A_440 = tpu.memref_squeeze %dma_start3A_439 : memref<1x2x80xi32, #tpu.memory_space<vmem>> -> memref<2x80xi32, #tpu.memory_space<vmem>>
      %dma_start3A_441 = arith.constant 0 : i32
      %dma_start3A_442 = arith.constant 0 : i32
      %dma_start3A_443 = tpu.memref_slice %arg3[%arg1, %dma_start3A_424, %dma_start3A_441, %dma_start3A_442] : memref<16x250x2x80xi32, #tpu.memory_space<hbm>> -> memref<1x1x2x80xi32, #tpu.memory_space<hbm>>
      %dma_start3A_444 = tpu.memref_squeeze %dma_start3A_443 : memref<1x1x2x80xi32, #tpu.memory_space<hbm>> -> memref<2x80xi32, #tpu.memory_space<hbm>>
      tpu.enqueue_dma source(%dma_start3A_444 : memref<2x80xi32, #tpu.memory_space<hbm>>) target(%dma_start3A_440 : memref<2x80xi32, #tpu.memory_space<vmem>>) target_semaphore(%dma_start3A_436 : memref<!tpu.dma_semaphore, #tpu.memory_space<semaphore_mem>>)
      %dma_wait3A_445 = arith.constant 0 : i32
      %dma_wait3A_446 = arith.constant 0 : i32
      %dma_wait3A_447 = arith.constant 0 : i32
      %dma_wait3A_448 = arith.constant 0 : i32
      %dma_wait3A_449 = arith.constant 0 : i32
      %dma_wait3A_450 = tpu.memref_slice %arg6[%dma_wait3A_446, %dma_wait3A_448, %dma_wait3A_449] : memref<8x2x80xi32, #tpu.memory_space<vmem>> -> memref<1x2x80xi32, #tpu.memory_space<vmem>>
      %dma_wait3A_451 = tpu.memref_squeeze %dma_wait3A_450 : memref<1x2x80xi32, #tpu.memory_space<vmem>> -> memref<2x80xi32, #tpu.memory_space<vmem>>
      %dma_wait3A_452 = arith.constant 0 : i32
      %dma_wait3A_453 = arith.constant 0 : i32
      %dma_wait3A_454 = tpu.memref_slice %arg3[%arg1, %dma_wait3A_445, %dma_wait3A_452, %dma_wait3A_453] : memref<16x250x2x80xi32, #tpu.memory_space<hbm>> -> memref<1x1x2x80xi32, #tpu.memory_space<hbm>>
      %dma_wait3A_455 = tpu.memref_squeeze %dma_wait3A_454 : memref<1x1x2x80xi32, #tpu.memory_space<hbm>> -> memref<2x80xi32, #tpu.memory_space<hbm>>
      %dma_wait3A_456 = tpu.memref_slice %arg9[%dma_wait3A_447] : memref<8x!tpu.dma_semaphore, #tpu.memory_space<semaphore_mem>> -> memref<1x!tpu.dma_semaphore, #tpu.memory_space<semaphore_mem>>
      %dma_wait3A_457 = tpu.memref_squeeze %dma_wait3A_456 : memref<1x!tpu.dma_semaphore, #tpu.memory_space<semaphore_mem>> -> memref<!tpu.dma_semaphore, #tpu.memory_space<semaphore_mem>>
      %dma_wait3A_458 = arith.constant 0 : i32
      %dma_wait3A_459 = arith.constant 0 : i32
      %dma_wait3A_460 = tpu.memref_slice %arg6[%dma_wait3A_446, %dma_wait3A_458, %dma_wait3A_459] : memref<8x2x80xi32, #tpu.memory_space<vmem>> -> memref<1x2x80xi32, #tpu.memory_space<vmem>>
      %dma_wait3A_461 = tpu.memref_squeeze %dma_wait3A_460 : memref<1x2x80xi32, #tpu.memory_space<vmem>> -> memref<2x80xi32, #tpu.memory_space<vmem>>
      %dma_wait3A_462 = arith.constant 0 : i32
      %dma_wait3A_463 = arith.constant 0 : i32
      %dma_wait3A_464 = tpu.memref_slice %arg3[%arg1, %dma_wait3A_445, %dma_wait3A_462, %dma_wait3A_463] : memref<16x250x2x80xi32, #tpu.memory_space<hbm>> -> memref<1x1x2x80xi32, #tpu.memory_space<hbm>>
      %dma_wait3A_465 = tpu.memref_squeeze %dma_wait3A_464 : memref<1x1x2x80xi32, #tpu.memory_space<hbm>> -> memref<2x80xi32, #tpu.memory_space<hbm>>
      tpu.wait_dma2 semaphore(%dma_wait3A_457 : memref<!tpu.dma_semaphore, #tpu.memory_space<semaphore_mem>>) src(%dma_wait3A_465 : memref<2x80xi32, #tpu.memory_space<hbm>>) dst(%dma_wait3A_461 : memref<2x80xi32, #tpu.memory_space<vmem>>)
      %dma_start3A_466 = arith.constant 0 : i32
      %dma_start3A_467 = arith.constant 0 : i32
      %dma_start3A_468 = arith.constant 0 : i32
      %dma_start3A_469 = arith.constant 0 : i32
      %dma_start3A_470 = arith.constant 0 : i32
      %dma_start3A_471 = arith.constant 0 : i32
      %dma_start3A_472 = tpu.memref_slice %arg7[%dma_start3A_468, %dma_start3A_470, %dma_start3A_471] : memref<4x80x128xf32, #tpu.memory_space<vmem>> -> memref<1x80x128xf32, #tpu.memory_space<vmem>>
      %dma_start3A_473 = tpu.memref_squeeze %dma_start3A_472 : memref<1x80x128xf32, #tpu.memory_space<vmem>> -> memref<80x128xf32, #tpu.memory_space<vmem>>
      %dma_start3A_474 = arith.constant 0 : i32
      %dma_start3A_475 = tpu.memref_slice %arg6[%dma_start3A_466, %dma_start3A_467, %dma_start3A_474] : memref<8x2x80xi32, #tpu.memory_space<vmem>> -> memref<1x1x80xi32, #tpu.memory_space<vmem>>
      %dma_start3A_476 = tpu.memref_squeeze %dma_start3A_475 : memref<1x1x80xi32, #tpu.memory_space<vmem>> -> memref<80xi32, #tpu.memory_space<vmem>>
      %dma_start3A_477 = arith.constant 0 : i32
      %dma_start3A_478 = arith.constant 0 : i32
      %dma_start3A_479 = tpu.memref_slice %arg2[%dma_start3A_477, %dma_start3A_478] : memref<10000x128xf32, #tpu.memory_space<hbm>> -> memref<10000x128xf32, #tpu.memory_space<hbm>>
      %dma_start3A_480 = tpu.memref_slice %arg10[%dma_start3A_469] : memref<4x!tpu.dma_semaphore, #tpu.memory_space<semaphore_mem>> -> memref<1x!tpu.dma_semaphore, #tpu.memory_space<semaphore_mem>>
      %dma_start3A_481 = tpu.memref_squeeze %dma_start3A_480 : memref<1x!tpu.dma_semaphore, #tpu.memory_space<semaphore_mem>> -> memref<!tpu.dma_semaphore, #tpu.memory_space<semaphore_mem>>
      tpu.enqueue_indirect_dma source(%dma_start3A_479 : memref<10000x128xf32, #tpu.memory_space<hbm>>) target(%dma_start3A_473 : memref<80x128xf32, #tpu.memory_space<vmem>>) offsets(%dma_start3A_476 : memref<80xi32, #tpu.memory_space<vmem>>) semaphore(%dma_start3A_481 : memref<!tpu.dma_semaphore, #tpu.memory_space<semaphore_mem>>)
      %dma_wait3A_482 = arith.constant 1 : i32
      %dma_wait3A_483 = arith.constant 1 : i32
      %dma_wait3A_484 = arith.constant 1 : i32
      %dma_wait3A_485 = arith.constant 0 : i32
      %dma_wait3A_486 = arith.constant 0 : i32
      %dma_wait3A_487 = tpu.memref_slice %arg6[%dma_wait3A_483, %dma_wait3A_485, %dma_wait3A_486] : memref<8x2x80xi32, #tpu.memory_space<vmem>> -> memref<1x2x80xi32, #tpu.memory_space<vmem>>
      %dma_wait3A_488 = tpu.memref_squeeze %dma_wait3A_487 : memref<1x2x80xi32, #tpu.memory_space<vmem>> -> memref<2x80xi32, #tpu.memory_space<vmem>>
      %dma_wait3A_489 = arith.constant 0 : i32
      %dma_wait3A_490 = arith.constant 0 : i32
      %dma_wait3A_491 = tpu.memref_slice %arg3[%arg1, %dma_wait3A_482, %dma_wait3A_489, %dma_wait3A_490] : memref<16x250x2x80xi32, #tpu.memory_space<hbm>> -> memref<1x1x2x80xi32, #tpu.memory_space<hbm>>
      %dma_wait3A_492 = tpu.memref_squeeze %dma_wait3A_491 : memref<1x1x2x80xi32, #tpu.memory_space<hbm>> -> memref<2x80xi32, #tpu.memory_space<hbm>>
      %dma_wait3A_493 = tpu.memref_slice %arg9[%dma_wait3A_484] : memref<8x!tpu.dma_semaphore, #tpu.memory_space<semaphore_mem>> -> memref<1x!tpu.dma_semaphore, #tpu.memory_space<semaphore_mem>>
      %dma_wait3A_494 = tpu.memref_squeeze %dma_wait3A_493 : memref<1x!tpu.dma_semaphore, #tpu.memory_space<semaphore_mem>> -> memref<!tpu.dma_semaphore, #tpu.memory_space<semaphore_mem>>
      %dma_wait3A_495 = arith.constant 0 : i32
      %dma_wait3A_496 = arith.constant 0 : i32
      %dma_wait3A_497 = tpu.memref_slice %arg6[%dma_wait3A_483, %dma_wait3A_495, %dma_wait3A_496] : memref<8x2x80xi32, #tpu.memory_space<vmem>> -> memref<1x2x80xi32, #tpu.memory_space<vmem>>
      %dma_wait3A_498 = tpu.memref_squeeze %dma_wait3A_497 : memref<1x2x80xi32, #tpu.memory_space<vmem>> -> memref<2x80xi32, #tpu.memory_space<vmem>>
      %dma_wait3A_499 = arith.constant 0 : i32
      %dma_wait3A_500 = arith.constant 0 : i32
      %dma_wait3A_501 = tpu.memref_slice %arg3[%arg1, %dma_wait3A_482, %dma_wait3A_499, %dma_wait3A_500] : memref<16x250x2x80xi32, #tpu.memory_space<hbm>> -> memref<1x1x2x80xi32, #tpu.memory_space<hbm>>
      %dma_wait3A_502 = tpu.memref_squeeze %dma_wait3A_501 : memref<1x1x2x80xi32, #tpu.memory_space<hbm>> -> memref<2x80xi32, #tpu.memory_space<hbm>>
      tpu.wait_dma2 semaphore(%dma_wait3A_494 : memref<!tpu.dma_semaphore, #tpu.memory_space<semaphore_mem>>) src(%dma_wait3A_502 : memref<2x80xi32, #tpu.memory_space<hbm>>) dst(%dma_wait3A_498 : memref<2x80xi32, #tpu.memory_space<vmem>>)
      %dma_start3A_503 = arith.constant 1 : i32
      %dma_start3A_504 = arith.constant 0 : i32
      %dma_start3A_505 = arith.constant 1 : i32
      %dma_start3A_506 = arith.constant 1 : i32
      %dma_start3A_507 = arith.constant 0 : i32
      %dma_start3A_508 = arith.constant 0 : i32
      %dma_start3A_509 = tpu.memref_slice %arg7[%dma_start3A_505, %dma_start3A_507, %dma_start3A_508] : memref<4x80x128xf32, #tpu.memory_space<vmem>> -> memref<1x80x128xf32, #tpu.memory_space<vmem>>
      %dma_start3A_510 = tpu.memref_squeeze %dma_start3A_509 : memref<1x80x128xf32, #tpu.memory_space<vmem>> -> memref<80x128xf32, #tpu.memory_space<vmem>>
      %dma_start3A_511 = arith.constant 0 : i32
      %dma_start3A_512 = tpu.memref_slice %arg6[%dma_start3A_503, %dma_start3A_504, %dma_start3A_511] : memref<8x2x80xi32, #tpu.memory_space<vmem>> -> memref<1x1x80xi32, #tpu.memory_space<vmem>>
      %dma_start3A_513 = tpu.memref_squeeze %dma_start3A_512 : memref<1x1x80xi32, #tpu.memory_space<vmem>> -> memref<80xi32, #tpu.memory_space<vmem>>
      %dma_start3A_514 = arith.constant 0 : i32
      %dma_start3A_515 = arith.constant 0 : i32
      %dma_start3A_516 = tpu.memref_slice %arg2[%dma_start3A_514, %dma_start3A_515] : memref<10000x128xf32, #tpu.memory_space<hbm>> -> memref<10000x128xf32, #tpu.memory_space<hbm>>
      %dma_start3A_517 = tpu.memref_slice %arg10[%dma_start3A_506] : memref<4x!tpu.dma_semaphore, #tpu.memory_space<semaphore_mem>> -> memref<1x!tpu.dma_semaphore, #tpu.memory_space<semaphore_mem>>
      %dma_start3A_518 = tpu.memref_squeeze %dma_start3A_517 : memref<1x!tpu.dma_semaphore, #tpu.memory_space<semaphore_mem>> -> memref<!tpu.dma_semaphore, #tpu.memory_space<semaphore_mem>>
      tpu.enqueue_indirect_dma source(%dma_start3A_516 : memref<10000x128xf32, #tpu.memory_space<hbm>>) target(%dma_start3A_510 : memref<80x128xf32, #tpu.memory_space<vmem>>) offsets(%dma_start3A_513 : memref<80xi32, #tpu.memory_space<vmem>>) semaphore(%dma_start3A_518 : memref<!tpu.dma_semaphore, #tpu.memory_space<semaphore_mem>>)
      %scan3A_519 = arith.constant 0 : i32
      %scan3A_520 = arith.constant 250 : i32
      %scan3A_521 = arith.addi %scan3A_519, %scan3A_520 : i32
      %scan3A_522 = arith.constant 1 : i32
      scf.for %scan3A_556 = %scan3A_519 to %scan3A_521 step %scan3A_522  : i32 {
        %mul3A_557 = arith.constant 1 : i32
        %mul3A_558 = arith.muli %scan3A_556, %mul3A_557 : i32
        %add3A_559 = arith.constant 0 : i32
        %add3A_560 = arith.addi %add3A_559, %mul3A_558 : i32
        %ge3A = arith.constant 2 : i32
        %ge3A_561 = arith.cmpi sge, %add3A_560, %ge3A : i32
        %convert_element_type3A_562 = arith.extui %ge3A_561 : i1 to i32
        %cond3A_563 = arith.constant 0 : i32
        %cond3A_564 = arith.cmpi ne, %convert_element_type3A_562, %cond3A_563 : i32
        scf.if %cond3A_564 {
          %sub3A = arith.constant 2 : i32
          %sub3A_695 = arith.subi %add3A_560, %sub3A : i32
          %jit3A_696 = arith.constant 4 : i32
          %eq3A_697 = arith.constant 0 : i32
          %eq3A_698 = arith.cmpi eq, %jit3A_696, %eq3A_697 : i32
          %jit3A_699 = arith.constant 1 : i32
          %select_n3A_700 = arith.select %eq3A_698, %jit3A_699, %jit3A_696 : i32
          %rem3A_701 = arith.remsi %sub3A_695, %select_n3A_700 : i32
          %ne3A_702 = arith.constant 0 : i32
          %ne3A_703 = arith.cmpi ne, %rem3A_701, %ne3A_702 : i32
          %lt3A_704 = arith.constant 0 : i32
          %lt3A_705 = arith.cmpi slt, %rem3A_701, %lt3A_704 : i32
          %lt3A_706 = arith.constant 0 : i32
          %lt3A_707 = arith.cmpi slt, %select_n3A_700, %lt3A_706 : i32
          %ne3A_708 = arith.xori %lt3A_705, %lt3A_707 : i1
          %and3A_709 = arith.andi %ne3A_708, %ne3A_703 : i1
          %add3A_710 = arith.addi %rem3A_701, %select_n3A_700 : i32
          %select_n3A_711 = arith.select %and3A_709, %add3A_710, %rem3A_701 : i32
          %jit3A_712 = arith.constant 8 : i32
          %eq3A_713 = arith.constant 0 : i32
          %eq3A_714 = arith.cmpi eq, %jit3A_712, %eq3A_713 : i32
          %jit3A_715 = arith.constant 1 : i32
          %select_n3A_716 = arith.select %eq3A_714, %jit3A_715, %jit3A_712 : i32
          %rem3A_717 = arith.remsi %sub3A_695, %select_n3A_716 : i32
          %ne3A_718 = arith.constant 0 : i32
          %ne3A_719 = arith.cmpi ne, %rem3A_717, %ne3A_718 : i32
          %lt3A_720 = arith.constant 0 : i32
          %lt3A_721 = arith.cmpi slt, %rem3A_717, %lt3A_720 : i32
          %lt3A_722 = arith.constant 0 : i32
          %lt3A_723 = arith.cmpi slt, %select_n3A_716, %lt3A_722 : i32
          %ne3A_724 = arith.xori %lt3A_721, %lt3A_723 : i1
          %and3A_725 = arith.andi %ne3A_724, %ne3A_719 : i1
          %add3A_726 = arith.addi %rem3A_717, %select_n3A_716 : i32
          %select_n3A_727 = arith.select %and3A_725, %add3A_726, %rem3A_717 : i32
          %jit3A_728 = arith.constant 4 : i32
          %eq3A_729 = arith.constant 0 : i32
          %eq3A_730 = arith.cmpi eq, %jit3A_728, %eq3A_729 : i32
          %jit3A_731 = arith.constant 1 : i32
          %select_n3A_732 = arith.select %eq3A_730, %jit3A_731, %jit3A_728 : i32
          %rem3A_733 = arith.remsi %sub3A_695, %select_n3A_732 : i32
          %ne3A_734 = arith.constant 0 : i32
          %ne3A_735 = arith.cmpi ne, %rem3A_733, %ne3A_734 : i32
          %lt3A_736 = arith.constant 0 : i32
          %lt3A_737 = arith.cmpi slt, %rem3A_733, %lt3A_736 : i32
          %lt3A_738 = arith.constant 0 : i32
          %lt3A_739 = arith.cmpi slt, %select_n3A_732, %lt3A_738 : i32
          %ne3A_740 = arith.xori %lt3A_737, %lt3A_739 : i1
          %and3A_741 = arith.andi %ne3A_740, %ne3A_735 : i1
          %add3A_742 = arith.addi %rem3A_733, %select_n3A_732 : i32
          %select_n3A_743 = arith.select %and3A_741, %add3A_742, %rem3A_733 : i32
          %dma_wait3A_744 = arith.constant 1 : i32
          %dma_wait3A_745 = arith.constant 0 : i32
          %dma_wait3A_746 = arith.constant 0 : i32
          %dma_wait3A_747 = tpu.memref_slice %arg7[%select_n3A_711, %dma_wait3A_745, %dma_wait3A_746] : memref<4x80x128xf32, #tpu.memory_space<vmem>> -> memref<1x80x128xf32, #tpu.memory_space<vmem>>
          %dma_wait3A_748 = tpu.memref_squeeze %dma_wait3A_747 : memref<1x80x128xf32, #tpu.memory_space<vmem>> -> memref<80x128xf32, #tpu.memory_space<vmem>>
          %dma_wait3A_749 = arith.constant 0 : i32
          %dma_wait3A_750 = tpu.memref_slice %arg6[%select_n3A_727, %dma_wait3A_744, %dma_wait3A_749] : memref<8x2x80xi32, #tpu.memory_space<vmem>> -> memref<1x1x80xi32, #tpu.memory_space<vmem>>
          %dma_wait3A_751 = tpu.memref_squeeze %dma_wait3A_750 : memref<1x1x80xi32, #tpu.memory_space<vmem>> -> memref<80xi32, #tpu.memory_space<vmem>>
          %dma_wait3A_752 = arith.constant 0 : i32
          %dma_wait3A_753 = arith.constant 0 : i32
          %dma_wait3A_754 = tpu.memref_slice %arg8[%dma_wait3A_752, %dma_wait3A_753] : memref<10000x128xf32, #tpu.memory_space<vmem_shared>> -> memref<10000x128xf32, #tpu.memory_space<vmem_shared>>
          %dma_wait3A_755 = tpu.memref_slice %arg11[%select_n3A_743] : memref<4x!tpu.dma_semaphore, #tpu.memory_space<semaphore_mem>> -> memref<1x!tpu.dma_semaphore, #tpu.memory_space<semaphore_mem>>
          %dma_wait3A_756 = tpu.memref_squeeze %dma_wait3A_755 : memref<1x!tpu.dma_semaphore, #tpu.memory_space<semaphore_mem>> -> memref<!tpu.dma_semaphore, #tpu.memory_space<semaphore_mem>>
          tpu.wait_indirect_dma semaphore(%dma_wait3A_756 : memref<!tpu.dma_semaphore, #tpu.memory_space<semaphore_mem>>) src(%dma_wait3A_748 : memref<80x128xf32, #tpu.memory_space<vmem>>) dst(%dma_wait3A_754 : memref<10000x128xf32, #tpu.memory_space<vmem_shared>>)
        } else {
        }
        %add3A_565 = arith.constant 6 : i32
        %add3A_566 = arith.addi %add3A_560, %add3A_565 : i32
        %lt3A = arith.constant 250 : i32
        %lt3A_567 = arith.cmpi slt, %add3A_566, %lt3A : i32
        %convert_element_type3A_568 = arith.extui %lt3A_567 : i1 to i32
        %cond3A_569 = arith.constant 0 : i32
        %cond3A_570 = arith.cmpi ne, %convert_element_type3A_568, %cond3A_569 : i32
        scf.if %cond3A_570 {
          %add3A_695 = arith.constant 6 : i32
          %add3A_696 = arith.addi %add3A_560, %add3A_695 : i32
          %jit3A_697 = arith.constant 8 : i32
          %eq3A_698 = arith.constant 0 : i32
          %eq3A_699 = arith.cmpi eq, %jit3A_697, %eq3A_698 : i32
          %jit3A_700 = arith.constant 1 : i32
          %select_n3A_701 = arith.select %eq3A_699, %jit3A_700, %jit3A_697 : i32
          %rem3A_702 = arith.remsi %add3A_696, %select_n3A_701 : i32
          %ne3A_703 = arith.constant 0 : i32
          %ne3A_704 = arith.cmpi ne, %rem3A_702, %ne3A_703 : i32
          %lt3A_705 = arith.constant 0 : i32
          %lt3A_706 = arith.cmpi slt, %rem3A_702, %lt3A_705 : i32
          %lt3A_707 = arith.constant 0 : i32
          %lt3A_708 = arith.cmpi slt, %select_n3A_701, %lt3A_707 : i32
          %ne3A_709 = arith.xori %lt3A_706, %lt3A_708 : i1
          %and3A_710 = arith.andi %ne3A_709, %ne3A_704 : i1
          %add3A_711 = arith.addi %rem3A_702, %select_n3A_701 : i32
          %select_n3A_712 = arith.select %and3A_710, %add3A_711, %rem3A_702 : i32
          %jit3A_713 = arith.constant 8 : i32
          %eq3A_714 = arith.constant 0 : i32
          %eq3A_715 = arith.cmpi eq, %jit3A_713, %eq3A_714 : i32
          %jit3A_716 = arith.constant 1 : i32
          %select_n3A_717 = arith.select %eq3A_715, %jit3A_716, %jit3A_713 : i32
          %rem3A_718 = arith.remsi %add3A_696, %select_n3A_717 : i32
          %ne3A_719 = arith.constant 0 : i32
          %ne3A_720 = arith.cmpi ne, %rem3A_718, %ne3A_719 : i32
          %lt3A_721 = arith.constant 0 : i32
          %lt3A_722 = arith.cmpi slt, %rem3A_718, %lt3A_721 : i32
          %lt3A_723 = arith.constant 0 : i32
          %lt3A_724 = arith.cmpi slt, %select_n3A_717, %lt3A_723 : i32
          %ne3A_725 = arith.xori %lt3A_722, %lt3A_724 : i1
          %and3A_726 = arith.andi %ne3A_725, %ne3A_720 : i1
          %add3A_727 = arith.addi %rem3A_718, %select_n3A_717 : i32
          %select_n3A_728 = arith.select %and3A_726, %add3A_727, %rem3A_718 : i32
          %dma_start3A_729 = arith.constant 0 : i32
          %dma_start3A_730 = arith.constant 0 : i32
          %dma_start3A_731 = tpu.memref_slice %arg6[%select_n3A_712, %dma_start3A_729, %dma_start3A_730] : memref<8x2x80xi32, #tpu.memory_space<vmem>> -> memref<1x2x80xi32, #tpu.memory_space<vmem>>
          %dma_start3A_732 = tpu.memref_squeeze %dma_start3A_731 : memref<1x2x80xi32, #tpu.memory_space<vmem>> -> memref<2x80xi32, #tpu.memory_space<vmem>>
          %dma_start3A_733 = arith.constant 0 : i32
          %dma_start3A_734 = arith.constant 0 : i32
          %dma_start3A_735 = tpu.memref_slice %arg3[%arg1, %add3A_696, %dma_start3A_733, %dma_start3A_734] : memref<16x250x2x80xi32, #tpu.memory_space<hbm>> -> memref<1x1x2x80xi32, #tpu.memory_space<hbm>>
          %dma_start3A_736 = tpu.memref_squeeze %dma_start3A_735 : memref<1x1x2x80xi32, #tpu.memory_space<hbm>> -> memref<2x80xi32, #tpu.memory_space<hbm>>
          %dma_start3A_737 = tpu.memref_slice %arg9[%select_n3A_728] : memref<8x!tpu.dma_semaphore, #tpu.memory_space<semaphore_mem>> -> memref<1x!tpu.dma_semaphore, #tpu.memory_space<semaphore_mem>>
          %dma_start3A_738 = tpu.memref_squeeze %dma_start3A_737 : memref<1x!tpu.dma_semaphore, #tpu.memory_space<semaphore_mem>> -> memref<!tpu.dma_semaphore, #tpu.memory_space<semaphore_mem>>
          %dma_start3A_739 = arith.constant 0 : i32
          %dma_start3A_740 = arith.constant 0 : i32
          %dma_start3A_741 = tpu.memref_slice %arg6[%select_n3A_712, %dma_start3A_739, %dma_start3A_740] : memref<8x2x80xi32, #tpu.memory_space<vmem>> -> memref<1x2x80xi32, #tpu.memory_space<vmem>>
          %dma_start3A_742 = tpu.memref_squeeze %dma_start3A_741 : memref<1x2x80xi32, #tpu.memory_space<vmem>> -> memref<2x80xi32, #tpu.memory_space<vmem>>
          %dma_start3A_743 = arith.constant 0 : i32
          %dma_start3A_744 = arith.constant 0 : i32
          %dma_start3A_745 = tpu.memref_slice %arg3[%arg1, %add3A_696, %dma_start3A_743, %dma_start3A_744] : memref<16x250x2x80xi32, #tpu.memory_space<hbm>> -> memref<1x1x2x80xi32, #tpu.memory_space<hbm>>
          %dma_start3A_746 = tpu.memref_squeeze %dma_start3A_745 : memref<1x1x2x80xi32, #tpu.memory_space<hbm>> -> memref<2x80xi32, #tpu.memory_space<hbm>>
          tpu.enqueue_dma source(%dma_start3A_746 : memref<2x80xi32, #tpu.memory_space<hbm>>) target(%dma_start3A_742 : memref<2x80xi32, #tpu.memory_space<vmem>>) target_semaphore(%dma_start3A_738 : memref<!tpu.dma_semaphore, #tpu.memory_space<semaphore_mem>>)
        } else {
        }
        %add3A_571 = arith.constant 2 : i32
        %add3A_572 = arith.addi %add3A_560, %add3A_571 : i32
        %lt3A_573 = arith.constant 250 : i32
        %lt3A_574 = arith.cmpi slt, %add3A_572, %lt3A_573 : i32
        %convert_element_type3A_575 = arith.extui %lt3A_574 : i1 to i32
        %cond3A_576 = arith.constant 0 : i32
        %cond3A_577 = arith.cmpi ne, %convert_element_type3A_575, %cond3A_576 : i32
        scf.if %cond3A_577 {
          %add3A_695 = arith.constant 2 : i32
          %add3A_696 = arith.addi %add3A_560, %add3A_695 : i32
          %jit3A_697 = arith.constant 8 : i32
          %eq3A_698 = arith.constant 0 : i32
          %eq3A_699 = arith.cmpi eq, %jit3A_697, %eq3A_698 : i32
          %jit3A_700 = arith.constant 1 : i32
          %select_n3A_701 = arith.select %eq3A_699, %jit3A_700, %jit3A_697 : i32
          %rem3A_702 = arith.remsi %add3A_696, %select_n3A_701 : i32
          %ne3A_703 = arith.constant 0 : i32
          %ne3A_704 = arith.cmpi ne, %rem3A_702, %ne3A_703 : i32
          %lt3A_705 = arith.constant 0 : i32
          %lt3A_706 = arith.cmpi slt, %rem3A_702, %lt3A_705 : i32
          %lt3A_707 = arith.constant 0 : i32
          %lt3A_708 = arith.cmpi slt, %select_n3A_701, %lt3A_707 : i32
          %ne3A_709 = arith.xori %lt3A_706, %lt3A_708 : i1
          %and3A_710 = arith.andi %ne3A_709, %ne3A_704 : i1
          %add3A_711 = arith.addi %rem3A_702, %select_n3A_701 : i32
          %select_n3A_712 = arith.select %and3A_710, %add3A_711, %rem3A_702 : i32
          %jit3A_713 = arith.constant 8 : i32
          %eq3A_714 = arith.constant 0 : i32
          %eq3A_715 = arith.cmpi eq, %jit3A_713, %eq3A_714 : i32
          %jit3A_716 = arith.constant 1 : i32
          %select_n3A_717 = arith.select %eq3A_715, %jit3A_716, %jit3A_713 : i32
          %rem3A_718 = arith.remsi %add3A_696, %select_n3A_717 : i32
          %ne3A_719 = arith.constant 0 : i32
          %ne3A_720 = arith.cmpi ne, %rem3A_718, %ne3A_719 : i32
          %lt3A_721 = arith.constant 0 : i32
          %lt3A_722 = arith.cmpi slt, %rem3A_718, %lt3A_721 : i32
          %lt3A_723 = arith.constant 0 : i32
          %lt3A_724 = arith.cmpi slt, %select_n3A_717, %lt3A_723 : i32
          %ne3A_725 = arith.xori %lt3A_722, %lt3A_724 : i1
          %and3A_726 = arith.andi %ne3A_725, %ne3A_720 : i1
          %add3A_727 = arith.addi %rem3A_718, %select_n3A_717 : i32
          %select_n3A_728 = arith.select %and3A_726, %add3A_727, %rem3A_718 : i32
          %dma_wait3A_729 = arith.constant 0 : i32
          %dma_wait3A_730 = arith.constant 0 : i32
          %dma_wait3A_731 = tpu.memref_slice %arg6[%select_n3A_712, %dma_wait3A_729, %dma_wait3A_730] : memref<8x2x80xi32, #tpu.memory_space<vmem>> -> memref<1x2x80xi32, #tpu.memory_space<vmem>>
          %dma_wait3A_732 = tpu.memref_squeeze %dma_wait3A_731 : memref<1x2x80xi32, #tpu.memory_space<vmem>> -> memref<2x80xi32, #tpu.memory_space<vmem>>
          %dma_wait3A_733 = arith.constant 0 : i32
          %dma_wait3A_734 = arith.constant 0 : i32
          %dma_wait3A_735 = tpu.memref_slice %arg3[%arg1, %add3A_696, %dma_wait3A_733, %dma_wait3A_734] : memref<16x250x2x80xi32, #tpu.memory_space<hbm>> -> memref<1x1x2x80xi32, #tpu.memory_space<hbm>>
          %dma_wait3A_736 = tpu.memref_squeeze %dma_wait3A_735 : memref<1x1x2x80xi32, #tpu.memory_space<hbm>> -> memref<2x80xi32, #tpu.memory_space<hbm>>
          %dma_wait3A_737 = tpu.memref_slice %arg9[%select_n3A_728] : memref<8x!tpu.dma_semaphore, #tpu.memory_space<semaphore_mem>> -> memref<1x!tpu.dma_semaphore, #tpu.memory_space<semaphore_mem>>
          %dma_wait3A_738 = tpu.memref_squeeze %dma_wait3A_737 : memref<1x!tpu.dma_semaphore, #tpu.memory_space<semaphore_mem>> -> memref<!tpu.dma_semaphore, #tpu.memory_space<semaphore_mem>>
          %dma_wait3A_739 = arith.constant 0 : i32
          %dma_wait3A_740 = arith.constant 0 : i32
          %dma_wait3A_741 = tpu.memref_slice %arg6[%select_n3A_712, %dma_wait3A_739, %dma_wait3A_740] : memref<8x2x80xi32, #tpu.memory_space<vmem>> -> memref<1x2x80xi32, #tpu.memory_space<vmem>>
          %dma_wait3A_742 = tpu.memref_squeeze %dma_wait3A_741 : memref<1x2x80xi32, #tpu.memory_space<vmem>> -> memref<2x80xi32, #tpu.memory_space<vmem>>
          %dma_wait3A_743 = arith.constant 0 : i32
          %dma_wait3A_744 = arith.constant 0 : i32
          %dma_wait3A_745 = tpu.memref_slice %arg3[%arg1, %add3A_696, %dma_wait3A_743, %dma_wait3A_744] : memref<16x250x2x80xi32, #tpu.memory_space<hbm>> -> memref<1x1x2x80xi32, #tpu.memory_space<hbm>>
          %dma_wait3A_746 = tpu.memref_squeeze %dma_wait3A_745 : memref<1x1x2x80xi32, #tpu.memory_space<hbm>> -> memref<2x80xi32, #tpu.memory_space<hbm>>
          tpu.wait_dma2 semaphore(%dma_wait3A_738 : memref<!tpu.dma_semaphore, #tpu.memory_space<semaphore_mem>>) src(%dma_wait3A_746 : memref<2x80xi32, #tpu.memory_space<hbm>>) dst(%dma_wait3A_742 : memref<2x80xi32, #tpu.memory_space<vmem>>)
          %add3A_747 = arith.constant 2 : i32
          %add3A_748 = arith.addi %add3A_560, %add3A_747 : i32
          %jit3A_749 = arith.constant 8 : i32
          %eq3A_750 = arith.constant 0 : i32
          %eq3A_751 = arith.cmpi eq, %jit3A_749, %eq3A_750 : i32
          %jit3A_752 = arith.constant 1 : i32
          %select_n3A_753 = arith.select %eq3A_751, %jit3A_752, %jit3A_749 : i32
          %rem3A_754 = arith.remsi %add3A_748, %select_n3A_753 : i32
          %ne3A_755 = arith.constant 0 : i32
          %ne3A_756 = arith.cmpi ne, %rem3A_754, %ne3A_755 : i32
          %lt3A_757 = arith.constant 0 : i32
          %lt3A_758 = arith.cmpi slt, %rem3A_754, %lt3A_757 : i32
          %lt3A_759 = arith.constant 0 : i32
          %lt3A_760 = arith.cmpi slt, %select_n3A_753, %lt3A_759 : i32
          %ne3A_761 = arith.xori %lt3A_758, %lt3A_760 : i1
          %and3A_762 = arith.andi %ne3A_761, %ne3A_756 : i1
          %add3A_763 = arith.addi %rem3A_754, %select_n3A_753 : i32
          %select_n3A_764 = arith.select %and3A_762, %add3A_763, %rem3A_754 : i32
          %jit3A_765 = arith.constant 4 : i32
          %eq3A_766 = arith.constant 0 : i32
          %eq3A_767 = arith.cmpi eq, %jit3A_765, %eq3A_766 : i32
          %jit3A_768 = arith.constant 1 : i32
          %select_n3A_769 = arith.select %eq3A_767, %jit3A_768, %jit3A_765 : i32
          %rem3A_770 = arith.remsi %add3A_748, %select_n3A_769 : i32
          %ne3A_771 = arith.constant 0 : i32
          %ne3A_772 = arith.cmpi ne, %rem3A_770, %ne3A_771 : i32
          %lt3A_773 = arith.constant 0 : i32
          %lt3A_774 = arith.cmpi slt, %rem3A_770, %lt3A_773 : i32
          %lt3A_775 = arith.constant 0 : i32
          %lt3A_776 = arith.cmpi slt, %select_n3A_769, %lt3A_775 : i32
          %ne3A_777 = arith.xori %lt3A_774, %lt3A_776 : i1
          %and3A_778 = arith.andi %ne3A_777, %ne3A_772 : i1
          %add3A_779 = arith.addi %rem3A_770, %select_n3A_769 : i32
          %select_n3A_780 = arith.select %and3A_778, %add3A_779, %rem3A_770 : i32
          %jit3A_781 = arith.constant 4 : i32
          %eq3A_782 = arith.constant 0 : i32
          %eq3A_783 = arith.cmpi eq, %jit3A_781, %eq3A_782 : i32
          %jit3A_784 = arith.constant 1 : i32
          %select_n3A_785 = arith.select %eq3A_783, %jit3A_784, %jit3A_781 : i32
          %rem3A_786 = arith.remsi %add3A_748, %select_n3A_785 : i32
          %ne3A_787 = arith.constant 0 : i32
          %ne3A_788 = arith.cmpi ne, %rem3A_786, %ne3A_787 : i32
          %lt3A_789 = arith.constant 0 : i32
          %lt3A_790 = arith.cmpi slt, %rem3A_786, %lt3A_789 : i32
          %lt3A_791 = arith.constant 0 : i32
          %lt3A_792 = arith.cmpi slt, %select_n3A_785, %lt3A_791 : i32
          %ne3A_793 = arith.xori %lt3A_790, %lt3A_792 : i1
          %and3A_794 = arith.andi %ne3A_793, %ne3A_788 : i1
          %add3A_795 = arith.addi %rem3A_786, %select_n3A_785 : i32
          %select_n3A_796 = arith.select %and3A_794, %add3A_795, %rem3A_786 : i32
          %dma_start3A_797 = arith.constant 0 : i32
          %dma_start3A_798 = arith.constant 0 : i32
          %dma_start3A_799 = arith.constant 0 : i32
          %dma_start3A_800 = tpu.memref_slice %arg7[%select_n3A_780, %dma_start3A_798, %dma_start3A_799] : memref<4x80x128xf32, #tpu.memory_space<vmem>> -> memref<1x80x128xf32, #tpu.memory_space<vmem>>
          %dma_start3A_801 = tpu.memref_squeeze %dma_start3A_800 : memref<1x80x128xf32, #tpu.memory_space<vmem>> -> memref<80x128xf32, #tpu.memory_space<vmem>>
          %dma_start3A_802 = arith.constant 0 : i32
          %dma_start3A_803 = tpu.memref_slice %arg6[%select_n3A_764, %dma_start3A_797, %dma_start3A_802] : memref<8x2x80xi32, #tpu.memory_space<vmem>> -> memref<1x1x80xi32, #tpu.memory_space<vmem>>
          %dma_start3A_804 = tpu.memref_squeeze %dma_start3A_803 : memref<1x1x80xi32, #tpu.memory_space<vmem>> -> memref<80xi32, #tpu.memory_space<vmem>>
          %dma_start3A_805 = arith.constant 0 : i32
          %dma_start3A_806 = arith.constant 0 : i32
          %dma_start3A_807 = tpu.memref_slice %arg2[%dma_start3A_805, %dma_start3A_806] : memref<10000x128xf32, #tpu.memory_space<hbm>> -> memref<10000x128xf32, #tpu.memory_space<hbm>>
          %dma_start3A_808 = tpu.memref_slice %arg10[%select_n3A_796] : memref<4x!tpu.dma_semaphore, #tpu.memory_space<semaphore_mem>> -> memref<1x!tpu.dma_semaphore, #tpu.memory_space<semaphore_mem>>
          %dma_start3A_809 = tpu.memref_squeeze %dma_start3A_808 : memref<1x!tpu.dma_semaphore, #tpu.memory_space<semaphore_mem>> -> memref<!tpu.dma_semaphore, #tpu.memory_space<semaphore_mem>>
          tpu.enqueue_indirect_dma source(%dma_start3A_807 : memref<10000x128xf32, #tpu.memory_space<hbm>>) target(%dma_start3A_801 : memref<80x128xf32, #tpu.memory_space<vmem>>) offsets(%dma_start3A_804 : memref<80xi32, #tpu.memory_space<vmem>>) semaphore(%dma_start3A_809 : memref<!tpu.dma_semaphore, #tpu.memory_space<semaphore_mem>>)
        } else {
        }
        %jit3A = arith.constant 8 : i32
        %eq3A_578 = arith.constant 0 : i32
        %eq3A_579 = arith.cmpi eq, %jit3A, %eq3A_578 : i32
        %jit3A_580 = arith.constant 1 : i32
        %select_n3A = arith.select %eq3A_579, %jit3A_580, %jit3A : i32
        %rem3A = arith.remsi %add3A_560, %select_n3A : i32
        %ne3A = arith.constant 0 : i32
        %ne3A_581 = arith.cmpi ne, %rem3A, %ne3A : i32
        %lt3A_582 = arith.constant 0 : i32
        %lt3A_583 = arith.cmpi slt, %rem3A, %lt3A_582 : i32
        %lt3A_584 = arith.constant 0 : i32
        %lt3A_585 = arith.cmpi slt, %select_n3A, %lt3A_584 : i32
        %ne3A_586 = arith.xori %lt3A_583, %lt3A_585 : i1
        %and3A = arith.andi %ne3A_586, %ne3A_581 : i1
        %add3A_587 = arith.addi %rem3A, %select_n3A : i32
        %select_n3A_588 = arith.select %and3A, %add3A_587, %rem3A : i32
        %jit3A_589 = arith.constant 4 : i32
        %eq3A_590 = arith.constant 0 : i32
        %eq3A_591 = arith.cmpi eq, %jit3A_589, %eq3A_590 : i32
        %jit3A_592 = arith.constant 1 : i32
        %select_n3A_593 = arith.select %eq3A_591, %jit3A_592, %jit3A_589 : i32
        %rem3A_594 = arith.remsi %add3A_560, %select_n3A_593 : i32
        %ne3A_595 = arith.constant 0 : i32
        %ne3A_596 = arith.cmpi ne, %rem3A_594, %ne3A_595 : i32
        %lt3A_597 = arith.constant 0 : i32
        %lt3A_598 = arith.cmpi slt, %rem3A_594, %lt3A_597 : i32
        %lt3A_599 = arith.constant 0 : i32
        %lt3A_600 = arith.cmpi slt, %select_n3A_593, %lt3A_599 : i32
        %ne3A_601 = arith.xori %lt3A_598, %lt3A_600 : i1
        %and3A_602 = arith.andi %ne3A_601, %ne3A_596 : i1
        %add3A_603 = arith.addi %rem3A_594, %select_n3A_593 : i32
        %select_n3A_604 = arith.select %and3A_602, %add3A_603, %rem3A_594 : i32
        %jit3A_605 = arith.constant 4 : i32
        %eq3A_606 = arith.constant 0 : i32
        %eq3A_607 = arith.cmpi eq, %jit3A_605, %eq3A_606 : i32
        %jit3A_608 = arith.constant 1 : i32
        %select_n3A_609 = arith.select %eq3A_607, %jit3A_608, %jit3A_605 : i32
        %rem3A_610 = arith.remsi %add3A_560, %select_n3A_609 : i32
        %ne3A_611 = arith.constant 0 : i32
        %ne3A_612 = arith.cmpi ne, %rem3A_610, %ne3A_611 : i32
        %lt3A_613 = arith.constant 0 : i32
        %lt3A_614 = arith.cmpi slt, %rem3A_610, %lt3A_613 : i32
        %lt3A_615 = arith.constant 0 : i32
        %lt3A_616 = arith.cmpi slt, %select_n3A_609, %lt3A_615 : i32
        %ne3A_617 = arith.xori %lt3A_614, %lt3A_616 : i1
        %and3A_618 = arith.andi %ne3A_617, %ne3A_612 : i1
        %add3A_619 = arith.addi %rem3A_610, %select_n3A_609 : i32
        %select_n3A_620 = arith.select %and3A_618, %add3A_619, %rem3A_610 : i32
        %dma_wait3A_621 = arith.constant 0 : i32
        %dma_wait3A_622 = arith.constant 0 : i32
        %dma_wait3A_623 = arith.constant 0 : i32
        %dma_wait3A_624 = tpu.memref_slice %arg7[%select_n3A_604, %dma_wait3A_622, %dma_wait3A_623] : memref<4x80x128xf32, #tpu.memory_space<vmem>> -> memref<1x80x128xf32, #tpu.memory_space<vmem>>
        %dma_wait3A_625 = tpu.memref_squeeze %dma_wait3A_624 : memref<1x80x128xf32, #tpu.memory_space<vmem>> -> memref<80x128xf32, #tpu.memory_space<vmem>>
        %dma_wait3A_626 = arith.constant 0 : i32
        %dma_wait3A_627 = tpu.memref_slice %arg6[%select_n3A_588, %dma_wait3A_621, %dma_wait3A_626] : memref<8x2x80xi32, #tpu.memory_space<vmem>> -> memref<1x1x80xi32, #tpu.memory_space<vmem>>
        %dma_wait3A_628 = tpu.memref_squeeze %dma_wait3A_627 : memref<1x1x80xi32, #tpu.memory_space<vmem>> -> memref<80xi32, #tpu.memory_space<vmem>>
        %dma_wait3A_629 = arith.constant 0 : i32
        %dma_wait3A_630 = arith.constant 0 : i32
        %dma_wait3A_631 = tpu.memref_slice %arg2[%dma_wait3A_629, %dma_wait3A_630] : memref<10000x128xf32, #tpu.memory_space<hbm>> -> memref<10000x128xf32, #tpu.memory_space<hbm>>
        %dma_wait3A_632 = tpu.memref_slice %arg10[%select_n3A_620] : memref<4x!tpu.dma_semaphore, #tpu.memory_space<semaphore_mem>> -> memref<1x!tpu.dma_semaphore, #tpu.memory_space<semaphore_mem>>
        %dma_wait3A_633 = tpu.memref_squeeze %dma_wait3A_632 : memref<1x!tpu.dma_semaphore, #tpu.memory_space<semaphore_mem>> -> memref<!tpu.dma_semaphore, #tpu.memory_space<semaphore_mem>>
        tpu.wait_indirect_dma semaphore(%dma_wait3A_633 : memref<!tpu.dma_semaphore, #tpu.memory_space<semaphore_mem>>) src(%dma_wait3A_631 : memref<10000x128xf32, #tpu.memory_space<hbm>>) dst(%dma_wait3A_625 : memref<80x128xf32, #tpu.memory_space<vmem>>)
        %jit3A_634 = arith.constant 4 : i32
        %eq3A_635 = arith.constant 0 : i32
        %eq3A_636 = arith.cmpi eq, %jit3A_634, %eq3A_635 : i32
        %jit3A_637 = arith.constant 1 : i32
        %select_n3A_638 = arith.select %eq3A_636, %jit3A_637, %jit3A_634 : i32
        %rem3A_639 = arith.remsi %add3A_560, %select_n3A_638 : i32
        %ne3A_640 = arith.constant 0 : i32
        %ne3A_641 = arith.cmpi ne, %rem3A_639, %ne3A_640 : i32
        %lt3A_642 = arith.constant 0 : i32
        %lt3A_643 = arith.cmpi slt, %rem3A_639, %lt3A_642 : i32
        %lt3A_644 = arith.constant 0 : i32
        %lt3A_645 = arith.cmpi slt, %select_n3A_638, %lt3A_644 : i32
        %ne3A_646 = arith.xori %lt3A_643, %lt3A_645 : i1
        %and3A_647 = arith.andi %ne3A_646, %ne3A_641 : i1
        %add3A_648 = arith.addi %rem3A_639, %select_n3A_638 : i32
        %select_n3A_649 = arith.select %and3A_647, %add3A_648, %rem3A_639 : i32
        %jit3A_650 = arith.constant 8 : i32
        %eq3A_651 = arith.constant 0 : i32
        %eq3A_652 = arith.cmpi eq, %jit3A_650, %eq3A_651 : i32
        %jit3A_653 = arith.constant 1 : i32
        %select_n3A_654 = arith.select %eq3A_652, %jit3A_653, %jit3A_650 : i32
        %rem3A_655 = arith.remsi %add3A_560, %select_n3A_654 : i32
        %ne3A_656 = arith.constant 0 : i32
        %ne3A_657 = arith.cmpi ne, %rem3A_655, %ne3A_656 : i32
        %lt3A_658 = arith.constant 0 : i32
        %lt3A_659 = arith.cmpi slt, %rem3A_655, %lt3A_658 : i32
        %lt3A_660 = arith.constant 0 : i32
        %lt3A_661 = arith.cmpi slt, %select_n3A_654, %lt3A_660 : i32
        %ne3A_662 = arith.xori %lt3A_659, %lt3A_661 : i1
        %and3A_663 = arith.andi %ne3A_662, %ne3A_657 : i1
        %add3A_664 = arith.addi %rem3A_655, %select_n3A_654 : i32
        %select_n3A_665 = arith.select %and3A_663, %add3A_664, %rem3A_655 : i32
        %jit3A_666 = arith.constant 4 : i32
        %eq3A_667 = arith.constant 0 : i32
        %eq3A_668 = arith.cmpi eq, %jit3A_666, %eq3A_667 : i32
        %jit3A_669 = arith.constant 1 : i32
        %select_n3A_670 = arith.select %eq3A_668, %jit3A_669, %jit3A_666 : i32
        %rem3A_671 = arith.remsi %add3A_560, %select_n3A_670 : i32
        %ne3A_672 = arith.constant 0 : i32
        %ne3A_673 = arith.cmpi ne, %rem3A_671, %ne3A_672 : i32
        %lt3A_674 = arith.constant 0 : i32
        %lt3A_675 = arith.cmpi slt, %rem3A_671, %lt3A_674 : i32
        %lt3A_676 = arith.constant 0 : i32
        %lt3A_677 = arith.cmpi slt, %select_n3A_670, %lt3A_676 : i32
        %ne3A_678 = arith.xori %lt3A_675, %lt3A_677 : i1
        %and3A_679 = arith.andi %ne3A_678, %ne3A_673 : i1
        %add3A_680 = arith.addi %rem3A_671, %select_n3A_670 : i32
        %select_n3A_681 = arith.select %and3A_679, %add3A_680, %rem3A_671 : i32
        %dma_start3A_682 = arith.constant 1 : i32
        %dma_start3A_683 = arith.constant 0 : i32
        %dma_start3A_684 = arith.constant 0 : i32
        %dma_start3A_685 = tpu.memref_slice %arg7[%select_n3A_649, %dma_start3A_683, %dma_start3A_684] : memref<4x80x128xf32, #tpu.memory_space<vmem>> -> memref<1x80x128xf32, #tpu.memory_space<vmem>>
        %dma_start3A_686 = tpu.memref_squeeze %dma_start3A_685 : memref<1x80x128xf32, #tpu.memory_space<vmem>> -> memref<80x128xf32, #tpu.memory_space<vmem>>
        %dma_start3A_687 = arith.constant 0 : i32
        %dma_start3A_688 = tpu.memref_slice %arg6[%select_n3A_665, %dma_start3A_682, %dma_start3A_687] : memref<8x2x80xi32, #tpu.memory_space<vmem>> -> memref<1x1x80xi32, #tpu.memory_space<vmem>>
        %dma_start3A_689 = tpu.memref_squeeze %dma_start3A_688 : memref<1x1x80xi32, #tpu.memory_space<vmem>> -> memref<80xi32, #tpu.memory_space<vmem>>
        %dma_start3A_690 = arith.constant 0 : i32
        %dma_start3A_691 = arith.constant 0 : i32
        %dma_start3A_692 = tpu.memref_slice %arg8[%dma_start3A_690, %dma_start3A_691] : memref<10000x128xf32, #tpu.memory_space<vmem_shared>> -> memref<10000x128xf32, #tpu.memory_space<vmem_shared>>
        %dma_start3A_693 = tpu.memref_slice %arg11[%select_n3A_681] : memref<4x!tpu.dma_semaphore, #tpu.memory_space<semaphore_mem>> -> memref<1x!tpu.dma_semaphore, #tpu.memory_space<semaphore_mem>>
        %dma_start3A_694 = tpu.memref_squeeze %dma_start3A_693 : memref<1x!tpu.dma_semaphore, #tpu.memory_space<semaphore_mem>> -> memref<!tpu.dma_semaphore, #tpu.memory_space<semaphore_mem>>
        tpu.enqueue_indirect_dma source(%dma_start3A_686 : memref<80x128xf32, #tpu.memory_space<vmem>>) target(%dma_start3A_692 : memref<10000x128xf32, #tpu.memory_space<vmem_shared>>) offsets(%dma_start3A_689 : memref<80xi32, #tpu.memory_space<vmem>>) semaphore(%dma_start3A_694 : memref<!tpu.dma_semaphore, #tpu.memory_space<semaphore_mem>>) {add = true}
      }
      %scan3A_523 = arith.constant 250 : i32
      %dma_wait3A_524 = arith.constant 0 : i32
      %dma_wait3A_525 = arith.constant 0 : i32
      %dma_wait3A_526 = arith.constant 1 : i32
      %dma_wait3A_527 = arith.constant 0 : i32
      %dma_wait3A_528 = arith.constant 0 : i32
      %dma_wait3A_529 = arith.constant 0 : i32
      %dma_wait3A_530 = tpu.memref_slice %arg7[%dma_wait3A_524, %dma_wait3A_528, %dma_wait3A_529] : memref<4x80x128xf32, #tpu.memory_space<vmem>> -> memref<1x80x128xf32, #tpu.memory_space<vmem>>
      %dma_wait3A_531 = tpu.memref_squeeze %dma_wait3A_530 : memref<1x80x128xf32, #tpu.memory_space<vmem>> -> memref<80x128xf32, #tpu.memory_space<vmem>>
      %dma_wait3A_532 = arith.constant 0 : i32
      %dma_wait3A_533 = tpu.memref_slice %arg6[%dma_wait3A_525, %dma_wait3A_526, %dma_wait3A_532] : memref<8x2x80xi32, #tpu.memory_space<vmem>> -> memref<1x1x80xi32, #tpu.memory_space<vmem>>
      %dma_wait3A_534 = tpu.memref_squeeze %dma_wait3A_533 : memref<1x1x80xi32, #tpu.memory_space<vmem>> -> memref<80xi32, #tpu.memory_space<vmem>>
      %dma_wait3A_535 = arith.constant 0 : i32
      %dma_wait3A_536 = arith.constant 0 : i32
      %dma_wait3A_537 = tpu.memref_slice %arg8[%dma_wait3A_535, %dma_wait3A_536] : memref<10000x128xf32, #tpu.memory_space<vmem_shared>> -> memref<10000x128xf32, #tpu.memory_space<vmem_shared>>
      %dma_wait3A_538 = tpu.memref_slice %arg11[%dma_wait3A_527] : memref<4x!tpu.dma_semaphore, #tpu.memory_space<semaphore_mem>> -> memref<1x!tpu.dma_semaphore, #tpu.memory_space<semaphore_mem>>
      %dma_wait3A_539 = tpu.memref_squeeze %dma_wait3A_538 : memref<1x!tpu.dma_semaphore, #tpu.memory_space<semaphore_mem>> -> memref<!tpu.dma_semaphore, #tpu.memory_space<semaphore_mem>>
      tpu.wait_indirect_dma semaphore(%dma_wait3A_539 : memref<!tpu.dma_semaphore, #tpu.memory_space<semaphore_mem>>) src(%dma_wait3A_531 : memref<80x128xf32, #tpu.memory_space<vmem>>) dst(%dma_wait3A_537 : memref<10000x128xf32, #tpu.memory_space<vmem_shared>>)
      %dma_wait3A_540 = arith.constant 1 : i32
      %dma_wait3A_541 = arith.constant 1 : i32
      %dma_wait3A_542 = arith.constant 1 : i32
      %dma_wait3A_543 = arith.constant 1 : i32
      %dma_wait3A_544 = arith.constant 0 : i32
      %dma_wait3A_545 = arith.constant 0 : i32
      %dma_wait3A_546 = tpu.memref_slice %arg7[%dma_wait3A_540, %dma_wait3A_544, %dma_wait3A_545] : memref<4x80x128xf32, #tpu.memory_space<vmem>> -> memref<1x80x128xf32, #tpu.memory_space<vmem>>
      %dma_wait3A_547 = tpu.memref_squeeze %dma_wait3A_546 : memref<1x80x128xf32, #tpu.memory_space<vmem>> -> memref<80x128xf32, #tpu.memory_space<vmem>>
      %dma_wait3A_548 = arith.constant 0 : i32
      %dma_wait3A_549 = tpu.memref_slice %arg6[%dma_wait3A_541, %dma_wait3A_542, %dma_wait3A_548] : memref<8x2x80xi32, #tpu.memory_space<vmem>> -> memref<1x1x80xi32, #tpu.memory_space<vmem>>
      %dma_wait3A_550 = tpu.memref_squeeze %dma_wait3A_549 : memref<1x1x80xi32, #tpu.memory_space<vmem>> -> memref<80xi32, #tpu.memory_space<vmem>>
      %dma_wait3A_551 = arith.constant 0 : i32
      %dma_wait3A_552 = arith.constant 0 : i32
      %dma_wait3A_553 = tpu.memref_slice %arg8[%dma_wait3A_551, %dma_wait3A_552] : memref<10000x128xf32, #tpu.memory_space<vmem_shared>> -> memref<10000x128xf32, #tpu.memory_space<vmem_shared>>
      %dma_wait3A_554 = tpu.memref_slice %arg11[%dma_wait3A_543] : memref<4x!tpu.dma_semaphore, #tpu.memory_space<semaphore_mem>> -> memref<1x!tpu.dma_semaphore, #tpu.memory_space<semaphore_mem>>
      %dma_wait3A_555 = tpu.memref_squeeze %dma_wait3A_554 : memref<1x!tpu.dma_semaphore, #tpu.memory_space<semaphore_mem>> -> memref<!tpu.dma_semaphore, #tpu.memory_space<semaphore_mem>>
      tpu.wait_indirect_dma semaphore(%dma_wait3A_555 : memref<!tpu.dma_semaphore, #tpu.memory_space<semaphore_mem>>) src(%dma_wait3A_547 : memref<80x128xf32, #tpu.memory_space<vmem>>) dst(%dma_wait3A_553 : memref<10000x128xf32, #tpu.memory_space<vmem_shared>>)
    } else {
    }
    %eq3A_303 = arith.constant 1 : i32
    %eq3A_304 = arith.cmpi eq, %arg0, %eq3A_303 : i32
    %convert_element_type3A_305 = arith.extui %eq3A_304 : i1 to i32
    %cond3A_306 = arith.constant 0 : i32
    %cond3A_307 = arith.cmpi ne, %convert_element_type3A_305, %cond3A_306 : i32
    scf.if %cond3A_307 {
      %dma_start3A_319 = arith.constant 0 : i32
      %dma_start3A_320 = arith.constant 0 : i32
      %dma_start3A_321 = arith.constant 0 : i32
      %dma_start3A_322 = arith.constant 0 : i32
      %dma_start3A_323 = arith.constant 0 : i32
      %dma_start3A_324 = tpu.memref_slice %arg6[%dma_start3A_320, %dma_start3A_322, %dma_start3A_323] : memref<8x2x80xi32, #tpu.memory_space<vmem>> -> memref<1x2x80xi32, #tpu.memory_space<vmem>>
      %dma_start3A_325 = tpu.memref_squeeze %dma_start3A_324 : memref<1x2x80xi32, #tpu.memory_space<vmem>> -> memref<2x80xi32, #tpu.memory_space<vmem>>
      %dma_start3A_326 = arith.constant 0 : i32
      %dma_start3A_327 = arith.constant 0 : i32
      %dma_start3A_328 = tpu.memref_slice %arg3[%arg1, %dma_start3A_319, %dma_start3A_326, %dma_start3A_327] : memref<16x250x2x80xi32, #tpu.memory_space<hbm>> -> memref<1x1x2x80xi32, #tpu.memory_space<hbm>>
      %dma_start3A_329 = tpu.memref_squeeze %dma_start3A_328 : memref<1x1x2x80xi32, #tpu.memory_space<hbm>> -> memref<2x80xi32, #tpu.memory_space<hbm>>
      %dma_start3A_330 = tpu.memref_slice %arg9[%dma_start3A_321] : memref<8x!tpu.dma_semaphore, #tpu.memory_space<semaphore_mem>> -> memref<1x!tpu.dma_semaphore, #tpu.memory_space<semaphore_mem>>
      %dma_start3A_331 = tpu.memref_squeeze %dma_start3A_330 : memref<1x!tpu.dma_semaphore, #tpu.memory_space<semaphore_mem>> -> memref<!tpu.dma_semaphore, #tpu.memory_space<semaphore_mem>>
      %dma_start3A_332 = arith.constant 0 : i32
      %dma_start3A_333 = arith.constant 0 : i32
      %dma_start3A_334 = tpu.memref_slice %arg6[%dma_start3A_320, %dma_start3A_332, %dma_start3A_333] : memref<8x2x80xi32, #tpu.memory_space<vmem>> -> memref<1x2x80xi32, #tpu.memory_space<vmem>>
      %dma_start3A_335 = tpu.memref_squeeze %dma_start3A_334 : memref<1x2x80xi32, #tpu.memory_space<vmem>> -> memref<2x80xi32, #tpu.memory_space<vmem>>
      %dma_start3A_336 = arith.constant 0 : i32
      %dma_start3A_337 = arith.constant 0 : i32
      %dma_start3A_338 = tpu.memref_slice %arg3[%arg1, %dma_start3A_319, %dma_start3A_336, %dma_start3A_337] : memref<16x250x2x80xi32, #tpu.memory_space<hbm>> -> memref<1x1x2x80xi32, #tpu.memory_space<hbm>>
      %dma_start3A_339 = tpu.memref_squeeze %dma_start3A_338 : memref<1x1x2x80xi32, #tpu.memory_space<hbm>> -> memref<2x80xi32, #tpu.memory_space<hbm>>
      tpu.enqueue_dma source(%dma_start3A_339 : memref<2x80xi32, #tpu.memory_space<hbm>>) target(%dma_start3A_335 : memref<2x80xi32, #tpu.memory_space<vmem>>) target_semaphore(%dma_start3A_331 : memref<!tpu.dma_semaphore, #tpu.memory_space<semaphore_mem>>)
      %dma_start3A_340 = arith.constant 1 : i32
      %dma_start3A_341 = arith.constant 1 : i32
      %dma_start3A_342 = arith.constant 1 : i32
      %dma_start3A_343 = arith.constant 0 : i32
      %dma_start3A_344 = arith.constant 0 : i32
      %dma_start3A_345 = tpu.memref_slice %arg6[%dma_start3A_341, %dma_start3A_343, %dma_start3A_344] : memref<8x2x80xi32, #tpu.memory_space<vmem>> -> memref<1x2x80xi32, #tpu.memory_space<vmem>>
      %dma_start3A_346 = tpu.memref_squeeze %dma_start3A_345 : memref<1x2x80xi32, #tpu.memory_space<vmem>> -> memref<2x80xi32, #tpu.memory_space<vmem>>
      %dma_start3A_347 = arith.constant 0 : i32
      %dma_start3A_348 = arith.constant 0 : i32
      %dma_start3A_349 = tpu.memref_slice %arg3[%arg1, %dma_start3A_340, %dma_start3A_347, %dma_start3A_348] : memref<16x250x2x80xi32, #tpu.memory_space<hbm>> -> memref<1x1x2x80xi32, #tpu.memory_space<hbm>>
      %dma_start3A_350 = tpu.memref_squeeze %dma_start3A_349 : memref<1x1x2x80xi32, #tpu.memory_space<hbm>> -> memref<2x80xi32, #tpu.memory_space<hbm>>
      %dma_start3A_351 = tpu.memref_slice %arg9[%dma_start3A_342] : memref<8x!tpu.dma_semaphore, #tpu.memory_space<semaphore_mem>> -> memref<1x!tpu.dma_semaphore, #tpu.memory_space<semaphore_mem>>
      %dma_start3A_352 = tpu.memref_squeeze %dma_start3A_351 : memref<1x!tpu.dma_semaphore, #tpu.memory_space<semaphore_mem>> -> memref<!tpu.dma_semaphore, #tpu.memory_space<semaphore_mem>>
      %dma_start3A_353 = arith.constant 0 : i32
      %dma_start3A_354 = arith.constant 0 : i32
      %dma_start3A_355 = tpu.memref_slice %arg6[%dma_start3A_341, %dma_start3A_353, %dma_start3A_354] : memref<8x2x80xi32, #tpu.memory_space<vmem>> -> memref<1x2x80xi32, #tpu.memory_space<vmem>>
      %dma_start3A_356 = tpu.memref_squeeze %dma_start3A_355 : memref<1x2x80xi32, #tpu.memory_space<vmem>> -> memref<2x80xi32, #tpu.memory_space<vmem>>
      %dma_start3A_357 = arith.constant 0 : i32
      %dma_start3A_358 = arith.constant 0 : i32
      %dma_start3A_359 = tpu.memref_slice %arg3[%arg1, %dma_start3A_340, %dma_start3A_357, %dma_start3A_358] : memref<16x250x2x80xi32, #tpu.memory_space<hbm>> -> memref<1x1x2x80xi32, #tpu.memory_space<hbm>>
      %dma_start3A_360 = tpu.memref_squeeze %dma_start3A_359 : memref<1x1x2x80xi32, #tpu.memory_space<hbm>> -> memref<2x80xi32, #tpu.memory_space<hbm>>
      tpu.enqueue_dma source(%dma_start3A_360 : memref<2x80xi32, #tpu.memory_space<hbm>>) target(%dma_start3A_356 : memref<2x80xi32, #tpu.memory_space<vmem>>) target_semaphore(%dma_start3A_352 : memref<!tpu.dma_semaphore, #tpu.memory_space<semaphore_mem>>)
      %dma_start3A_361 = arith.constant 2 : i32
      %dma_start3A_362 = arith.constant 2 : i32
      %dma_start3A_363 = arith.constant 2 : i32
      %dma_start3A_364 = arith.constant 0 : i32
      %dma_start3A_365 = arith.constant 0 : i32
      %dma_start3A_366 = tpu.memref_slice %arg6[%dma_start3A_362, %dma_start3A_364, %dma_start3A_365] : memref<8x2x80xi32, #tpu.memory_space<vmem>> -> memref<1x2x80xi32, #tpu.memory_space<vmem>>
      %dma_start3A_367 = tpu.memref_squeeze %dma_start3A_366 : memref<1x2x80xi32, #tpu.memory_space<vmem>> -> memref<2x80xi32, #tpu.memory_space<vmem>>
      %dma_start3A_368 = arith.constant 0 : i32
      %dma_start3A_369 = arith.constant 0 : i32
      %dma_start3A_370 = tpu.memref_slice %arg3[%arg1, %dma_start3A_361, %dma_start3A_368, %dma_start3A_369] : memref<16x250x2x80xi32, #tpu.memory_space<hbm>> -> memref<1x1x2x80xi32, #tpu.memory_space<hbm>>
      %dma_start3A_371 = tpu.memref_squeeze %dma_start3A_370 : memref<1x1x2x80xi32, #tpu.memory_space<hbm>> -> memref<2x80xi32, #tpu.memory_space<hbm>>
      %dma_start3A_372 = tpu.memref_slice %arg9[%dma_start3A_363] : memref<8x!tpu.dma_semaphore, #tpu.memory_space<semaphore_mem>> -> memref<1x!tpu.dma_semaphore, #tpu.memory_space<semaphore_mem>>
      %dma_start3A_373 = tpu.memref_squeeze %dma_start3A_372 : memref<1x!tpu.dma_semaphore, #tpu.memory_space<semaphore_mem>> -> memref<!tpu.dma_semaphore, #tpu.memory_space<semaphore_mem>>
      %dma_start3A_374 = arith.constant 0 : i32
      %dma_start3A_375 = arith.constant 0 : i32
      %dma_start3A_376 = tpu.memref_slice %arg6[%dma_start3A_362, %dma_start3A_374, %dma_start3A_375] : memref<8x2x80xi32, #tpu.memory_space<vmem>> -> memref<1x2x80xi32, #tpu.memory_space<vmem>>
      %dma_start3A_377 = tpu.memref_squeeze %dma_start3A_376 : memref<1x2x80xi32, #tpu.memory_space<vmem>> -> memref<2x80xi32, #tpu.memory_space<vmem>>
      %dma_start3A_378 = arith.constant 0 : i32
      %dma_start3A_379 = arith.constant 0 : i32
      %dma_start3A_380 = tpu.memref_slice %arg3[%arg1, %dma_start3A_361, %dma_start3A_378, %dma_start3A_379] : memref<16x250x2x80xi32, #tpu.memory_space<hbm>> -> memref<1x1x2x80xi32, #tpu.memory_space<hbm>>
      %dma_start3A_381 = tpu.memref_squeeze %dma_start3A_380 : memref<1x1x2x80xi32, #tpu.memory_space<hbm>> -> memref<2x80xi32, #tpu.memory_space<hbm>>
      tpu.enqueue_dma source(%dma_start3A_381 : memref<2x80xi32, #tpu.memory_space<hbm>>) target(%dma_start3A_377 : memref<2x80xi32, #tpu.memory_space<vmem>>) target_semaphore(%dma_start3A_373 : memref<!tpu.dma_semaphore, #tpu.memory_space<semaphore_mem>>)
      %dma_start3A_382 = arith.constant 3 : i32
      %dma_start3A_383 = arith.constant 3 : i32
      %dma_start3A_384 = arith.constant 3 : i32
      %dma_start3A_385 = arith.constant 0 : i32
      %dma_start3A_386 = arith.constant 0 : i32
      %dma_start3A_387 = tpu.memref_slice %arg6[%dma_start3A_383, %dma_start3A_385, %dma_start3A_386] : memref<8x2x80xi32, #tpu.memory_space<vmem>> -> memref<1x2x80xi32, #tpu.memory_space<vmem>>
      %dma_start3A_388 = tpu.memref_squeeze %dma_start3A_387 : memref<1x2x80xi32, #tpu.memory_space<vmem>> -> memref<2x80xi32, #tpu.memory_space<vmem>>
      %dma_start3A_389 = arith.constant 0 : i32
      %dma_start3A_390 = arith.constant 0 : i32
      %dma_start3A_391 = tpu.memref_slice %arg3[%arg1, %dma_start3A_382, %dma_start3A_389, %dma_start3A_390] : memref<16x250x2x80xi32, #tpu.memory_space<hbm>> -> memref<1x1x2x80xi32, #tpu.memory_space<hbm>>
      %dma_start3A_392 = tpu.memref_squeeze %dma_start3A_391 : memref<1x1x2x80xi32, #tpu.memory_space<hbm>> -> memref<2x80xi32, #tpu.memory_space<hbm>>
      %dma_start3A_393 = tpu.memref_slice %arg9[%dma_start3A_384] : memref<8x!tpu.dma_semaphore, #tpu.memory_space<semaphore_mem>> -> memref<1x!tpu.dma_semaphore, #tpu.memory_space<semaphore_mem>>
      %dma_start3A_394 = tpu.memref_squeeze %dma_start3A_393 : memref<1x!tpu.dma_semaphore, #tpu.memory_space<semaphore_mem>> -> memref<!tpu.dma_semaphore, #tpu.memory_space<semaphore_mem>>
      %dma_start3A_395 = arith.constant 0 : i32
      %dma_start3A_396 = arith.constant 0 : i32
      %dma_start3A_397 = tpu.memref_slice %arg6[%dma_start3A_383, %dma_start3A_395, %dma_start3A_396] : memref<8x2x80xi32, #tpu.memory_space<vmem>> -> memref<1x2x80xi32, #tpu.memory_space<vmem>>
      %dma_start3A_398 = tpu.memref_squeeze %dma_start3A_397 : memref<1x2x80xi32, #tpu.memory_space<vmem>> -> memref<2x80xi32, #tpu.memory_space<vmem>>
      %dma_start3A_399 = arith.constant 0 : i32
      %dma_start3A_400 = arith.constant 0 : i32
      %dma_start3A_401 = tpu.memref_slice %arg3[%arg1, %dma_start3A_382, %dma_start3A_399, %dma_start3A_400] : memref<16x250x2x80xi32, #tpu.memory_space<hbm>> -> memref<1x1x2x80xi32, #tpu.memory_space<hbm>>
      %dma_start3A_402 = tpu.memref_squeeze %dma_start3A_401 : memref<1x1x2x80xi32, #tpu.memory_space<hbm>> -> memref<2x80xi32, #tpu.memory_space<hbm>>
      tpu.enqueue_dma source(%dma_start3A_402 : memref<2x80xi32, #tpu.memory_space<hbm>>) target(%dma_start3A_398 : memref<2x80xi32, #tpu.memory_space<vmem>>) target_semaphore(%dma_start3A_394 : memref<!tpu.dma_semaphore, #tpu.memory_space<semaphore_mem>>)
      %dma_start3A_403 = arith.constant 4 : i32
      %dma_start3A_404 = arith.constant 4 : i32
      %dma_start3A_405 = arith.constant 4 : i32
      %dma_start3A_406 = arith.constant 0 : i32
      %dma_start3A_407 = arith.constant 0 : i32
      %dma_start3A_408 = tpu.memref_slice %arg6[%dma_start3A_404, %dma_start3A_406, %dma_start3A_407] : memref<8x2x80xi32, #tpu.memory_space<vmem>> -> memref<1x2x80xi32, #tpu.memory_space<vmem>>
      %dma_start3A_409 = tpu.memref_squeeze %dma_start3A_408 : memref<1x2x80xi32, #tpu.memory_space<vmem>> -> memref<2x80xi32, #tpu.memory_space<vmem>>
      %dma_start3A_410 = arith.constant 0 : i32
      %dma_start3A_411 = arith.constant 0 : i32
      %dma_start3A_412 = tpu.memref_slice %arg3[%arg1, %dma_start3A_403, %dma_start3A_410, %dma_start3A_411] : memref<16x250x2x80xi32, #tpu.memory_space<hbm>> -> memref<1x1x2x80xi32, #tpu.memory_space<hbm>>
      %dma_start3A_413 = tpu.memref_squeeze %dma_start3A_412 : memref<1x1x2x80xi32, #tpu.memory_space<hbm>> -> memref<2x80xi32, #tpu.memory_space<hbm>>
      %dma_start3A_414 = tpu.memref_slice %arg9[%dma_start3A_405] : memref<8x!tpu.dma_semaphore, #tpu.memory_space<semaphore_mem>> -> memref<1x!tpu.dma_semaphore, #tpu.memory_space<semaphore_mem>>
      %dma_start3A_415 = tpu.memref_squeeze %dma_start3A_414 : memref<1x!tpu.dma_semaphore, #tpu.memory_space<semaphore_mem>> -> memref<!tpu.dma_semaphore, #tpu.memory_space<semaphore_mem>>
      %dma_start3A_416 = arith.constant 0 : i32
      %dma_start3A_417 = arith.constant 0 : i32
      %dma_start3A_418 = tpu.memref_slice %arg6[%dma_start3A_404, %dma_start3A_416, %dma_start3A_417] : memref<8x2x80xi32, #tpu.memory_space<vmem>> -> memref<1x2x80xi32, #tpu.memory_space<vmem>>
      %dma_start3A_419 = tpu.memref_squeeze %dma_start3A_418 : memref<1x2x80xi32, #tpu.memory_space<vmem>> -> memref<2x80xi32, #tpu.memory_space<vmem>>
      %dma_start3A_420 = arith.constant 0 : i32
      %dma_start3A_421 = arith.constant 0 : i32
      %dma_start3A_422 = tpu.memref_slice %arg3[%arg1, %dma_start3A_403, %dma_start3A_420, %dma_start3A_421] : memref<16x250x2x80xi32, #tpu.memory_space<hbm>> -> memref<1x1x2x80xi32, #tpu.memory_space<hbm>>
      %dma_start3A_423 = tpu.memref_squeeze %dma_start3A_422 : memref<1x1x2x80xi32, #tpu.memory_space<hbm>> -> memref<2x80xi32, #tpu.memory_space<hbm>>
      tpu.enqueue_dma source(%dma_start3A_423 : memref<2x80xi32, #tpu.memory_space<hbm>>) target(%dma_start3A_419 : memref<2x80xi32, #tpu.memory_space<vmem>>) target_semaphore(%dma_start3A_415 : memref<!tpu.dma_semaphore, #tpu.memory_space<semaphore_mem>>)
      %dma_start3A_424 = arith.constant 5 : i32
      %dma_start3A_425 = arith.constant 5 : i32
      %dma_start3A_426 = arith.constant 5 : i32
      %dma_start3A_427 = arith.constant 0 : i32
      %dma_start3A_428 = arith.constant 0 : i32
      %dma_start3A_429 = tpu.memref_slice %arg6[%dma_start3A_425, %dma_start3A_427, %dma_start3A_428] : memref<8x2x80xi32, #tpu.memory_space<vmem>> -> memref<1x2x80xi32, #tpu.memory_space<vmem>>
      %dma_start3A_430 = tpu.memref_squeeze %dma_start3A_429 : memref<1x2x80xi32, #tpu.memory_space<vmem>> -> memref<2x80xi32, #tpu.memory_space<vmem>>
      %dma_start3A_431 = arith.constant 0 : i32
      %dma_start3A_432 = arith.constant 0 : i32
      %dma_start3A_433 = tpu.memref_slice %arg3[%arg1, %dma_start3A_424, %dma_start3A_431, %dma_start3A_432] : memref<16x250x2x80xi32, #tpu.memory_space<hbm>> -> memref<1x1x2x80xi32, #tpu.memory_space<hbm>>
      %dma_start3A_434 = tpu.memref_squeeze %dma_start3A_433 : memref<1x1x2x80xi32, #tpu.memory_space<hbm>> -> memref<2x80xi32, #tpu.memory_space<hbm>>
      %dma_start3A_435 = tpu.memref_slice %arg9[%dma_start3A_426] : memref<8x!tpu.dma_semaphore, #tpu.memory_space<semaphore_mem>> -> memref<1x!tpu.dma_semaphore, #tpu.memory_space<semaphore_mem>>
      %dma_start3A_436 = tpu.memref_squeeze %dma_start3A_435 : memref<1x!tpu.dma_semaphore, #tpu.memory_space<semaphore_mem>> -> memref<!tpu.dma_semaphore, #tpu.memory_space<semaphore_mem>>
      %dma_start3A_437 = arith.constant 0 : i32
      %dma_start3A_438 = arith.constant 0 : i32
      %dma_start3A_439 = tpu.memref_slice %arg6[%dma_start3A_425, %dma_start3A_437, %dma_start3A_438] : memref<8x2x80xi32, #tpu.memory_space<vmem>> -> memref<1x2x80xi32, #tpu.memory_space<vmem>>
      %dma_start3A_440 = tpu.memref_squeeze %dma_start3A_439 : memref<1x2x80xi32, #tpu.memory_space<vmem>> -> memref<2x80xi32, #tpu.memory_space<vmem>>
      %dma_start3A_441 = arith.constant 0 : i32
      %dma_start3A_442 = arith.constant 0 : i32
      %dma_start3A_443 = tpu.memref_slice %arg3[%arg1, %dma_start3A_424, %dma_start3A_441, %dma_start3A_442] : memref<16x250x2x80xi32, #tpu.memory_space<hbm>> -> memref<1x1x2x80xi32, #tpu.memory_space<hbm>>
      %dma_start3A_444 = tpu.memref_squeeze %dma_start3A_443 : memref<1x1x2x80xi32, #tpu.memory_space<hbm>> -> memref<2x80xi32, #tpu.memory_space<hbm>>
      tpu.enqueue_dma source(%dma_start3A_444 : memref<2x80xi32, #tpu.memory_space<hbm>>) target(%dma_start3A_440 : memref<2x80xi32, #tpu.memory_space<vmem>>) target_semaphore(%dma_start3A_436 : memref<!tpu.dma_semaphore, #tpu.memory_space<semaphore_mem>>)
      %dma_wait3A_445 = arith.constant 0 : i32
      %dma_wait3A_446 = arith.constant 0 : i32
      %dma_wait3A_447 = arith.constant 0 : i32
      %dma_wait3A_448 = arith.constant 0 : i32
      %dma_wait3A_449 = arith.constant 0 : i32
      %dma_wait3A_450 = tpu.memref_slice %arg6[%dma_wait3A_446, %dma_wait3A_448, %dma_wait3A_449] : memref<8x2x80xi32, #tpu.memory_space<vmem>> -> memref<1x2x80xi32, #tpu.memory_space<vmem>>
      %dma_wait3A_451 = tpu.memref_squeeze %dma_wait3A_450 : memref<1x2x80xi32, #tpu.memory_space<vmem>> -> memref<2x80xi32, #tpu.memory_space<vmem>>
      %dma_wait3A_452 = arith.constant 0 : i32
      %dma_wait3A_453 = arith.constant 0 : i32
      %dma_wait3A_454 = tpu.memref_slice %arg3[%arg1, %dma_wait3A_445, %dma_wait3A_452, %dma_wait3A_453] : memref<16x250x2x80xi32, #tpu.memory_space<hbm>> -> memref<1x1x2x80xi32, #tpu.memory_space<hbm>>
      %dma_wait3A_455 = tpu.memref_squeeze %dma_wait3A_454 : memref<1x1x2x80xi32, #tpu.memory_space<hbm>> -> memref<2x80xi32, #tpu.memory_space<hbm>>
      %dma_wait3A_456 = tpu.memref_slice %arg9[%dma_wait3A_447] : memref<8x!tpu.dma_semaphore, #tpu.memory_space<semaphore_mem>> -> memref<1x!tpu.dma_semaphore, #tpu.memory_space<semaphore_mem>>
      %dma_wait3A_457 = tpu.memref_squeeze %dma_wait3A_456 : memref<1x!tpu.dma_semaphore, #tpu.memory_space<semaphore_mem>> -> memref<!tpu.dma_semaphore, #tpu.memory_space<semaphore_mem>>
      %dma_wait3A_458 = arith.constant 0 : i32
      %dma_wait3A_459 = arith.constant 0 : i32
      %dma_wait3A_460 = tpu.memref_slice %arg6[%dma_wait3A_446, %dma_wait3A_458, %dma_wait3A_459] : memref<8x2x80xi32, #tpu.memory_space<vmem>> -> memref<1x2x80xi32, #tpu.memory_space<vmem>>
      %dma_wait3A_461 = tpu.memref_squeeze %dma_wait3A_460 : memref<1x2x80xi32, #tpu.memory_space<vmem>> -> memref<2x80xi32, #tpu.memory_space<vmem>>
      %dma_wait3A_462 = arith.constant 0 : i32
      %dma_wait3A_463 = arith.constant 0 : i32
      %dma_wait3A_464 = tpu.memref_slice %arg3[%arg1, %dma_wait3A_445, %dma_wait3A_462, %dma_wait3A_463] : memref<16x250x2x80xi32, #tpu.memory_space<hbm>> -> memref<1x1x2x80xi32, #tpu.memory_space<hbm>>
      %dma_wait3A_465 = tpu.memref_squeeze %dma_wait3A_464 : memref<1x1x2x80xi32, #tpu.memory_space<hbm>> -> memref<2x80xi32, #tpu.memory_space<hbm>>
      tpu.wait_dma2 semaphore(%dma_wait3A_457 : memref<!tpu.dma_semaphore, #tpu.memory_space<semaphore_mem>>) src(%dma_wait3A_465 : memref<2x80xi32, #tpu.memory_space<hbm>>) dst(%dma_wait3A_461 : memref<2x80xi32, #tpu.memory_space<vmem>>)
      %dma_start3A_466 = arith.constant 0 : i32
      %dma_start3A_467 = arith.constant 1 : i32
      %dma_start3A_468 = arith.constant 0 : i32
      %dma_start3A_469 = arith.constant 0 : i32
      %dma_start3A_470 = arith.constant 0 : i32
      %dma_start3A_471 = arith.constant 0 : i32
      %dma_start3A_472 = tpu.memref_slice %arg7[%dma_start3A_468, %dma_start3A_470, %dma_start3A_471] : memref<4x80x128xf32, #tpu.memory_space<vmem>> -> memref<1x80x128xf32, #tpu.memory_space<vmem>>
      %dma_start3A_473 = tpu.memref_squeeze %dma_start3A_472 : memref<1x80x128xf32, #tpu.memory_space<vmem>> -> memref<80x128xf32, #tpu.memory_space<vmem>>
      %dma_start3A_474 = arith.constant 0 : i32
      %dma_start3A_475 = tpu.memref_slice %arg6[%dma_start3A_466, %dma_start3A_467, %dma_start3A_474] : memref<8x2x80xi32, #tpu.memory_space<vmem>> -> memref<1x1x80xi32, #tpu.memory_space<vmem>>
      %dma_start3A_476 = tpu.memref_squeeze %dma_start3A_475 : memref<1x1x80xi32, #tpu.memory_space<vmem>> -> memref<80xi32, #tpu.memory_space<vmem>>
      %dma_start3A_477 = arith.constant 0 : i32
      %dma_start3A_478 = arith.constant 0 : i32
      %dma_start3A_479 = tpu.memref_slice %arg2[%dma_start3A_477, %dma_start3A_478] : memref<10000x128xf32, #tpu.memory_space<hbm>> -> memref<10000x128xf32, #tpu.memory_space<hbm>>
      %dma_start3A_480 = tpu.memref_slice %arg10[%dma_start3A_469] : memref<4x!tpu.dma_semaphore, #tpu.memory_space<semaphore_mem>> -> memref<1x!tpu.dma_semaphore, #tpu.memory_space<semaphore_mem>>
      %dma_start3A_481 = tpu.memref_squeeze %dma_start3A_480 : memref<1x!tpu.dma_semaphore, #tpu.memory_space<semaphore_mem>> -> memref<!tpu.dma_semaphore, #tpu.memory_space<semaphore_mem>>
      tpu.enqueue_indirect_dma source(%dma_start3A_479 : memref<10000x128xf32, #tpu.memory_space<hbm>>) target(%dma_start3A_473 : memref<80x128xf32, #tpu.memory_space<vmem>>) offsets(%dma_start3A_476 : memref<80xi32, #tpu.memory_space<vmem>>) semaphore(%dma_start3A_481 : memref<!tpu.dma_semaphore, #tpu.memory_space<semaphore_mem>>)
      %dma_wait3A_482 = arith.constant 1 : i32
      %dma_wait3A_483 = arith.constant 1 : i32
      %dma_wait3A_484 = arith.constant 1 : i32
      %dma_wait3A_485 = arith.constant 0 : i32
      %dma_wait3A_486 = arith.constant 0 : i32
      %dma_wait3A_487 = tpu.memref_slice %arg6[%dma_wait3A_483, %dma_wait3A_485, %dma_wait3A_486] : memref<8x2x80xi32, #tpu.memory_space<vmem>> -> memref<1x2x80xi32, #tpu.memory_space<vmem>>
      %dma_wait3A_488 = tpu.memref_squeeze %dma_wait3A_487 : memref<1x2x80xi32, #tpu.memory_space<vmem>> -> memref<2x80xi32, #tpu.memory_space<vmem>>
      %dma_wait3A_489 = arith.constant 0 : i32
      %dma_wait3A_490 = arith.constant 0 : i32
      %dma_wait3A_491 = tpu.memref_slice %arg3[%arg1, %dma_wait3A_482, %dma_wait3A_489, %dma_wait3A_490] : memref<16x250x2x80xi32, #tpu.memory_space<hbm>> -> memref<1x1x2x80xi32, #tpu.memory_space<hbm>>
      %dma_wait3A_492 = tpu.memref_squeeze %dma_wait3A_491 : memref<1x1x2x80xi32, #tpu.memory_space<hbm>> -> memref<2x80xi32, #tpu.memory_space<hbm>>
      %dma_wait3A_493 = tpu.memref_slice %arg9[%dma_wait3A_484] : memref<8x!tpu.dma_semaphore, #tpu.memory_space<semaphore_mem>> -> memref<1x!tpu.dma_semaphore, #tpu.memory_space<semaphore_mem>>
      %dma_wait3A_494 = tpu.memref_squeeze %dma_wait3A_493 : memref<1x!tpu.dma_semaphore, #tpu.memory_space<semaphore_mem>> -> memref<!tpu.dma_semaphore, #tpu.memory_space<semaphore_mem>>
      %dma_wait3A_495 = arith.constant 0 : i32
      %dma_wait3A_496 = arith.constant 0 : i32
      %dma_wait3A_497 = tpu.memref_slice %arg6[%dma_wait3A_483, %dma_wait3A_495, %dma_wait3A_496] : memref<8x2x80xi32, #tpu.memory_space<vmem>> -> memref<1x2x80xi32, #tpu.memory_space<vmem>>
      %dma_wait3A_498 = tpu.memref_squeeze %dma_wait3A_497 : memref<1x2x80xi32, #tpu.memory_space<vmem>> -> memref<2x80xi32, #tpu.memory_space<vmem>>
      %dma_wait3A_499 = arith.constant 0 : i32
      %dma_wait3A_500 = arith.constant 0 : i32
      %dma_wait3A_501 = tpu.memref_slice %arg3[%arg1, %dma_wait3A_482, %dma_wait3A_499, %dma_wait3A_500] : memref<16x250x2x80xi32, #tpu.memory_space<hbm>> -> memref<1x1x2x80xi32, #tpu.memory_space<hbm>>
      %dma_wait3A_502 = tpu.memref_squeeze %dma_wait3A_501 : memref<1x1x2x80xi32, #tpu.memory_space<hbm>> -> memref<2x80xi32, #tpu.memory_space<hbm>>
      tpu.wait_dma2 semaphore(%dma_wait3A_494 : memref<!tpu.dma_semaphore, #tpu.memory_space<semaphore_mem>>) src(%dma_wait3A_502 : memref<2x80xi32, #tpu.memory_space<hbm>>) dst(%dma_wait3A_498 : memref<2x80xi32, #tpu.memory_space<vmem>>)
      %dma_start3A_503 = arith.constant 1 : i32
      %dma_start3A_504 = arith.constant 1 : i32
      %dma_start3A_505 = arith.constant 1 : i32
      %dma_start3A_506 = arith.constant 1 : i32
      %dma_start3A_507 = arith.constant 0 : i32
      %dma_start3A_508 = arith.constant 0 : i32
      %dma_start3A_509 = tpu.memref_slice %arg7[%dma_start3A_505, %dma_start3A_507, %dma_start3A_508] : memref<4x80x128xf32, #tpu.memory_space<vmem>> -> memref<1x80x128xf32, #tpu.memory_space<vmem>>
      %dma_start3A_510 = tpu.memref_squeeze %dma_start3A_509 : memref<1x80x128xf32, #tpu.memory_space<vmem>> -> memref<80x128xf32, #tpu.memory_space<vmem>>
      %dma_start3A_511 = arith.constant 0 : i32
      %dma_start3A_512 = tpu.memref_slice %arg6[%dma_start3A_503, %dma_start3A_504, %dma_start3A_511] : memref<8x2x80xi32, #tpu.memory_space<vmem>> -> memref<1x1x80xi32, #tpu.memory_space<vmem>>
      %dma_start3A_513 = tpu.memref_squeeze %dma_start3A_512 : memref<1x1x80xi32, #tpu.memory_space<vmem>> -> memref<80xi32, #tpu.memory_space<vmem>>
      %dma_start3A_514 = arith.constant 0 : i32
      %dma_start3A_515 = arith.constant 0 : i32
      %dma_start3A_516 = tpu.memref_slice %arg2[%dma_start3A_514, %dma_start3A_515] : memref<10000x128xf32, #tpu.memory_space<hbm>> -> memref<10000x128xf32, #tpu.memory_space<hbm>>
      %dma_start3A_517 = tpu.memref_slice %arg10[%dma_start3A_506] : memref<4x!tpu.dma_semaphore, #tpu.memory_space<semaphore_mem>> -> memref<1x!tpu.dma_semaphore, #tpu.memory_space<semaphore_mem>>
      %dma_start3A_518 = tpu.memref_squeeze %dma_start3A_517 : memref<1x!tpu.dma_semaphore, #tpu.memory_space<semaphore_mem>> -> memref<!tpu.dma_semaphore, #tpu.memory_space<semaphore_mem>>
      tpu.enqueue_indirect_dma source(%dma_start3A_516 : memref<10000x128xf32, #tpu.memory_space<hbm>>) target(%dma_start3A_510 : memref<80x128xf32, #tpu.memory_space<vmem>>) offsets(%dma_start3A_513 : memref<80xi32, #tpu.memory_space<vmem>>) semaphore(%dma_start3A_518 : memref<!tpu.dma_semaphore, #tpu.memory_space<semaphore_mem>>)
      %scan3A_519 = arith.constant 0 : i32
      %scan3A_520 = arith.constant 250 : i32
      %scan3A_521 = arith.addi %scan3A_519, %scan3A_520 : i32
      %scan3A_522 = arith.constant 1 : i32
      scf.for %scan3A_556 = %scan3A_519 to %scan3A_521 step %scan3A_522  : i32 {
        %mul3A_557 = arith.constant 1 : i32
        %mul3A_558 = arith.muli %scan3A_556, %mul3A_557 : i32
        %add3A_559 = arith.constant 0 : i32
        %add3A_560 = arith.addi %add3A_559, %mul3A_558 : i32
        %ge3A = arith.constant 2 : i32
        %ge3A_561 = arith.cmpi sge, %add3A_560, %ge3A : i32
        %convert_element_type3A_562 = arith.extui %ge3A_561 : i1 to i32
        %cond3A_563 = arith.constant 0 : i32
        %cond3A_564 = arith.cmpi ne, %convert_element_type3A_562, %cond3A_563 : i32
        scf.if %cond3A_564 {
          %sub3A = arith.constant 2 : i32
          %sub3A_695 = arith.subi %add3A_560, %sub3A : i32
          %jit3A_696 = arith.constant 4 : i32
          %eq3A_697 = arith.constant 0 : i32
          %eq3A_698 = arith.cmpi eq, %jit3A_696, %eq3A_697 : i32
          %jit3A_699 = arith.constant 1 : i32
          %select_n3A_700 = arith.select %eq3A_698, %jit3A_699, %jit3A_696 : i32
          %rem3A_701 = arith.remsi %sub3A_695, %select_n3A_700 : i32
          %ne3A_702 = arith.constant 0 : i32
          %ne3A_703 = arith.cmpi ne, %rem3A_701, %ne3A_702 : i32
          %lt3A_704 = arith.constant 0 : i32
          %lt3A_705 = arith.cmpi slt, %rem3A_701, %lt3A_704 : i32
          %lt3A_706 = arith.constant 0 : i32
          %lt3A_707 = arith.cmpi slt, %select_n3A_700, %lt3A_706 : i32
          %ne3A_708 = arith.xori %lt3A_705, %lt3A_707 : i1
          %and3A_709 = arith.andi %ne3A_708, %ne3A_703 : i1
          %add3A_710 = arith.addi %rem3A_701, %select_n3A_700 : i32
          %select_n3A_711 = arith.select %and3A_709, %add3A_710, %rem3A_701 : i32
          %jit3A_712 = arith.constant 8 : i32
          %eq3A_713 = arith.constant 0 : i32
          %eq3A_714 = arith.cmpi eq, %jit3A_712, %eq3A_713 : i32
          %jit3A_715 = arith.constant 1 : i32
          %select_n3A_716 = arith.select %eq3A_714, %jit3A_715, %jit3A_712 : i32
          %rem3A_717 = arith.remsi %sub3A_695, %select_n3A_716 : i32
          %ne3A_718 = arith.constant 0 : i32
          %ne3A_719 = arith.cmpi ne, %rem3A_717, %ne3A_718 : i32
          %lt3A_720 = arith.constant 0 : i32
          %lt3A_721 = arith.cmpi slt, %rem3A_717, %lt3A_720 : i32
          %lt3A_722 = arith.constant 0 : i32
          %lt3A_723 = arith.cmpi slt, %select_n3A_716, %lt3A_722 : i32
          %ne3A_724 = arith.xori %lt3A_721, %lt3A_723 : i1
          %and3A_725 = arith.andi %ne3A_724, %ne3A_719 : i1
          %add3A_726 = arith.addi %rem3A_717, %select_n3A_716 : i32
          %select_n3A_727 = arith.select %and3A_725, %add3A_726, %rem3A_717 : i32
          %jit3A_728 = arith.constant 4 : i32
          %eq3A_729 = arith.constant 0 : i32
          %eq3A_730 = arith.cmpi eq, %jit3A_728, %eq3A_729 : i32
          %jit3A_731 = arith.constant 1 : i32
          %select_n3A_732 = arith.select %eq3A_730, %jit3A_731, %jit3A_728 : i32
          %rem3A_733 = arith.remsi %sub3A_695, %select_n3A_732 : i32
          %ne3A_734 = arith.constant 0 : i32
          %ne3A_735 = arith.cmpi ne, %rem3A_733, %ne3A_734 : i32
          %lt3A_736 = arith.constant 0 : i32
          %lt3A_737 = arith.cmpi slt, %rem3A_733, %lt3A_736 : i32
          %lt3A_738 = arith.constant 0 : i32
          %lt3A_739 = arith.cmpi slt, %select_n3A_732, %lt3A_738 : i32
          %ne3A_740 = arith.xori %lt3A_737, %lt3A_739 : i1
          %and3A_741 = arith.andi %ne3A_740, %ne3A_735 : i1
          %add3A_742 = arith.addi %rem3A_733, %select_n3A_732 : i32
          %select_n3A_743 = arith.select %and3A_741, %add3A_742, %rem3A_733 : i32
          %dma_wait3A_744 = arith.constant 0 : i32
          %dma_wait3A_745 = arith.constant 0 : i32
          %dma_wait3A_746 = arith.constant 0 : i32
          %dma_wait3A_747 = tpu.memref_slice %arg7[%select_n3A_711, %dma_wait3A_745, %dma_wait3A_746] : memref<4x80x128xf32, #tpu.memory_space<vmem>> -> memref<1x80x128xf32, #tpu.memory_space<vmem>>
          %dma_wait3A_748 = tpu.memref_squeeze %dma_wait3A_747 : memref<1x80x128xf32, #tpu.memory_space<vmem>> -> memref<80x128xf32, #tpu.memory_space<vmem>>
          %dma_wait3A_749 = arith.constant 0 : i32
          %dma_wait3A_750 = tpu.memref_slice %arg6[%select_n3A_727, %dma_wait3A_744, %dma_wait3A_749] : memref<8x2x80xi32, #tpu.memory_space<vmem>> -> memref<1x1x80xi32, #tpu.memory_space<vmem>>
          %dma_wait3A_751 = tpu.memref_squeeze %dma_wait3A_750 : memref<1x1x80xi32, #tpu.memory_space<vmem>> -> memref<80xi32, #tpu.memory_space<vmem>>
          %dma_wait3A_752 = arith.constant 0 : i32
          %dma_wait3A_753 = arith.constant 0 : i32
          %dma_wait3A_754 = tpu.memref_slice %arg8[%dma_wait3A_752, %dma_wait3A_753] : memref<10000x128xf32, #tpu.memory_space<vmem_shared>> -> memref<10000x128xf32, #tpu.memory_space<vmem_shared>>
          %dma_wait3A_755 = tpu.memref_slice %arg11[%select_n3A_743] : memref<4x!tpu.dma_semaphore, #tpu.memory_space<semaphore_mem>> -> memref<1x!tpu.dma_semaphore, #tpu.memory_space<semaphore_mem>>
          %dma_wait3A_756 = tpu.memref_squeeze %dma_wait3A_755 : memref<1x!tpu.dma_semaphore, #tpu.memory_space<semaphore_mem>> -> memref<!tpu.dma_semaphore, #tpu.memory_space<semaphore_mem>>
          tpu.wait_indirect_dma semaphore(%dma_wait3A_756 : memref<!tpu.dma_semaphore, #tpu.memory_space<semaphore_mem>>) src(%dma_wait3A_748 : memref<80x128xf32, #tpu.memory_space<vmem>>) dst(%dma_wait3A_754 : memref<10000x128xf32, #tpu.memory_space<vmem_shared>>)
        } else {
        }
        %add3A_565 = arith.constant 6 : i32
        %add3A_566 = arith.addi %add3A_560, %add3A_565 : i32
        %lt3A = arith.constant 250 : i32
        %lt3A_567 = arith.cmpi slt, %add3A_566, %lt3A : i32
        %convert_element_type3A_568 = arith.extui %lt3A_567 : i1 to i32
        %cond3A_569 = arith.constant 0 : i32
        %cond3A_570 = arith.cmpi ne, %convert_element_type3A_568, %cond3A_569 : i32
        scf.if %cond3A_570 {
          %add3A_695 = arith.constant 6 : i32
          %add3A_696 = arith.addi %add3A_560, %add3A_695 : i32
          %jit3A_697 = arith.constant 8 : i32
          %eq3A_698 = arith.constant 0 : i32
          %eq3A_699 = arith.cmpi eq, %jit3A_697, %eq3A_698 : i32
          %jit3A_700 = arith.constant 1 : i32
          %select_n3A_701 = arith.select %eq3A_699, %jit3A_700, %jit3A_697 : i32
          %rem3A_702 = arith.remsi %add3A_696, %select_n3A_701 : i32
          %ne3A_703 = arith.constant 0 : i32
          %ne3A_704 = arith.cmpi ne, %rem3A_702, %ne3A_703 : i32
          %lt3A_705 = arith.constant 0 : i32
          %lt3A_706 = arith.cmpi slt, %rem3A_702, %lt3A_705 : i32
          %lt3A_707 = arith.constant 0 : i32
          %lt3A_708 = arith.cmpi slt, %select_n3A_701, %lt3A_707 : i32
          %ne3A_709 = arith.xori %lt3A_706, %lt3A_708 : i1
          %and3A_710 = arith.andi %ne3A_709, %ne3A_704 : i1
          %add3A_711 = arith.addi %rem3A_702, %select_n3A_701 : i32
          %select_n3A_712 = arith.select %and3A_710, %add3A_711, %rem3A_702 : i32
          %jit3A_713 = arith.constant 8 : i32
          %eq3A_714 = arith.constant 0 : i32
          %eq3A_715 = arith.cmpi eq, %jit3A_713, %eq3A_714 : i32
          %jit3A_716 = arith.constant 1 : i32
          %select_n3A_717 = arith.select %eq3A_715, %jit3A_716, %jit3A_713 : i32
          %rem3A_718 = arith.remsi %add3A_696, %select_n3A_717 : i32
          %ne3A_719 = arith.constant 0 : i32
          %ne3A_720 = arith.cmpi ne, %rem3A_718, %ne3A_719 : i32
          %lt3A_721 = arith.constant 0 : i32
          %lt3A_722 = arith.cmpi slt, %rem3A_718, %lt3A_721 : i32
          %lt3A_723 = arith.constant 0 : i32
          %lt3A_724 = arith.cmpi slt, %select_n3A_717, %lt3A_723 : i32
          %ne3A_725 = arith.xori %lt3A_722, %lt3A_724 : i1
          %and3A_726 = arith.andi %ne3A_725, %ne3A_720 : i1
          %add3A_727 = arith.addi %rem3A_718, %select_n3A_717 : i32
          %select_n3A_728 = arith.select %and3A_726, %add3A_727, %rem3A_718 : i32
          %dma_start3A_729 = arith.constant 0 : i32
          %dma_start3A_730 = arith.constant 0 : i32
          %dma_start3A_731 = tpu.memref_slice %arg6[%select_n3A_712, %dma_start3A_729, %dma_start3A_730] : memref<8x2x80xi32, #tpu.memory_space<vmem>> -> memref<1x2x80xi32, #tpu.memory_space<vmem>>
          %dma_start3A_732 = tpu.memref_squeeze %dma_start3A_731 : memref<1x2x80xi32, #tpu.memory_space<vmem>> -> memref<2x80xi32, #tpu.memory_space<vmem>>
          %dma_start3A_733 = arith.constant 0 : i32
          %dma_start3A_734 = arith.constant 0 : i32
          %dma_start3A_735 = tpu.memref_slice %arg3[%arg1, %add3A_696, %dma_start3A_733, %dma_start3A_734] : memref<16x250x2x80xi32, #tpu.memory_space<hbm>> -> memref<1x1x2x80xi32, #tpu.memory_space<hbm>>
          %dma_start3A_736 = tpu.memref_squeeze %dma_start3A_735 : memref<1x1x2x80xi32, #tpu.memory_space<hbm>> -> memref<2x80xi32, #tpu.memory_space<hbm>>
          %dma_start3A_737 = tpu.memref_slice %arg9[%select_n3A_728] : memref<8x!tpu.dma_semaphore, #tpu.memory_space<semaphore_mem>> -> memref<1x!tpu.dma_semaphore, #tpu.memory_space<semaphore_mem>>
          %dma_start3A_738 = tpu.memref_squeeze %dma_start3A_737 : memref<1x!tpu.dma_semaphore, #tpu.memory_space<semaphore_mem>> -> memref<!tpu.dma_semaphore, #tpu.memory_space<semaphore_mem>>
          %dma_start3A_739 = arith.constant 0 : i32
          %dma_start3A_740 = arith.constant 0 : i32
          %dma_start3A_741 = tpu.memref_slice %arg6[%select_n3A_712, %dma_start3A_739, %dma_start3A_740] : memref<8x2x80xi32, #tpu.memory_space<vmem>> -> memref<1x2x80xi32, #tpu.memory_space<vmem>>
          %dma_start3A_742 = tpu.memref_squeeze %dma_start3A_741 : memref<1x2x80xi32, #tpu.memory_space<vmem>> -> memref<2x80xi32, #tpu.memory_space<vmem>>
          %dma_start3A_743 = arith.constant 0 : i32
          %dma_start3A_744 = arith.constant 0 : i32
          %dma_start3A_745 = tpu.memref_slice %arg3[%arg1, %add3A_696, %dma_start3A_743, %dma_start3A_744] : memref<16x250x2x80xi32, #tpu.memory_space<hbm>> -> memref<1x1x2x80xi32, #tpu.memory_space<hbm>>
          %dma_start3A_746 = tpu.memref_squeeze %dma_start3A_745 : memref<1x1x2x80xi32, #tpu.memory_space<hbm>> -> memref<2x80xi32, #tpu.memory_space<hbm>>
          tpu.enqueue_dma source(%dma_start3A_746 : memref<2x80xi32, #tpu.memory_space<hbm>>) target(%dma_start3A_742 : memref<2x80xi32, #tpu.memory_space<vmem>>) target_semaphore(%dma_start3A_738 : memref<!tpu.dma_semaphore, #tpu.memory_space<semaphore_mem>>)
        } else {
        }
        %add3A_571 = arith.constant 2 : i32
        %add3A_572 = arith.addi %add3A_560, %add3A_571 : i32
        %lt3A_573 = arith.constant 250 : i32
        %lt3A_574 = arith.cmpi slt, %add3A_572, %lt3A_573 : i32
        %convert_element_type3A_575 = arith.extui %lt3A_574 : i1 to i32
        %cond3A_576 = arith.constant 0 : i32
        %cond3A_577 = arith.cmpi ne, %convert_element_type3A_575, %cond3A_576 : i32
        scf.if %cond3A_577 {
          %add3A_695 = arith.constant 2 : i32
          %add3A_696 = arith.addi %add3A_560, %add3A_695 : i32
          %jit3A_697 = arith.constant 8 : i32
          %eq3A_698 = arith.constant 0 : i32
          %eq3A_699 = arith.cmpi eq, %jit3A_697, %eq3A_698 : i32
          %jit3A_700 = arith.constant 1 : i32
          %select_n3A_701 = arith.select %eq3A_699, %jit3A_700, %jit3A_697 : i32
          %rem3A_702 = arith.remsi %add3A_696, %select_n3A_701 : i32
          %ne3A_703 = arith.constant 0 : i32
          %ne3A_704 = arith.cmpi ne, %rem3A_702, %ne3A_703 : i32
          %lt3A_705 = arith.constant 0 : i32
          %lt3A_706 = arith.cmpi slt, %rem3A_702, %lt3A_705 : i32
          %lt3A_707 = arith.constant 0 : i32
          %lt3A_708 = arith.cmpi slt, %select_n3A_701, %lt3A_707 : i32
          %ne3A_709 = arith.xori %lt3A_706, %lt3A_708 : i1
          %and3A_710 = arith.andi %ne3A_709, %ne3A_704 : i1
          %add3A_711 = arith.addi %rem3A_702, %select_n3A_701 : i32
          %select_n3A_712 = arith.select %and3A_710, %add3A_711, %rem3A_702 : i32
          %jit3A_713 = arith.constant 8 : i32
          %eq3A_714 = arith.constant 0 : i32
          %eq3A_715 = arith.cmpi eq, %jit3A_713, %eq3A_714 : i32
          %jit3A_716 = arith.constant 1 : i32
          %select_n3A_717 = arith.select %eq3A_715, %jit3A_716, %jit3A_713 : i32
          %rem3A_718 = arith.remsi %add3A_696, %select_n3A_717 : i32
          %ne3A_719 = arith.constant 0 : i32
          %ne3A_720 = arith.cmpi ne, %rem3A_718, %ne3A_719 : i32
          %lt3A_721 = arith.constant 0 : i32
          %lt3A_722 = arith.cmpi slt, %rem3A_718, %lt3A_721 : i32
          %lt3A_723 = arith.constant 0 : i32
          %lt3A_724 = arith.cmpi slt, %select_n3A_717, %lt3A_723 : i32
          %ne3A_725 = arith.xori %lt3A_722, %lt3A_724 : i1
          %and3A_726 = arith.andi %ne3A_725, %ne3A_720 : i1
          %add3A_727 = arith.addi %rem3A_718, %select_n3A_717 : i32
          %select_n3A_728 = arith.select %and3A_726, %add3A_727, %rem3A_718 : i32
          %dma_wait3A_729 = arith.constant 0 : i32
          %dma_wait3A_730 = arith.constant 0 : i32
          %dma_wait3A_731 = tpu.memref_slice %arg6[%select_n3A_712, %dma_wait3A_729, %dma_wait3A_730] : memref<8x2x80xi32, #tpu.memory_space<vmem>> -> memref<1x2x80xi32, #tpu.memory_space<vmem>>
          %dma_wait3A_732 = tpu.memref_squeeze %dma_wait3A_731 : memref<1x2x80xi32, #tpu.memory_space<vmem>> -> memref<2x80xi32, #tpu.memory_space<vmem>>
          %dma_wait3A_733 = arith.constant 0 : i32
          %dma_wait3A_734 = arith.constant 0 : i32
          %dma_wait3A_735 = tpu.memref_slice %arg3[%arg1, %add3A_696, %dma_wait3A_733, %dma_wait3A_734] : memref<16x250x2x80xi32, #tpu.memory_space<hbm>> -> memref<1x1x2x80xi32, #tpu.memory_space<hbm>>
          %dma_wait3A_736 = tpu.memref_squeeze %dma_wait3A_735 : memref<1x1x2x80xi32, #tpu.memory_space<hbm>> -> memref<2x80xi32, #tpu.memory_space<hbm>>
          %dma_wait3A_737 = tpu.memref_slice %arg9[%select_n3A_728] : memref<8x!tpu.dma_semaphore, #tpu.memory_space<semaphore_mem>> -> memref<1x!tpu.dma_semaphore, #tpu.memory_space<semaphore_mem>>
          %dma_wait3A_738 = tpu.memref_squeeze %dma_wait3A_737 : memref<1x!tpu.dma_semaphore, #tpu.memory_space<semaphore_mem>> -> memref<!tpu.dma_semaphore, #tpu.memory_space<semaphore_mem>>
          %dma_wait3A_739 = arith.constant 0 : i32
          %dma_wait3A_740 = arith.constant 0 : i32
          %dma_wait3A_741 = tpu.memref_slice %arg6[%select_n3A_712, %dma_wait3A_739, %dma_wait3A_740] : memref<8x2x80xi32, #tpu.memory_space<vmem>> -> memref<1x2x80xi32, #tpu.memory_space<vmem>>
          %dma_wait3A_742 = tpu.memref_squeeze %dma_wait3A_741 : memref<1x2x80xi32, #tpu.memory_space<vmem>> -> memref<2x80xi32, #tpu.memory_space<vmem>>
          %dma_wait3A_743 = arith.constant 0 : i32
          %dma_wait3A_744 = arith.constant 0 : i32
          %dma_wait3A_745 = tpu.memref_slice %arg3[%arg1, %add3A_696, %dma_wait3A_743, %dma_wait3A_744] : memref<16x250x2x80xi32, #tpu.memory_space<hbm>> -> memref<1x1x2x80xi32, #tpu.memory_space<hbm>>
          %dma_wait3A_746 = tpu.memref_squeeze %dma_wait3A_745 : memref<1x1x2x80xi32, #tpu.memory_space<hbm>> -> memref<2x80xi32, #tpu.memory_space<hbm>>
          tpu.wait_dma2 semaphore(%dma_wait3A_738 : memref<!tpu.dma_semaphore, #tpu.memory_space<semaphore_mem>>) src(%dma_wait3A_746 : memref<2x80xi32, #tpu.memory_space<hbm>>) dst(%dma_wait3A_742 : memref<2x80xi32, #tpu.memory_space<vmem>>)
          %add3A_747 = arith.constant 2 : i32
          %add3A_748 = arith.addi %add3A_560, %add3A_747 : i32
          %jit3A_749 = arith.constant 8 : i32
          %eq3A_750 = arith.constant 0 : i32
          %eq3A_751 = arith.cmpi eq, %jit3A_749, %eq3A_750 : i32
          %jit3A_752 = arith.constant 1 : i32
          %select_n3A_753 = arith.select %eq3A_751, %jit3A_752, %jit3A_749 : i32
          %rem3A_754 = arith.remsi %add3A_748, %select_n3A_753 : i32
          %ne3A_755 = arith.constant 0 : i32
          %ne3A_756 = arith.cmpi ne, %rem3A_754, %ne3A_755 : i32
          %lt3A_757 = arith.constant 0 : i32
          %lt3A_758 = arith.cmpi slt, %rem3A_754, %lt3A_757 : i32
          %lt3A_759 = arith.constant 0 : i32
          %lt3A_760 = arith.cmpi slt, %select_n3A_753, %lt3A_759 : i32
          %ne3A_761 = arith.xori %lt3A_758, %lt3A_760 : i1
          %and3A_762 = arith.andi %ne3A_761, %ne3A_756 : i1
          %add3A_763 = arith.addi %rem3A_754, %select_n3A_753 : i32
          %select_n3A_764 = arith.select %and3A_762, %add3A_763, %rem3A_754 : i32
          %jit3A_765 = arith.constant 4 : i32
          %eq3A_766 = arith.constant 0 : i32
          %eq3A_767 = arith.cmpi eq, %jit3A_765, %eq3A_766 : i32
          %jit3A_768 = arith.constant 1 : i32
          %select_n3A_769 = arith.select %eq3A_767, %jit3A_768, %jit3A_765 : i32
          %rem3A_770 = arith.remsi %add3A_748, %select_n3A_769 : i32
          %ne3A_771 = arith.constant 0 : i32
          %ne3A_772 = arith.cmpi ne, %rem3A_770, %ne3A_771 : i32
          %lt3A_773 = arith.constant 0 : i32
          %lt3A_774 = arith.cmpi slt, %rem3A_770, %lt3A_773 : i32
          %lt3A_775 = arith.constant 0 : i32
          %lt3A_776 = arith.cmpi slt, %select_n3A_769, %lt3A_775 : i32
          %ne3A_777 = arith.xori %lt3A_774, %lt3A_776 : i1
          %and3A_778 = arith.andi %ne3A_777, %ne3A_772 : i1
          %add3A_779 = arith.addi %rem3A_770, %select_n3A_769 : i32
          %select_n3A_780 = arith.select %and3A_778, %add3A_779, %rem3A_770 : i32
          %jit3A_781 = arith.constant 4 : i32
          %eq3A_782 = arith.constant 0 : i32
          %eq3A_783 = arith.cmpi eq, %jit3A_781, %eq3A_782 : i32
          %jit3A_784 = arith.constant 1 : i32
          %select_n3A_785 = arith.select %eq3A_783, %jit3A_784, %jit3A_781 : i32
          %rem3A_786 = arith.remsi %add3A_748, %select_n3A_785 : i32
          %ne3A_787 = arith.constant 0 : i32
          %ne3A_788 = arith.cmpi ne, %rem3A_786, %ne3A_787 : i32
          %lt3A_789 = arith.constant 0 : i32
          %lt3A_790 = arith.cmpi slt, %rem3A_786, %lt3A_789 : i32
          %lt3A_791 = arith.constant 0 : i32
          %lt3A_792 = arith.cmpi slt, %select_n3A_785, %lt3A_791 : i32
          %ne3A_793 = arith.xori %lt3A_790, %lt3A_792 : i1
          %and3A_794 = arith.andi %ne3A_793, %ne3A_788 : i1
          %add3A_795 = arith.addi %rem3A_786, %select_n3A_785 : i32
          %select_n3A_796 = arith.select %and3A_794, %add3A_795, %rem3A_786 : i32
          %dma_start3A_797 = arith.constant 1 : i32
          %dma_start3A_798 = arith.constant 0 : i32
          %dma_start3A_799 = arith.constant 0 : i32
          %dma_start3A_800 = tpu.memref_slice %arg7[%select_n3A_780, %dma_start3A_798, %dma_start3A_799] : memref<4x80x128xf32, #tpu.memory_space<vmem>> -> memref<1x80x128xf32, #tpu.memory_space<vmem>>
          %dma_start3A_801 = tpu.memref_squeeze %dma_start3A_800 : memref<1x80x128xf32, #tpu.memory_space<vmem>> -> memref<80x128xf32, #tpu.memory_space<vmem>>
          %dma_start3A_802 = arith.constant 0 : i32
          %dma_start3A_803 = tpu.memref_slice %arg6[%select_n3A_764, %dma_start3A_797, %dma_start3A_802] : memref<8x2x80xi32, #tpu.memory_space<vmem>> -> memref<1x1x80xi32, #tpu.memory_space<vmem>>
          %dma_start3A_804 = tpu.memref_squeeze %dma_start3A_803 : memref<1x1x80xi32, #tpu.memory_space<vmem>> -> memref<80xi32, #tpu.memory_space<vmem>>
          %dma_start3A_805 = arith.constant 0 : i32
          %dma_start3A_806 = arith.constant 0 : i32
          %dma_start3A_807 = tpu.memref_slice %arg2[%dma_start3A_805, %dma_start3A_806] : memref<10000x128xf32, #tpu.memory_space<hbm>> -> memref<10000x128xf32, #tpu.memory_space<hbm>>
          %dma_start3A_808 = tpu.memref_slice %arg10[%select_n3A_796] : memref<4x!tpu.dma_semaphore, #tpu.memory_space<semaphore_mem>> -> memref<1x!tpu.dma_semaphore, #tpu.memory_space<semaphore_mem>>
          %dma_start3A_809 = tpu.memref_squeeze %dma_start3A_808 : memref<1x!tpu.dma_semaphore, #tpu.memory_space<semaphore_mem>> -> memref<!tpu.dma_semaphore, #tpu.memory_space<semaphore_mem>>
          tpu.enqueue_indirect_dma source(%dma_start3A_807 : memref<10000x128xf32, #tpu.memory_space<hbm>>) target(%dma_start3A_801 : memref<80x128xf32, #tpu.memory_space<vmem>>) offsets(%dma_start3A_804 : memref<80xi32, #tpu.memory_space<vmem>>) semaphore(%dma_start3A_809 : memref<!tpu.dma_semaphore, #tpu.memory_space<semaphore_mem>>)
        } else {
        }
        %jit3A = arith.constant 8 : i32
        %eq3A_578 = arith.constant 0 : i32
        %eq3A_579 = arith.cmpi eq, %jit3A, %eq3A_578 : i32
        %jit3A_580 = arith.constant 1 : i32
        %select_n3A = arith.select %eq3A_579, %jit3A_580, %jit3A : i32
        %rem3A = arith.remsi %add3A_560, %select_n3A : i32
        %ne3A = arith.constant 0 : i32
        %ne3A_581 = arith.cmpi ne, %rem3A, %ne3A : i32
        %lt3A_582 = arith.constant 0 : i32
        %lt3A_583 = arith.cmpi slt, %rem3A, %lt3A_582 : i32
        %lt3A_584 = arith.constant 0 : i32
        %lt3A_585 = arith.cmpi slt, %select_n3A, %lt3A_584 : i32
        %ne3A_586 = arith.xori %lt3A_583, %lt3A_585 : i1
        %and3A = arith.andi %ne3A_586, %ne3A_581 : i1
        %add3A_587 = arith.addi %rem3A, %select_n3A : i32
        %select_n3A_588 = arith.select %and3A, %add3A_587, %rem3A : i32
        %jit3A_589 = arith.constant 4 : i32
        %eq3A_590 = arith.constant 0 : i32
        %eq3A_591 = arith.cmpi eq, %jit3A_589, %eq3A_590 : i32
        %jit3A_592 = arith.constant 1 : i32
        %select_n3A_593 = arith.select %eq3A_591, %jit3A_592, %jit3A_589 : i32
        %rem3A_594 = arith.remsi %add3A_560, %select_n3A_593 : i32
        %ne3A_595 = arith.constant 0 : i32
        %ne3A_596 = arith.cmpi ne, %rem3A_594, %ne3A_595 : i32
        %lt3A_597 = arith.constant 0 : i32
        %lt3A_598 = arith.cmpi slt, %rem3A_594, %lt3A_597 : i32
        %lt3A_599 = arith.constant 0 : i32
        %lt3A_600 = arith.cmpi slt, %select_n3A_593, %lt3A_599 : i32
        %ne3A_601 = arith.xori %lt3A_598, %lt3A_600 : i1
        %and3A_602 = arith.andi %ne3A_601, %ne3A_596 : i1
        %add3A_603 = arith.addi %rem3A_594, %select_n3A_593 : i32
        %select_n3A_604 = arith.select %and3A_602, %add3A_603, %rem3A_594 : i32
        %jit3A_605 = arith.constant 4 : i32
        %eq3A_606 = arith.constant 0 : i32
        %eq3A_607 = arith.cmpi eq, %jit3A_605, %eq3A_606 : i32
        %jit3A_608 = arith.constant 1 : i32
        %select_n3A_609 = arith.select %eq3A_607, %jit3A_608, %jit3A_605 : i32
        %rem3A_610 = arith.remsi %add3A_560, %select_n3A_609 : i32
        %ne3A_611 = arith.constant 0 : i32
        %ne3A_612 = arith.cmpi ne, %rem3A_610, %ne3A_611 : i32
        %lt3A_613 = arith.constant 0 : i32
        %lt3A_614 = arith.cmpi slt, %rem3A_610, %lt3A_613 : i32
        %lt3A_615 = arith.constant 0 : i32
        %lt3A_616 = arith.cmpi slt, %select_n3A_609, %lt3A_615 : i32
        %ne3A_617 = arith.xori %lt3A_614, %lt3A_616 : i1
        %and3A_618 = arith.andi %ne3A_617, %ne3A_612 : i1
        %add3A_619 = arith.addi %rem3A_610, %select_n3A_609 : i32
        %select_n3A_620 = arith.select %and3A_618, %add3A_619, %rem3A_610 : i32
        %dma_wait3A_621 = arith.constant 1 : i32
        %dma_wait3A_622 = arith.constant 0 : i32
        %dma_wait3A_623 = arith.constant 0 : i32
        %dma_wait3A_624 = tpu.memref_slice %arg7[%select_n3A_604, %dma_wait3A_622, %dma_wait3A_623] : memref<4x80x128xf32, #tpu.memory_space<vmem>> -> memref<1x80x128xf32, #tpu.memory_space<vmem>>
        %dma_wait3A_625 = tpu.memref_squeeze %dma_wait3A_624 : memref<1x80x128xf32, #tpu.memory_space<vmem>> -> memref<80x128xf32, #tpu.memory_space<vmem>>
        %dma_wait3A_626 = arith.constant 0 : i32
        %dma_wait3A_627 = tpu.memref_slice %arg6[%select_n3A_588, %dma_wait3A_621, %dma_wait3A_626] : memref<8x2x80xi32, #tpu.memory_space<vmem>> -> memref<1x1x80xi32, #tpu.memory_space<vmem>>
        %dma_wait3A_628 = tpu.memref_squeeze %dma_wait3A_627 : memref<1x1x80xi32, #tpu.memory_space<vmem>> -> memref<80xi32, #tpu.memory_space<vmem>>
        %dma_wait3A_629 = arith.constant 0 : i32
        %dma_wait3A_630 = arith.constant 0 : i32
        %dma_wait3A_631 = tpu.memref_slice %arg2[%dma_wait3A_629, %dma_wait3A_630] : memref<10000x128xf32, #tpu.memory_space<hbm>> -> memref<10000x128xf32, #tpu.memory_space<hbm>>
        %dma_wait3A_632 = tpu.memref_slice %arg10[%select_n3A_620] : memref<4x!tpu.dma_semaphore, #tpu.memory_space<semaphore_mem>> -> memref<1x!tpu.dma_semaphore, #tpu.memory_space<semaphore_mem>>
        %dma_wait3A_633 = tpu.memref_squeeze %dma_wait3A_632 : memref<1x!tpu.dma_semaphore, #tpu.memory_space<semaphore_mem>> -> memref<!tpu.dma_semaphore, #tpu.memory_space<semaphore_mem>>
        tpu.wait_indirect_dma semaphore(%dma_wait3A_633 : memref<!tpu.dma_semaphore, #tpu.memory_space<semaphore_mem>>) src(%dma_wait3A_631 : memref<10000x128xf32, #tpu.memory_space<hbm>>) dst(%dma_wait3A_625 : memref<80x128xf32, #tpu.memory_space<vmem>>)
        %jit3A_634 = arith.constant 4 : i32
        %eq3A_635 = arith.constant 0 : i32
        %eq3A_636 = arith.cmpi eq, %jit3A_634, %eq3A_635 : i32
        %jit3A_637 = arith.constant 1 : i32
        %select_n3A_638 = arith.select %eq3A_636, %jit3A_637, %jit3A_634 : i32
        %rem3A_639 = arith.remsi %add3A_560, %select_n3A_638 : i32
        %ne3A_640 = arith.constant 0 : i32
        %ne3A_641 = arith.cmpi ne, %rem3A_639, %ne3A_640 : i32
        %lt3A_642 = arith.constant 0 : i32
        %lt3A_643 = arith.cmpi slt, %rem3A_639, %lt3A_642 : i32
        %lt3A_644 = arith.constant 0 : i32
        %lt3A_645 = arith.cmpi slt, %select_n3A_638, %lt3A_644 : i32
        %ne3A_646 = arith.xori %lt3A_643, %lt3A_645 : i1
        %and3A_647 = arith.andi %ne3A_646, %ne3A_641 : i1
        %add3A_648 = arith.addi %rem3A_639, %select_n3A_638 : i32
        %select_n3A_649 = arith.select %and3A_647, %add3A_648, %rem3A_639 : i32
        %jit3A_650 = arith.constant 8 : i32
        %eq3A_651 = arith.constant 0 : i32
        %eq3A_652 = arith.cmpi eq, %jit3A_650, %eq3A_651 : i32
        %jit3A_653 = arith.constant 1 : i32
        %select_n3A_654 = arith.select %eq3A_652, %jit3A_653, %jit3A_650 : i32
        %rem3A_655 = arith.remsi %add3A_560, %select_n3A_654 : i32
        %ne3A_656 = arith.constant 0 : i32
        %ne3A_657 = arith.cmpi ne, %rem3A_655, %ne3A_656 : i32
        %lt3A_658 = arith.constant 0 : i32
        %lt3A_659 = arith.cmpi slt, %rem3A_655, %lt3A_658 : i32
        %lt3A_660 = arith.constant 0 : i32
        %lt3A_661 = arith.cmpi slt, %select_n3A_654, %lt3A_660 : i32
        %ne3A_662 = arith.xori %lt3A_659, %lt3A_661 : i1
        %and3A_663 = arith.andi %ne3A_662, %ne3A_657 : i1
        %add3A_664 = arith.addi %rem3A_655, %select_n3A_654 : i32
        %select_n3A_665 = arith.select %and3A_663, %add3A_664, %rem3A_655 : i32
        %jit3A_666 = arith.constant 4 : i32
        %eq3A_667 = arith.constant 0 : i32
        %eq3A_668 = arith.cmpi eq, %jit3A_666, %eq3A_667 : i32
        %jit3A_669 = arith.constant 1 : i32
        %select_n3A_670 = arith.select %eq3A_668, %jit3A_669, %jit3A_666 : i32
        %rem3A_671 = arith.remsi %add3A_560, %select_n3A_670 : i32
        %ne3A_672 = arith.constant 0 : i32
        %ne3A_673 = arith.cmpi ne, %rem3A_671, %ne3A_672 : i32
        %lt3A_674 = arith.constant 0 : i32
        %lt3A_675 = arith.cmpi slt, %rem3A_671, %lt3A_674 : i32
        %lt3A_676 = arith.constant 0 : i32
        %lt3A_677 = arith.cmpi slt, %select_n3A_670, %lt3A_676 : i32
        %ne3A_678 = arith.xori %lt3A_675, %lt3A_677 : i1
        %and3A_679 = arith.andi %ne3A_678, %ne3A_673 : i1
        %add3A_680 = arith.addi %rem3A_671, %select_n3A_670 : i32
        %select_n3A_681 = arith.select %and3A_679, %add3A_680, %rem3A_671 : i32
        %dma_start3A_682 = arith.constant 0 : i32
        %dma_start3A_683 = arith.constant 0 : i32
        %dma_start3A_684 = arith.constant 0 : i32
        %dma_start3A_685 = tpu.memref_slice %arg7[%select_n3A_649, %dma_start3A_683, %dma_start3A_684] : memref<4x80x128xf32, #tpu.memory_space<vmem>> -> memref<1x80x128xf32, #tpu.memory_space<vmem>>
        %dma_start3A_686 = tpu.memref_squeeze %dma_start3A_685 : memref<1x80x128xf32, #tpu.memory_space<vmem>> -> memref<80x128xf32, #tpu.memory_space<vmem>>
        %dma_start3A_687 = arith.constant 0 : i32
        %dma_start3A_688 = tpu.memref_slice %arg6[%select_n3A_665, %dma_start3A_682, %dma_start3A_687] : memref<8x2x80xi32, #tpu.memory_space<vmem>> -> memref<1x1x80xi32, #tpu.memory_space<vmem>>
        %dma_start3A_689 = tpu.memref_squeeze %dma_start3A_688 : memref<1x1x80xi32, #tpu.memory_space<vmem>> -> memref<80xi32, #tpu.memory_space<vmem>>
        %dma_start3A_690 = arith.constant 0 : i32
        %dma_start3A_691 = arith.constant 0 : i32
        %dma_start3A_692 = tpu.memref_slice %arg8[%dma_start3A_690, %dma_start3A_691] : memref<10000x128xf32, #tpu.memory_space<vmem_shared>> -> memref<10000x128xf32, #tpu.memory_space<vmem_shared>>
        %dma_start3A_693 = tpu.memref_slice %arg11[%select_n3A_681] : memref<4x!tpu.dma_semaphore, #tpu.memory_space<semaphore_mem>> -> memref<1x!tpu.dma_semaphore, #tpu.memory_space<semaphore_mem>>
        %dma_start3A_694 = tpu.memref_squeeze %dma_start3A_693 : memref<1x!tpu.dma_semaphore, #tpu.memory_space<semaphore_mem>> -> memref<!tpu.dma_semaphore, #tpu.memory_space<semaphore_mem>>
        tpu.enqueue_indirect_dma source(%dma_start3A_686 : memref<80x128xf32, #tpu.memory_space<vmem>>) target(%dma_start3A_692 : memref<10000x128xf32, #tpu.memory_space<vmem_shared>>) offsets(%dma_start3A_689 : memref<80xi32, #tpu.memory_space<vmem>>) semaphore(%dma_start3A_694 : memref<!tpu.dma_semaphore, #tpu.memory_space<semaphore_mem>>) {add = true}
      }
      %scan3A_523 = arith.constant 250 : i32
      %dma_wait3A_524 = arith.constant 0 : i32
      %dma_wait3A_525 = arith.constant 0 : i32
      %dma_wait3A_526 = arith.constant 0 : i32
      %dma_wait3A_527 = arith.constant 0 : i32
      %dma_wait3A_528 = arith.constant 0 : i32
      %dma_wait3A_529 = arith.constant 0 : i32
      %dma_wait3A_530 = tpu.memref_slice %arg7[%dma_wait3A_524, %dma_wait3A_528, %dma_wait3A_529] : memref<4x80x128xf32, #tpu.memory_space<vmem>> -> memref<1x80x128xf32, #tpu.memory_space<vmem>>
      %dma_wait3A_531 = tpu.memref_squeeze %dma_wait3A_530 : memref<1x80x128xf32, #tpu.memory_space<vmem>> -> memref<80x128xf32, #tpu.memory_space<vmem>>
      %dma_wait3A_532 = arith.constant 0 : i32
      %dma_wait3A_533 = tpu.memref_slice %arg6[%dma_wait3A_525, %dma_wait3A_526, %dma_wait3A_532] : memref<8x2x80xi32, #tpu.memory_space<vmem>> -> memref<1x1x80xi32, #tpu.memory_space<vmem>>
      %dma_wait3A_534 = tpu.memref_squeeze %dma_wait3A_533 : memref<1x1x80xi32, #tpu.memory_space<vmem>> -> memref<80xi32, #tpu.memory_space<vmem>>
      %dma_wait3A_535 = arith.constant 0 : i32
      %dma_wait3A_536 = arith.constant 0 : i32
      %dma_wait3A_537 = tpu.memref_slice %arg8[%dma_wait3A_535, %dma_wait3A_536] : memref<10000x128xf32, #tpu.memory_space<vmem_shared>> -> memref<10000x128xf32, #tpu.memory_space<vmem_shared>>
      %dma_wait3A_538 = tpu.memref_slice %arg11[%dma_wait3A_527] : memref<4x!tpu.dma_semaphore, #tpu.memory_space<semaphore_mem>> -> memref<1x!tpu.dma_semaphore, #tpu.memory_space<semaphore_mem>>
      %dma_wait3A_539 = tpu.memref_squeeze %dma_wait3A_538 : memref<1x!tpu.dma_semaphore, #tpu.memory_space<semaphore_mem>> -> memref<!tpu.dma_semaphore, #tpu.memory_space<semaphore_mem>>
      tpu.wait_indirect_dma semaphore(%dma_wait3A_539 : memref<!tpu.dma_semaphore, #tpu.memory_space<semaphore_mem>>) src(%dma_wait3A_531 : memref<80x128xf32, #tpu.memory_space<vmem>>) dst(%dma_wait3A_537 : memref<10000x128xf32, #tpu.memory_space<vmem_shared>>)
      %dma_wait3A_540 = arith.constant 1 : i32
      %dma_wait3A_541 = arith.constant 1 : i32
      %dma_wait3A_542 = arith.constant 0 : i32
      %dma_wait3A_543 = arith.constant 1 : i32
      %dma_wait3A_544 = arith.constant 0 : i32
      %dma_wait3A_545 = arith.constant 0 : i32
      %dma_wait3A_546 = tpu.memref_slice %arg7[%dma_wait3A_540, %dma_wait3A_544, %dma_wait3A_545] : memref<4x80x128xf32, #tpu.memory_space<vmem>> -> memref<1x80x128xf32, #tpu.memory_space<vmem>>
      %dma_wait3A_547 = tpu.memref_squeeze %dma_wait3A_546 : memref<1x80x128xf32, #tpu.memory_space<vmem>> -> memref<80x128xf32, #tpu.memory_space<vmem>>
      %dma_wait3A_548 = arith.constant 0 : i32
      %dma_wait3A_549 = tpu.memref_slice %arg6[%dma_wait3A_541, %dma_wait3A_542, %dma_wait3A_548] : memref<8x2x80xi32, #tpu.memory_space<vmem>> -> memref<1x1x80xi32, #tpu.memory_space<vmem>>
      %dma_wait3A_550 = tpu.memref_squeeze %dma_wait3A_549 : memref<1x1x80xi32, #tpu.memory_space<vmem>> -> memref<80xi32, #tpu.memory_space<vmem>>
      %dma_wait3A_551 = arith.constant 0 : i32
      %dma_wait3A_552 = arith.constant 0 : i32
      %dma_wait3A_553 = tpu.memref_slice %arg8[%dma_wait3A_551, %dma_wait3A_552] : memref<10000x128xf32, #tpu.memory_space<vmem_shared>> -> memref<10000x128xf32, #tpu.memory_space<vmem_shared>>
      %dma_wait3A_554 = tpu.memref_slice %arg11[%dma_wait3A_543] : memref<4x!tpu.dma_semaphore, #tpu.memory_space<semaphore_mem>> -> memref<1x!tpu.dma_semaphore, #tpu.memory_space<semaphore_mem>>
      %dma_wait3A_555 = tpu.memref_squeeze %dma_wait3A_554 : memref<1x!tpu.dma_semaphore, #tpu.memory_space<semaphore_mem>> -> memref<!tpu.dma_semaphore, #tpu.memory_space<semaphore_mem>>
      tpu.wait_indirect_dma semaphore(%dma_wait3A_555 : memref<!tpu.dma_semaphore, #tpu.memory_space<semaphore_mem>>) src(%dma_wait3A_547 : memref<80x128xf32, #tpu.memory_space<vmem>>) dst(%dma_wait3A_553 : memref<10000x128xf32, #tpu.memory_space<vmem_shared>>)
    } else {
    }
    %barrier3A_308 = arith.constant 0 : index
    tpu.barrier barrier_id(%barrier3A_308)
    %eq3A_309 = arith.constant 0 : i32
    %eq3A_310 = arith.cmpi eq, %arg0, %eq3A_309 : i32
    %convert_element_type3A_311 = arith.extui %eq3A_310 : i1 to i32
    %cond3A_312 = arith.constant 0 : i32
    %cond3A_313 = arith.cmpi ne, %convert_element_type3A_311, %cond3A_312 : i32
    scf.if %cond3A_313 {
      "tpu.region"() ({
        %run_scoped3A = tpu.sem_alloc : memref<!tpu.dma_semaphore, #tpu.memory_space<semaphore_mem>>
        %dma_start3A_324 = arith.constant 0 : i32
        %dma_start3A_325 = tpu.memref_slice %arg4[%mul3A_0, %dma_start3A_324] : memref<10000x128xf32, #tpu.memory_space<hbm>> -> memref<624x128xf32, #tpu.memory_space<hbm>>
        %dma_start3A_326 = arith.constant 0 : i32
        %dma_start3A_327 = tpu.memref_slice %arg8[%mul3A_0, %dma_start3A_326] : memref<10000x128xf32, #tpu.memory_space<vmem_shared>> -> memref<624x128xf32, #tpu.memory_space<vmem_shared>>
        tpu.enqueue_dma source(%dma_start3A_327 : memref<624x128xf32, #tpu.memory_space<vmem_shared>>) target(%dma_start3A_325 : memref<624x128xf32, #tpu.memory_space<hbm>>) target_semaphore(%run_scoped3A : memref<!tpu.dma_semaphore, #tpu.memory_space<semaphore_mem>>)
        %dma_wait3A_328 = arith.constant 0 : i32
        %dma_wait3A_329 = tpu.memref_slice %arg4[%mul3A_0, %dma_wait3A_328] : memref<10000x128xf32, #tpu.memory_space<hbm>> -> memref<624x128xf32, #tpu.memory_space<hbm>>
        %dma_wait3A_330 = arith.constant 0 : i32
        %dma_wait3A_331 = tpu.memref_slice %arg8[%mul3A_0, %dma_wait3A_330] : memref<10000x128xf32, #tpu.memory_space<vmem_shared>> -> memref<624x128xf32, #tpu.memory_space<vmem_shared>>
        tpu.wait_dma2 semaphore(%run_scoped3A : memref<!tpu.dma_semaphore, #tpu.memory_space<semaphore_mem>>) src(%dma_wait3A_331 : memref<624x128xf32, #tpu.memory_space<vmem_shared>>) dst(%dma_wait3A_329 : memref<624x128xf32, #tpu.memory_space<hbm>>)
        tpu.yield
      }) : () -> ()
      %eq3A_319 = arith.constant 15 : i32
      %eq3A_320 = arith.cmpi eq, %arg1, %eq3A_319 : i32
      %convert_element_type3A_321 = arith.extui %eq3A_320 : i1 to i32
      %cond3A_322 = arith.constant 0 : i32
      %cond3A_323 = arith.cmpi ne, %convert_element_type3A_321, %cond3A_322 : i32
      scf.if %cond3A_323 {
        "tpu.region"() ({
          %run_scoped3A = tpu.sem_alloc : memref<!tpu.dma_semaphore, #tpu.memory_space<semaphore_mem>>
          %dma_start3A_324 = arith.constant 9984 : i32
          %dma_start3A_325 = arith.constant 0 : i32
          %dma_start3A_326 = tpu.memref_slice %arg4[%dma_start3A_324, %dma_start3A_325] : memref<10000x128xf32, #tpu.memory_space<hbm>> -> memref<16x128xf32, #tpu.memory_space<hbm>>
          %dma_start3A_327 = arith.constant 9984 : i32
          %dma_start3A_328 = arith.constant 0 : i32
          %dma_start3A_329 = tpu.memref_slice %arg8[%dma_start3A_327, %dma_start3A_328] : memref<10000x128xf32, #tpu.memory_space<vmem_shared>> -> memref<16x128xf32, #tpu.memory_space<vmem_shared>>
          tpu.enqueue_dma source(%dma_start3A_329 : memref<16x128xf32, #tpu.memory_space<vmem_shared>>) target(%dma_start3A_326 : memref<16x128xf32, #tpu.memory_space<hbm>>) target_semaphore(%run_scoped3A : memref<!tpu.dma_semaphore, #tpu.memory_space<semaphore_mem>>)
          %dma_wait3A_330 = arith.constant 9984 : i32
          %dma_wait3A_331 = arith.constant 0 : i32
          %dma_wait3A_332 = tpu.memref_slice %arg4[%dma_wait3A_330, %dma_wait3A_331] : memref<10000x128xf32, #tpu.memory_space<hbm>> -> memref<16x128xf32, #tpu.memory_space<hbm>>
          %dma_wait3A_333 = arith.constant 9984 : i32
          %dma_wait3A_334 = arith.constant 0 : i32
          %dma_wait3A_335 = tpu.memref_slice %arg8[%dma_wait3A_333, %dma_wait3A_334] : memref<10000x128xf32, #tpu.memory_space<vmem_shared>> -> memref<16x128xf32, #tpu.memory_space<vmem_shared>>
          tpu.wait_dma2 semaphore(%run_scoped3A : memref<!tpu.dma_semaphore, #tpu.memory_space<semaphore_mem>>) src(%dma_wait3A_335 : memref<16x128xf32, #tpu.memory_space<vmem_shared>>) dst(%dma_wait3A_332 : memref<16x128xf32, #tpu.memory_space<hbm>>)
          tpu.yield
        }) : () -> ()
      } else {
      }
    } else {
    }
    %eq3A_314 = arith.constant 1 : i32
    %eq3A_315 = arith.cmpi eq, %arg0, %eq3A_314 : i32
    %convert_element_type3A_316 = arith.extui %eq3A_315 : i1 to i32
    %cond3A_317 = arith.constant 0 : i32
    %cond3A_318 = arith.cmpi ne, %convert_element_type3A_316, %cond3A_317 : i32
    scf.if %cond3A_318 {
      "tpu.region"() ({
        %run_scoped3A = tpu.sem_alloc : memref<!tpu.dma_semaphore, #tpu.memory_space<semaphore_mem>>
        %dma_start3A_324 = arith.constant 0 : i32
        %dma_start3A_325 = tpu.memref_slice %arg5[%mul3A_0, %dma_start3A_324] : memref<10000x128xf32, #tpu.memory_space<hbm>> -> memref<624x128xf32, #tpu.memory_space<hbm>>
        %dma_start3A_326 = arith.constant 0 : i32
        %dma_start3A_327 = tpu.memref_slice %arg8[%mul3A_0, %dma_start3A_326] : memref<10000x128xf32, #tpu.memory_space<vmem_shared>> -> memref<624x128xf32, #tpu.memory_space<vmem_shared>>
        tpu.enqueue_dma source(%dma_start3A_327 : memref<624x128xf32, #tpu.memory_space<vmem_shared>>) target(%dma_start3A_325 : memref<624x128xf32, #tpu.memory_space<hbm>>) target_semaphore(%run_scoped3A : memref<!tpu.dma_semaphore, #tpu.memory_space<semaphore_mem>>)
        %dma_wait3A_328 = arith.constant 0 : i32
        %dma_wait3A_329 = tpu.memref_slice %arg5[%mul3A_0, %dma_wait3A_328] : memref<10000x128xf32, #tpu.memory_space<hbm>> -> memref<624x128xf32, #tpu.memory_space<hbm>>
        %dma_wait3A_330 = arith.constant 0 : i32
        %dma_wait3A_331 = tpu.memref_slice %arg8[%mul3A_0, %dma_wait3A_330] : memref<10000x128xf32, #tpu.memory_space<vmem_shared>> -> memref<624x128xf32, #tpu.memory_space<vmem_shared>>
        tpu.wait_dma2 semaphore(%run_scoped3A : memref<!tpu.dma_semaphore, #tpu.memory_space<semaphore_mem>>) src(%dma_wait3A_331 : memref<624x128xf32, #tpu.memory_space<vmem_shared>>) dst(%dma_wait3A_329 : memref<624x128xf32, #tpu.memory_space<hbm>>)
        tpu.yield
      }) : () -> ()
      %eq3A_319 = arith.constant 15 : i32
      %eq3A_320 = arith.cmpi eq, %arg1, %eq3A_319 : i32
      %convert_element_type3A_321 = arith.extui %eq3A_320 : i1 to i32
      %cond3A_322 = arith.constant 0 : i32
      %cond3A_323 = arith.cmpi ne, %convert_element_type3A_321, %cond3A_322 : i32
      scf.if %cond3A_323 {
        "tpu.region"() ({
          %run_scoped3A = tpu.sem_alloc : memref<!tpu.dma_semaphore, #tpu.memory_space<semaphore_mem>>
          %dma_start3A_324 = arith.constant 9984 : i32
          %dma_start3A_325 = arith.constant 0 : i32
          %dma_start3A_326 = tpu.memref_slice %arg5[%dma_start3A_324, %dma_start3A_325] : memref<10000x128xf32, #tpu.memory_space<hbm>> -> memref<16x128xf32, #tpu.memory_space<hbm>>
          %dma_start3A_327 = arith.constant 9984 : i32
          %dma_start3A_328 = arith.constant 0 : i32
          %dma_start3A_329 = tpu.memref_slice %arg8[%dma_start3A_327, %dma_start3A_328] : memref<10000x128xf32, #tpu.memory_space<vmem_shared>> -> memref<16x128xf32, #tpu.memory_space<vmem_shared>>
          tpu.enqueue_dma source(%dma_start3A_329 : memref<16x128xf32, #tpu.memory_space<vmem_shared>>) target(%dma_start3A_326 : memref<16x128xf32, #tpu.memory_space<hbm>>) target_semaphore(%run_scoped3A : memref<!tpu.dma_semaphore, #tpu.memory_space<semaphore_mem>>)
          %dma_wait3A_330 = arith.constant 9984 : i32
          %dma_wait3A_331 = arith.constant 0 : i32
          %dma_wait3A_332 = tpu.memref_slice %arg5[%dma_wait3A_330, %dma_wait3A_331] : memref<10000x128xf32, #tpu.memory_space<hbm>> -> memref<16x128xf32, #tpu.memory_space<hbm>>
          %dma_wait3A_333 = arith.constant 9984 : i32
          %dma_wait3A_334 = arith.constant 0 : i32
          %dma_wait3A_335 = tpu.memref_slice %arg8[%dma_wait3A_333, %dma_wait3A_334] : memref<10000x128xf32, #tpu.memory_space<vmem_shared>> -> memref<16x128xf32, #tpu.memory_space<vmem_shared>>
          tpu.wait_dma2 semaphore(%run_scoped3A : memref<!tpu.dma_semaphore, #tpu.memory_space<semaphore_mem>>) src(%dma_wait3A_335 : memref<16x128xf32, #tpu.memory_space<vmem_shared>>) dst(%dma_wait3A_332 : memref<16x128xf32, #tpu.memory_space<hbm>>)
          tpu.yield
        }) : () -> ()
      } else {
      }
    } else {
    }
    return
  }
}

#map = affine_map<(d0, d1) -> (0, 0)>
#map1 = affine_map<(d0, d1) -> (0, 0, 0, 0)>
module attributes {stable_mosaic.version = 14 : i64} {
  func.func @sc_msgs(%arg0: i32, %arg1: i32, %arg2: memref<10000x128xf32, #tpu.memory_space<hbm>>, %arg3: memref<16x250x2x80xi32, #tpu.memory_space<hbm>>, %arg4: memref<10000x128xf32, #tpu.memory_space<hbm>>, %arg5: memref<10000x128xf32, #tpu.memory_space<hbm>>, %arg6: memref<8x2x80xi32, #tpu.memory_space<vmem>>, %arg7: memref<4x80x128xf32, #tpu.memory_space<vmem>>, %arg8: memref<10000x128xf32, #tpu.memory_space<vmem_shared>>, %arg9: memref<8x!tpu.dma_semaphore, #tpu.memory_space<semaphore_mem>>, %arg10: memref<4x!tpu.dma_semaphore, #tpu.memory_space<semaphore_mem>>, %arg11: memref<4x!tpu.dma_semaphore, #tpu.memory_space<semaphore_mem>>) attributes {dimension_semantics = [#tpu.dimension_semantics<core_parallel>, #tpu.dimension_semantics<subcore_parallel>], iteration_bounds = array<i64: 2, 16>, scalar_prefetch = 0 : i64, scratch_operands = 6 : i64, tpu.core_type = #tpu.core_type<sc_vector_subcore>, window_params = [{transform_indices = #map}, {transform_indices = #map1}, {transform_indices = #map}, {transform_indices = #map}]} {
    %mul3A = arith.constant 624 : i32
    %mul3A_0 = arith.muli %arg1, %mul3A : i32
    %broadcast_in_dim3A = arith.constant 0.000000e+00 : f32
    %broadcast_in_dim3A_1 = vector.broadcast %broadcast_in_dim3A : f32 to vector<16xf32>
    %scan3A = arith.constant 0 : i32
    %scan3A_2 = arith.constant 80 : i32
    %scan3A_3 = arith.addi %scan3A, %scan3A_2 : i32
    %scan3A_4 = arith.constant 1 : i32
    scf.for %scan3A_319 = %scan3A to %scan3A_3 step %scan3A_4  : i32 {
      %mul3A_320 = arith.constant 1 : i32
      %mul3A_321 = arith.muli %scan3A_319, %mul3A_320 : i32
      %add3A_322 = arith.constant 0 : i32
      %add3A_323 = arith.addi %add3A_322, %mul3A_321 : i32
      %scan3A_324 = arith.constant 0 : i32
      %scan3A_325 = arith.constant 8 : i32
      %scan3A_326 = arith.addi %scan3A_324, %scan3A_325 : i32
      %scan3A_327 = arith.constant 1 : i32
      scf.for %scan3A_329 = %scan3A_324 to %scan3A_326 step %scan3A_327  : i32 {
        %mul3A_330 = arith.constant 16 : i32
        %mul3A_331 = arith.muli %scan3A_329, %mul3A_330 : i32
        %add3A_332 = arith.constant 0 : i32
        %add3A_333 = arith.addi %add3A_332, %mul3A_331 : i32
        %swap3A = arith.constant 0 : i32
        %swap3A_334 = arith.index_cast %swap3A : i32 to index
        %swap3A_335 = arith.index_cast %add3A_323 : i32 to index
        %swap3A_336 = arith.index_cast %add3A_333 : i32 to index
        %swap3A_337 = tpu.vector_load %arg7[%swap3A_334, %swap3A_335, %swap3A_336] {strides = array<i32>} : memref<4x80x128xf32, #tpu.memory_space<vmem>>, vector<1x1x16xf32>,
        %swap3A_338 = vector.shape_cast %swap3A_337 : vector<1x1x16xf32> to vector<16xf32>
        %swap3A_339 = vector.shape_cast %broadcast_in_dim3A_1 : vector<16xf32> to vector<1x1x16xf32>
        tpu.vector_store %arg7[%swap3A_334, %swap3A_335, %swap3A_336], %swap3A_339 {strides = array<i32>} : memref<4x80x128xf32, #tpu.memory_space<vmem>>, vector<1x1x16xf32>,
      }
      %scan3A_328 = arith.constant 8 : i32
    }
    %scan3A_5 = arith.constant 80 : i32
    %add3A = arith.constant 0 : i32
    %add3A_6 = arith.addi %mul3A_0, %add3A : i32
    %dma_start3A = arith.constant 0 : i32
    %dma_start3A_7 = arith.constant 0 : i32
    %dma_start3A_8 = arith.constant 0 : i32
    %dma_start3A_9 = arith.constant 0 : i32
    %dma_start3A_10 = tpu.memref_slice %arg7[%dma_start3A, %dma_start3A_8, %dma_start3A_9] : memref<4x80x128xf32, #tpu.memory_space<vmem>> -> memref<1x80x128xf32, #tpu.memory_space<vmem>>
    %dma_start3A_11 = tpu.memref_squeeze %dma_start3A_10 : memref<1x80x128xf32, #tpu.memory_space<vmem>> -> memref<80x128xf32, #tpu.memory_space<vmem>>
    %dma_start3A_12 = arith.constant 0 : i32
    %dma_start3A_13 = tpu.memref_slice %arg8[%add3A_6, %dma_start3A_12] : memref<10000x128xf32, #tpu.memory_space<vmem_shared>> -> memref<80x128xf32, #tpu.memory_space<vmem_shared>>
    %dma_start3A_14 = tpu.memref_slice %arg10[%dma_start3A_7] : memref<4x!tpu.dma_semaphore, #tpu.memory_space<semaphore_mem>> -> memref<1x!tpu.dma_semaphore, #tpu.memory_space<semaphore_mem>>
    %dma_start3A_15 = tpu.memref_squeeze %dma_start3A_14 : memref<1x!tpu.dma_semaphore, #tpu.memory_space<semaphore_mem>> -> memref<!tpu.dma_semaphore, #tpu.memory_space<semaphore_mem>>
    %dma_start3A_16 = arith.constant 0 : i32
    %dma_start3A_17 = tpu.memref_slice %arg8[%add3A_6, %dma_start3A_16] : memref<10000x128xf32, #tpu.memory_space<vmem_shared>> -> memref<80x128xf32, #tpu.memory_space<vmem_shared>>
    %dma_start3A_18 = arith.constant 0 : i32
    %dma_start3A_19 = arith.constant 0 : i32
    %dma_start3A_20 = tpu.memref_slice %arg7[%dma_start3A, %dma_start3A_18, %dma_start3A_19] : memref<4x80x128xf32, #tpu.memory_space<vmem>> -> memref<1x80x128xf32, #tpu.memory_space<vmem>>
    %dma_start3A_21 = tpu.memref_squeeze %dma_start3A_20 : memref<1x80x128xf32, #tpu.memory_space<vmem>> -> memref<80x128xf32, #tpu.memory_space<vmem>>
    tpu.enqueue_dma source(%dma_start3A_21 : memref<80x128xf32, #tpu.memory_space<vmem>>) target(%dma_start3A_17 : memref<80x128xf32, #tpu.memory_space<vmem_shared>>) target_semaphore(%dma_start3A_15 : memref<!tpu.dma_semaphore, #tpu.memory_space<semaphore_mem>>)
    %add3A_22 = arith.constant 80 : i32
    %add3A_23 = arith.addi %mul3A_0, %add3A_22 : i32
    %dma_start3A_24 = arith.constant 0 : i32
    %dma_start3A_25 = arith.constant 0 : i32
    %dma_start3A_26 = arith.constant 0 : i32
    %dma_start3A_27 = arith.constant 0 : i32
    %dma_start3A_28 = tpu.memref_slice %arg7[%dma_start3A_24, %dma_start3A_26, %dma_start3A_27] : memref<4x80x128xf32, #tpu.memory_space<vmem>> -> memref<1x80x128xf32, #tpu.memory_space<vmem>>
    %dma_start3A_29 = tpu.memref_squeeze %dma_start3A_28 : memref<1x80x128xf32, #tpu.memory_space<vmem>> -> memref<80x128xf32, #tpu.memory_space<vmem>>
    %dma_start3A_30 = arith.constant 0 : i32
    %dma_start3A_31 = tpu.memref_slice %arg8[%add3A_23, %dma_start3A_30] : memref<10000x128xf32, #tpu.memory_space<vmem_shared>> -> memref<80x128xf32, #tpu.memory_space<vmem_shared>>
    %dma_start3A_32 = tpu.memref_slice %arg10[%dma_start3A_25] : memref<4x!tpu.dma_semaphore, #tpu.memory_space<semaphore_mem>> -> memref<1x!tpu.dma_semaphore, #tpu.memory_space<semaphore_mem>>
    %dma_start3A_33 = tpu.memref_squeeze %dma_start3A_32 : memref<1x!tpu.dma_semaphore, #tpu.memory_space<semaphore_mem>> -> memref<!tpu.dma_semaphore, #tpu.memory_space<semaphore_mem>>
    %dma_start3A_34 = arith.constant 0 : i32
    %dma_start3A_35 = tpu.memref_slice %arg8[%add3A_23, %dma_start3A_34] : memref<10000x128xf32, #tpu.memory_space<vmem_shared>> -> memref<80x128xf32, #tpu.memory_space<vmem_shared>>
    %dma_start3A_36 = arith.constant 0 : i32
    %dma_start3A_37 = arith.constant 0 : i32
    %dma_start3A_38 = tpu.memref_slice %arg7[%dma_start3A_24, %dma_start3A_36, %dma_start3A_37] : memref<4x80x128xf32, #tpu.memory_space<vmem>> -> memref<1x80x128xf32, #tpu.memory_space<vmem>>
    %dma_start3A_39 = tpu.memref_squeeze %dma_start3A_38 : memref<1x80x128xf32, #tpu.memory_space<vmem>> -> memref<80x128xf32, #tpu.memory_space<vmem>>
    tpu.enqueue_dma source(%dma_start3A_39 : memref<80x128xf32, #tpu.memory_space<vmem>>) target(%dma_start3A_35 : memref<80x128xf32, #tpu.memory_space<vmem_shared>>) target_semaphore(%dma_start3A_33 : memref<!tpu.dma_semaphore, #tpu.memory_space<semaphore_mem>>)
    %add3A_40 = arith.constant 160 : i32
    %add3A_41 = arith.addi %mul3A_0, %add3A_40 : i32
    %dma_start3A_42 = arith.constant 0 : i32
    %dma_start3A_43 = arith.constant 0 : i32
    %dma_start3A_44 = arith.constant 0 : i32
    %dma_start3A_45 = arith.constant 0 : i32
    %dma_start3A_46 = tpu.memref_slice %arg7[%dma_start3A_42, %dma_start3A_44, %dma_start3A_45] : memref<4x80x128xf32, #tpu.memory_space<vmem>> -> memref<1x80x128xf32, #tpu.memory_space<vmem>>
    %dma_start3A_47 = tpu.memref_squeeze %dma_start3A_46 : memref<1x80x128xf32, #tpu.memory_space<vmem>> -> memref<80x128xf32, #tpu.memory_space<vmem>>
    %dma_start3A_48 = arith.constant 0 : i32
    %dma_start3A_49 = tpu.memref_slice %arg8[%add3A_41, %dma_start3A_48] : memref<10000x128xf32, #tpu.memory_space<vmem_shared>> -> memref<80x128xf32, #tpu.memory_space<vmem_shared>>
    %dma_start3A_50 = tpu.memref_slice %arg10[%dma_start3A_43] : memref<4x!tpu.dma_semaphore, #tpu.memory_space<semaphore_mem>> -> memref<1x!tpu.dma_semaphore, #tpu.memory_space<semaphore_mem>>
    %dma_start3A_51 = tpu.memref_squeeze %dma_start3A_50 : memref<1x!tpu.dma_semaphore, #tpu.memory_space<semaphore_mem>> -> memref<!tpu.dma_semaphore, #tpu.memory_space<semaphore_mem>>
    %dma_start3A_52 = arith.constant 0 : i32
    %dma_start3A_53 = tpu.memref_slice %arg8[%add3A_41, %dma_start3A_52] : memref<10000x128xf32, #tpu.memory_space<vmem_shared>> -> memref<80x128xf32, #tpu.memory_space<vmem_shared>>
    %dma_start3A_54 = arith.constant 0 : i32
    %dma_start3A_55 = arith.constant 0 : i32
    %dma_start3A_56 = tpu.memref_slice %arg7[%dma_start3A_42, %dma_start3A_54, %dma_start3A_55] : memref<4x80x128xf32, #tpu.memory_space<vmem>> -> memref<1x80x128xf32, #tpu.memory_space<vmem>>
    %dma_start3A_57 = tpu.memref_squeeze %dma_start3A_56 : memref<1x80x128xf32, #tpu.memory_space<vmem>> -> memref<80x128xf32, #tpu.memory_space<vmem>>
    tpu.enqueue_dma source(%dma_start3A_57 : memref<80x128xf32, #tpu.memory_space<vmem>>) target(%dma_start3A_53 : memref<80x128xf32, #tpu.memory_space<vmem_shared>>) target_semaphore(%dma_start3A_51 : memref<!tpu.dma_semaphore, #tpu.memory_space<semaphore_mem>>)
    %add3A_58 = arith.constant 240 : i32
    %add3A_59 = arith.addi %mul3A_0, %add3A_58 : i32
    %dma_start3A_60 = arith.constant 0 : i32
    %dma_start3A_61 = arith.constant 0 : i32
    %dma_start3A_62 = arith.constant 0 : i32
    %dma_start3A_63 = arith.constant 0 : i32
    %dma_start3A_64 = tpu.memref_slice %arg7[%dma_start3A_60, %dma_start3A_62, %dma_start3A_63] : memref<4x80x128xf32, #tpu.memory_space<vmem>> -> memref<1x80x128xf32, #tpu.memory_space<vmem>>
    %dma_start3A_65 = tpu.memref_squeeze %dma_start3A_64 : memref<1x80x128xf32, #tpu.memory_space<vmem>> -> memref<80x128xf32, #tpu.memory_space<vmem>>
    %dma_start3A_66 = arith.constant 0 : i32
    %dma_start3A_67 = tpu.memref_slice %arg8[%add3A_59, %dma_start3A_66] : memref<10000x128xf32, #tpu.memory_space<vmem_shared>> -> memref<80x128xf32, #tpu.memory_space<vmem_shared>>
    %dma_start3A_68 = tpu.memref_slice %arg10[%dma_start3A_61] : memref<4x!tpu.dma_semaphore, #tpu.memory_space<semaphore_mem>> -> memref<1x!tpu.dma_semaphore, #tpu.memory_space<semaphore_mem>>
    %dma_start3A_69 = tpu.memref_squeeze %dma_start3A_68 : memref<1x!tpu.dma_semaphore, #tpu.memory_space<semaphore_mem>> -> memref<!tpu.dma_semaphore, #tpu.memory_space<semaphore_mem>>
    %dma_start3A_70 = arith.constant 0 : i32
    %dma_start3A_71 = tpu.memref_slice %arg8[%add3A_59, %dma_start3A_70] : memref<10000x128xf32, #tpu.memory_space<vmem_shared>> -> memref<80x128xf32, #tpu.memory_space<vmem_shared>>
    %dma_start3A_72 = arith.constant 0 : i32
    %dma_start3A_73 = arith.constant 0 : i32
    %dma_start3A_74 = tpu.memref_slice %arg7[%dma_start3A_60, %dma_start3A_72, %dma_start3A_73] : memref<4x80x128xf32, #tpu.memory_space<vmem>> -> memref<1x80x128xf32, #tpu.memory_space<vmem>>
    %dma_start3A_75 = tpu.memref_squeeze %dma_start3A_74 : memref<1x80x128xf32, #tpu.memory_space<vmem>> -> memref<80x128xf32, #tpu.memory_space<vmem>>
    tpu.enqueue_dma source(%dma_start3A_75 : memref<80x128xf32, #tpu.memory_space<vmem>>) target(%dma_start3A_71 : memref<80x128xf32, #tpu.memory_space<vmem_shared>>) target_semaphore(%dma_start3A_69 : memref<!tpu.dma_semaphore, #tpu.memory_space<semaphore_mem>>)
    %add3A_76 = arith.constant 320 : i32
    %add3A_77 = arith.addi %mul3A_0, %add3A_76 : i32
    %dma_start3A_78 = arith.constant 0 : i32
    %dma_start3A_79 = arith.constant 0 : i32
    %dma_start3A_80 = arith.constant 0 : i32
    %dma_start3A_81 = arith.constant 0 : i32
    %dma_start3A_82 = tpu.memref_slice %arg7[%dma_start3A_78, %dma_start3A_80, %dma_start3A_81] : memref<4x80x128xf32, #tpu.memory_space<vmem>> -> memref<1x80x128xf32, #tpu.memory_space<vmem>>
    %dma_start3A_83 = tpu.memref_squeeze %dma_start3A_82 : memref<1x80x128xf32, #tpu.memory_space<vmem>> -> memref<80x128xf32, #tpu.memory_space<vmem>>
    %dma_start3A_84 = arith.constant 0 : i32
    %dma_start3A_85 = tpu.memref_slice %arg8[%add3A_77, %dma_start3A_84] : memref<10000x128xf32, #tpu.memory_space<vmem_shared>> -> memref<80x128xf32, #tpu.memory_space<vmem_shared>>
    %dma_start3A_86 = tpu.memref_slice %arg10[%dma_start3A_79] : memref<4x!tpu.dma_semaphore, #tpu.memory_space<semaphore_mem>> -> memref<1x!tpu.dma_semaphore, #tpu.memory_space<semaphore_mem>>
    %dma_start3A_87 = tpu.memref_squeeze %dma_start3A_86 : memref<1x!tpu.dma_semaphore, #tpu.memory_space<semaphore_mem>> -> memref<!tpu.dma_semaphore, #tpu.memory_space<semaphore_mem>>
    %dma_start3A_88 = arith.constant 0 : i32
    %dma_start3A_89 = tpu.memref_slice %arg8[%add3A_77, %dma_start3A_88] : memref<10000x128xf32, #tpu.memory_space<vmem_shared>> -> memref<80x128xf32, #tpu.memory_space<vmem_shared>>
    %dma_start3A_90 = arith.constant 0 : i32
    %dma_start3A_91 = arith.constant 0 : i32
    %dma_start3A_92 = tpu.memref_slice %arg7[%dma_start3A_78, %dma_start3A_90, %dma_start3A_91] : memref<4x80x128xf32, #tpu.memory_space<vmem>> -> memref<1x80x128xf32, #tpu.memory_space<vmem>>
    %dma_start3A_93 = tpu.memref_squeeze %dma_start3A_92 : memref<1x80x128xf32, #tpu.memory_space<vmem>> -> memref<80x128xf32, #tpu.memory_space<vmem>>
    tpu.enqueue_dma source(%dma_start3A_93 : memref<80x128xf32, #tpu.memory_space<vmem>>) target(%dma_start3A_89 : memref<80x128xf32, #tpu.memory_space<vmem_shared>>) target_semaphore(%dma_start3A_87 : memref<!tpu.dma_semaphore, #tpu.memory_space<semaphore_mem>>)
    %add3A_94 = arith.constant 400 : i32
    %add3A_95 = arith.addi %mul3A_0, %add3A_94 : i32
    %dma_start3A_96 = arith.constant 0 : i32
    %dma_start3A_97 = arith.constant 0 : i32
    %dma_start3A_98 = arith.constant 0 : i32
    %dma_start3A_99 = arith.constant 0 : i32
    %dma_start3A_100 = tpu.memref_slice %arg7[%dma_start3A_96, %dma_start3A_98, %dma_start3A_99] : memref<4x80x128xf32, #tpu.memory_space<vmem>> -> memref<1x80x128xf32, #tpu.memory_space<vmem>>
    %dma_start3A_101 = tpu.memref_squeeze %dma_start3A_100 : memref<1x80x128xf32, #tpu.memory_space<vmem>> -> memref<80x128xf32, #tpu.memory_space<vmem>>
    %dma_start3A_102 = arith.constant 0 : i32
    %dma_start3A_103 = tpu.memref_slice %arg8[%add3A_95, %dma_start3A_102] : memref<10000x128xf32, #tpu.memory_space<vmem_shared>> -> memref<80x128xf32, #tpu.memory_space<vmem_shared>>
    %dma_start3A_104 = tpu.memref_slice %arg10[%dma_start3A_97] : memref<4x!tpu.dma_semaphore, #tpu.memory_space<semaphore_mem>> -> memref<1x!tpu.dma_semaphore, #tpu.memory_space<semaphore_mem>>
    %dma_start3A_105 = tpu.memref_squeeze %dma_start3A_104 : memref<1x!tpu.dma_semaphore, #tpu.memory_space<semaphore_mem>> -> memref<!tpu.dma_semaphore, #tpu.memory_space<semaphore_mem>>
    %dma_start3A_106 = arith.constant 0 : i32
    %dma_start3A_107 = tpu.memref_slice %arg8[%add3A_95, %dma_start3A_106] : memref<10000x128xf32, #tpu.memory_space<vmem_shared>> -> memref<80x128xf32, #tpu.memory_space<vmem_shared>>
    %dma_start3A_108 = arith.constant 0 : i32
    %dma_start3A_109 = arith.constant 0 : i32
    %dma_start3A_110 = tpu.memref_slice %arg7[%dma_start3A_96, %dma_start3A_108, %dma_start3A_109] : memref<4x80x128xf32, #tpu.memory_space<vmem>> -> memref<1x80x128xf32, #tpu.memory_space<vmem>>
    %dma_start3A_111 = tpu.memref_squeeze %dma_start3A_110 : memref<1x80x128xf32, #tpu.memory_space<vmem>> -> memref<80x128xf32, #tpu.memory_space<vmem>>
    tpu.enqueue_dma source(%dma_start3A_111 : memref<80x128xf32, #tpu.memory_space<vmem>>) target(%dma_start3A_107 : memref<80x128xf32, #tpu.memory_space<vmem_shared>>) target_semaphore(%dma_start3A_105 : memref<!tpu.dma_semaphore, #tpu.memory_space<semaphore_mem>>)
    %add3A_112 = arith.constant 480 : i32
    %add3A_113 = arith.addi %mul3A_0, %add3A_112 : i32
    %dma_start3A_114 = arith.constant 0 : i32
    %dma_start3A_115 = arith.constant 0 : i32
    %dma_start3A_116 = arith.constant 0 : i32
    %dma_start3A_117 = arith.constant 0 : i32
    %dma_start3A_118 = tpu.memref_slice %arg7[%dma_start3A_114, %dma_start3A_116, %dma_start3A_117] : memref<4x80x128xf32, #tpu.memory_space<vmem>> -> memref<1x80x128xf32, #tpu.memory_space<vmem>>
    %dma_start3A_119 = tpu.memref_squeeze %dma_start3A_118 : memref<1x80x128xf32, #tpu.memory_space<vmem>> -> memref<80x128xf32, #tpu.memory_space<vmem>>
    %dma_start3A_120 = arith.constant 0 : i32
    %dma_start3A_121 = tpu.memref_slice %arg8[%add3A_113, %dma_start3A_120] : memref<10000x128xf32, #tpu.memory_space<vmem_shared>> -> memref<80x128xf32, #tpu.memory_space<vmem_shared>>
    %dma_start3A_122 = tpu.memref_slice %arg10[%dma_start3A_115] : memref<4x!tpu.dma_semaphore, #tpu.memory_space<semaphore_mem>> -> memref<1x!tpu.dma_semaphore, #tpu.memory_space<semaphore_mem>>
    %dma_start3A_123 = tpu.memref_squeeze %dma_start3A_122 : memref<1x!tpu.dma_semaphore, #tpu.memory_space<semaphore_mem>> -> memref<!tpu.dma_semaphore, #tpu.memory_space<semaphore_mem>>
    %dma_start3A_124 = arith.constant 0 : i32
    %dma_start3A_125 = tpu.memref_slice %arg8[%add3A_113, %dma_start3A_124] : memref<10000x128xf32, #tpu.memory_space<vmem_shared>> -> memref<80x128xf32, #tpu.memory_space<vmem_shared>>
    %dma_start3A_126 = arith.constant 0 : i32
    %dma_start3A_127 = arith.constant 0 : i32
    %dma_start3A_128 = tpu.memref_slice %arg7[%dma_start3A_114, %dma_start3A_126, %dma_start3A_127] : memref<4x80x128xf32, #tpu.memory_space<vmem>> -> memref<1x80x128xf32, #tpu.memory_space<vmem>>
    %dma_start3A_129 = tpu.memref_squeeze %dma_start3A_128 : memref<1x80x128xf32, #tpu.memory_space<vmem>> -> memref<80x128xf32, #tpu.memory_space<vmem>>
    tpu.enqueue_dma source(%dma_start3A_129 : memref<80x128xf32, #tpu.memory_space<vmem>>) target(%dma_start3A_125 : memref<80x128xf32, #tpu.memory_space<vmem_shared>>) target_semaphore(%dma_start3A_123 : memref<!tpu.dma_semaphore, #tpu.memory_space<semaphore_mem>>)
    %add3A_130 = arith.constant 560 : i32
    %add3A_131 = arith.addi %mul3A_0, %add3A_130 : i32
    %dma_start3A_132 = arith.constant 0 : i32
    %dma_start3A_133 = arith.constant 1 : i32
    %dma_start3A_134 = arith.constant 0 : i32
    %dma_start3A_135 = arith.constant 0 : i32
    %dma_start3A_136 = tpu.memref_slice %arg7[%dma_start3A_132, %dma_start3A_134, %dma_start3A_135] : memref<4x80x128xf32, #tpu.memory_space<vmem>> -> memref<1x64x128xf32, #tpu.memory_space<vmem>>
    %dma_start3A_137 = tpu.memref_squeeze %dma_start3A_136 : memref<1x64x128xf32, #tpu.memory_space<vmem>> -> memref<64x128xf32, #tpu.memory_space<vmem>>
    %dma_start3A_138 = arith.constant 0 : i32
    %dma_start3A_139 = tpu.memref_slice %arg8[%add3A_131, %dma_start3A_138] : memref<10000x128xf32, #tpu.memory_space<vmem_shared>> -> memref<64x128xf32, #tpu.memory_space<vmem_shared>>
    %dma_start3A_140 = tpu.memref_slice %arg10[%dma_start3A_133] : memref<4x!tpu.dma_semaphore, #tpu.memory_space<semaphore_mem>> -> memref<1x!tpu.dma_semaphore, #tpu.memory_space<semaphore_mem>>
    %dma_start3A_141 = tpu.memref_squeeze %dma_start3A_140 : memref<1x!tpu.dma_semaphore, #tpu.memory_space<semaphore_mem>> -> memref<!tpu.dma_semaphore, #tpu.memory_space<semaphore_mem>>
    %dma_start3A_142 = arith.constant 0 : i32
    %dma_start3A_143 = tpu.memref_slice %arg8[%add3A_131, %dma_start3A_142] : memref<10000x128xf32, #tpu.memory_space<vmem_shared>> -> memref<64x128xf32, #tpu.memory_space<vmem_shared>>
    %dma_start3A_144 = arith.constant 0 : i32
    %dma_start3A_145 = arith.constant 0 : i32
    %dma_start3A_146 = tpu.memref_slice %arg7[%dma_start3A_132, %dma_start3A_144, %dma_start3A_145] : memref<4x80x128xf32, #tpu.memory_space<vmem>> -> memref<1x64x128xf32, #tpu.memory_space<vmem>>
    %dma_start3A_147 = tpu.memref_squeeze %dma_start3A_146 : memref<1x64x128xf32, #tpu.memory_space<vmem>> -> memref<64x128xf32, #tpu.memory_space<vmem>>
    tpu.enqueue_dma source(%dma_start3A_147 : memref<64x128xf32, #tpu.memory_space<vmem>>) target(%dma_start3A_143 : memref<64x128xf32, #tpu.memory_space<vmem_shared>>) target_semaphore(%dma_start3A_141 : memref<!tpu.dma_semaphore, #tpu.memory_space<semaphore_mem>>)
    %eq3A = arith.constant 15 : i32
    %eq3A_148 = arith.cmpi eq, %arg1, %eq3A : i32
    %convert_element_type3A = arith.extui %eq3A_148 : i1 to i32
    %cond3A = arith.constant 0 : i32
    %cond3A_149 = arith.cmpi ne, %convert_element_type3A, %cond3A : i32
    scf.if %cond3A_149 {
      %dma_start3A_319 = arith.constant 0 : i32
      %dma_start3A_320 = arith.constant 2 : i32
      %dma_start3A_321 = arith.constant 0 : i32
      %dma_start3A_322 = arith.constant 0 : i32
      %dma_start3A_323 = tpu.memref_slice %arg7[%dma_start3A_319, %dma_start3A_321, %dma_start3A_322] : memref<4x80x128xf32, #tpu.memory_space<vmem>> -> memref<1x16x128xf32, #tpu.memory_space<vmem>>
      %dma_start3A_324 = tpu.memref_squeeze %dma_start3A_323 : memref<1x16x128xf32, #tpu.memory_space<vmem>> -> memref<16x128xf32, #tpu.memory_space<vmem>>
      %dma_start3A_325 = arith.constant 9984 : i32
      %dma_start3A_326 = arith.constant 0 : i32
      %dma_start3A_327 = tpu.memref_slice %arg8[%dma_start3A_325, %dma_start3A_326] : memref<10000x128xf32, #tpu.memory_space<vmem_shared>> -> memref<16x128xf32, #tpu.memory_space<vmem_shared>>
      %dma_start3A_328 = tpu.memref_slice %arg10[%dma_start3A_320] : memref<4x!tpu.dma_semaphore, #tpu.memory_space<semaphore_mem>> -> memref<1x!tpu.dma_semaphore, #tpu.memory_space<semaphore_mem>>
      %dma_start3A_329 = tpu.memref_squeeze %dma_start3A_328 : memref<1x!tpu.dma_semaphore, #tpu.memory_space<semaphore_mem>> -> memref<!tpu.dma_semaphore, #tpu.memory_space<semaphore_mem>>
      %dma_start3A_330 = arith.constant 9984 : i32
      %dma_start3A_331 = arith.constant 0 : i32
      %dma_start3A_332 = tpu.memref_slice %arg8[%dma_start3A_330, %dma_start3A_331] : memref<10000x128xf32, #tpu.memory_space<vmem_shared>> -> memref<16x128xf32, #tpu.memory_space<vmem_shared>>
      %dma_start3A_333 = arith.constant 0 : i32
      %dma_start3A_334 = arith.constant 0 : i32
      %dma_start3A_335 = tpu.memref_slice %arg7[%dma_start3A_319, %dma_start3A_333, %dma_start3A_334] : memref<4x80x128xf32, #tpu.memory_space<vmem>> -> memref<1x16x128xf32, #tpu.memory_space<vmem>>
      %dma_start3A_336 = tpu.memref_squeeze %dma_start3A_335 : memref<1x16x128xf32, #tpu.memory_space<vmem>> -> memref<16x128xf32, #tpu.memory_space<vmem>>
      tpu.enqueue_dma source(%dma_start3A_336 : memref<16x128xf32, #tpu.memory_space<vmem>>) target(%dma_start3A_332 : memref<16x128xf32, #tpu.memory_space<vmem_shared>>) target_semaphore(%dma_start3A_329 : memref<!tpu.dma_semaphore, #tpu.memory_space<semaphore_mem>>)
    } else {
    }
    %add3A_150 = arith.constant 0 : i32
    %add3A_151 = arith.addi %mul3A_0, %add3A_150 : i32
    %dma_wait3A = arith.constant 0 : i32
    %dma_wait3A_152 = arith.constant 0 : i32
    %dma_wait3A_153 = arith.constant 0 : i32
    %dma_wait3A_154 = arith.constant 0 : i32
    %dma_wait3A_155 = tpu.memref_slice %arg7[%dma_wait3A, %dma_wait3A_153, %dma_wait3A_154] : memref<4x80x128xf32, #tpu.memory_space<vmem>> -> memref<1x80x128xf32, #tpu.memory_space<vmem>>
    %dma_wait3A_156 = tpu.memref_squeeze %dma_wait3A_155 : memref<1x80x128xf32, #tpu.memory_space<vmem>> -> memref<80x128xf32, #tpu.memory_space<vmem>>
    %dma_wait3A_157 = arith.constant 0 : i32
    %dma_wait3A_158 = tpu.memref_slice %arg8[%add3A_151, %dma_wait3A_157] : memref<10000x128xf32, #tpu.memory_space<vmem_shared>> -> memref<80x128xf32, #tpu.memory_space<vmem_shared>>
    %dma_wait3A_159 = tpu.memref_slice %arg10[%dma_wait3A_152] : memref<4x!tpu.dma_semaphore, #tpu.memory_space<semaphore_mem>> -> memref<1x!tpu.dma_semaphore, #tpu.memory_space<semaphore_mem>>
    %dma_wait3A_160 = tpu.memref_squeeze %dma_wait3A_159 : memref<1x!tpu.dma_semaphore, #tpu.memory_space<semaphore_mem>> -> memref<!tpu.dma_semaphore, #tpu.memory_space<semaphore_mem>>
    %dma_wait3A_161 = arith.constant 0 : i32
    %dma_wait3A_162 = tpu.memref_slice %arg8[%add3A_151, %dma_wait3A_161] : memref<10000x128xf32, #tpu.memory_space<vmem_shared>> -> memref<80x128xf32, #tpu.memory_space<vmem_shared>>
    %dma_wait3A_163 = arith.constant 0 : i32
    %dma_wait3A_164 = arith.constant 0 : i32
    %dma_wait3A_165 = tpu.memref_slice %arg7[%dma_wait3A, %dma_wait3A_163, %dma_wait3A_164] : memref<4x80x128xf32, #tpu.memory_space<vmem>> -> memref<1x80x128xf32, #tpu.memory_space<vmem>>
    %dma_wait3A_166 = tpu.memref_squeeze %dma_wait3A_165 : memref<1x80x128xf32, #tpu.memory_space<vmem>> -> memref<80x128xf32, #tpu.memory_space<vmem>>
    tpu.wait_dma2 semaphore(%dma_wait3A_160 : memref<!tpu.dma_semaphore, #tpu.memory_space<semaphore_mem>>) src(%dma_wait3A_166 : memref<80x128xf32, #tpu.memory_space<vmem>>) dst(%dma_wait3A_162 : memref<80x128xf32, #tpu.memory_space<vmem_shared>>)
    %add3A_167 = arith.constant 80 : i32
    %add3A_168 = arith.addi %mul3A_0, %add3A_167 : i32
    %dma_wait3A_169 = arith.constant 0 : i32
    %dma_wait3A_170 = arith.constant 0 : i32
    %dma_wait3A_171 = arith.constant 0 : i32
    %dma_wait3A_172 = arith.constant 0 : i32
    %dma_wait3A_173 = tpu.memref_slice %arg7[%dma_wait3A_169, %dma_wait3A_171, %dma_wait3A_172] : memref<4x80x128xf32, #tpu.memory_space<vmem>> -> memref<1x80x128xf32, #tpu.memory_space<vmem>>
    %dma_wait3A_174 = tpu.memref_squeeze %dma_wait3A_173 : memref<1x80x128xf32, #tpu.memory_space<vmem>> -> memref<80x128xf32, #tpu.memory_space<vmem>>
    %dma_wait3A_175 = arith.constant 0 : i32
    %dma_wait3A_176 = tpu.memref_slice %arg8[%add3A_168, %dma_wait3A_175] : memref<10000x128xf32, #tpu.memory_space<vmem_shared>> -> memref<80x128xf32, #tpu.memory_space<vmem_shared>>
    %dma_wait3A_177 = tpu.memref_slice %arg10[%dma_wait3A_170] : memref<4x!tpu.dma_semaphore, #tpu.memory_space<semaphore_mem>> -> memref<1x!tpu.dma_semaphore, #tpu.memory_space<semaphore_mem>>
    %dma_wait3A_178 = tpu.memref_squeeze %dma_wait3A_177 : memref<1x!tpu.dma_semaphore, #tpu.memory_space<semaphore_mem>> -> memref<!tpu.dma_semaphore, #tpu.memory_space<semaphore_mem>>
    %dma_wait3A_179 = arith.constant 0 : i32
    %dma_wait3A_180 = tpu.memref_slice %arg8[%add3A_168, %dma_wait3A_179] : memref<10000x128xf32, #tpu.memory_space<vmem_shared>> -> memref<80x128xf32, #tpu.memory_space<vmem_shared>>
    %dma_wait3A_181 = arith.constant 0 : i32
    %dma_wait3A_182 = arith.constant 0 : i32
    %dma_wait3A_183 = tpu.memref_slice %arg7[%dma_wait3A_169, %dma_wait3A_181, %dma_wait3A_182] : memref<4x80x128xf32, #tpu.memory_space<vmem>> -> memref<1x80x128xf32, #tpu.memory_space<vmem>>
    %dma_wait3A_184 = tpu.memref_squeeze %dma_wait3A_183 : memref<1x80x128xf32, #tpu.memory_space<vmem>> -> memref<80x128xf32, #tpu.memory_space<vmem>>
    tpu.wait_dma2 semaphore(%dma_wait3A_178 : memref<!tpu.dma_semaphore, #tpu.memory_space<semaphore_mem>>) src(%dma_wait3A_184 : memref<80x128xf32, #tpu.memory_space<vmem>>) dst(%dma_wait3A_180 : memref<80x128xf32, #tpu.memory_space<vmem_shared>>)
    %add3A_185 = arith.constant 160 : i32
    %add3A_186 = arith.addi %mul3A_0, %add3A_185 : i32
    %dma_wait3A_187 = arith.constant 0 : i32
    %dma_wait3A_188 = arith.constant 0 : i32
    %dma_wait3A_189 = arith.constant 0 : i32
    %dma_wait3A_190 = arith.constant 0 : i32
    %dma_wait3A_191 = tpu.memref_slice %arg7[%dma_wait3A_187, %dma_wait3A_189, %dma_wait3A_190] : memref<4x80x128xf32, #tpu.memory_space<vmem>> -> memref<1x80x128xf32, #tpu.memory_space<vmem>>
    %dma_wait3A_192 = tpu.memref_squeeze %dma_wait3A_191 : memref<1x80x128xf32, #tpu.memory_space<vmem>> -> memref<80x128xf32, #tpu.memory_space<vmem>>
    %dma_wait3A_193 = arith.constant 0 : i32
    %dma_wait3A_194 = tpu.memref_slice %arg8[%add3A_186, %dma_wait3A_193] : memref<10000x128xf32, #tpu.memory_space<vmem_shared>> -> memref<80x128xf32, #tpu.memory_space<vmem_shared>>
    %dma_wait3A_195 = tpu.memref_slice %arg10[%dma_wait3A_188] : memref<4x!tpu.dma_semaphore, #tpu.memory_space<semaphore_mem>> -> memref<1x!tpu.dma_semaphore, #tpu.memory_space<semaphore_mem>>
    %dma_wait3A_196 = tpu.memref_squeeze %dma_wait3A_195 : memref<1x!tpu.dma_semaphore, #tpu.memory_space<semaphore_mem>> -> memref<!tpu.dma_semaphore, #tpu.memory_space<semaphore_mem>>
    %dma_wait3A_197 = arith.constant 0 : i32
    %dma_wait3A_198 = tpu.memref_slice %arg8[%add3A_186, %dma_wait3A_197] : memref<10000x128xf32, #tpu.memory_space<vmem_shared>> -> memref<80x128xf32, #tpu.memory_space<vmem_shared>>
    %dma_wait3A_199 = arith.constant 0 : i32
    %dma_wait3A_200 = arith.constant 0 : i32
    %dma_wait3A_201 = tpu.memref_slice %arg7[%dma_wait3A_187, %dma_wait3A_199, %dma_wait3A_200] : memref<4x80x128xf32, #tpu.memory_space<vmem>> -> memref<1x80x128xf32, #tpu.memory_space<vmem>>
    %dma_wait3A_202 = tpu.memref_squeeze %dma_wait3A_201 : memref<1x80x128xf32, #tpu.memory_space<vmem>> -> memref<80x128xf32, #tpu.memory_space<vmem>>
    tpu.wait_dma2 semaphore(%dma_wait3A_196 : memref<!tpu.dma_semaphore, #tpu.memory_space<semaphore_mem>>) src(%dma_wait3A_202 : memref<80x128xf32, #tpu.memory_space<vmem>>) dst(%dma_wait3A_198 : memref<80x128xf32, #tpu.memory_space<vmem_shared>>)
    %add3A_203 = arith.constant 240 : i32
    %add3A_204 = arith.addi %mul3A_0, %add3A_203 : i32
    %dma_wait3A_205 = arith.constant 0 : i32
    %dma_wait3A_206 = arith.constant 0 : i32
    %dma_wait3A_207 = arith.constant 0 : i32
    %dma_wait3A_208 = arith.constant 0 : i32
    %dma_wait3A_209 = tpu.memref_slice %arg7[%dma_wait3A_205, %dma_wait3A_207, %dma_wait3A_208] : memref<4x80x128xf32, #tpu.memory_space<vmem>> -> memref<1x80x128xf32, #tpu.memory_space<vmem>>
    %dma_wait3A_210 = tpu.memref_squeeze %dma_wait3A_209 : memref<1x80x128xf32, #tpu.memory_space<vmem>> -> memref<80x128xf32, #tpu.memory_space<vmem>>
    %dma_wait3A_211 = arith.constant 0 : i32
    %dma_wait3A_212 = tpu.memref_slice %arg8[%add3A_204, %dma_wait3A_211] : memref<10000x128xf32, #tpu.memory_space<vmem_shared>> -> memref<80x128xf32, #tpu.memory_space<vmem_shared>>
    %dma_wait3A_213 = tpu.memref_slice %arg10[%dma_wait3A_206] : memref<4x!tpu.dma_semaphore, #tpu.memory_space<semaphore_mem>> -> memref<1x!tpu.dma_semaphore, #tpu.memory_space<semaphore_mem>>
    %dma_wait3A_214 = tpu.memref_squeeze %dma_wait3A_213 : memref<1x!tpu.dma_semaphore, #tpu.memory_space<semaphore_mem>> -> memref<!tpu.dma_semaphore, #tpu.memory_space<semaphore_mem>>
    %dma_wait3A_215 = arith.constant 0 : i32
    %dma_wait3A_216 = tpu.memref_slice %arg8[%add3A_204, %dma_wait3A_215] : memref<10000x128xf32, #tpu.memory_space<vmem_shared>> -> memref<80x128xf32, #tpu.memory_space<vmem_shared>>
    %dma_wait3A_217 = arith.constant 0 : i32
    %dma_wait3A_218 = arith.constant 0 : i32
    %dma_wait3A_219 = tpu.memref_slice %arg7[%dma_wait3A_205, %dma_wait3A_217, %dma_wait3A_218] : memref<4x80x128xf32, #tpu.memory_space<vmem>> -> memref<1x80x128xf32, #tpu.memory_space<vmem>>
    %dma_wait3A_220 = tpu.memref_squeeze %dma_wait3A_219 : memref<1x80x128xf32, #tpu.memory_space<vmem>> -> memref<80x128xf32, #tpu.memory_space<vmem>>
    tpu.wait_dma2 semaphore(%dma_wait3A_214 : memref<!tpu.dma_semaphore, #tpu.memory_space<semaphore_mem>>) src(%dma_wait3A_220 : memref<80x128xf32, #tpu.memory_space<vmem>>) dst(%dma_wait3A_216 : memref<80x128xf32, #tpu.memory_space<vmem_shared>>)
    %add3A_221 = arith.constant 320 : i32
    %add3A_222 = arith.addi %mul3A_0, %add3A_221 : i32
    %dma_wait3A_223 = arith.constant 0 : i32
    %dma_wait3A_224 = arith.constant 0 : i32
    %dma_wait3A_225 = arith.constant 0 : i32
    %dma_wait3A_226 = arith.constant 0 : i32
    %dma_wait3A_227 = tpu.memref_slice %arg7[%dma_wait3A_223, %dma_wait3A_225, %dma_wait3A_226] : memref<4x80x128xf32, #tpu.memory_space<vmem>> -> memref<1x80x128xf32, #tpu.memory_space<vmem>>
    %dma_wait3A_228 = tpu.memref_squeeze %dma_wait3A_227 : memref<1x80x128xf32, #tpu.memory_space<vmem>> -> memref<80x128xf32, #tpu.memory_space<vmem>>
    %dma_wait3A_229 = arith.constant 0 : i32
    %dma_wait3A_230 = tpu.memref_slice %arg8[%add3A_222, %dma_wait3A_229] : memref<10000x128xf32, #tpu.memory_space<vmem_shared>> -> memref<80x128xf32, #tpu.memory_space<vmem_shared>>
    %dma_wait3A_231 = tpu.memref_slice %arg10[%dma_wait3A_224] : memref<4x!tpu.dma_semaphore, #tpu.memory_space<semaphore_mem>> -> memref<1x!tpu.dma_semaphore, #tpu.memory_space<semaphore_mem>>
    %dma_wait3A_232 = tpu.memref_squeeze %dma_wait3A_231 : memref<1x!tpu.dma_semaphore, #tpu.memory_space<semaphore_mem>> -> memref<!tpu.dma_semaphore, #tpu.memory_space<semaphore_mem>>
    %dma_wait3A_233 = arith.constant 0 : i32
    %dma_wait3A_234 = tpu.memref_slice %arg8[%add3A_222, %dma_wait3A_233] : memref<10000x128xf32, #tpu.memory_space<vmem_shared>> -> memref<80x128xf32, #tpu.memory_space<vmem_shared>>
    %dma_wait3A_235 = arith.constant 0 : i32
    %dma_wait3A_236 = arith.constant 0 : i32
    %dma_wait3A_237 = tpu.memref_slice %arg7[%dma_wait3A_223, %dma_wait3A_235, %dma_wait3A_236] : memref<4x80x128xf32, #tpu.memory_space<vmem>> -> memref<1x80x128xf32, #tpu.memory_space<vmem>>
    %dma_wait3A_238 = tpu.memref_squeeze %dma_wait3A_237 : memref<1x80x128xf32, #tpu.memory_space<vmem>> -> memref<80x128xf32, #tpu.memory_space<vmem>>
    tpu.wait_dma2 semaphore(%dma_wait3A_232 : memref<!tpu.dma_semaphore, #tpu.memory_space<semaphore_mem>>) src(%dma_wait3A_238 : memref<80x128xf32, #tpu.memory_space<vmem>>) dst(%dma_wait3A_234 : memref<80x128xf32, #tpu.memory_space<vmem_shared>>)
    %add3A_239 = arith.constant 400 : i32
    %add3A_240 = arith.addi %mul3A_0, %add3A_239 : i32
    %dma_wait3A_241 = arith.constant 0 : i32
    %dma_wait3A_242 = arith.constant 0 : i32
    %dma_wait3A_243 = arith.constant 0 : i32
    %dma_wait3A_244 = arith.constant 0 : i32
    %dma_wait3A_245 = tpu.memref_slice %arg7[%dma_wait3A_241, %dma_wait3A_243, %dma_wait3A_244] : memref<4x80x128xf32, #tpu.memory_space<vmem>> -> memref<1x80x128xf32, #tpu.memory_space<vmem>>
    %dma_wait3A_246 = tpu.memref_squeeze %dma_wait3A_245 : memref<1x80x128xf32, #tpu.memory_space<vmem>> -> memref<80x128xf32, #tpu.memory_space<vmem>>
    %dma_wait3A_247 = arith.constant 0 : i32
    %dma_wait3A_248 = tpu.memref_slice %arg8[%add3A_240, %dma_wait3A_247] : memref<10000x128xf32, #tpu.memory_space<vmem_shared>> -> memref<80x128xf32, #tpu.memory_space<vmem_shared>>
    %dma_wait3A_249 = tpu.memref_slice %arg10[%dma_wait3A_242] : memref<4x!tpu.dma_semaphore, #tpu.memory_space<semaphore_mem>> -> memref<1x!tpu.dma_semaphore, #tpu.memory_space<semaphore_mem>>
    %dma_wait3A_250 = tpu.memref_squeeze %dma_wait3A_249 : memref<1x!tpu.dma_semaphore, #tpu.memory_space<semaphore_mem>> -> memref<!tpu.dma_semaphore, #tpu.memory_space<semaphore_mem>>
    %dma_wait3A_251 = arith.constant 0 : i32
    %dma_wait3A_252 = tpu.memref_slice %arg8[%add3A_240, %dma_wait3A_251] : memref<10000x128xf32, #tpu.memory_space<vmem_shared>> -> memref<80x128xf32, #tpu.memory_space<vmem_shared>>
    %dma_wait3A_253 = arith.constant 0 : i32
    %dma_wait3A_254 = arith.constant 0 : i32
    %dma_wait3A_255 = tpu.memref_slice %arg7[%dma_wait3A_241, %dma_wait3A_253, %dma_wait3A_254] : memref<4x80x128xf32, #tpu.memory_space<vmem>> -> memref<1x80x128xf32, #tpu.memory_space<vmem>>
    %dma_wait3A_256 = tpu.memref_squeeze %dma_wait3A_255 : memref<1x80x128xf32, #tpu.memory_space<vmem>> -> memref<80x128xf32, #tpu.memory_space<vmem>>
    tpu.wait_dma2 semaphore(%dma_wait3A_250 : memref<!tpu.dma_semaphore, #tpu.memory_space<semaphore_mem>>) src(%dma_wait3A_256 : memref<80x128xf32, #tpu.memory_space<vmem>>) dst(%dma_wait3A_252 : memref<80x128xf32, #tpu.memory_space<vmem_shared>>)
    %add3A_257 = arith.constant 480 : i32
    %add3A_258 = arith.addi %mul3A_0, %add3A_257 : i32
    %dma_wait3A_259 = arith.constant 0 : i32
    %dma_wait3A_260 = arith.constant 0 : i32
    %dma_wait3A_261 = arith.constant 0 : i32
    %dma_wait3A_262 = arith.constant 0 : i32
    %dma_wait3A_263 = tpu.memref_slice %arg7[%dma_wait3A_259, %dma_wait3A_261, %dma_wait3A_262] : memref<4x80x128xf32, #tpu.memory_space<vmem>> -> memref<1x80x128xf32, #tpu.memory_space<vmem>>
    %dma_wait3A_264 = tpu.memref_squeeze %dma_wait3A_263 : memref<1x80x128xf32, #tpu.memory_space<vmem>> -> memref<80x128xf32, #tpu.memory_space<vmem>>
    %dma_wait3A_265 = arith.constant 0 : i32
    %dma_wait3A_266 = tpu.memref_slice %arg8[%add3A_258, %dma_wait3A_265] : memref<10000x128xf32, #tpu.memory_space<vmem_shared>> -> memref<80x128xf32, #tpu.memory_space<vmem_shared>>
    %dma_wait3A_267 = tpu.memref_slice %arg10[%dma_wait3A_260] : memref<4x!tpu.dma_semaphore, #tpu.memory_space<semaphore_mem>> -> memref<1x!tpu.dma_semaphore, #tpu.memory_space<semaphore_mem>>
    %dma_wait3A_268 = tpu.memref_squeeze %dma_wait3A_267 : memref<1x!tpu.dma_semaphore, #tpu.memory_space<semaphore_mem>> -> memref<!tpu.dma_semaphore, #tpu.memory_space<semaphore_mem>>
    %dma_wait3A_269 = arith.constant 0 : i32
    %dma_wait3A_270 = tpu.memref_slice %arg8[%add3A_258, %dma_wait3A_269] : memref<10000x128xf32, #tpu.memory_space<vmem_shared>> -> memref<80x128xf32, #tpu.memory_space<vmem_shared>>
    %dma_wait3A_271 = arith.constant 0 : i32
    %dma_wait3A_272 = arith.constant 0 : i32
    %dma_wait3A_273 = tpu.memref_slice %arg7[%dma_wait3A_259, %dma_wait3A_271, %dma_wait3A_272] : memref<4x80x128xf32, #tpu.memory_space<vmem>> -> memref<1x80x128xf32, #tpu.memory_space<vmem>>
    %dma_wait3A_274 = tpu.memref_squeeze %dma_wait3A_273 : memref<1x80x128xf32, #tpu.memory_space<vmem>> -> memref<80x128xf32, #tpu.memory_space<vmem>>
    tpu.wait_dma2 semaphore(%dma_wait3A_268 : memref<!tpu.dma_semaphore, #tpu.memory_space<semaphore_mem>>) src(%dma_wait3A_274 : memref<80x128xf32, #tpu.memory_space<vmem>>) dst(%dma_wait3A_270 : memref<80x128xf32, #tpu.memory_space<vmem_shared>>)
    %add3A_275 = arith.constant 560 : i32
    %add3A_276 = arith.addi %mul3A_0, %add3A_275 : i32
    %dma_wait3A_277 = arith.constant 0 : i32
    %dma_wait3A_278 = arith.constant 1 : i32
    %dma_wait3A_279 = arith.constant 0 : i32
    %dma_wait3A_280 = arith.constant 0 : i32
    %dma_wait3A_281 = tpu.memref_slice %arg7[%dma_wait3A_277, %dma_wait3A_279, %dma_wait3A_280] : memref<4x80x128xf32, #tpu.memory_space<vmem>> -> memref<1x64x128xf32, #tpu.memory_space<vmem>>
    %dma_wait3A_282 = tpu.memref_squeeze %dma_wait3A_281 : memref<1x64x128xf32, #tpu.memory_space<vmem>> -> memref<64x128xf32, #tpu.memory_space<vmem>>
    %dma_wait3A_283 = arith.constant 0 : i32
    %dma_wait3A_284 = tpu.memref_slice %arg8[%add3A_276, %dma_wait3A_283] : memref<10000x128xf32, #tpu.memory_space<vmem_shared>> -> memref<64x128xf32, #tpu.memory_space<vmem_shared>>
    %dma_wait3A_285 = tpu.memref_slice %arg10[%dma_wait3A_278] : memref<4x!tpu.dma_semaphore, #tpu.memory_space<semaphore_mem>> -> memref<1x!tpu.dma_semaphore, #tpu.memory_space<semaphore_mem>>
    %dma_wait3A_286 = tpu.memref_squeeze %dma_wait3A_285 : memref<1x!tpu.dma_semaphore, #tpu.memory_space<semaphore_mem>> -> memref<!tpu.dma_semaphore, #tpu.memory_space<semaphore_mem>>
    %dma_wait3A_287 = arith.constant 0 : i32
    %dma_wait3A_288 = tpu.memref_slice %arg8[%add3A_276, %dma_wait3A_287] : memref<10000x128xf32, #tpu.memory_space<vmem_shared>> -> memref<64x128xf32, #tpu.memory_space<vmem_shared>>
    %dma_wait3A_289 = arith.constant 0 : i32
    %dma_wait3A_290 = arith.constant 0 : i32
    %dma_wait3A_291 = tpu.memref_slice %arg7[%dma_wait3A_277, %dma_wait3A_289, %dma_wait3A_290] : memref<4x80x128xf32, #tpu.memory_space<vmem>> -> memref<1x64x128xf32, #tpu.memory_space<vmem>>
    %dma_wait3A_292 = tpu.memref_squeeze %dma_wait3A_291 : memref<1x64x128xf32, #tpu.memory_space<vmem>> -> memref<64x128xf32, #tpu.memory_space<vmem>>
    tpu.wait_dma2 semaphore(%dma_wait3A_286 : memref<!tpu.dma_semaphore, #tpu.memory_space<semaphore_mem>>) src(%dma_wait3A_292 : memref<64x128xf32, #tpu.memory_space<vmem>>) dst(%dma_wait3A_288 : memref<64x128xf32, #tpu.memory_space<vmem_shared>>)
    %eq3A_293 = arith.constant 15 : i32
    %eq3A_294 = arith.cmpi eq, %arg1, %eq3A_293 : i32
    %convert_element_type3A_295 = arith.extui %eq3A_294 : i1 to i32
    %cond3A_296 = arith.constant 0 : i32
    %cond3A_297 = arith.cmpi ne, %convert_element_type3A_295, %cond3A_296 : i32
    scf.if %cond3A_297 {
      %dma_wait3A_319 = arith.constant 0 : i32
      %dma_wait3A_320 = arith.constant 2 : i32
      %dma_wait3A_321 = arith.constant 0 : i32
      %dma_wait3A_322 = arith.constant 0 : i32
      %dma_wait3A_323 = tpu.memref_slice %arg7[%dma_wait3A_319, %dma_wait3A_321, %dma_wait3A_322] : memref<4x80x128xf32, #tpu.memory_space<vmem>> -> memref<1x16x128xf32, #tpu.memory_space<vmem>>
      %dma_wait3A_324 = tpu.memref_squeeze %dma_wait3A_323 : memref<1x16x128xf32, #tpu.memory_space<vmem>> -> memref<16x128xf32, #tpu.memory_space<vmem>>
      %dma_wait3A_325 = arith.constant 9984 : i32
      %dma_wait3A_326 = arith.constant 0 : i32
      %dma_wait3A_327 = tpu.memref_slice %arg8[%dma_wait3A_325, %dma_wait3A_326] : memref<10000x128xf32, #tpu.memory_space<vmem_shared>> -> memref<16x128xf32, #tpu.memory_space<vmem_shared>>
      %dma_wait3A_328 = tpu.memref_slice %arg10[%dma_wait3A_320] : memref<4x!tpu.dma_semaphore, #tpu.memory_space<semaphore_mem>> -> memref<1x!tpu.dma_semaphore, #tpu.memory_space<semaphore_mem>>
      %dma_wait3A_329 = tpu.memref_squeeze %dma_wait3A_328 : memref<1x!tpu.dma_semaphore, #tpu.memory_space<semaphore_mem>> -> memref<!tpu.dma_semaphore, #tpu.memory_space<semaphore_mem>>
      %dma_wait3A_330 = arith.constant 9984 : i32
      %dma_wait3A_331 = arith.constant 0 : i32
      %dma_wait3A_332 = tpu.memref_slice %arg8[%dma_wait3A_330, %dma_wait3A_331] : memref<10000x128xf32, #tpu.memory_space<vmem_shared>> -> memref<16x128xf32, #tpu.memory_space<vmem_shared>>
      %dma_wait3A_333 = arith.constant 0 : i32
      %dma_wait3A_334 = arith.constant 0 : i32
      %dma_wait3A_335 = tpu.memref_slice %arg7[%dma_wait3A_319, %dma_wait3A_333, %dma_wait3A_334] : memref<4x80x128xf32, #tpu.memory_space<vmem>> -> memref<1x16x128xf32, #tpu.memory_space<vmem>>
      %dma_wait3A_336 = tpu.memref_squeeze %dma_wait3A_335 : memref<1x16x128xf32, #tpu.memory_space<vmem>> -> memref<16x128xf32, #tpu.memory_space<vmem>>
      tpu.wait_dma2 semaphore(%dma_wait3A_329 : memref<!tpu.dma_semaphore, #tpu.memory_space<semaphore_mem>>) src(%dma_wait3A_336 : memref<16x128xf32, #tpu.memory_space<vmem>>) dst(%dma_wait3A_332 : memref<16x128xf32, #tpu.memory_space<vmem_shared>>)
    } else {
    }
    %barrier3A = arith.constant 0 : index
    tpu.barrier barrier_id(%barrier3A)
    %eq3A_298 = arith.constant 0 : i32
    %eq3A_299 = arith.cmpi eq, %arg0, %eq3A_298 : i32
    %convert_element_type3A_300 = arith.extui %eq3A_299 : i1 to i32
    %cond3A_301 = arith.constant 0 : i32
    %cond3A_302 = arith.cmpi ne, %convert_element_type3A_300, %cond3A_301 : i32
    scf.if %cond3A_302 {
      %dma_start3A_319 = arith.constant 0 : i32
      %dma_start3A_320 = arith.constant 0 : i32
      %dma_start3A_321 = arith.constant 0 : i32
      %dma_start3A_322 = arith.constant 0 : i32
      %dma_start3A_323 = arith.constant 0 : i32
      %dma_start3A_324 = tpu.memref_slice %arg6[%dma_start3A_320, %dma_start3A_322, %dma_start3A_323] : memref<8x2x80xi32, #tpu.memory_space<vmem>> -> memref<1x2x80xi32, #tpu.memory_space<vmem>>
      %dma_start3A_325 = tpu.memref_squeeze %dma_start3A_324 : memref<1x2x80xi32, #tpu.memory_space<vmem>> -> memref<2x80xi32, #tpu.memory_space<vmem>>
      %dma_start3A_326 = arith.constant 0 : i32
      %dma_start3A_327 = arith.constant 0 : i32
      %dma_start3A_328 = tpu.memref_slice %arg3[%arg1, %dma_start3A_319, %dma_start3A_326, %dma_start3A_327] : memref<16x250x2x80xi32, #tpu.memory_space<hbm>> -> memref<1x1x2x80xi32, #tpu.memory_space<hbm>>
      %dma_start3A_329 = tpu.memref_squeeze %dma_start3A_328 : memref<1x1x2x80xi32, #tpu.memory_space<hbm>> -> memref<2x80xi32, #tpu.memory_space<hbm>>
      %dma_start3A_330 = tpu.memref_slice %arg9[%dma_start3A_321] : memref<8x!tpu.dma_semaphore, #tpu.memory_space<semaphore_mem>> -> memref<1x!tpu.dma_semaphore, #tpu.memory_space<semaphore_mem>>
      %dma_start3A_331 = tpu.memref_squeeze %dma_start3A_330 : memref<1x!tpu.dma_semaphore, #tpu.memory_space<semaphore_mem>> -> memref<!tpu.dma_semaphore, #tpu.memory_space<semaphore_mem>>
      %dma_start3A_332 = arith.constant 0 : i32
      %dma_start3A_333 = arith.constant 0 : i32
      %dma_start3A_334 = tpu.memref_slice %arg6[%dma_start3A_320, %dma_start3A_332, %dma_start3A_333] : memref<8x2x80xi32, #tpu.memory_space<vmem>> -> memref<1x2x80xi32, #tpu.memory_space<vmem>>
      %dma_start3A_335 = tpu.memref_squeeze %dma_start3A_334 : memref<1x2x80xi32, #tpu.memory_space<vmem>> -> memref<2x80xi32, #tpu.memory_space<vmem>>
      %dma_start3A_336 = arith.constant 0 : i32
      %dma_start3A_337 = arith.constant 0 : i32
      %dma_start3A_338 = tpu.memref_slice %arg3[%arg1, %dma_start3A_319, %dma_start3A_336, %dma_start3A_337] : memref<16x250x2x80xi32, #tpu.memory_space<hbm>> -> memref<1x1x2x80xi32, #tpu.memory_space<hbm>>
      %dma_start3A_339 = tpu.memref_squeeze %dma_start3A_338 : memref<1x1x2x80xi32, #tpu.memory_space<hbm>> -> memref<2x80xi32, #tpu.memory_space<hbm>>
      tpu.enqueue_dma source(%dma_start3A_339 : memref<2x80xi32, #tpu.memory_space<hbm>>) target(%dma_start3A_335 : memref<2x80xi32, #tpu.memory_space<vmem>>) target_semaphore(%dma_start3A_331 : memref<!tpu.dma_semaphore, #tpu.memory_space<semaphore_mem>>)
      %dma_start3A_340 = arith.constant 1 : i32
      %dma_start3A_341 = arith.constant 1 : i32
      %dma_start3A_342 = arith.constant 1 : i32
      %dma_start3A_343 = arith.constant 0 : i32
      %dma_start3A_344 = arith.constant 0 : i32
      %dma_start3A_345 = tpu.memref_slice %arg6[%dma_start3A_341, %dma_start3A_343, %dma_start3A_344] : memref<8x2x80xi32, #tpu.memory_space<vmem>> -> memref<1x2x80xi32, #tpu.memory_space<vmem>>
      %dma_start3A_346 = tpu.memref_squeeze %dma_start3A_345 : memref<1x2x80xi32, #tpu.memory_space<vmem>> -> memref<2x80xi32, #tpu.memory_space<vmem>>
      %dma_start3A_347 = arith.constant 0 : i32
      %dma_start3A_348 = arith.constant 0 : i32
      %dma_start3A_349 = tpu.memref_slice %arg3[%arg1, %dma_start3A_340, %dma_start3A_347, %dma_start3A_348] : memref<16x250x2x80xi32, #tpu.memory_space<hbm>> -> memref<1x1x2x80xi32, #tpu.memory_space<hbm>>
      %dma_start3A_350 = tpu.memref_squeeze %dma_start3A_349 : memref<1x1x2x80xi32, #tpu.memory_space<hbm>> -> memref<2x80xi32, #tpu.memory_space<hbm>>
      %dma_start3A_351 = tpu.memref_slice %arg9[%dma_start3A_342] : memref<8x!tpu.dma_semaphore, #tpu.memory_space<semaphore_mem>> -> memref<1x!tpu.dma_semaphore, #tpu.memory_space<semaphore_mem>>
      %dma_start3A_352 = tpu.memref_squeeze %dma_start3A_351 : memref<1x!tpu.dma_semaphore, #tpu.memory_space<semaphore_mem>> -> memref<!tpu.dma_semaphore, #tpu.memory_space<semaphore_mem>>
      %dma_start3A_353 = arith.constant 0 : i32
      %dma_start3A_354 = arith.constant 0 : i32
      %dma_start3A_355 = tpu.memref_slice %arg6[%dma_start3A_341, %dma_start3A_353, %dma_start3A_354] : memref<8x2x80xi32, #tpu.memory_space<vmem>> -> memref<1x2x80xi32, #tpu.memory_space<vmem>>
      %dma_start3A_356 = tpu.memref_squeeze %dma_start3A_355 : memref<1x2x80xi32, #tpu.memory_space<vmem>> -> memref<2x80xi32, #tpu.memory_space<vmem>>
      %dma_start3A_357 = arith.constant 0 : i32
      %dma_start3A_358 = arith.constant 0 : i32
      %dma_start3A_359 = tpu.memref_slice %arg3[%arg1, %dma_start3A_340, %dma_start3A_357, %dma_start3A_358] : memref<16x250x2x80xi32, #tpu.memory_space<hbm>> -> memref<1x1x2x80xi32, #tpu.memory_space<hbm>>
      %dma_start3A_360 = tpu.memref_squeeze %dma_start3A_359 : memref<1x1x2x80xi32, #tpu.memory_space<hbm>> -> memref<2x80xi32, #tpu.memory_space<hbm>>
      tpu.enqueue_dma source(%dma_start3A_360 : memref<2x80xi32, #tpu.memory_space<hbm>>) target(%dma_start3A_356 : memref<2x80xi32, #tpu.memory_space<vmem>>) target_semaphore(%dma_start3A_352 : memref<!tpu.dma_semaphore, #tpu.memory_space<semaphore_mem>>)
      %dma_start3A_361 = arith.constant 2 : i32
      %dma_start3A_362 = arith.constant 2 : i32
      %dma_start3A_363 = arith.constant 2 : i32
      %dma_start3A_364 = arith.constant 0 : i32
      %dma_start3A_365 = arith.constant 0 : i32
      %dma_start3A_366 = tpu.memref_slice %arg6[%dma_start3A_362, %dma_start3A_364, %dma_start3A_365] : memref<8x2x80xi32, #tpu.memory_space<vmem>> -> memref<1x2x80xi32, #tpu.memory_space<vmem>>
      %dma_start3A_367 = tpu.memref_squeeze %dma_start3A_366 : memref<1x2x80xi32, #tpu.memory_space<vmem>> -> memref<2x80xi32, #tpu.memory_space<vmem>>
      %dma_start3A_368 = arith.constant 0 : i32
      %dma_start3A_369 = arith.constant 0 : i32
      %dma_start3A_370 = tpu.memref_slice %arg3[%arg1, %dma_start3A_361, %dma_start3A_368, %dma_start3A_369] : memref<16x250x2x80xi32, #tpu.memory_space<hbm>> -> memref<1x1x2x80xi32, #tpu.memory_space<hbm>>
      %dma_start3A_371 = tpu.memref_squeeze %dma_start3A_370 : memref<1x1x2x80xi32, #tpu.memory_space<hbm>> -> memref<2x80xi32, #tpu.memory_space<hbm>>
      %dma_start3A_372 = tpu.memref_slice %arg9[%dma_start3A_363] : memref<8x!tpu.dma_semaphore, #tpu.memory_space<semaphore_mem>> -> memref<1x!tpu.dma_semaphore, #tpu.memory_space<semaphore_mem>>
      %dma_start3A_373 = tpu.memref_squeeze %dma_start3A_372 : memref<1x!tpu.dma_semaphore, #tpu.memory_space<semaphore_mem>> -> memref<!tpu.dma_semaphore, #tpu.memory_space<semaphore_mem>>
      %dma_start3A_374 = arith.constant 0 : i32
      %dma_start3A_375 = arith.constant 0 : i32
      %dma_start3A_376 = tpu.memref_slice %arg6[%dma_start3A_362, %dma_start3A_374, %dma_start3A_375] : memref<8x2x80xi32, #tpu.memory_space<vmem>> -> memref<1x2x80xi32, #tpu.memory_space<vmem>>
      %dma_start3A_377 = tpu.memref_squeeze %dma_start3A_376 : memref<1x2x80xi32, #tpu.memory_space<vmem>> -> memref<2x80xi32, #tpu.memory_space<vmem>>
      %dma_start3A_378 = arith.constant 0 : i32
      %dma_start3A_379 = arith.constant 0 : i32
      %dma_start3A_380 = tpu.memref_slice %arg3[%arg1, %dma_start3A_361, %dma_start3A_378, %dma_start3A_379] : memref<16x250x2x80xi32, #tpu.memory_space<hbm>> -> memref<1x1x2x80xi32, #tpu.memory_space<hbm>>
      %dma_start3A_381 = tpu.memref_squeeze %dma_start3A_380 : memref<1x1x2x80xi32, #tpu.memory_space<hbm>> -> memref<2x80xi32, #tpu.memory_space<hbm>>
      tpu.enqueue_dma source(%dma_start3A_381 : memref<2x80xi32, #tpu.memory_space<hbm>>) target(%dma_start3A_377 : memref<2x80xi32, #tpu.memory_space<vmem>>) target_semaphore(%dma_start3A_373 : memref<!tpu.dma_semaphore, #tpu.memory_space<semaphore_mem>>)
      %dma_start3A_382 = arith.constant 3 : i32
      %dma_start3A_383 = arith.constant 3 : i32
      %dma_start3A_384 = arith.constant 3 : i32
      %dma_start3A_385 = arith.constant 0 : i32
      %dma_start3A_386 = arith.constant 0 : i32
      %dma_start3A_387 = tpu.memref_slice %arg6[%dma_start3A_383, %dma_start3A_385, %dma_start3A_386] : memref<8x2x80xi32, #tpu.memory_space<vmem>> -> memref<1x2x80xi32, #tpu.memory_space<vmem>>
      %dma_start3A_388 = tpu.memref_squeeze %dma_start3A_387 : memref<1x2x80xi32, #tpu.memory_space<vmem>> -> memref<2x80xi32, #tpu.memory_space<vmem>>
      %dma_start3A_389 = arith.constant 0 : i32
      %dma_start3A_390 = arith.constant 0 : i32
      %dma_start3A_391 = tpu.memref_slice %arg3[%arg1, %dma_start3A_382, %dma_start3A_389, %dma_start3A_390] : memref<16x250x2x80xi32, #tpu.memory_space<hbm>> -> memref<1x1x2x80xi32, #tpu.memory_space<hbm>>
      %dma_start3A_392 = tpu.memref_squeeze %dma_start3A_391 : memref<1x1x2x80xi32, #tpu.memory_space<hbm>> -> memref<2x80xi32, #tpu.memory_space<hbm>>
      %dma_start3A_393 = tpu.memref_slice %arg9[%dma_start3A_384] : memref<8x!tpu.dma_semaphore, #tpu.memory_space<semaphore_mem>> -> memref<1x!tpu.dma_semaphore, #tpu.memory_space<semaphore_mem>>
      %dma_start3A_394 = tpu.memref_squeeze %dma_start3A_393 : memref<1x!tpu.dma_semaphore, #tpu.memory_space<semaphore_mem>> -> memref<!tpu.dma_semaphore, #tpu.memory_space<semaphore_mem>>
      %dma_start3A_395 = arith.constant 0 : i32
      %dma_start3A_396 = arith.constant 0 : i32
      %dma_start3A_397 = tpu.memref_slice %arg6[%dma_start3A_383, %dma_start3A_395, %dma_start3A_396] : memref<8x2x80xi32, #tpu.memory_space<vmem>> -> memref<1x2x80xi32, #tpu.memory_space<vmem>>
      %dma_start3A_398 = tpu.memref_squeeze %dma_start3A_397 : memref<1x2x80xi32, #tpu.memory_space<vmem>> -> memref<2x80xi32, #tpu.memory_space<vmem>>
      %dma_start3A_399 = arith.constant 0 : i32
      %dma_start3A_400 = arith.constant 0 : i32
      %dma_start3A_401 = tpu.memref_slice %arg3[%arg1, %dma_start3A_382, %dma_start3A_399, %dma_start3A_400] : memref<16x250x2x80xi32, #tpu.memory_space<hbm>> -> memref<1x1x2x80xi32, #tpu.memory_space<hbm>>
      %dma_start3A_402 = tpu.memref_squeeze %dma_start3A_401 : memref<1x1x2x80xi32, #tpu.memory_space<hbm>> -> memref<2x80xi32, #tpu.memory_space<hbm>>
      tpu.enqueue_dma source(%dma_start3A_402 : memref<2x80xi32, #tpu.memory_space<hbm>>) target(%dma_start3A_398 : memref<2x80xi32, #tpu.memory_space<vmem>>) target_semaphore(%dma_start3A_394 : memref<!tpu.dma_semaphore, #tpu.memory_space<semaphore_mem>>)
      %dma_start3A_403 = arith.constant 4 : i32
      %dma_start3A_404 = arith.constant 4 : i32
      %dma_start3A_405 = arith.constant 4 : i32
      %dma_start3A_406 = arith.constant 0 : i32
      %dma_start3A_407 = arith.constant 0 : i32
      %dma_start3A_408 = tpu.memref_slice %arg6[%dma_start3A_404, %dma_start3A_406, %dma_start3A_407] : memref<8x2x80xi32, #tpu.memory_space<vmem>> -> memref<1x2x80xi32, #tpu.memory_space<vmem>>
      %dma_start3A_409 = tpu.memref_squeeze %dma_start3A_408 : memref<1x2x80xi32, #tpu.memory_space<vmem>> -> memref<2x80xi32, #tpu.memory_space<vmem>>
      %dma_start3A_410 = arith.constant 0 : i32
      %dma_start3A_411 = arith.constant 0 : i32
      %dma_start3A_412 = tpu.memref_slice %arg3[%arg1, %dma_start3A_403, %dma_start3A_410, %dma_start3A_411] : memref<16x250x2x80xi32, #tpu.memory_space<hbm>> -> memref<1x1x2x80xi32, #tpu.memory_space<hbm>>
      %dma_start3A_413 = tpu.memref_squeeze %dma_start3A_412 : memref<1x1x2x80xi32, #tpu.memory_space<hbm>> -> memref<2x80xi32, #tpu.memory_space<hbm>>
      %dma_start3A_414 = tpu.memref_slice %arg9[%dma_start3A_405] : memref<8x!tpu.dma_semaphore, #tpu.memory_space<semaphore_mem>> -> memref<1x!tpu.dma_semaphore, #tpu.memory_space<semaphore_mem>>
      %dma_start3A_415 = tpu.memref_squeeze %dma_start3A_414 : memref<1x!tpu.dma_semaphore, #tpu.memory_space<semaphore_mem>> -> memref<!tpu.dma_semaphore, #tpu.memory_space<semaphore_mem>>
      %dma_start3A_416 = arith.constant 0 : i32
      %dma_start3A_417 = arith.constant 0 : i32
      %dma_start3A_418 = tpu.memref_slice %arg6[%dma_start3A_404, %dma_start3A_416, %dma_start3A_417] : memref<8x2x80xi32, #tpu.memory_space<vmem>> -> memref<1x2x80xi32, #tpu.memory_space<vmem>>
      %dma_start3A_419 = tpu.memref_squeeze %dma_start3A_418 : memref<1x2x80xi32, #tpu.memory_space<vmem>> -> memref<2x80xi32, #tpu.memory_space<vmem>>
      %dma_start3A_420 = arith.constant 0 : i32
      %dma_start3A_421 = arith.constant 0 : i32
      %dma_start3A_422 = tpu.memref_slice %arg3[%arg1, %dma_start3A_403, %dma_start3A_420, %dma_start3A_421] : memref<16x250x2x80xi32, #tpu.memory_space<hbm>> -> memref<1x1x2x80xi32, #tpu.memory_space<hbm>>
      %dma_start3A_423 = tpu.memref_squeeze %dma_start3A_422 : memref<1x1x2x80xi32, #tpu.memory_space<hbm>> -> memref<2x80xi32, #tpu.memory_space<hbm>>
      tpu.enqueue_dma source(%dma_start3A_423 : memref<2x80xi32, #tpu.memory_space<hbm>>) target(%dma_start3A_419 : memref<2x80xi32, #tpu.memory_space<vmem>>) target_semaphore(%dma_start3A_415 : memref<!tpu.dma_semaphore, #tpu.memory_space<semaphore_mem>>)
      %dma_start3A_424 = arith.constant 5 : i32
      %dma_start3A_425 = arith.constant 5 : i32
      %dma_start3A_426 = arith.constant 5 : i32
      %dma_start3A_427 = arith.constant 0 : i32
      %dma_start3A_428 = arith.constant 0 : i32
      %dma_start3A_429 = tpu.memref_slice %arg6[%dma_start3A_425, %dma_start3A_427, %dma_start3A_428] : memref<8x2x80xi32, #tpu.memory_space<vmem>> -> memref<1x2x80xi32, #tpu.memory_space<vmem>>
      %dma_start3A_430 = tpu.memref_squeeze %dma_start3A_429 : memref<1x2x80xi32, #tpu.memory_space<vmem>> -> memref<2x80xi32, #tpu.memory_space<vmem>>
      %dma_start3A_431 = arith.constant 0 : i32
      %dma_start3A_432 = arith.constant 0 : i32
      %dma_start3A_433 = tpu.memref_slice %arg3[%arg1, %dma_start3A_424, %dma_start3A_431, %dma_start3A_432] : memref<16x250x2x80xi32, #tpu.memory_space<hbm>> -> memref<1x1x2x80xi32, #tpu.memory_space<hbm>>
      %dma_start3A_434 = tpu.memref_squeeze %dma_start3A_433 : memref<1x1x2x80xi32, #tpu.memory_space<hbm>> -> memref<2x80xi32, #tpu.memory_space<hbm>>
      %dma_start3A_435 = tpu.memref_slice %arg9[%dma_start3A_426] : memref<8x!tpu.dma_semaphore, #tpu.memory_space<semaphore_mem>> -> memref<1x!tpu.dma_semaphore, #tpu.memory_space<semaphore_mem>>
      %dma_start3A_436 = tpu.memref_squeeze %dma_start3A_435 : memref<1x!tpu.dma_semaphore, #tpu.memory_space<semaphore_mem>> -> memref<!tpu.dma_semaphore, #tpu.memory_space<semaphore_mem>>
      %dma_start3A_437 = arith.constant 0 : i32
      %dma_start3A_438 = arith.constant 0 : i32
      %dma_start3A_439 = tpu.memref_slice %arg6[%dma_start3A_425, %dma_start3A_437, %dma_start3A_438] : memref<8x2x80xi32, #tpu.memory_space<vmem>> -> memref<1x2x80xi32, #tpu.memory_space<vmem>>
      %dma_start3A_440 = tpu.memref_squeeze %dma_start3A_439 : memref<1x2x80xi32, #tpu.memory_space<vmem>> -> memref<2x80xi32, #tpu.memory_space<vmem>>
      %dma_start3A_441 = arith.constant 0 : i32
      %dma_start3A_442 = arith.constant 0 : i32
      %dma_start3A_443 = tpu.memref_slice %arg3[%arg1, %dma_start3A_424, %dma_start3A_441, %dma_start3A_442] : memref<16x250x2x80xi32, #tpu.memory_space<hbm>> -> memref<1x1x2x80xi32, #tpu.memory_space<hbm>>
      %dma_start3A_444 = tpu.memref_squeeze %dma_start3A_443 : memref<1x1x2x80xi32, #tpu.memory_space<hbm>> -> memref<2x80xi32, #tpu.memory_space<hbm>>
      tpu.enqueue_dma source(%dma_start3A_444 : memref<2x80xi32, #tpu.memory_space<hbm>>) target(%dma_start3A_440 : memref<2x80xi32, #tpu.memory_space<vmem>>) target_semaphore(%dma_start3A_436 : memref<!tpu.dma_semaphore, #tpu.memory_space<semaphore_mem>>)
      %dma_wait3A_445 = arith.constant 0 : i32
      %dma_wait3A_446 = arith.constant 0 : i32
      %dma_wait3A_447 = arith.constant 0 : i32
      %dma_wait3A_448 = arith.constant 0 : i32
      %dma_wait3A_449 = arith.constant 0 : i32
      %dma_wait3A_450 = tpu.memref_slice %arg6[%dma_wait3A_446, %dma_wait3A_448, %dma_wait3A_449] : memref<8x2x80xi32, #tpu.memory_space<vmem>> -> memref<1x2x80xi32, #tpu.memory_space<vmem>>
      %dma_wait3A_451 = tpu.memref_squeeze %dma_wait3A_450 : memref<1x2x80xi32, #tpu.memory_space<vmem>> -> memref<2x80xi32, #tpu.memory_space<vmem>>
      %dma_wait3A_452 = arith.constant 0 : i32
      %dma_wait3A_453 = arith.constant 0 : i32
      %dma_wait3A_454 = tpu.memref_slice %arg3[%arg1, %dma_wait3A_445, %dma_wait3A_452, %dma_wait3A_453] : memref<16x250x2x80xi32, #tpu.memory_space<hbm>> -> memref<1x1x2x80xi32, #tpu.memory_space<hbm>>
      %dma_wait3A_455 = tpu.memref_squeeze %dma_wait3A_454 : memref<1x1x2x80xi32, #tpu.memory_space<hbm>> -> memref<2x80xi32, #tpu.memory_space<hbm>>
      %dma_wait3A_456 = tpu.memref_slice %arg9[%dma_wait3A_447] : memref<8x!tpu.dma_semaphore, #tpu.memory_space<semaphore_mem>> -> memref<1x!tpu.dma_semaphore, #tpu.memory_space<semaphore_mem>>
      %dma_wait3A_457 = tpu.memref_squeeze %dma_wait3A_456 : memref<1x!tpu.dma_semaphore, #tpu.memory_space<semaphore_mem>> -> memref<!tpu.dma_semaphore, #tpu.memory_space<semaphore_mem>>
      %dma_wait3A_458 = arith.constant 0 : i32
      %dma_wait3A_459 = arith.constant 0 : i32
      %dma_wait3A_460 = tpu.memref_slice %arg6[%dma_wait3A_446, %dma_wait3A_458, %dma_wait3A_459] : memref<8x2x80xi32, #tpu.memory_space<vmem>> -> memref<1x2x80xi32, #tpu.memory_space<vmem>>
      %dma_wait3A_461 = tpu.memref_squeeze %dma_wait3A_460 : memref<1x2x80xi32, #tpu.memory_space<vmem>> -> memref<2x80xi32, #tpu.memory_space<vmem>>
      %dma_wait3A_462 = arith.constant 0 : i32
      %dma_wait3A_463 = arith.constant 0 : i32
      %dma_wait3A_464 = tpu.memref_slice %arg3[%arg1, %dma_wait3A_445, %dma_wait3A_462, %dma_wait3A_463] : memref<16x250x2x80xi32, #tpu.memory_space<hbm>> -> memref<1x1x2x80xi32, #tpu.memory_space<hbm>>
      %dma_wait3A_465 = tpu.memref_squeeze %dma_wait3A_464 : memref<1x1x2x80xi32, #tpu.memory_space<hbm>> -> memref<2x80xi32, #tpu.memory_space<hbm>>
      tpu.wait_dma2 semaphore(%dma_wait3A_457 : memref<!tpu.dma_semaphore, #tpu.memory_space<semaphore_mem>>) src(%dma_wait3A_465 : memref<2x80xi32, #tpu.memory_space<hbm>>) dst(%dma_wait3A_461 : memref<2x80xi32, #tpu.memory_space<vmem>>)
      %dma_start3A_466 = arith.constant 0 : i32
      %dma_start3A_467 = arith.constant 0 : i32
      %dma_start3A_468 = arith.constant 0 : i32
      %dma_start3A_469 = arith.constant 0 : i32
      %dma_start3A_470 = arith.constant 0 : i32
      %dma_start3A_471 = arith.constant 0 : i32
      %dma_start3A_472 = tpu.memref_slice %arg7[%dma_start3A_468, %dma_start3A_470, %dma_start3A_471] : memref<4x80x128xf32, #tpu.memory_space<vmem>> -> memref<1x80x128xf32, #tpu.memory_space<vmem>>
      %dma_start3A_473 = tpu.memref_squeeze %dma_start3A_472 : memref<1x80x128xf32, #tpu.memory_space<vmem>> -> memref<80x128xf32, #tpu.memory_space<vmem>>
      %dma_start3A_474 = arith.constant 0 : i32
      %dma_start3A_475 = tpu.memref_slice %arg6[%dma_start3A_466, %dma_start3A_467, %dma_start3A_474] : memref<8x2x80xi32, #tpu.memory_space<vmem>> -> memref<1x1x80xi32, #tpu.memory_space<vmem>>
      %dma_start3A_476 = tpu.memref_squeeze %dma_start3A_475 : memref<1x1x80xi32, #tpu.memory_space<vmem>> -> memref<80xi32, #tpu.memory_space<vmem>>
      %dma_start3A_477 = arith.constant 0 : i32
      %dma_start3A_478 = arith.constant 0 : i32
      %dma_start3A_479 = tpu.memref_slice %arg2[%dma_start3A_477, %dma_start3A_478] : memref<10000x128xf32, #tpu.memory_space<hbm>> -> memref<10000x128xf32, #tpu.memory_space<hbm>>
      %dma_start3A_480 = tpu.memref_slice %arg10[%dma_start3A_469] : memref<4x!tpu.dma_semaphore, #tpu.memory_space<semaphore_mem>> -> memref<1x!tpu.dma_semaphore, #tpu.memory_space<semaphore_mem>>
      %dma_start3A_481 = tpu.memref_squeeze %dma_start3A_480 : memref<1x!tpu.dma_semaphore, #tpu.memory_space<semaphore_mem>> -> memref<!tpu.dma_semaphore, #tpu.memory_space<semaphore_mem>>
      tpu.enqueue_indirect_dma source(%dma_start3A_479 : memref<10000x128xf32, #tpu.memory_space<hbm>>) target(%dma_start3A_473 : memref<80x128xf32, #tpu.memory_space<vmem>>) offsets(%dma_start3A_476 : memref<80xi32, #tpu.memory_space<vmem>>) semaphore(%dma_start3A_481 : memref<!tpu.dma_semaphore, #tpu.memory_space<semaphore_mem>>)
      %dma_wait3A_482 = arith.constant 1 : i32
      %dma_wait3A_483 = arith.constant 1 : i32
      %dma_wait3A_484 = arith.constant 1 : i32
      %dma_wait3A_485 = arith.constant 0 : i32
      %dma_wait3A_486 = arith.constant 0 : i32
      %dma_wait3A_487 = tpu.memref_slice %arg6[%dma_wait3A_483, %dma_wait3A_485, %dma_wait3A_486] : memref<8x2x80xi32, #tpu.memory_space<vmem>> -> memref<1x2x80xi32, #tpu.memory_space<vmem>>
      %dma_wait3A_488 = tpu.memref_squeeze %dma_wait3A_487 : memref<1x2x80xi32, #tpu.memory_space<vmem>> -> memref<2x80xi32, #tpu.memory_space<vmem>>
      %dma_wait3A_489 = arith.constant 0 : i32
      %dma_wait3A_490 = arith.constant 0 : i32
      %dma_wait3A_491 = tpu.memref_slice %arg3[%arg1, %dma_wait3A_482, %dma_wait3A_489, %dma_wait3A_490] : memref<16x250x2x80xi32, #tpu.memory_space<hbm>> -> memref<1x1x2x80xi32, #tpu.memory_space<hbm>>
      %dma_wait3A_492 = tpu.memref_squeeze %dma_wait3A_491 : memref<1x1x2x80xi32, #tpu.memory_space<hbm>> -> memref<2x80xi32, #tpu.memory_space<hbm>>
      %dma_wait3A_493 = tpu.memref_slice %arg9[%dma_wait3A_484] : memref<8x!tpu.dma_semaphore, #tpu.memory_space<semaphore_mem>> -> memref<1x!tpu.dma_semaphore, #tpu.memory_space<semaphore_mem>>
      %dma_wait3A_494 = tpu.memref_squeeze %dma_wait3A_493 : memref<1x!tpu.dma_semaphore, #tpu.memory_space<semaphore_mem>> -> memref<!tpu.dma_semaphore, #tpu.memory_space<semaphore_mem>>
      %dma_wait3A_495 = arith.constant 0 : i32
      %dma_wait3A_496 = arith.constant 0 : i32
      %dma_wait3A_497 = tpu.memref_slice %arg6[%dma_wait3A_483, %dma_wait3A_495, %dma_wait3A_496] : memref<8x2x80xi32, #tpu.memory_space<vmem>> -> memref<1x2x80xi32, #tpu.memory_space<vmem>>
      %dma_wait3A_498 = tpu.memref_squeeze %dma_wait3A_497 : memref<1x2x80xi32, #tpu.memory_space<vmem>> -> memref<2x80xi32, #tpu.memory_space<vmem>>
      %dma_wait3A_499 = arith.constant 0 : i32
      %dma_wait3A_500 = arith.constant 0 : i32
      %dma_wait3A_501 = tpu.memref_slice %arg3[%arg1, %dma_wait3A_482, %dma_wait3A_499, %dma_wait3A_500] : memref<16x250x2x80xi32, #tpu.memory_space<hbm>> -> memref<1x1x2x80xi32, #tpu.memory_space<hbm>>
      %dma_wait3A_502 = tpu.memref_squeeze %dma_wait3A_501 : memref<1x1x2x80xi32, #tpu.memory_space<hbm>> -> memref<2x80xi32, #tpu.memory_space<hbm>>
      tpu.wait_dma2 semaphore(%dma_wait3A_494 : memref<!tpu.dma_semaphore, #tpu.memory_space<semaphore_mem>>) src(%dma_wait3A_502 : memref<2x80xi32, #tpu.memory_space<hbm>>) dst(%dma_wait3A_498 : memref<2x80xi32, #tpu.memory_space<vmem>>)
      %dma_start3A_503 = arith.constant 1 : i32
      %dma_start3A_504 = arith.constant 0 : i32
      %dma_start3A_505 = arith.constant 1 : i32
      %dma_start3A_506 = arith.constant 1 : i32
      %dma_start3A_507 = arith.constant 0 : i32
      %dma_start3A_508 = arith.constant 0 : i32
      %dma_start3A_509 = tpu.memref_slice %arg7[%dma_start3A_505, %dma_start3A_507, %dma_start3A_508] : memref<4x80x128xf32, #tpu.memory_space<vmem>> -> memref<1x80x128xf32, #tpu.memory_space<vmem>>
      %dma_start3A_510 = tpu.memref_squeeze %dma_start3A_509 : memref<1x80x128xf32, #tpu.memory_space<vmem>> -> memref<80x128xf32, #tpu.memory_space<vmem>>
      %dma_start3A_511 = arith.constant 0 : i32
      %dma_start3A_512 = tpu.memref_slice %arg6[%dma_start3A_503, %dma_start3A_504, %dma_start3A_511] : memref<8x2x80xi32, #tpu.memory_space<vmem>> -> memref<1x1x80xi32, #tpu.memory_space<vmem>>
      %dma_start3A_513 = tpu.memref_squeeze %dma_start3A_512 : memref<1x1x80xi32, #tpu.memory_space<vmem>> -> memref<80xi32, #tpu.memory_space<vmem>>
      %dma_start3A_514 = arith.constant 0 : i32
      %dma_start3A_515 = arith.constant 0 : i32
      %dma_start3A_516 = tpu.memref_slice %arg2[%dma_start3A_514, %dma_start3A_515] : memref<10000x128xf32, #tpu.memory_space<hbm>> -> memref<10000x128xf32, #tpu.memory_space<hbm>>
      %dma_start3A_517 = tpu.memref_slice %arg10[%dma_start3A_506] : memref<4x!tpu.dma_semaphore, #tpu.memory_space<semaphore_mem>> -> memref<1x!tpu.dma_semaphore, #tpu.memory_space<semaphore_mem>>
      %dma_start3A_518 = tpu.memref_squeeze %dma_start3A_517 : memref<1x!tpu.dma_semaphore, #tpu.memory_space<semaphore_mem>> -> memref<!tpu.dma_semaphore, #tpu.memory_space<semaphore_mem>>
      tpu.enqueue_indirect_dma source(%dma_start3A_516 : memref<10000x128xf32, #tpu.memory_space<hbm>>) target(%dma_start3A_510 : memref<80x128xf32, #tpu.memory_space<vmem>>) offsets(%dma_start3A_513 : memref<80xi32, #tpu.memory_space<vmem>>) semaphore(%dma_start3A_518 : memref<!tpu.dma_semaphore, #tpu.memory_space<semaphore_mem>>)
      %scan3A_519 = arith.constant 0 : i32
      %scan3A_520 = arith.constant 250 : i32
      %scan3A_521 = arith.addi %scan3A_519, %scan3A_520 : i32
      %scan3A_522 = arith.constant 1 : i32
      scf.for %scan3A_556 = %scan3A_519 to %scan3A_521 step %scan3A_522  : i32 {
        %mul3A_557 = arith.constant 1 : i32
        %mul3A_558 = arith.muli %scan3A_556, %mul3A_557 : i32
        %add3A_559 = arith.constant 0 : i32
        %add3A_560 = arith.addi %add3A_559, %mul3A_558 : i32
        %ge3A = arith.constant 2 : i32
        %ge3A_561 = arith.cmpi sge, %add3A_560, %ge3A : i32
        %convert_element_type3A_562 = arith.extui %ge3A_561 : i1 to i32
        %cond3A_563 = arith.constant 0 : i32
        %cond3A_564 = arith.cmpi ne, %convert_element_type3A_562, %cond3A_563 : i32
        scf.if %cond3A_564 {
          %sub3A = arith.constant 2 : i32
          %sub3A_695 = arith.subi %add3A_560, %sub3A : i32
          %jit3A_696 = arith.constant 4 : i32
          %eq3A_697 = arith.constant 0 : i32
          %eq3A_698 = arith.cmpi eq, %jit3A_696, %eq3A_697 : i32
          %jit3A_699 = arith.constant 1 : i32
          %select_n3A_700 = arith.select %eq3A_698, %jit3A_699, %jit3A_696 : i32
          %rem3A_701 = arith.remsi %sub3A_695, %select_n3A_700 : i32
          %ne3A_702 = arith.constant 0 : i32
          %ne3A_703 = arith.cmpi ne, %rem3A_701, %ne3A_702 : i32
          %lt3A_704 = arith.constant 0 : i32
          %lt3A_705 = arith.cmpi slt, %rem3A_701, %lt3A_704 : i32
          %lt3A_706 = arith.constant 0 : i32
          %lt3A_707 = arith.cmpi slt, %select_n3A_700, %lt3A_706 : i32
          %ne3A_708 = arith.xori %lt3A_705, %lt3A_707 : i1
          %and3A_709 = arith.andi %ne3A_708, %ne3A_703 : i1
          %add3A_710 = arith.addi %rem3A_701, %select_n3A_700 : i32
          %select_n3A_711 = arith.select %and3A_709, %add3A_710, %rem3A_701 : i32
          %jit3A_712 = arith.constant 8 : i32
          %eq3A_713 = arith.constant 0 : i32
          %eq3A_714 = arith.cmpi eq, %jit3A_712, %eq3A_713 : i32
          %jit3A_715 = arith.constant 1 : i32
          %select_n3A_716 = arith.select %eq3A_714, %jit3A_715, %jit3A_712 : i32
          %rem3A_717 = arith.remsi %sub3A_695, %select_n3A_716 : i32
          %ne3A_718 = arith.constant 0 : i32
          %ne3A_719 = arith.cmpi ne, %rem3A_717, %ne3A_718 : i32
          %lt3A_720 = arith.constant 0 : i32
          %lt3A_721 = arith.cmpi slt, %rem3A_717, %lt3A_720 : i32
          %lt3A_722 = arith.constant 0 : i32
          %lt3A_723 = arith.cmpi slt, %select_n3A_716, %lt3A_722 : i32
          %ne3A_724 = arith.xori %lt3A_721, %lt3A_723 : i1
          %and3A_725 = arith.andi %ne3A_724, %ne3A_719 : i1
          %add3A_726 = arith.addi %rem3A_717, %select_n3A_716 : i32
          %select_n3A_727 = arith.select %and3A_725, %add3A_726, %rem3A_717 : i32
          %jit3A_728 = arith.constant 4 : i32
          %eq3A_729 = arith.constant 0 : i32
          %eq3A_730 = arith.cmpi eq, %jit3A_728, %eq3A_729 : i32
          %jit3A_731 = arith.constant 1 : i32
          %select_n3A_732 = arith.select %eq3A_730, %jit3A_731, %jit3A_728 : i32
          %rem3A_733 = arith.remsi %sub3A_695, %select_n3A_732 : i32
          %ne3A_734 = arith.constant 0 : i32
          %ne3A_735 = arith.cmpi ne, %rem3A_733, %ne3A_734 : i32
          %lt3A_736 = arith.constant 0 : i32
          %lt3A_737 = arith.cmpi slt, %rem3A_733, %lt3A_736 : i32
          %lt3A_738 = arith.constant 0 : i32
          %lt3A_739 = arith.cmpi slt, %select_n3A_732, %lt3A_738 : i32
          %ne3A_740 = arith.xori %lt3A_737, %lt3A_739 : i1
          %and3A_741 = arith.andi %ne3A_740, %ne3A_735 : i1
          %add3A_742 = arith.addi %rem3A_733, %select_n3A_732 : i32
          %select_n3A_743 = arith.select %and3A_741, %add3A_742, %rem3A_733 : i32
          %dma_wait3A_744 = arith.constant 1 : i32
          %dma_wait3A_745 = arith.constant 0 : i32
          %dma_wait3A_746 = arith.constant 0 : i32
          %dma_wait3A_747 = tpu.memref_slice %arg7[%select_n3A_711, %dma_wait3A_745, %dma_wait3A_746] : memref<4x80x128xf32, #tpu.memory_space<vmem>> -> memref<1x80x128xf32, #tpu.memory_space<vmem>>
          %dma_wait3A_748 = tpu.memref_squeeze %dma_wait3A_747 : memref<1x80x128xf32, #tpu.memory_space<vmem>> -> memref<80x128xf32, #tpu.memory_space<vmem>>
          %dma_wait3A_749 = arith.constant 0 : i32
          %dma_wait3A_750 = tpu.memref_slice %arg6[%select_n3A_727, %dma_wait3A_744, %dma_wait3A_749] : memref<8x2x80xi32, #tpu.memory_space<vmem>> -> memref<1x1x80xi32, #tpu.memory_space<vmem>>
          %dma_wait3A_751 = tpu.memref_squeeze %dma_wait3A_750 : memref<1x1x80xi32, #tpu.memory_space<vmem>> -> memref<80xi32, #tpu.memory_space<vmem>>
          %dma_wait3A_752 = arith.constant 0 : i32
          %dma_wait3A_753 = arith.constant 0 : i32
          %dma_wait3A_754 = tpu.memref_slice %arg8[%dma_wait3A_752, %dma_wait3A_753] : memref<10000x128xf32, #tpu.memory_space<vmem_shared>> -> memref<10000x128xf32, #tpu.memory_space<vmem_shared>>
          %dma_wait3A_755 = tpu.memref_slice %arg11[%select_n3A_743] : memref<4x!tpu.dma_semaphore, #tpu.memory_space<semaphore_mem>> -> memref<1x!tpu.dma_semaphore, #tpu.memory_space<semaphore_mem>>
          %dma_wait3A_756 = tpu.memref_squeeze %dma_wait3A_755 : memref<1x!tpu.dma_semaphore, #tpu.memory_space<semaphore_mem>> -> memref<!tpu.dma_semaphore, #tpu.memory_space<semaphore_mem>>
          tpu.wait_indirect_dma semaphore(%dma_wait3A_756 : memref<!tpu.dma_semaphore, #tpu.memory_space<semaphore_mem>>) src(%dma_wait3A_748 : memref<80x128xf32, #tpu.memory_space<vmem>>) dst(%dma_wait3A_754 : memref<10000x128xf32, #tpu.memory_space<vmem_shared>>)
        } else {
        }
        %add3A_565 = arith.constant 6 : i32
        %add3A_566 = arith.addi %add3A_560, %add3A_565 : i32
        %lt3A = arith.constant 250 : i32
        %lt3A_567 = arith.cmpi slt, %add3A_566, %lt3A : i32
        %convert_element_type3A_568 = arith.extui %lt3A_567 : i1 to i32
        %cond3A_569 = arith.constant 0 : i32
        %cond3A_570 = arith.cmpi ne, %convert_element_type3A_568, %cond3A_569 : i32
        scf.if %cond3A_570 {
          %add3A_695 = arith.constant 6 : i32
          %add3A_696 = arith.addi %add3A_560, %add3A_695 : i32
          %jit3A_697 = arith.constant 8 : i32
          %eq3A_698 = arith.constant 0 : i32
          %eq3A_699 = arith.cmpi eq, %jit3A_697, %eq3A_698 : i32
          %jit3A_700 = arith.constant 1 : i32
          %select_n3A_701 = arith.select %eq3A_699, %jit3A_700, %jit3A_697 : i32
          %rem3A_702 = arith.remsi %add3A_696, %select_n3A_701 : i32
          %ne3A_703 = arith.constant 0 : i32
          %ne3A_704 = arith.cmpi ne, %rem3A_702, %ne3A_703 : i32
          %lt3A_705 = arith.constant 0 : i32
          %lt3A_706 = arith.cmpi slt, %rem3A_702, %lt3A_705 : i32
          %lt3A_707 = arith.constant 0 : i32
          %lt3A_708 = arith.cmpi slt, %select_n3A_701, %lt3A_707 : i32
          %ne3A_709 = arith.xori %lt3A_706, %lt3A_708 : i1
          %and3A_710 = arith.andi %ne3A_709, %ne3A_704 : i1
          %add3A_711 = arith.addi %rem3A_702, %select_n3A_701 : i32
          %select_n3A_712 = arith.select %and3A_710, %add3A_711, %rem3A_702 : i32
          %jit3A_713 = arith.constant 8 : i32
          %eq3A_714 = arith.constant 0 : i32
          %eq3A_715 = arith.cmpi eq, %jit3A_713, %eq3A_714 : i32
          %jit3A_716 = arith.constant 1 : i32
          %select_n3A_717 = arith.select %eq3A_715, %jit3A_716, %jit3A_713 : i32
          %rem3A_718 = arith.remsi %add3A_696, %select_n3A_717 : i32
          %ne3A_719 = arith.constant 0 : i32
          %ne3A_720 = arith.cmpi ne, %rem3A_718, %ne3A_719 : i32
          %lt3A_721 = arith.constant 0 : i32
          %lt3A_722 = arith.cmpi slt, %rem3A_718, %lt3A_721 : i32
          %lt3A_723 = arith.constant 0 : i32
          %lt3A_724 = arith.cmpi slt, %select_n3A_717, %lt3A_723 : i32
          %ne3A_725 = arith.xori %lt3A_722, %lt3A_724 : i1
          %and3A_726 = arith.andi %ne3A_725, %ne3A_720 : i1
          %add3A_727 = arith.addi %rem3A_718, %select_n3A_717 : i32
          %select_n3A_728 = arith.select %and3A_726, %add3A_727, %rem3A_718 : i32
          %dma_start3A_729 = arith.constant 0 : i32
          %dma_start3A_730 = arith.constant 0 : i32
          %dma_start3A_731 = tpu.memref_slice %arg6[%select_n3A_712, %dma_start3A_729, %dma_start3A_730] : memref<8x2x80xi32, #tpu.memory_space<vmem>> -> memref<1x2x80xi32, #tpu.memory_space<vmem>>
          %dma_start3A_732 = tpu.memref_squeeze %dma_start3A_731 : memref<1x2x80xi32, #tpu.memory_space<vmem>> -> memref<2x80xi32, #tpu.memory_space<vmem>>
          %dma_start3A_733 = arith.constant 0 : i32
          %dma_start3A_734 = arith.constant 0 : i32
          %dma_start3A_735 = tpu.memref_slice %arg3[%arg1, %add3A_696, %dma_start3A_733, %dma_start3A_734] : memref<16x250x2x80xi32, #tpu.memory_space<hbm>> -> memref<1x1x2x80xi32, #tpu.memory_space<hbm>>
          %dma_start3A_736 = tpu.memref_squeeze %dma_start3A_735 : memref<1x1x2x80xi32, #tpu.memory_space<hbm>> -> memref<2x80xi32, #tpu.memory_space<hbm>>
          %dma_start3A_737 = tpu.memref_slice %arg9[%select_n3A_728] : memref<8x!tpu.dma_semaphore, #tpu.memory_space<semaphore_mem>> -> memref<1x!tpu.dma_semaphore, #tpu.memory_space<semaphore_mem>>
          %dma_start3A_738 = tpu.memref_squeeze %dma_start3A_737 : memref<1x!tpu.dma_semaphore, #tpu.memory_space<semaphore_mem>> -> memref<!tpu.dma_semaphore, #tpu.memory_space<semaphore_mem>>
          %dma_start3A_739 = arith.constant 0 : i32
          %dma_start3A_740 = arith.constant 0 : i32
          %dma_start3A_741 = tpu.memref_slice %arg6[%select_n3A_712, %dma_start3A_739, %dma_start3A_740] : memref<8x2x80xi32, #tpu.memory_space<vmem>> -> memref<1x2x80xi32, #tpu.memory_space<vmem>>
          %dma_start3A_742 = tpu.memref_squeeze %dma_start3A_741 : memref<1x2x80xi32, #tpu.memory_space<vmem>> -> memref<2x80xi32, #tpu.memory_space<vmem>>
          %dma_start3A_743 = arith.constant 0 : i32
          %dma_start3A_744 = arith.constant 0 : i32
          %dma_start3A_745 = tpu.memref_slice %arg3[%arg1, %add3A_696, %dma_start3A_743, %dma_start3A_744] : memref<16x250x2x80xi32, #tpu.memory_space<hbm>> -> memref<1x1x2x80xi32, #tpu.memory_space<hbm>>
          %dma_start3A_746 = tpu.memref_squeeze %dma_start3A_745 : memref<1x1x2x80xi32, #tpu.memory_space<hbm>> -> memref<2x80xi32, #tpu.memory_space<hbm>>
          tpu.enqueue_dma source(%dma_start3A_746 : memref<2x80xi32, #tpu.memory_space<hbm>>) target(%dma_start3A_742 : memref<2x80xi32, #tpu.memory_space<vmem>>) target_semaphore(%dma_start3A_738 : memref<!tpu.dma_semaphore, #tpu.memory_space<semaphore_mem>>)
        } else {
        }
        %add3A_571 = arith.constant 2 : i32
        %add3A_572 = arith.addi %add3A_560, %add3A_571 : i32
        %lt3A_573 = arith.constant 250 : i32
        %lt3A_574 = arith.cmpi slt, %add3A_572, %lt3A_573 : i32
        %convert_element_type3A_575 = arith.extui %lt3A_574 : i1 to i32
        %cond3A_576 = arith.constant 0 : i32
        %cond3A_577 = arith.cmpi ne, %convert_element_type3A_575, %cond3A_576 : i32
        scf.if %cond3A_577 {
          %add3A_695 = arith.constant 2 : i32
          %add3A_696 = arith.addi %add3A_560, %add3A_695 : i32
          %jit3A_697 = arith.constant 8 : i32
          %eq3A_698 = arith.constant 0 : i32
          %eq3A_699 = arith.cmpi eq, %jit3A_697, %eq3A_698 : i32
          %jit3A_700 = arith.constant 1 : i32
          %select_n3A_701 = arith.select %eq3A_699, %jit3A_700, %jit3A_697 : i32
          %rem3A_702 = arith.remsi %add3A_696, %select_n3A_701 : i32
          %ne3A_703 = arith.constant 0 : i32
          %ne3A_704 = arith.cmpi ne, %rem3A_702, %ne3A_703 : i32
          %lt3A_705 = arith.constant 0 : i32
          %lt3A_706 = arith.cmpi slt, %rem3A_702, %lt3A_705 : i32
          %lt3A_707 = arith.constant 0 : i32
          %lt3A_708 = arith.cmpi slt, %select_n3A_701, %lt3A_707 : i32
          %ne3A_709 = arith.xori %lt3A_706, %lt3A_708 : i1
          %and3A_710 = arith.andi %ne3A_709, %ne3A_704 : i1
          %add3A_711 = arith.addi %rem3A_702, %select_n3A_701 : i32
          %select_n3A_712 = arith.select %and3A_710, %add3A_711, %rem3A_702 : i32
          %jit3A_713 = arith.constant 8 : i32
          %eq3A_714 = arith.constant 0 : i32
          %eq3A_715 = arith.cmpi eq, %jit3A_713, %eq3A_714 : i32
          %jit3A_716 = arith.constant 1 : i32
          %select_n3A_717 = arith.select %eq3A_715, %jit3A_716, %jit3A_713 : i32
          %rem3A_718 = arith.remsi %add3A_696, %select_n3A_717 : i32
          %ne3A_719 = arith.constant 0 : i32
          %ne3A_720 = arith.cmpi ne, %rem3A_718, %ne3A_719 : i32
          %lt3A_721 = arith.constant 0 : i32
          %lt3A_722 = arith.cmpi slt, %rem3A_718, %lt3A_721 : i32
          %lt3A_723 = arith.constant 0 : i32
          %lt3A_724 = arith.cmpi slt, %select_n3A_717, %lt3A_723 : i32
          %ne3A_725 = arith.xori %lt3A_722, %lt3A_724 : i1
          %and3A_726 = arith.andi %ne3A_725, %ne3A_720 : i1
          %add3A_727 = arith.addi %rem3A_718, %select_n3A_717 : i32
          %select_n3A_728 = arith.select %and3A_726, %add3A_727, %rem3A_718 : i32
          %dma_wait3A_729 = arith.constant 0 : i32
          %dma_wait3A_730 = arith.constant 0 : i32
          %dma_wait3A_731 = tpu.memref_slice %arg6[%select_n3A_712, %dma_wait3A_729, %dma_wait3A_730] : memref<8x2x80xi32, #tpu.memory_space<vmem>> -> memref<1x2x80xi32, #tpu.memory_space<vmem>>
          %dma_wait3A_732 = tpu.memref_squeeze %dma_wait3A_731 : memref<1x2x80xi32, #tpu.memory_space<vmem>> -> memref<2x80xi32, #tpu.memory_space<vmem>>
          %dma_wait3A_733 = arith.constant 0 : i32
          %dma_wait3A_734 = arith.constant 0 : i32
          %dma_wait3A_735 = tpu.memref_slice %arg3[%arg1, %add3A_696, %dma_wait3A_733, %dma_wait3A_734] : memref<16x250x2x80xi32, #tpu.memory_space<hbm>> -> memref<1x1x2x80xi32, #tpu.memory_space<hbm>>
          %dma_wait3A_736 = tpu.memref_squeeze %dma_wait3A_735 : memref<1x1x2x80xi32, #tpu.memory_space<hbm>> -> memref<2x80xi32, #tpu.memory_space<hbm>>
          %dma_wait3A_737 = tpu.memref_slice %arg9[%select_n3A_728] : memref<8x!tpu.dma_semaphore, #tpu.memory_space<semaphore_mem>> -> memref<1x!tpu.dma_semaphore, #tpu.memory_space<semaphore_mem>>
          %dma_wait3A_738 = tpu.memref_squeeze %dma_wait3A_737 : memref<1x!tpu.dma_semaphore, #tpu.memory_space<semaphore_mem>> -> memref<!tpu.dma_semaphore, #tpu.memory_space<semaphore_mem>>
          %dma_wait3A_739 = arith.constant 0 : i32
          %dma_wait3A_740 = arith.constant 0 : i32
          %dma_wait3A_741 = tpu.memref_slice %arg6[%select_n3A_712, %dma_wait3A_739, %dma_wait3A_740] : memref<8x2x80xi32, #tpu.memory_space<vmem>> -> memref<1x2x80xi32, #tpu.memory_space<vmem>>
          %dma_wait3A_742 = tpu.memref_squeeze %dma_wait3A_741 : memref<1x2x80xi32, #tpu.memory_space<vmem>> -> memref<2x80xi32, #tpu.memory_space<vmem>>
          %dma_wait3A_743 = arith.constant 0 : i32
          %dma_wait3A_744 = arith.constant 0 : i32
          %dma_wait3A_745 = tpu.memref_slice %arg3[%arg1, %add3A_696, %dma_wait3A_743, %dma_wait3A_744] : memref<16x250x2x80xi32, #tpu.memory_space<hbm>> -> memref<1x1x2x80xi32, #tpu.memory_space<hbm>>
          %dma_wait3A_746 = tpu.memref_squeeze %dma_wait3A_745 : memref<1x1x2x80xi32, #tpu.memory_space<hbm>> -> memref<2x80xi32, #tpu.memory_space<hbm>>
          tpu.wait_dma2 semaphore(%dma_wait3A_738 : memref<!tpu.dma_semaphore, #tpu.memory_space<semaphore_mem>>) src(%dma_wait3A_746 : memref<2x80xi32, #tpu.memory_space<hbm>>) dst(%dma_wait3A_742 : memref<2x80xi32, #tpu.memory_space<vmem>>)
          %add3A_747 = arith.constant 2 : i32
          %add3A_748 = arith.addi %add3A_560, %add3A_747 : i32
          %jit3A_749 = arith.constant 8 : i32
          %eq3A_750 = arith.constant 0 : i32
          %eq3A_751 = arith.cmpi eq, %jit3A_749, %eq3A_750 : i32
          %jit3A_752 = arith.constant 1 : i32
          %select_n3A_753 = arith.select %eq3A_751, %jit3A_752, %jit3A_749 : i32
          %rem3A_754 = arith.remsi %add3A_748, %select_n3A_753 : i32
          %ne3A_755 = arith.constant 0 : i32
          %ne3A_756 = arith.cmpi ne, %rem3A_754, %ne3A_755 : i32
          %lt3A_757 = arith.constant 0 : i32
          %lt3A_758 = arith.cmpi slt, %rem3A_754, %lt3A_757 : i32
          %lt3A_759 = arith.constant 0 : i32
          %lt3A_760 = arith.cmpi slt, %select_n3A_753, %lt3A_759 : i32
          %ne3A_761 = arith.xori %lt3A_758, %lt3A_760 : i1
          %and3A_762 = arith.andi %ne3A_761, %ne3A_756 : i1
          %add3A_763 = arith.addi %rem3A_754, %select_n3A_753 : i32
          %select_n3A_764 = arith.select %and3A_762, %add3A_763, %rem3A_754 : i32
          %jit3A_765 = arith.constant 4 : i32
          %eq3A_766 = arith.constant 0 : i32
          %eq3A_767 = arith.cmpi eq, %jit3A_765, %eq3A_766 : i32
          %jit3A_768 = arith.constant 1 : i32
          %select_n3A_769 = arith.select %eq3A_767, %jit3A_768, %jit3A_765 : i32
          %rem3A_770 = arith.remsi %add3A_748, %select_n3A_769 : i32
          %ne3A_771 = arith.constant 0 : i32
          %ne3A_772 = arith.cmpi ne, %rem3A_770, %ne3A_771 : i32
          %lt3A_773 = arith.constant 0 : i32
          %lt3A_774 = arith.cmpi slt, %rem3A_770, %lt3A_773 : i32
          %lt3A_775 = arith.constant 0 : i32
          %lt3A_776 = arith.cmpi slt, %select_n3A_769, %lt3A_775 : i32
          %ne3A_777 = arith.xori %lt3A_774, %lt3A_776 : i1
          %and3A_778 = arith.andi %ne3A_777, %ne3A_772 : i1
          %add3A_779 = arith.addi %rem3A_770, %select_n3A_769 : i32
          %select_n3A_780 = arith.select %and3A_778, %add3A_779, %rem3A_770 : i32
          %jit3A_781 = arith.constant 4 : i32
          %eq3A_782 = arith.constant 0 : i32
          %eq3A_783 = arith.cmpi eq, %jit3A_781, %eq3A_782 : i32
          %jit3A_784 = arith.constant 1 : i32
          %select_n3A_785 = arith.select %eq3A_783, %jit3A_784, %jit3A_781 : i32
          %rem3A_786 = arith.remsi %add3A_748, %select_n3A_785 : i32
          %ne3A_787 = arith.constant 0 : i32
          %ne3A_788 = arith.cmpi ne, %rem3A_786, %ne3A_787 : i32
          %lt3A_789 = arith.constant 0 : i32
          %lt3A_790 = arith.cmpi slt, %rem3A_786, %lt3A_789 : i32
          %lt3A_791 = arith.constant 0 : i32
          %lt3A_792 = arith.cmpi slt, %select_n3A_785, %lt3A_791 : i32
          %ne3A_793 = arith.xori %lt3A_790, %lt3A_792 : i1
          %and3A_794 = arith.andi %ne3A_793, %ne3A_788 : i1
          %add3A_795 = arith.addi %rem3A_786, %select_n3A_785 : i32
          %select_n3A_796 = arith.select %and3A_794, %add3A_795, %rem3A_786 : i32
          %dma_start3A_797 = arith.constant 0 : i32
          %dma_start3A_798 = arith.constant 0 : i32
          %dma_start3A_799 = arith.constant 0 : i32
          %dma_start3A_800 = tpu.memref_slice %arg7[%select_n3A_780, %dma_start3A_798, %dma_start3A_799] : memref<4x80x128xf32, #tpu.memory_space<vmem>> -> memref<1x80x128xf32, #tpu.memory_space<vmem>>
          %dma_start3A_801 = tpu.memref_squeeze %dma_start3A_800 : memref<1x80x128xf32, #tpu.memory_space<vmem>> -> memref<80x128xf32, #tpu.memory_space<vmem>>
          %dma_start3A_802 = arith.constant 0 : i32
          %dma_start3A_803 = tpu.memref_slice %arg6[%select_n3A_764, %dma_start3A_797, %dma_start3A_802] : memref<8x2x80xi32, #tpu.memory_space<vmem>> -> memref<1x1x80xi32, #tpu.memory_space<vmem>>
          %dma_start3A_804 = tpu.memref_squeeze %dma_start3A_803 : memref<1x1x80xi32, #tpu.memory_space<vmem>> -> memref<80xi32, #tpu.memory_space<vmem>>
          %dma_start3A_805 = arith.constant 0 : i32
          %dma_start3A_806 = arith.constant 0 : i32
          %dma_start3A_807 = tpu.memref_slice %arg2[%dma_start3A_805, %dma_start3A_806] : memref<10000x128xf32, #tpu.memory_space<hbm>> -> memref<10000x128xf32, #tpu.memory_space<hbm>>
          %dma_start3A_808 = tpu.memref_slice %arg10[%select_n3A_796] : memref<4x!tpu.dma_semaphore, #tpu.memory_space<semaphore_mem>> -> memref<1x!tpu.dma_semaphore, #tpu.memory_space<semaphore_mem>>
          %dma_start3A_809 = tpu.memref_squeeze %dma_start3A_808 : memref<1x!tpu.dma_semaphore, #tpu.memory_space<semaphore_mem>> -> memref<!tpu.dma_semaphore, #tpu.memory_space<semaphore_mem>>
          tpu.enqueue_indirect_dma source(%dma_start3A_807 : memref<10000x128xf32, #tpu.memory_space<hbm>>) target(%dma_start3A_801 : memref<80x128xf32, #tpu.memory_space<vmem>>) offsets(%dma_start3A_804 : memref<80xi32, #tpu.memory_space<vmem>>) semaphore(%dma_start3A_809 : memref<!tpu.dma_semaphore, #tpu.memory_space<semaphore_mem>>)
        } else {
        }
        %jit3A = arith.constant 8 : i32
        %eq3A_578 = arith.constant 0 : i32
        %eq3A_579 = arith.cmpi eq, %jit3A, %eq3A_578 : i32
        %jit3A_580 = arith.constant 1 : i32
        %select_n3A = arith.select %eq3A_579, %jit3A_580, %jit3A : i32
        %rem3A = arith.remsi %add3A_560, %select_n3A : i32
        %ne3A = arith.constant 0 : i32
        %ne3A_581 = arith.cmpi ne, %rem3A, %ne3A : i32
        %lt3A_582 = arith.constant 0 : i32
        %lt3A_583 = arith.cmpi slt, %rem3A, %lt3A_582 : i32
        %lt3A_584 = arith.constant 0 : i32
        %lt3A_585 = arith.cmpi slt, %select_n3A, %lt3A_584 : i32
        %ne3A_586 = arith.xori %lt3A_583, %lt3A_585 : i1
        %and3A = arith.andi %ne3A_586, %ne3A_581 : i1
        %add3A_587 = arith.addi %rem3A, %select_n3A : i32
        %select_n3A_588 = arith.select %and3A, %add3A_587, %rem3A : i32
        %jit3A_589 = arith.constant 4 : i32
        %eq3A_590 = arith.constant 0 : i32
        %eq3A_591 = arith.cmpi eq, %jit3A_589, %eq3A_590 : i32
        %jit3A_592 = arith.constant 1 : i32
        %select_n3A_593 = arith.select %eq3A_591, %jit3A_592, %jit3A_589 : i32
        %rem3A_594 = arith.remsi %add3A_560, %select_n3A_593 : i32
        %ne3A_595 = arith.constant 0 : i32
        %ne3A_596 = arith.cmpi ne, %rem3A_594, %ne3A_595 : i32
        %lt3A_597 = arith.constant 0 : i32
        %lt3A_598 = arith.cmpi slt, %rem3A_594, %lt3A_597 : i32
        %lt3A_599 = arith.constant 0 : i32
        %lt3A_600 = arith.cmpi slt, %select_n3A_593, %lt3A_599 : i32
        %ne3A_601 = arith.xori %lt3A_598, %lt3A_600 : i1
        %and3A_602 = arith.andi %ne3A_601, %ne3A_596 : i1
        %add3A_603 = arith.addi %rem3A_594, %select_n3A_593 : i32
        %select_n3A_604 = arith.select %and3A_602, %add3A_603, %rem3A_594 : i32
        %jit3A_605 = arith.constant 4 : i32
        %eq3A_606 = arith.constant 0 : i32
        %eq3A_607 = arith.cmpi eq, %jit3A_605, %eq3A_606 : i32
        %jit3A_608 = arith.constant 1 : i32
        %select_n3A_609 = arith.select %eq3A_607, %jit3A_608, %jit3A_605 : i32
        %rem3A_610 = arith.remsi %add3A_560, %select_n3A_609 : i32
        %ne3A_611 = arith.constant 0 : i32
        %ne3A_612 = arith.cmpi ne, %rem3A_610, %ne3A_611 : i32
        %lt3A_613 = arith.constant 0 : i32
        %lt3A_614 = arith.cmpi slt, %rem3A_610, %lt3A_613 : i32
        %lt3A_615 = arith.constant 0 : i32
        %lt3A_616 = arith.cmpi slt, %select_n3A_609, %lt3A_615 : i32
        %ne3A_617 = arith.xori %lt3A_614, %lt3A_616 : i1
        %and3A_618 = arith.andi %ne3A_617, %ne3A_612 : i1
        %add3A_619 = arith.addi %rem3A_610, %select_n3A_609 : i32
        %select_n3A_620 = arith.select %and3A_618, %add3A_619, %rem3A_610 : i32
        %dma_wait3A_621 = arith.constant 0 : i32
        %dma_wait3A_622 = arith.constant 0 : i32
        %dma_wait3A_623 = arith.constant 0 : i32
        %dma_wait3A_624 = tpu.memref_slice %arg7[%select_n3A_604, %dma_wait3A_622, %dma_wait3A_623] : memref<4x80x128xf32, #tpu.memory_space<vmem>> -> memref<1x80x128xf32, #tpu.memory_space<vmem>>
        %dma_wait3A_625 = tpu.memref_squeeze %dma_wait3A_624 : memref<1x80x128xf32, #tpu.memory_space<vmem>> -> memref<80x128xf32, #tpu.memory_space<vmem>>
        %dma_wait3A_626 = arith.constant 0 : i32
        %dma_wait3A_627 = tpu.memref_slice %arg6[%select_n3A_588, %dma_wait3A_621, %dma_wait3A_626] : memref<8x2x80xi32, #tpu.memory_space<vmem>> -> memref<1x1x80xi32, #tpu.memory_space<vmem>>
        %dma_wait3A_628 = tpu.memref_squeeze %dma_wait3A_627 : memref<1x1x80xi32, #tpu.memory_space<vmem>> -> memref<80xi32, #tpu.memory_space<vmem>>
        %dma_wait3A_629 = arith.constant 0 : i32
        %dma_wait3A_630 = arith.constant 0 : i32
        %dma_wait3A_631 = tpu.memref_slice %arg2[%dma_wait3A_629, %dma_wait3A_630] : memref<10000x128xf32, #tpu.memory_space<hbm>> -> memref<10000x128xf32, #tpu.memory_space<hbm>>
        %dma_wait3A_632 = tpu.memref_slice %arg10[%select_n3A_620] : memref<4x!tpu.dma_semaphore, #tpu.memory_space<semaphore_mem>> -> memref<1x!tpu.dma_semaphore, #tpu.memory_space<semaphore_mem>>
        %dma_wait3A_633 = tpu.memref_squeeze %dma_wait3A_632 : memref<1x!tpu.dma_semaphore, #tpu.memory_space<semaphore_mem>> -> memref<!tpu.dma_semaphore, #tpu.memory_space<semaphore_mem>>
        tpu.wait_indirect_dma semaphore(%dma_wait3A_633 : memref<!tpu.dma_semaphore, #tpu.memory_space<semaphore_mem>>) src(%dma_wait3A_631 : memref<10000x128xf32, #tpu.memory_space<hbm>>) dst(%dma_wait3A_625 : memref<80x128xf32, #tpu.memory_space<vmem>>)
        %jit3A_634 = arith.constant 4 : i32
        %eq3A_635 = arith.constant 0 : i32
        %eq3A_636 = arith.cmpi eq, %jit3A_634, %eq3A_635 : i32
        %jit3A_637 = arith.constant 1 : i32
        %select_n3A_638 = arith.select %eq3A_636, %jit3A_637, %jit3A_634 : i32
        %rem3A_639 = arith.remsi %add3A_560, %select_n3A_638 : i32
        %ne3A_640 = arith.constant 0 : i32
        %ne3A_641 = arith.cmpi ne, %rem3A_639, %ne3A_640 : i32
        %lt3A_642 = arith.constant 0 : i32
        %lt3A_643 = arith.cmpi slt, %rem3A_639, %lt3A_642 : i32
        %lt3A_644 = arith.constant 0 : i32
        %lt3A_645 = arith.cmpi slt, %select_n3A_638, %lt3A_644 : i32
        %ne3A_646 = arith.xori %lt3A_643, %lt3A_645 : i1
        %and3A_647 = arith.andi %ne3A_646, %ne3A_641 : i1
        %add3A_648 = arith.addi %rem3A_639, %select_n3A_638 : i32
        %select_n3A_649 = arith.select %and3A_647, %add3A_648, %rem3A_639 : i32
        %jit3A_650 = arith.constant 8 : i32
        %eq3A_651 = arith.constant 0 : i32
        %eq3A_652 = arith.cmpi eq, %jit3A_650, %eq3A_651 : i32
        %jit3A_653 = arith.constant 1 : i32
        %select_n3A_654 = arith.select %eq3A_652, %jit3A_653, %jit3A_650 : i32
        %rem3A_655 = arith.remsi %add3A_560, %select_n3A_654 : i32
        %ne3A_656 = arith.constant 0 : i32
        %ne3A_657 = arith.cmpi ne, %rem3A_655, %ne3A_656 : i32
        %lt3A_658 = arith.constant 0 : i32
        %lt3A_659 = arith.cmpi slt, %rem3A_655, %lt3A_658 : i32
        %lt3A_660 = arith.constant 0 : i32
        %lt3A_661 = arith.cmpi slt, %select_n3A_654, %lt3A_660 : i32
        %ne3A_662 = arith.xori %lt3A_659, %lt3A_661 : i1
        %and3A_663 = arith.andi %ne3A_662, %ne3A_657 : i1
        %add3A_664 = arith.addi %rem3A_655, %select_n3A_654 : i32
        %select_n3A_665 = arith.select %and3A_663, %add3A_664, %rem3A_655 : i32
        %jit3A_666 = arith.constant 4 : i32
        %eq3A_667 = arith.constant 0 : i32
        %eq3A_668 = arith.cmpi eq, %jit3A_666, %eq3A_667 : i32
        %jit3A_669 = arith.constant 1 : i32
        %select_n3A_670 = arith.select %eq3A_668, %jit3A_669, %jit3A_666 : i32
        %rem3A_671 = arith.remsi %add3A_560, %select_n3A_670 : i32
        %ne3A_672 = arith.constant 0 : i32
        %ne3A_673 = arith.cmpi ne, %rem3A_671, %ne3A_672 : i32
        %lt3A_674 = arith.constant 0 : i32
        %lt3A_675 = arith.cmpi slt, %rem3A_671, %lt3A_674 : i32
        %lt3A_676 = arith.constant 0 : i32
        %lt3A_677 = arith.cmpi slt, %select_n3A_670, %lt3A_676 : i32
        %ne3A_678 = arith.xori %lt3A_675, %lt3A_677 : i1
        %and3A_679 = arith.andi %ne3A_678, %ne3A_673 : i1
        %add3A_680 = arith.addi %rem3A_671, %select_n3A_670 : i32
        %select_n3A_681 = arith.select %and3A_679, %add3A_680, %rem3A_671 : i32
        %dma_start3A_682 = arith.constant 1 : i32
        %dma_start3A_683 = arith.constant 0 : i32
        %dma_start3A_684 = arith.constant 0 : i32
        %dma_start3A_685 = tpu.memref_slice %arg7[%select_n3A_649, %dma_start3A_683, %dma_start3A_684] : memref<4x80x128xf32, #tpu.memory_space<vmem>> -> memref<1x80x128xf32, #tpu.memory_space<vmem>>
        %dma_start3A_686 = tpu.memref_squeeze %dma_start3A_685 : memref<1x80x128xf32, #tpu.memory_space<vmem>> -> memref<80x128xf32, #tpu.memory_space<vmem>>
        %dma_start3A_687 = arith.constant 0 : i32
        %dma_start3A_688 = tpu.memref_slice %arg6[%select_n3A_665, %dma_start3A_682, %dma_start3A_687] : memref<8x2x80xi32, #tpu.memory_space<vmem>> -> memref<1x1x80xi32, #tpu.memory_space<vmem>>
        %dma_start3A_689 = tpu.memref_squeeze %dma_start3A_688 : memref<1x1x80xi32, #tpu.memory_space<vmem>> -> memref<80xi32, #tpu.memory_space<vmem>>
        %dma_start3A_690 = arith.constant 0 : i32
        %dma_start3A_691 = arith.constant 0 : i32
        %dma_start3A_692 = tpu.memref_slice %arg8[%dma_start3A_690, %dma_start3A_691] : memref<10000x128xf32, #tpu.memory_space<vmem_shared>> -> memref<10000x128xf32, #tpu.memory_space<vmem_shared>>
        %dma_start3A_693 = tpu.memref_slice %arg11[%select_n3A_681] : memref<4x!tpu.dma_semaphore, #tpu.memory_space<semaphore_mem>> -> memref<1x!tpu.dma_semaphore, #tpu.memory_space<semaphore_mem>>
        %dma_start3A_694 = tpu.memref_squeeze %dma_start3A_693 : memref<1x!tpu.dma_semaphore, #tpu.memory_space<semaphore_mem>> -> memref<!tpu.dma_semaphore, #tpu.memory_space<semaphore_mem>>
        tpu.enqueue_indirect_dma source(%dma_start3A_686 : memref<80x128xf32, #tpu.memory_space<vmem>>) target(%dma_start3A_692 : memref<10000x128xf32, #tpu.memory_space<vmem_shared>>) offsets(%dma_start3A_689 : memref<80xi32, #tpu.memory_space<vmem>>) semaphore(%dma_start3A_694 : memref<!tpu.dma_semaphore, #tpu.memory_space<semaphore_mem>>) {add = true}
      }
      %scan3A_523 = arith.constant 250 : i32
      %dma_wait3A_524 = arith.constant 0 : i32
      %dma_wait3A_525 = arith.constant 0 : i32
      %dma_wait3A_526 = arith.constant 1 : i32
      %dma_wait3A_527 = arith.constant 0 : i32
      %dma_wait3A_528 = arith.constant 0 : i32
      %dma_wait3A_529 = arith.constant 0 : i32
      %dma_wait3A_530 = tpu.memref_slice %arg7[%dma_wait3A_524, %dma_wait3A_528, %dma_wait3A_529] : memref<4x80x128xf32, #tpu.memory_space<vmem>> -> memref<1x80x128xf32, #tpu.memory_space<vmem>>
      %dma_wait3A_531 = tpu.memref_squeeze %dma_wait3A_530 : memref<1x80x128xf32, #tpu.memory_space<vmem>> -> memref<80x128xf32, #tpu.memory_space<vmem>>
      %dma_wait3A_532 = arith.constant 0 : i32
      %dma_wait3A_533 = tpu.memref_slice %arg6[%dma_wait3A_525, %dma_wait3A_526, %dma_wait3A_532] : memref<8x2x80xi32, #tpu.memory_space<vmem>> -> memref<1x1x80xi32, #tpu.memory_space<vmem>>
      %dma_wait3A_534 = tpu.memref_squeeze %dma_wait3A_533 : memref<1x1x80xi32, #tpu.memory_space<vmem>> -> memref<80xi32, #tpu.memory_space<vmem>>
      %dma_wait3A_535 = arith.constant 0 : i32
      %dma_wait3A_536 = arith.constant 0 : i32
      %dma_wait3A_537 = tpu.memref_slice %arg8[%dma_wait3A_535, %dma_wait3A_536] : memref<10000x128xf32, #tpu.memory_space<vmem_shared>> -> memref<10000x128xf32, #tpu.memory_space<vmem_shared>>
      %dma_wait3A_538 = tpu.memref_slice %arg11[%dma_wait3A_527] : memref<4x!tpu.dma_semaphore, #tpu.memory_space<semaphore_mem>> -> memref<1x!tpu.dma_semaphore, #tpu.memory_space<semaphore_mem>>
      %dma_wait3A_539 = tpu.memref_squeeze %dma_wait3A_538 : memref<1x!tpu.dma_semaphore, #tpu.memory_space<semaphore_mem>> -> memref<!tpu.dma_semaphore, #tpu.memory_space<semaphore_mem>>
      tpu.wait_indirect_dma semaphore(%dma_wait3A_539 : memref<!tpu.dma_semaphore, #tpu.memory_space<semaphore_mem>>) src(%dma_wait3A_531 : memref<80x128xf32, #tpu.memory_space<vmem>>) dst(%dma_wait3A_537 : memref<10000x128xf32, #tpu.memory_space<vmem_shared>>)
      %dma_wait3A_540 = arith.constant 1 : i32
      %dma_wait3A_541 = arith.constant 1 : i32
      %dma_wait3A_542 = arith.constant 1 : i32
      %dma_wait3A_543 = arith.constant 1 : i32
      %dma_wait3A_544 = arith.constant 0 : i32
      %dma_wait3A_545 = arith.constant 0 : i32
      %dma_wait3A_546 = tpu.memref_slice %arg7[%dma_wait3A_540, %dma_wait3A_544, %dma_wait3A_545] : memref<4x80x128xf32, #tpu.memory_space<vmem>> -> memref<1x80x128xf32, #tpu.memory_space<vmem>>
      %dma_wait3A_547 = tpu.memref_squeeze %dma_wait3A_546 : memref<1x80x128xf32, #tpu.memory_space<vmem>> -> memref<80x128xf32, #tpu.memory_space<vmem>>
      %dma_wait3A_548 = arith.constant 0 : i32
      %dma_wait3A_549 = tpu.memref_slice %arg6[%dma_wait3A_541, %dma_wait3A_542, %dma_wait3A_548] : memref<8x2x80xi32, #tpu.memory_space<vmem>> -> memref<1x1x80xi32, #tpu.memory_space<vmem>>
      %dma_wait3A_550 = tpu.memref_squeeze %dma_wait3A_549 : memref<1x1x80xi32, #tpu.memory_space<vmem>> -> memref<80xi32, #tpu.memory_space<vmem>>
      %dma_wait3A_551 = arith.constant 0 : i32
      %dma_wait3A_552 = arith.constant 0 : i32
      %dma_wait3A_553 = tpu.memref_slice %arg8[%dma_wait3A_551, %dma_wait3A_552] : memref<10000x128xf32, #tpu.memory_space<vmem_shared>> -> memref<10000x128xf32, #tpu.memory_space<vmem_shared>>
      %dma_wait3A_554 = tpu.memref_slice %arg11[%dma_wait3A_543] : memref<4x!tpu.dma_semaphore, #tpu.memory_space<semaphore_mem>> -> memref<1x!tpu.dma_semaphore, #tpu.memory_space<semaphore_mem>>
      %dma_wait3A_555 = tpu.memref_squeeze %dma_wait3A_554 : memref<1x!tpu.dma_semaphore, #tpu.memory_space<semaphore_mem>> -> memref<!tpu.dma_semaphore, #tpu.memory_space<semaphore_mem>>
      tpu.wait_indirect_dma semaphore(%dma_wait3A_555 : memref<!tpu.dma_semaphore, #tpu.memory_space<semaphore_mem>>) src(%dma_wait3A_547 : memref<80x128xf32, #tpu.memory_space<vmem>>) dst(%dma_wait3A_553 : memref<10000x128xf32, #tpu.memory_space<vmem_shared>>)
    } else {
    }
    %eq3A_303 = arith.constant 1 : i32
    %eq3A_304 = arith.cmpi eq, %arg0, %eq3A_303 : i32
    %convert_element_type3A_305 = arith.extui %eq3A_304 : i1 to i32
    %cond3A_306 = arith.constant 0 : i32
    %cond3A_307 = arith.cmpi ne, %convert_element_type3A_305, %cond3A_306 : i32
    scf.if %cond3A_307 {
      %dma_start3A_319 = arith.constant 0 : i32
      %dma_start3A_320 = arith.constant 0 : i32
      %dma_start3A_321 = arith.constant 0 : i32
      %dma_start3A_322 = arith.constant 0 : i32
      %dma_start3A_323 = arith.constant 0 : i32
      %dma_start3A_324 = tpu.memref_slice %arg6[%dma_start3A_320, %dma_start3A_322, %dma_start3A_323] : memref<8x2x80xi32, #tpu.memory_space<vmem>> -> memref<1x2x80xi32, #tpu.memory_space<vmem>>
      %dma_start3A_325 = tpu.memref_squeeze %dma_start3A_324 : memref<1x2x80xi32, #tpu.memory_space<vmem>> -> memref<2x80xi32, #tpu.memory_space<vmem>>
      %dma_start3A_326 = arith.constant 0 : i32
      %dma_start3A_327 = arith.constant 0 : i32
      %dma_start3A_328 = tpu.memref_slice %arg3[%arg1, %dma_start3A_319, %dma_start3A_326, %dma_start3A_327] : memref<16x250x2x80xi32, #tpu.memory_space<hbm>> -> memref<1x1x2x80xi32, #tpu.memory_space<hbm>>
      %dma_start3A_329 = tpu.memref_squeeze %dma_start3A_328 : memref<1x1x2x80xi32, #tpu.memory_space<hbm>> -> memref<2x80xi32, #tpu.memory_space<hbm>>
      %dma_start3A_330 = tpu.memref_slice %arg9[%dma_start3A_321] : memref<8x!tpu.dma_semaphore, #tpu.memory_space<semaphore_mem>> -> memref<1x!tpu.dma_semaphore, #tpu.memory_space<semaphore_mem>>
      %dma_start3A_331 = tpu.memref_squeeze %dma_start3A_330 : memref<1x!tpu.dma_semaphore, #tpu.memory_space<semaphore_mem>> -> memref<!tpu.dma_semaphore, #tpu.memory_space<semaphore_mem>>
      %dma_start3A_332 = arith.constant 0 : i32
      %dma_start3A_333 = arith.constant 0 : i32
      %dma_start3A_334 = tpu.memref_slice %arg6[%dma_start3A_320, %dma_start3A_332, %dma_start3A_333] : memref<8x2x80xi32, #tpu.memory_space<vmem>> -> memref<1x2x80xi32, #tpu.memory_space<vmem>>
      %dma_start3A_335 = tpu.memref_squeeze %dma_start3A_334 : memref<1x2x80xi32, #tpu.memory_space<vmem>> -> memref<2x80xi32, #tpu.memory_space<vmem>>
      %dma_start3A_336 = arith.constant 0 : i32
      %dma_start3A_337 = arith.constant 0 : i32
      %dma_start3A_338 = tpu.memref_slice %arg3[%arg1, %dma_start3A_319, %dma_start3A_336, %dma_start3A_337] : memref<16x250x2x80xi32, #tpu.memory_space<hbm>> -> memref<1x1x2x80xi32, #tpu.memory_space<hbm>>
      %dma_start3A_339 = tpu.memref_squeeze %dma_start3A_338 : memref<1x1x2x80xi32, #tpu.memory_space<hbm>> -> memref<2x80xi32, #tpu.memory_space<hbm>>
      tpu.enqueue_dma source(%dma_start3A_339 : memref<2x80xi32, #tpu.memory_space<hbm>>) target(%dma_start3A_335 : memref<2x80xi32, #tpu.memory_space<vmem>>) target_semaphore(%dma_start3A_331 : memref<!tpu.dma_semaphore, #tpu.memory_space<semaphore_mem>>)
      %dma_start3A_340 = arith.constant 1 : i32
      %dma_start3A_341 = arith.constant 1 : i32
      %dma_start3A_342 = arith.constant 1 : i32
      %dma_start3A_343 = arith.constant 0 : i32
      %dma_start3A_344 = arith.constant 0 : i32
      %dma_start3A_345 = tpu.memref_slice %arg6[%dma_start3A_341, %dma_start3A_343, %dma_start3A_344] : memref<8x2x80xi32, #tpu.memory_space<vmem>> -> memref<1x2x80xi32, #tpu.memory_space<vmem>>
      %dma_start3A_346 = tpu.memref_squeeze %dma_start3A_345 : memref<1x2x80xi32, #tpu.memory_space<vmem>> -> memref<2x80xi32, #tpu.memory_space<vmem>>
      %dma_start3A_347 = arith.constant 0 : i32
      %dma_start3A_348 = arith.constant 0 : i32
      %dma_start3A_349 = tpu.memref_slice %arg3[%arg1, %dma_start3A_340, %dma_start3A_347, %dma_start3A_348] : memref<16x250x2x80xi32, #tpu.memory_space<hbm>> -> memref<1x1x2x80xi32, #tpu.memory_space<hbm>>
      %dma_start3A_350 = tpu.memref_squeeze %dma_start3A_349 : memref<1x1x2x80xi32, #tpu.memory_space<hbm>> -> memref<2x80xi32, #tpu.memory_space<hbm>>
      %dma_start3A_351 = tpu.memref_slice %arg9[%dma_start3A_342] : memref<8x!tpu.dma_semaphore, #tpu.memory_space<semaphore_mem>> -> memref<1x!tpu.dma_semaphore, #tpu.memory_space<semaphore_mem>>
      %dma_start3A_352 = tpu.memref_squeeze %dma_start3A_351 : memref<1x!tpu.dma_semaphore, #tpu.memory_space<semaphore_mem>> -> memref<!tpu.dma_semaphore, #tpu.memory_space<semaphore_mem>>
      %dma_start3A_353 = arith.constant 0 : i32
      %dma_start3A_354 = arith.constant 0 : i32
      %dma_start3A_355 = tpu.memref_slice %arg6[%dma_start3A_341, %dma_start3A_353, %dma_start3A_354] : memref<8x2x80xi32, #tpu.memory_space<vmem>> -> memref<1x2x80xi32, #tpu.memory_space<vmem>>
      %dma_start3A_356 = tpu.memref_squeeze %dma_start3A_355 : memref<1x2x80xi32, #tpu.memory_space<vmem>> -> memref<2x80xi32, #tpu.memory_space<vmem>>
      %dma_start3A_357 = arith.constant 0 : i32
      %dma_start3A_358 = arith.constant 0 : i32
      %dma_start3A_359 = tpu.memref_slice %arg3[%arg1, %dma_start3A_340, %dma_start3A_357, %dma_start3A_358] : memref<16x250x2x80xi32, #tpu.memory_space<hbm>> -> memref<1x1x2x80xi32, #tpu.memory_space<hbm>>
      %dma_start3A_360 = tpu.memref_squeeze %dma_start3A_359 : memref<1x1x2x80xi32, #tpu.memory_space<hbm>> -> memref<2x80xi32, #tpu.memory_space<hbm>>
      tpu.enqueue_dma source(%dma_start3A_360 : memref<2x80xi32, #tpu.memory_space<hbm>>) target(%dma_start3A_356 : memref<2x80xi32, #tpu.memory_space<vmem>>) target_semaphore(%dma_start3A_352 : memref<!tpu.dma_semaphore, #tpu.memory_space<semaphore_mem>>)
      %dma_start3A_361 = arith.constant 2 : i32
      %dma_start3A_362 = arith.constant 2 : i32
      %dma_start3A_363 = arith.constant 2 : i32
      %dma_start3A_364 = arith.constant 0 : i32
      %dma_start3A_365 = arith.constant 0 : i32
      %dma_start3A_366 = tpu.memref_slice %arg6[%dma_start3A_362, %dma_start3A_364, %dma_start3A_365] : memref<8x2x80xi32, #tpu.memory_space<vmem>> -> memref<1x2x80xi32, #tpu.memory_space<vmem>>
      %dma_start3A_367 = tpu.memref_squeeze %dma_start3A_366 : memref<1x2x80xi32, #tpu.memory_space<vmem>> -> memref<2x80xi32, #tpu.memory_space<vmem>>
      %dma_start3A_368 = arith.constant 0 : i32
      %dma_start3A_369 = arith.constant 0 : i32
      %dma_start3A_370 = tpu.memref_slice %arg3[%arg1, %dma_start3A_361, %dma_start3A_368, %dma_start3A_369] : memref<16x250x2x80xi32, #tpu.memory_space<hbm>> -> memref<1x1x2x80xi32, #tpu.memory_space<hbm>>
      %dma_start3A_371 = tpu.memref_squeeze %dma_start3A_370 : memref<1x1x2x80xi32, #tpu.memory_space<hbm>> -> memref<2x80xi32, #tpu.memory_space<hbm>>
      %dma_start3A_372 = tpu.memref_slice %arg9[%dma_start3A_363] : memref<8x!tpu.dma_semaphore, #tpu.memory_space<semaphore_mem>> -> memref<1x!tpu.dma_semaphore, #tpu.memory_space<semaphore_mem>>
      %dma_start3A_373 = tpu.memref_squeeze %dma_start3A_372 : memref<1x!tpu.dma_semaphore, #tpu.memory_space<semaphore_mem>> -> memref<!tpu.dma_semaphore, #tpu.memory_space<semaphore_mem>>
      %dma_start3A_374 = arith.constant 0 : i32
      %dma_start3A_375 = arith.constant 0 : i32
      %dma_start3A_376 = tpu.memref_slice %arg6[%dma_start3A_362, %dma_start3A_374, %dma_start3A_375] : memref<8x2x80xi32, #tpu.memory_space<vmem>> -> memref<1x2x80xi32, #tpu.memory_space<vmem>>
      %dma_start3A_377 = tpu.memref_squeeze %dma_start3A_376 : memref<1x2x80xi32, #tpu.memory_space<vmem>> -> memref<2x80xi32, #tpu.memory_space<vmem>>
      %dma_start3A_378 = arith.constant 0 : i32
      %dma_start3A_379 = arith.constant 0 : i32
      %dma_start3A_380 = tpu.memref_slice %arg3[%arg1, %dma_start3A_361, %dma_start3A_378, %dma_start3A_379] : memref<16x250x2x80xi32, #tpu.memory_space<hbm>> -> memref<1x1x2x80xi32, #tpu.memory_space<hbm>>
      %dma_start3A_381 = tpu.memref_squeeze %dma_start3A_380 : memref<1x1x2x80xi32, #tpu.memory_space<hbm>> -> memref<2x80xi32, #tpu.memory_space<hbm>>
      tpu.enqueue_dma source(%dma_start3A_381 : memref<2x80xi32, #tpu.memory_space<hbm>>) target(%dma_start3A_377 : memref<2x80xi32, #tpu.memory_space<vmem>>) target_semaphore(%dma_start3A_373 : memref<!tpu.dma_semaphore, #tpu.memory_space<semaphore_mem>>)
      %dma_start3A_382 = arith.constant 3 : i32
      %dma_start3A_383 = arith.constant 3 : i32
      %dma_start3A_384 = arith.constant 3 : i32
      %dma_start3A_385 = arith.constant 0 : i32
      %dma_start3A_386 = arith.constant 0 : i32
      %dma_start3A_387 = tpu.memref_slice %arg6[%dma_start3A_383, %dma_start3A_385, %dma_start3A_386] : memref<8x2x80xi32, #tpu.memory_space<vmem>> -> memref<1x2x80xi32, #tpu.memory_space<vmem>>
      %dma_start3A_388 = tpu.memref_squeeze %dma_start3A_387 : memref<1x2x80xi32, #tpu.memory_space<vmem>> -> memref<2x80xi32, #tpu.memory_space<vmem>>
      %dma_start3A_389 = arith.constant 0 : i32
      %dma_start3A_390 = arith.constant 0 : i32
      %dma_start3A_391 = tpu.memref_slice %arg3[%arg1, %dma_start3A_382, %dma_start3A_389, %dma_start3A_390] : memref<16x250x2x80xi32, #tpu.memory_space<hbm>> -> memref<1x1x2x80xi32, #tpu.memory_space<hbm>>
      %dma_start3A_392 = tpu.memref_squeeze %dma_start3A_391 : memref<1x1x2x80xi32, #tpu.memory_space<hbm>> -> memref<2x80xi32, #tpu.memory_space<hbm>>
      %dma_start3A_393 = tpu.memref_slice %arg9[%dma_start3A_384] : memref<8x!tpu.dma_semaphore, #tpu.memory_space<semaphore_mem>> -> memref<1x!tpu.dma_semaphore, #tpu.memory_space<semaphore_mem>>
      %dma_start3A_394 = tpu.memref_squeeze %dma_start3A_393 : memref<1x!tpu.dma_semaphore, #tpu.memory_space<semaphore_mem>> -> memref<!tpu.dma_semaphore, #tpu.memory_space<semaphore_mem>>
      %dma_start3A_395 = arith.constant 0 : i32
      %dma_start3A_396 = arith.constant 0 : i32
      %dma_start3A_397 = tpu.memref_slice %arg6[%dma_start3A_383, %dma_start3A_395, %dma_start3A_396] : memref<8x2x80xi32, #tpu.memory_space<vmem>> -> memref<1x2x80xi32, #tpu.memory_space<vmem>>
      %dma_start3A_398 = tpu.memref_squeeze %dma_start3A_397 : memref<1x2x80xi32, #tpu.memory_space<vmem>> -> memref<2x80xi32, #tpu.memory_space<vmem>>
      %dma_start3A_399 = arith.constant 0 : i32
      %dma_start3A_400 = arith.constant 0 : i32
      %dma_start3A_401 = tpu.memref_slice %arg3[%arg1, %dma_start3A_382, %dma_start3A_399, %dma_start3A_400] : memref<16x250x2x80xi32, #tpu.memory_space<hbm>> -> memref<1x1x2x80xi32, #tpu.memory_space<hbm>>
      %dma_start3A_402 = tpu.memref_squeeze %dma_start3A_401 : memref<1x1x2x80xi32, #tpu.memory_space<hbm>> -> memref<2x80xi32, #tpu.memory_space<hbm>>
      tpu.enqueue_dma source(%dma_start3A_402 : memref<2x80xi32, #tpu.memory_space<hbm>>) target(%dma_start3A_398 : memref<2x80xi32, #tpu.memory_space<vmem>>) target_semaphore(%dma_start3A_394 : memref<!tpu.dma_semaphore, #tpu.memory_space<semaphore_mem>>)
      %dma_start3A_403 = arith.constant 4 : i32
      %dma_start3A_404 = arith.constant 4 : i32
      %dma_start3A_405 = arith.constant 4 : i32
      %dma_start3A_406 = arith.constant 0 : i32
      %dma_start3A_407 = arith.constant 0 : i32
      %dma_start3A_408 = tpu.memref_slice %arg6[%dma_start3A_404, %dma_start3A_406, %dma_start3A_407] : memref<8x2x80xi32, #tpu.memory_space<vmem>> -> memref<1x2x80xi32, #tpu.memory_space<vmem>>
      %dma_start3A_409 = tpu.memref_squeeze %dma_start3A_408 : memref<1x2x80xi32, #tpu.memory_space<vmem>> -> memref<2x80xi32, #tpu.memory_space<vmem>>
      %dma_start3A_410 = arith.constant 0 : i32
      %dma_start3A_411 = arith.constant 0 : i32
      %dma_start3A_412 = tpu.memref_slice %arg3[%arg1, %dma_start3A_403, %dma_start3A_410, %dma_start3A_411] : memref<16x250x2x80xi32, #tpu.memory_space<hbm>> -> memref<1x1x2x80xi32, #tpu.memory_space<hbm>>
      %dma_start3A_413 = tpu.memref_squeeze %dma_start3A_412 : memref<1x1x2x80xi32, #tpu.memory_space<hbm>> -> memref<2x80xi32, #tpu.memory_space<hbm>>
      %dma_start3A_414 = tpu.memref_slice %arg9[%dma_start3A_405] : memref<8x!tpu.dma_semaphore, #tpu.memory_space<semaphore_mem>> -> memref<1x!tpu.dma_semaphore, #tpu.memory_space<semaphore_mem>>
      %dma_start3A_415 = tpu.memref_squeeze %dma_start3A_414 : memref<1x!tpu.dma_semaphore, #tpu.memory_space<semaphore_mem>> -> memref<!tpu.dma_semaphore, #tpu.memory_space<semaphore_mem>>
      %dma_start3A_416 = arith.constant 0 : i32
      %dma_start3A_417 = arith.constant 0 : i32
      %dma_start3A_418 = tpu.memref_slice %arg6[%dma_start3A_404, %dma_start3A_416, %dma_start3A_417] : memref<8x2x80xi32, #tpu.memory_space<vmem>> -> memref<1x2x80xi32, #tpu.memory_space<vmem>>
      %dma_start3A_419 = tpu.memref_squeeze %dma_start3A_418 : memref<1x2x80xi32, #tpu.memory_space<vmem>> -> memref<2x80xi32, #tpu.memory_space<vmem>>
      %dma_start3A_420 = arith.constant 0 : i32
      %dma_start3A_421 = arith.constant 0 : i32
      %dma_start3A_422 = tpu.memref_slice %arg3[%arg1, %dma_start3A_403, %dma_start3A_420, %dma_start3A_421] : memref<16x250x2x80xi32, #tpu.memory_space<hbm>> -> memref<1x1x2x80xi32, #tpu.memory_space<hbm>>
      %dma_start3A_423 = tpu.memref_squeeze %dma_start3A_422 : memref<1x1x2x80xi32, #tpu.memory_space<hbm>> -> memref<2x80xi32, #tpu.memory_space<hbm>>
      tpu.enqueue_dma source(%dma_start3A_423 : memref<2x80xi32, #tpu.memory_space<hbm>>) target(%dma_start3A_419 : memref<2x80xi32, #tpu.memory_space<vmem>>) target_semaphore(%dma_start3A_415 : memref<!tpu.dma_semaphore, #tpu.memory_space<semaphore_mem>>)
      %dma_start3A_424 = arith.constant 5 : i32
      %dma_start3A_425 = arith.constant 5 : i32
      %dma_start3A_426 = arith.constant 5 : i32
      %dma_start3A_427 = arith.constant 0 : i32
      %dma_start3A_428 = arith.constant 0 : i32
      %dma_start3A_429 = tpu.memref_slice %arg6[%dma_start3A_425, %dma_start3A_427, %dma_start3A_428] : memref<8x2x80xi32, #tpu.memory_space<vmem>> -> memref<1x2x80xi32, #tpu.memory_space<vmem>>
      %dma_start3A_430 = tpu.memref_squeeze %dma_start3A_429 : memref<1x2x80xi32, #tpu.memory_space<vmem>> -> memref<2x80xi32, #tpu.memory_space<vmem>>
      %dma_start3A_431 = arith.constant 0 : i32
      %dma_start3A_432 = arith.constant 0 : i32
      %dma_start3A_433 = tpu.memref_slice %arg3[%arg1, %dma_start3A_424, %dma_start3A_431, %dma_start3A_432] : memref<16x250x2x80xi32, #tpu.memory_space<hbm>> -> memref<1x1x2x80xi32, #tpu.memory_space<hbm>>
      %dma_start3A_434 = tpu.memref_squeeze %dma_start3A_433 : memref<1x1x2x80xi32, #tpu.memory_space<hbm>> -> memref<2x80xi32, #tpu.memory_space<hbm>>
      %dma_start3A_435 = tpu.memref_slice %arg9[%dma_start3A_426] : memref<8x!tpu.dma_semaphore, #tpu.memory_space<semaphore_mem>> -> memref<1x!tpu.dma_semaphore, #tpu.memory_space<semaphore_mem>>
      %dma_start3A_436 = tpu.memref_squeeze %dma_start3A_435 : memref<1x!tpu.dma_semaphore, #tpu.memory_space<semaphore_mem>> -> memref<!tpu.dma_semaphore, #tpu.memory_space<semaphore_mem>>
      %dma_start3A_437 = arith.constant 0 : i32
      %dma_start3A_438 = arith.constant 0 : i32
      %dma_start3A_439 = tpu.memref_slice %arg6[%dma_start3A_425, %dma_start3A_437, %dma_start3A_438] : memref<8x2x80xi32, #tpu.memory_space<vmem>> -> memref<1x2x80xi32, #tpu.memory_space<vmem>>
      %dma_start3A_440 = tpu.memref_squeeze %dma_start3A_439 : memref<1x2x80xi32, #tpu.memory_space<vmem>> -> memref<2x80xi32, #tpu.memory_space<vmem>>
      %dma_start3A_441 = arith.constant 0 : i32
      %dma_start3A_442 = arith.constant 0 : i32
      %dma_start3A_443 = tpu.memref_slice %arg3[%arg1, %dma_start3A_424, %dma_start3A_441, %dma_start3A_442] : memref<16x250x2x80xi32, #tpu.memory_space<hbm>> -> memref<1x1x2x80xi32, #tpu.memory_space<hbm>>
      %dma_start3A_444 = tpu.memref_squeeze %dma_start3A_443 : memref<1x1x2x80xi32, #tpu.memory_space<hbm>> -> memref<2x80xi32, #tpu.memory_space<hbm>>
      tpu.enqueue_dma source(%dma_start3A_444 : memref<2x80xi32, #tpu.memory_space<hbm>>) target(%dma_start3A_440 : memref<2x80xi32, #tpu.memory_space<vmem>>) target_semaphore(%dma_start3A_436 : memref<!tpu.dma_semaphore, #tpu.memory_space<semaphore_mem>>)
      %dma_wait3A_445 = arith.constant 0 : i32
      %dma_wait3A_446 = arith.constant 0 : i32
      %dma_wait3A_447 = arith.constant 0 : i32
      %dma_wait3A_448 = arith.constant 0 : i32
      %dma_wait3A_449 = arith.constant 0 : i32
      %dma_wait3A_450 = tpu.memref_slice %arg6[%dma_wait3A_446, %dma_wait3A_448, %dma_wait3A_449] : memref<8x2x80xi32, #tpu.memory_space<vmem>> -> memref<1x2x80xi32, #tpu.memory_space<vmem>>
      %dma_wait3A_451 = tpu.memref_squeeze %dma_wait3A_450 : memref<1x2x80xi32, #tpu.memory_space<vmem>> -> memref<2x80xi32, #tpu.memory_space<vmem>>
      %dma_wait3A_452 = arith.constant 0 : i32
      %dma_wait3A_453 = arith.constant 0 : i32
      %dma_wait3A_454 = tpu.memref_slice %arg3[%arg1, %dma_wait3A_445, %dma_wait3A_452, %dma_wait3A_453] : memref<16x250x2x80xi32, #tpu.memory_space<hbm>> -> memref<1x1x2x80xi32, #tpu.memory_space<hbm>>
      %dma_wait3A_455 = tpu.memref_squeeze %dma_wait3A_454 : memref<1x1x2x80xi32, #tpu.memory_space<hbm>> -> memref<2x80xi32, #tpu.memory_space<hbm>>
      %dma_wait3A_456 = tpu.memref_slice %arg9[%dma_wait3A_447] : memref<8x!tpu.dma_semaphore, #tpu.memory_space<semaphore_mem>> -> memref<1x!tpu.dma_semaphore, #tpu.memory_space<semaphore_mem>>
      %dma_wait3A_457 = tpu.memref_squeeze %dma_wait3A_456 : memref<1x!tpu.dma_semaphore, #tpu.memory_space<semaphore_mem>> -> memref<!tpu.dma_semaphore, #tpu.memory_space<semaphore_mem>>
      %dma_wait3A_458 = arith.constant 0 : i32
      %dma_wait3A_459 = arith.constant 0 : i32
      %dma_wait3A_460 = tpu.memref_slice %arg6[%dma_wait3A_446, %dma_wait3A_458, %dma_wait3A_459] : memref<8x2x80xi32, #tpu.memory_space<vmem>> -> memref<1x2x80xi32, #tpu.memory_space<vmem>>
      %dma_wait3A_461 = tpu.memref_squeeze %dma_wait3A_460 : memref<1x2x80xi32, #tpu.memory_space<vmem>> -> memref<2x80xi32, #tpu.memory_space<vmem>>
      %dma_wait3A_462 = arith.constant 0 : i32
      %dma_wait3A_463 = arith.constant 0 : i32
      %dma_wait3A_464 = tpu.memref_slice %arg3[%arg1, %dma_wait3A_445, %dma_wait3A_462, %dma_wait3A_463] : memref<16x250x2x80xi32, #tpu.memory_space<hbm>> -> memref<1x1x2x80xi32, #tpu.memory_space<hbm>>
      %dma_wait3A_465 = tpu.memref_squeeze %dma_wait3A_464 : memref<1x1x2x80xi32, #tpu.memory_space<hbm>> -> memref<2x80xi32, #tpu.memory_space<hbm>>
      tpu.wait_dma2 semaphore(%dma_wait3A_457 : memref<!tpu.dma_semaphore, #tpu.memory_space<semaphore_mem>>) src(%dma_wait3A_465 : memref<2x80xi32, #tpu.memory_space<hbm>>) dst(%dma_wait3A_461 : memref<2x80xi32, #tpu.memory_space<vmem>>)
      %dma_start3A_466 = arith.constant 0 : i32
      %dma_start3A_467 = arith.constant 1 : i32
      %dma_start3A_468 = arith.constant 0 : i32
      %dma_start3A_469 = arith.constant 0 : i32
      %dma_start3A_470 = arith.constant 0 : i32
      %dma_start3A_471 = arith.constant 0 : i32
      %dma_start3A_472 = tpu.memref_slice %arg7[%dma_start3A_468, %dma_start3A_470, %dma_start3A_471] : memref<4x80x128xf32, #tpu.memory_space<vmem>> -> memref<1x80x128xf32, #tpu.memory_space<vmem>>
      %dma_start3A_473 = tpu.memref_squeeze %dma_start3A_472 : memref<1x80x128xf32, #tpu.memory_space<vmem>> -> memref<80x128xf32, #tpu.memory_space<vmem>>
      %dma_start3A_474 = arith.constant 0 : i32
      %dma_start3A_475 = tpu.memref_slice %arg6[%dma_start3A_466, %dma_start3A_467, %dma_start3A_474] : memref<8x2x80xi32, #tpu.memory_space<vmem>> -> memref<1x1x80xi32, #tpu.memory_space<vmem>>
      %dma_start3A_476 = tpu.memref_squeeze %dma_start3A_475 : memref<1x1x80xi32, #tpu.memory_space<vmem>> -> memref<80xi32, #tpu.memory_space<vmem>>
      %dma_start3A_477 = arith.constant 0 : i32
      %dma_start3A_478 = arith.constant 0 : i32
      %dma_start3A_479 = tpu.memref_slice %arg2[%dma_start3A_477, %dma_start3A_478] : memref<10000x128xf32, #tpu.memory_space<hbm>> -> memref<10000x128xf32, #tpu.memory_space<hbm>>
      %dma_start3A_480 = tpu.memref_slice %arg10[%dma_start3A_469] : memref<4x!tpu.dma_semaphore, #tpu.memory_space<semaphore_mem>> -> memref<1x!tpu.dma_semaphore, #tpu.memory_space<semaphore_mem>>
      %dma_start3A_481 = tpu.memref_squeeze %dma_start3A_480 : memref<1x!tpu.dma_semaphore, #tpu.memory_space<semaphore_mem>> -> memref<!tpu.dma_semaphore, #tpu.memory_space<semaphore_mem>>
      tpu.enqueue_indirect_dma source(%dma_start3A_479 : memref<10000x128xf32, #tpu.memory_space<hbm>>) target(%dma_start3A_473 : memref<80x128xf32, #tpu.memory_space<vmem>>) offsets(%dma_start3A_476 : memref<80xi32, #tpu.memory_space<vmem>>) semaphore(%dma_start3A_481 : memref<!tpu.dma_semaphore, #tpu.memory_space<semaphore_mem>>)
      %dma_wait3A_482 = arith.constant 1 : i32
      %dma_wait3A_483 = arith.constant 1 : i32
      %dma_wait3A_484 = arith.constant 1 : i32
      %dma_wait3A_485 = arith.constant 0 : i32
      %dma_wait3A_486 = arith.constant 0 : i32
      %dma_wait3A_487 = tpu.memref_slice %arg6[%dma_wait3A_483, %dma_wait3A_485, %dma_wait3A_486] : memref<8x2x80xi32, #tpu.memory_space<vmem>> -> memref<1x2x80xi32, #tpu.memory_space<vmem>>
      %dma_wait3A_488 = tpu.memref_squeeze %dma_wait3A_487 : memref<1x2x80xi32, #tpu.memory_space<vmem>> -> memref<2x80xi32, #tpu.memory_space<vmem>>
      %dma_wait3A_489 = arith.constant 0 : i32
      %dma_wait3A_490 = arith.constant 0 : i32
      %dma_wait3A_491 = tpu.memref_slice %arg3[%arg1, %dma_wait3A_482, %dma_wait3A_489, %dma_wait3A_490] : memref<16x250x2x80xi32, #tpu.memory_space<hbm>> -> memref<1x1x2x80xi32, #tpu.memory_space<hbm>>
      %dma_wait3A_492 = tpu.memref_squeeze %dma_wait3A_491 : memref<1x1x2x80xi32, #tpu.memory_space<hbm>> -> memref<2x80xi32, #tpu.memory_space<hbm>>
      %dma_wait3A_493 = tpu.memref_slice %arg9[%dma_wait3A_484] : memref<8x!tpu.dma_semaphore, #tpu.memory_space<semaphore_mem>> -> memref<1x!tpu.dma_semaphore, #tpu.memory_space<semaphore_mem>>
      %dma_wait3A_494 = tpu.memref_squeeze %dma_wait3A_493 : memref<1x!tpu.dma_semaphore, #tpu.memory_space<semaphore_mem>> -> memref<!tpu.dma_semaphore, #tpu.memory_space<semaphore_mem>>
      %dma_wait3A_495 = arith.constant 0 : i32
      %dma_wait3A_496 = arith.constant 0 : i32
      %dma_wait3A_497 = tpu.memref_slice %arg6[%dma_wait3A_483, %dma_wait3A_495, %dma_wait3A_496] : memref<8x2x80xi32, #tpu.memory_space<vmem>> -> memref<1x2x80xi32, #tpu.memory_space<vmem>>
      %dma_wait3A_498 = tpu.memref_squeeze %dma_wait3A_497 : memref<1x2x80xi32, #tpu.memory_space<vmem>> -> memref<2x80xi32, #tpu.memory_space<vmem>>
      %dma_wait3A_499 = arith.constant 0 : i32
      %dma_wait3A_500 = arith.constant 0 : i32
      %dma_wait3A_501 = tpu.memref_slice %arg3[%arg1, %dma_wait3A_482, %dma_wait3A_499, %dma_wait3A_500] : memref<16x250x2x80xi32, #tpu.memory_space<hbm>> -> memref<1x1x2x80xi32, #tpu.memory_space<hbm>>
      %dma_wait3A_502 = tpu.memref_squeeze %dma_wait3A_501 : memref<1x1x2x80xi32, #tpu.memory_space<hbm>> -> memref<2x80xi32, #tpu.memory_space<hbm>>
      tpu.wait_dma2 semaphore(%dma_wait3A_494 : memref<!tpu.dma_semaphore, #tpu.memory_space<semaphore_mem>>) src(%dma_wait3A_502 : memref<2x80xi32, #tpu.memory_space<hbm>>) dst(%dma_wait3A_498 : memref<2x80xi32, #tpu.memory_space<vmem>>)
      %dma_start3A_503 = arith.constant 1 : i32
      %dma_start3A_504 = arith.constant 1 : i32
      %dma_start3A_505 = arith.constant 1 : i32
      %dma_start3A_506 = arith.constant 1 : i32
      %dma_start3A_507 = arith.constant 0 : i32
      %dma_start3A_508 = arith.constant 0 : i32
      %dma_start3A_509 = tpu.memref_slice %arg7[%dma_start3A_505, %dma_start3A_507, %dma_start3A_508] : memref<4x80x128xf32, #tpu.memory_space<vmem>> -> memref<1x80x128xf32, #tpu.memory_space<vmem>>
      %dma_start3A_510 = tpu.memref_squeeze %dma_start3A_509 : memref<1x80x128xf32, #tpu.memory_space<vmem>> -> memref<80x128xf32, #tpu.memory_space<vmem>>
      %dma_start3A_511 = arith.constant 0 : i32
      %dma_start3A_512 = tpu.memref_slice %arg6[%dma_start3A_503, %dma_start3A_504, %dma_start3A_511] : memref<8x2x80xi32, #tpu.memory_space<vmem>> -> memref<1x1x80xi32, #tpu.memory_space<vmem>>
      %dma_start3A_513 = tpu.memref_squeeze %dma_start3A_512 : memref<1x1x80xi32, #tpu.memory_space<vmem>> -> memref<80xi32, #tpu.memory_space<vmem>>
      %dma_start3A_514 = arith.constant 0 : i32
      %dma_start3A_515 = arith.constant 0 : i32
      %dma_start3A_516 = tpu.memref_slice %arg2[%dma_start3A_514, %dma_start3A_515] : memref<10000x128xf32, #tpu.memory_space<hbm>> -> memref<10000x128xf32, #tpu.memory_space<hbm>>
      %dma_start3A_517 = tpu.memref_slice %arg10[%dma_start3A_506] : memref<4x!tpu.dma_semaphore, #tpu.memory_space<semaphore_mem>> -> memref<1x!tpu.dma_semaphore, #tpu.memory_space<semaphore_mem>>
      %dma_start3A_518 = tpu.memref_squeeze %dma_start3A_517 : memref<1x!tpu.dma_semaphore, #tpu.memory_space<semaphore_mem>> -> memref<!tpu.dma_semaphore, #tpu.memory_space<semaphore_mem>>
      tpu.enqueue_indirect_dma source(%dma_start3A_516 : memref<10000x128xf32, #tpu.memory_space<hbm>>) target(%dma_start3A_510 : memref<80x128xf32, #tpu.memory_space<vmem>>) offsets(%dma_start3A_513 : memref<80xi32, #tpu.memory_space<vmem>>) semaphore(%dma_start3A_518 : memref<!tpu.dma_semaphore, #tpu.memory_space<semaphore_mem>>)
      %scan3A_519 = arith.constant 0 : i32
      %scan3A_520 = arith.constant 250 : i32
      %scan3A_521 = arith.addi %scan3A_519, %scan3A_520 : i32
      %scan3A_522 = arith.constant 1 : i32
      scf.for %scan3A_556 = %scan3A_519 to %scan3A_521 step %scan3A_522  : i32 {
        %mul3A_557 = arith.constant 1 : i32
        %mul3A_558 = arith.muli %scan3A_556, %mul3A_557 : i32
        %add3A_559 = arith.constant 0 : i32
        %add3A_560 = arith.addi %add3A_559, %mul3A_558 : i32
        %ge3A = arith.constant 2 : i32
        %ge3A_561 = arith.cmpi sge, %add3A_560, %ge3A : i32
        %convert_element_type3A_562 = arith.extui %ge3A_561 : i1 to i32
        %cond3A_563 = arith.constant 0 : i32
        %cond3A_564 = arith.cmpi ne, %convert_element_type3A_562, %cond3A_563 : i32
        scf.if %cond3A_564 {
          %sub3A = arith.constant 2 : i32
          %sub3A_695 = arith.subi %add3A_560, %sub3A : i32
          %jit3A_696 = arith.constant 4 : i32
          %eq3A_697 = arith.constant 0 : i32
          %eq3A_698 = arith.cmpi eq, %jit3A_696, %eq3A_697 : i32
          %jit3A_699 = arith.constant 1 : i32
          %select_n3A_700 = arith.select %eq3A_698, %jit3A_699, %jit3A_696 : i32
          %rem3A_701 = arith.remsi %sub3A_695, %select_n3A_700 : i32
          %ne3A_702 = arith.constant 0 : i32
          %ne3A_703 = arith.cmpi ne, %rem3A_701, %ne3A_702 : i32
          %lt3A_704 = arith.constant 0 : i32
          %lt3A_705 = arith.cmpi slt, %rem3A_701, %lt3A_704 : i32
          %lt3A_706 = arith.constant 0 : i32
          %lt3A_707 = arith.cmpi slt, %select_n3A_700, %lt3A_706 : i32
          %ne3A_708 = arith.xori %lt3A_705, %lt3A_707 : i1
          %and3A_709 = arith.andi %ne3A_708, %ne3A_703 : i1
          %add3A_710 = arith.addi %rem3A_701, %select_n3A_700 : i32
          %select_n3A_711 = arith.select %and3A_709, %add3A_710, %rem3A_701 : i32
          %jit3A_712 = arith.constant 8 : i32
          %eq3A_713 = arith.constant 0 : i32
          %eq3A_714 = arith.cmpi eq, %jit3A_712, %eq3A_713 : i32
          %jit3A_715 = arith.constant 1 : i32
          %select_n3A_716 = arith.select %eq3A_714, %jit3A_715, %jit3A_712 : i32
          %rem3A_717 = arith.remsi %sub3A_695, %select_n3A_716 : i32
          %ne3A_718 = arith.constant 0 : i32
          %ne3A_719 = arith.cmpi ne, %rem3A_717, %ne3A_718 : i32
          %lt3A_720 = arith.constant 0 : i32
          %lt3A_721 = arith.cmpi slt, %rem3A_717, %lt3A_720 : i32
          %lt3A_722 = arith.constant 0 : i32
          %lt3A_723 = arith.cmpi slt, %select_n3A_716, %lt3A_722 : i32
          %ne3A_724 = arith.xori %lt3A_721, %lt3A_723 : i1
          %and3A_725 = arith.andi %ne3A_724, %ne3A_719 : i1
          %add3A_726 = arith.addi %rem3A_717, %select_n3A_716 : i32
          %select_n3A_727 = arith.select %and3A_725, %add3A_726, %rem3A_717 : i32
          %jit3A_728 = arith.constant 4 : i32
          %eq3A_729 = arith.constant 0 : i32
          %eq3A_730 = arith.cmpi eq, %jit3A_728, %eq3A_729 : i32
          %jit3A_731 = arith.constant 1 : i32
          %select_n3A_732 = arith.select %eq3A_730, %jit3A_731, %jit3A_728 : i32
          %rem3A_733 = arith.remsi %sub3A_695, %select_n3A_732 : i32
          %ne3A_734 = arith.constant 0 : i32
          %ne3A_735 = arith.cmpi ne, %rem3A_733, %ne3A_734 : i32
          %lt3A_736 = arith.constant 0 : i32
          %lt3A_737 = arith.cmpi slt, %rem3A_733, %lt3A_736 : i32
          %lt3A_738 = arith.constant 0 : i32
          %lt3A_739 = arith.cmpi slt, %select_n3A_732, %lt3A_738 : i32
          %ne3A_740 = arith.xori %lt3A_737, %lt3A_739 : i1
          %and3A_741 = arith.andi %ne3A_740, %ne3A_735 : i1
          %add3A_742 = arith.addi %rem3A_733, %select_n3A_732 : i32
          %select_n3A_743 = arith.select %and3A_741, %add3A_742, %rem3A_733 : i32
          %dma_wait3A_744 = arith.constant 0 : i32
          %dma_wait3A_745 = arith.constant 0 : i32
          %dma_wait3A_746 = arith.constant 0 : i32
          %dma_wait3A_747 = tpu.memref_slice %arg7[%select_n3A_711, %dma_wait3A_745, %dma_wait3A_746] : memref<4x80x128xf32, #tpu.memory_space<vmem>> -> memref<1x80x128xf32, #tpu.memory_space<vmem>>
          %dma_wait3A_748 = tpu.memref_squeeze %dma_wait3A_747 : memref<1x80x128xf32, #tpu.memory_space<vmem>> -> memref<80x128xf32, #tpu.memory_space<vmem>>
          %dma_wait3A_749 = arith.constant 0 : i32
          %dma_wait3A_750 = tpu.memref_slice %arg6[%select_n3A_727, %dma_wait3A_744, %dma_wait3A_749] : memref<8x2x80xi32, #tpu.memory_space<vmem>> -> memref<1x1x80xi32, #tpu.memory_space<vmem>>
          %dma_wait3A_751 = tpu.memref_squeeze %dma_wait3A_750 : memref<1x1x80xi32, #tpu.memory_space<vmem>> -> memref<80xi32, #tpu.memory_space<vmem>>
          %dma_wait3A_752 = arith.constant 0 : i32
          %dma_wait3A_753 = arith.constant 0 : i32
          %dma_wait3A_754 = tpu.memref_slice %arg8[%dma_wait3A_752, %dma_wait3A_753] : memref<10000x128xf32, #tpu.memory_space<vmem_shared>> -> memref<10000x128xf32, #tpu.memory_space<vmem_shared>>
          %dma_wait3A_755 = tpu.memref_slice %arg11[%select_n3A_743] : memref<4x!tpu.dma_semaphore, #tpu.memory_space<semaphore_mem>> -> memref<1x!tpu.dma_semaphore, #tpu.memory_space<semaphore_mem>>
          %dma_wait3A_756 = tpu.memref_squeeze %dma_wait3A_755 : memref<1x!tpu.dma_semaphore, #tpu.memory_space<semaphore_mem>> -> memref<!tpu.dma_semaphore, #tpu.memory_space<semaphore_mem>>
          tpu.wait_indirect_dma semaphore(%dma_wait3A_756 : memref<!tpu.dma_semaphore, #tpu.memory_space<semaphore_mem>>) src(%dma_wait3A_748 : memref<80x128xf32, #tpu.memory_space<vmem>>) dst(%dma_wait3A_754 : memref<10000x128xf32, #tpu.memory_space<vmem_shared>>)
        } else {
        }
        %add3A_565 = arith.constant 6 : i32
        %add3A_566 = arith.addi %add3A_560, %add3A_565 : i32
        %lt3A = arith.constant 250 : i32
        %lt3A_567 = arith.cmpi slt, %add3A_566, %lt3A : i32
        %convert_element_type3A_568 = arith.extui %lt3A_567 : i1 to i32
        %cond3A_569 = arith.constant 0 : i32
        %cond3A_570 = arith.cmpi ne, %convert_element_type3A_568, %cond3A_569 : i32
        scf.if %cond3A_570 {
          %add3A_695 = arith.constant 6 : i32
          %add3A_696 = arith.addi %add3A_560, %add3A_695 : i32
          %jit3A_697 = arith.constant 8 : i32
          %eq3A_698 = arith.constant 0 : i32
          %eq3A_699 = arith.cmpi eq, %jit3A_697, %eq3A_698 : i32
          %jit3A_700 = arith.constant 1 : i32
          %select_n3A_701 = arith.select %eq3A_699, %jit3A_700, %jit3A_697 : i32
          %rem3A_702 = arith.remsi %add3A_696, %select_n3A_701 : i32
          %ne3A_703 = arith.constant 0 : i32
          %ne3A_704 = arith.cmpi ne, %rem3A_702, %ne3A_703 : i32
          %lt3A_705 = arith.constant 0 : i32
          %lt3A_706 = arith.cmpi slt, %rem3A_702, %lt3A_705 : i32
          %lt3A_707 = arith.constant 0 : i32
          %lt3A_708 = arith.cmpi slt, %select_n3A_701, %lt3A_707 : i32
          %ne3A_709 = arith.xori %lt3A_706, %lt3A_708 : i1
          %and3A_710 = arith.andi %ne3A_709, %ne3A_704 : i1
          %add3A_711 = arith.addi %rem3A_702, %select_n3A_701 : i32
          %select_n3A_712 = arith.select %and3A_710, %add3A_711, %rem3A_702 : i32
          %jit3A_713 = arith.constant 8 : i32
          %eq3A_714 = arith.constant 0 : i32
          %eq3A_715 = arith.cmpi eq, %jit3A_713, %eq3A_714 : i32
          %jit3A_716 = arith.constant 1 : i32
          %select_n3A_717 = arith.select %eq3A_715, %jit3A_716, %jit3A_713 : i32
          %rem3A_718 = arith.remsi %add3A_696, %select_n3A_717 : i32
          %ne3A_719 = arith.constant 0 : i32
          %ne3A_720 = arith.cmpi ne, %rem3A_718, %ne3A_719 : i32
          %lt3A_721 = arith.constant 0 : i32
          %lt3A_722 = arith.cmpi slt, %rem3A_718, %lt3A_721 : i32
          %lt3A_723 = arith.constant 0 : i32
          %lt3A_724 = arith.cmpi slt, %select_n3A_717, %lt3A_723 : i32
          %ne3A_725 = arith.xori %lt3A_722, %lt3A_724 : i1
          %and3A_726 = arith.andi %ne3A_725, %ne3A_720 : i1
          %add3A_727 = arith.addi %rem3A_718, %select_n3A_717 : i32
          %select_n3A_728 = arith.select %and3A_726, %add3A_727, %rem3A_718 : i32
          %dma_start3A_729 = arith.constant 0 : i32
          %dma_start3A_730 = arith.constant 0 : i32
          %dma_start3A_731 = tpu.memref_slice %arg6[%select_n3A_712, %dma_start3A_729, %dma_start3A_730] : memref<8x2x80xi32, #tpu.memory_space<vmem>> -> memref<1x2x80xi32, #tpu.memory_space<vmem>>
          %dma_start3A_732 = tpu.memref_squeeze %dma_start3A_731 : memref<1x2x80xi32, #tpu.memory_space<vmem>> -> memref<2x80xi32, #tpu.memory_space<vmem>>
          %dma_start3A_733 = arith.constant 0 : i32
          %dma_start3A_734 = arith.constant 0 : i32
          %dma_start3A_735 = tpu.memref_slice %arg3[%arg1, %add3A_696, %dma_start3A_733, %dma_start3A_734] : memref<16x250x2x80xi32, #tpu.memory_space<hbm>> -> memref<1x1x2x80xi32, #tpu.memory_space<hbm>>
          %dma_start3A_736 = tpu.memref_squeeze %dma_start3A_735 : memref<1x1x2x80xi32, #tpu.memory_space<hbm>> -> memref<2x80xi32, #tpu.memory_space<hbm>>
          %dma_start3A_737 = tpu.memref_slice %arg9[%select_n3A_728] : memref<8x!tpu.dma_semaphore, #tpu.memory_space<semaphore_mem>> -> memref<1x!tpu.dma_semaphore, #tpu.memory_space<semaphore_mem>>
          %dma_start3A_738 = tpu.memref_squeeze %dma_start3A_737 : memref<1x!tpu.dma_semaphore, #tpu.memory_space<semaphore_mem>> -> memref<!tpu.dma_semaphore, #tpu.memory_space<semaphore_mem>>
          %dma_start3A_739 = arith.constant 0 : i32
          %dma_start3A_740 = arith.constant 0 : i32
          %dma_start3A_741 = tpu.memref_slice %arg6[%select_n3A_712, %dma_start3A_739, %dma_start3A_740] : memref<8x2x80xi32, #tpu.memory_space<vmem>> -> memref<1x2x80xi32, #tpu.memory_space<vmem>>
          %dma_start3A_742 = tpu.memref_squeeze %dma_start3A_741 : memref<1x2x80xi32, #tpu.memory_space<vmem>> -> memref<2x80xi32, #tpu.memory_space<vmem>>
          %dma_start3A_743 = arith.constant 0 : i32
          %dma_start3A_744 = arith.constant 0 : i32
          %dma_start3A_745 = tpu.memref_slice %arg3[%arg1, %add3A_696, %dma_start3A_743, %dma_start3A_744] : memref<16x250x2x80xi32, #tpu.memory_space<hbm>> -> memref<1x1x2x80xi32, #tpu.memory_space<hbm>>
          %dma_start3A_746 = tpu.memref_squeeze %dma_start3A_745 : memref<1x1x2x80xi32, #tpu.memory_space<hbm>> -> memref<2x80xi32, #tpu.memory_space<hbm>>
          tpu.enqueue_dma source(%dma_start3A_746 : memref<2x80xi32, #tpu.memory_space<hbm>>) target(%dma_start3A_742 : memref<2x80xi32, #tpu.memory_space<vmem>>) target_semaphore(%dma_start3A_738 : memref<!tpu.dma_semaphore, #tpu.memory_space<semaphore_mem>>)
        } else {
        }
        %add3A_571 = arith.constant 2 : i32
        %add3A_572 = arith.addi %add3A_560, %add3A_571 : i32
        %lt3A_573 = arith.constant 250 : i32
        %lt3A_574 = arith.cmpi slt, %add3A_572, %lt3A_573 : i32
        %convert_element_type3A_575 = arith.extui %lt3A_574 : i1 to i32
        %cond3A_576 = arith.constant 0 : i32
        %cond3A_577 = arith.cmpi ne, %convert_element_type3A_575, %cond3A_576 : i32
        scf.if %cond3A_577 {
          %add3A_695 = arith.constant 2 : i32
          %add3A_696 = arith.addi %add3A_560, %add3A_695 : i32
          %jit3A_697 = arith.constant 8 : i32
          %eq3A_698 = arith.constant 0 : i32
          %eq3A_699 = arith.cmpi eq, %jit3A_697, %eq3A_698 : i32
          %jit3A_700 = arith.constant 1 : i32
          %select_n3A_701 = arith.select %eq3A_699, %jit3A_700, %jit3A_697 : i32
          %rem3A_702 = arith.remsi %add3A_696, %select_n3A_701 : i32
          %ne3A_703 = arith.constant 0 : i32
          %ne3A_704 = arith.cmpi ne, %rem3A_702, %ne3A_703 : i32
          %lt3A_705 = arith.constant 0 : i32
          %lt3A_706 = arith.cmpi slt, %rem3A_702, %lt3A_705 : i32
          %lt3A_707 = arith.constant 0 : i32
          %lt3A_708 = arith.cmpi slt, %select_n3A_701, %lt3A_707 : i32
          %ne3A_709 = arith.xori %lt3A_706, %lt3A_708 : i1
          %and3A_710 = arith.andi %ne3A_709, %ne3A_704 : i1
          %add3A_711 = arith.addi %rem3A_702, %select_n3A_701 : i32
          %select_n3A_712 = arith.select %and3A_710, %add3A_711, %rem3A_702 : i32
          %jit3A_713 = arith.constant 8 : i32
          %eq3A_714 = arith.constant 0 : i32
          %eq3A_715 = arith.cmpi eq, %jit3A_713, %eq3A_714 : i32
          %jit3A_716 = arith.constant 1 : i32
          %select_n3A_717 = arith.select %eq3A_715, %jit3A_716, %jit3A_713 : i32
          %rem3A_718 = arith.remsi %add3A_696, %select_n3A_717 : i32
          %ne3A_719 = arith.constant 0 : i32
          %ne3A_720 = arith.cmpi ne, %rem3A_718, %ne3A_719 : i32
          %lt3A_721 = arith.constant 0 : i32
          %lt3A_722 = arith.cmpi slt, %rem3A_718, %lt3A_721 : i32
          %lt3A_723 = arith.constant 0 : i32
          %lt3A_724 = arith.cmpi slt, %select_n3A_717, %lt3A_723 : i32
          %ne3A_725 = arith.xori %lt3A_722, %lt3A_724 : i1
          %and3A_726 = arith.andi %ne3A_725, %ne3A_720 : i1
          %add3A_727 = arith.addi %rem3A_718, %select_n3A_717 : i32
          %select_n3A_728 = arith.select %and3A_726, %add3A_727, %rem3A_718 : i32
          %dma_wait3A_729 = arith.constant 0 : i32
          %dma_wait3A_730 = arith.constant 0 : i32
          %dma_wait3A_731 = tpu.memref_slice %arg6[%select_n3A_712, %dma_wait3A_729, %dma_wait3A_730] : memref<8x2x80xi32, #tpu.memory_space<vmem>> -> memref<1x2x80xi32, #tpu.memory_space<vmem>>
          %dma_wait3A_732 = tpu.memref_squeeze %dma_wait3A_731 : memref<1x2x80xi32, #tpu.memory_space<vmem>> -> memref<2x80xi32, #tpu.memory_space<vmem>>
          %dma_wait3A_733 = arith.constant 0 : i32
          %dma_wait3A_734 = arith.constant 0 : i32
          %dma_wait3A_735 = tpu.memref_slice %arg3[%arg1, %add3A_696, %dma_wait3A_733, %dma_wait3A_734] : memref<16x250x2x80xi32, #tpu.memory_space<hbm>> -> memref<1x1x2x80xi32, #tpu.memory_space<hbm>>
          %dma_wait3A_736 = tpu.memref_squeeze %dma_wait3A_735 : memref<1x1x2x80xi32, #tpu.memory_space<hbm>> -> memref<2x80xi32, #tpu.memory_space<hbm>>
          %dma_wait3A_737 = tpu.memref_slice %arg9[%select_n3A_728] : memref<8x!tpu.dma_semaphore, #tpu.memory_space<semaphore_mem>> -> memref<1x!tpu.dma_semaphore, #tpu.memory_space<semaphore_mem>>
          %dma_wait3A_738 = tpu.memref_squeeze %dma_wait3A_737 : memref<1x!tpu.dma_semaphore, #tpu.memory_space<semaphore_mem>> -> memref<!tpu.dma_semaphore, #tpu.memory_space<semaphore_mem>>
          %dma_wait3A_739 = arith.constant 0 : i32
          %dma_wait3A_740 = arith.constant 0 : i32
          %dma_wait3A_741 = tpu.memref_slice %arg6[%select_n3A_712, %dma_wait3A_739, %dma_wait3A_740] : memref<8x2x80xi32, #tpu.memory_space<vmem>> -> memref<1x2x80xi32, #tpu.memory_space<vmem>>
          %dma_wait3A_742 = tpu.memref_squeeze %dma_wait3A_741 : memref<1x2x80xi32, #tpu.memory_space<vmem>> -> memref<2x80xi32, #tpu.memory_space<vmem>>
          %dma_wait3A_743 = arith.constant 0 : i32
          %dma_wait3A_744 = arith.constant 0 : i32
          %dma_wait3A_745 = tpu.memref_slice %arg3[%arg1, %add3A_696, %dma_wait3A_743, %dma_wait3A_744] : memref<16x250x2x80xi32, #tpu.memory_space<hbm>> -> memref<1x1x2x80xi32, #tpu.memory_space<hbm>>
          %dma_wait3A_746 = tpu.memref_squeeze %dma_wait3A_745 : memref<1x1x2x80xi32, #tpu.memory_space<hbm>> -> memref<2x80xi32, #tpu.memory_space<hbm>>
          tpu.wait_dma2 semaphore(%dma_wait3A_738 : memref<!tpu.dma_semaphore, #tpu.memory_space<semaphore_mem>>) src(%dma_wait3A_746 : memref<2x80xi32, #tpu.memory_space<hbm>>) dst(%dma_wait3A_742 : memref<2x80xi32, #tpu.memory_space<vmem>>)
          %add3A_747 = arith.constant 2 : i32
          %add3A_748 = arith.addi %add3A_560, %add3A_747 : i32
          %jit3A_749 = arith.constant 8 : i32
          %eq3A_750 = arith.constant 0 : i32
          %eq3A_751 = arith.cmpi eq, %jit3A_749, %eq3A_750 : i32
          %jit3A_752 = arith.constant 1 : i32
          %select_n3A_753 = arith.select %eq3A_751, %jit3A_752, %jit3A_749 : i32
          %rem3A_754 = arith.remsi %add3A_748, %select_n3A_753 : i32
          %ne3A_755 = arith.constant 0 : i32
          %ne3A_756 = arith.cmpi ne, %rem3A_754, %ne3A_755 : i32
          %lt3A_757 = arith.constant 0 : i32
          %lt3A_758 = arith.cmpi slt, %rem3A_754, %lt3A_757 : i32
          %lt3A_759 = arith.constant 0 : i32
          %lt3A_760 = arith.cmpi slt, %select_n3A_753, %lt3A_759 : i32
          %ne3A_761 = arith.xori %lt3A_758, %lt3A_760 : i1
          %and3A_762 = arith.andi %ne3A_761, %ne3A_756 : i1
          %add3A_763 = arith.addi %rem3A_754, %select_n3A_753 : i32
          %select_n3A_764 = arith.select %and3A_762, %add3A_763, %rem3A_754 : i32
          %jit3A_765 = arith.constant 4 : i32
          %eq3A_766 = arith.constant 0 : i32
          %eq3A_767 = arith.cmpi eq, %jit3A_765, %eq3A_766 : i32
          %jit3A_768 = arith.constant 1 : i32
          %select_n3A_769 = arith.select %eq3A_767, %jit3A_768, %jit3A_765 : i32
          %rem3A_770 = arith.remsi %add3A_748, %select_n3A_769 : i32
          %ne3A_771 = arith.constant 0 : i32
          %ne3A_772 = arith.cmpi ne, %rem3A_770, %ne3A_771 : i32
          %lt3A_773 = arith.constant 0 : i32
          %lt3A_774 = arith.cmpi slt, %rem3A_770, %lt3A_773 : i32
          %lt3A_775 = arith.constant 0 : i32
          %lt3A_776 = arith.cmpi slt, %select_n3A_769, %lt3A_775 : i32
          %ne3A_777 = arith.xori %lt3A_774, %lt3A_776 : i1
          %and3A_778 = arith.andi %ne3A_777, %ne3A_772 : i1
          %add3A_779 = arith.addi %rem3A_770, %select_n3A_769 : i32
          %select_n3A_780 = arith.select %and3A_778, %add3A_779, %rem3A_770 : i32
          %jit3A_781 = arith.constant 4 : i32
          %eq3A_782 = arith.constant 0 : i32
          %eq3A_783 = arith.cmpi eq, %jit3A_781, %eq3A_782 : i32
          %jit3A_784 = arith.constant 1 : i32
          %select_n3A_785 = arith.select %eq3A_783, %jit3A_784, %jit3A_781 : i32
          %rem3A_786 = arith.remsi %add3A_748, %select_n3A_785 : i32
          %ne3A_787 = arith.constant 0 : i32
          %ne3A_788 = arith.cmpi ne, %rem3A_786, %ne3A_787 : i32
          %lt3A_789 = arith.constant 0 : i32
          %lt3A_790 = arith.cmpi slt, %rem3A_786, %lt3A_789 : i32
          %lt3A_791 = arith.constant 0 : i32
          %lt3A_792 = arith.cmpi slt, %select_n3A_785, %lt3A_791 : i32
          %ne3A_793 = arith.xori %lt3A_790, %lt3A_792 : i1
          %and3A_794 = arith.andi %ne3A_793, %ne3A_788 : i1
          %add3A_795 = arith.addi %rem3A_786, %select_n3A_785 : i32
          %select_n3A_796 = arith.select %and3A_794, %add3A_795, %rem3A_786 : i32
          %dma_start3A_797 = arith.constant 1 : i32
          %dma_start3A_798 = arith.constant 0 : i32
          %dma_start3A_799 = arith.constant 0 : i32
          %dma_start3A_800 = tpu.memref_slice %arg7[%select_n3A_780, %dma_start3A_798, %dma_start3A_799] : memref<4x80x128xf32, #tpu.memory_space<vmem>> -> memref<1x80x128xf32, #tpu.memory_space<vmem>>
          %dma_start3A_801 = tpu.memref_squeeze %dma_start3A_800 : memref<1x80x128xf32, #tpu.memory_space<vmem>> -> memref<80x128xf32, #tpu.memory_space<vmem>>
          %dma_start3A_802 = arith.constant 0 : i32
          %dma_start3A_803 = tpu.memref_slice %arg6[%select_n3A_764, %dma_start3A_797, %dma_start3A_802] : memref<8x2x80xi32, #tpu.memory_space<vmem>> -> memref<1x1x80xi32, #tpu.memory_space<vmem>>
          %dma_start3A_804 = tpu.memref_squeeze %dma_start3A_803 : memref<1x1x80xi32, #tpu.memory_space<vmem>> -> memref<80xi32, #tpu.memory_space<vmem>>
          %dma_start3A_805 = arith.constant 0 : i32
          %dma_start3A_806 = arith.constant 0 : i32
          %dma_start3A_807 = tpu.memref_slice %arg2[%dma_start3A_805, %dma_start3A_806] : memref<10000x128xf32, #tpu.memory_space<hbm>> -> memref<10000x128xf32, #tpu.memory_space<hbm>>
          %dma_start3A_808 = tpu.memref_slice %arg10[%select_n3A_796] : memref<4x!tpu.dma_semaphore, #tpu.memory_space<semaphore_mem>> -> memref<1x!tpu.dma_semaphore, #tpu.memory_space<semaphore_mem>>
          %dma_start3A_809 = tpu.memref_squeeze %dma_start3A_808 : memref<1x!tpu.dma_semaphore, #tpu.memory_space<semaphore_mem>> -> memref<!tpu.dma_semaphore, #tpu.memory_space<semaphore_mem>>
          tpu.enqueue_indirect_dma source(%dma_start3A_807 : memref<10000x128xf32, #tpu.memory_space<hbm>>) target(%dma_start3A_801 : memref<80x128xf32, #tpu.memory_space<vmem>>) offsets(%dma_start3A_804 : memref<80xi32, #tpu.memory_space<vmem>>) semaphore(%dma_start3A_809 : memref<!tpu.dma_semaphore, #tpu.memory_space<semaphore_mem>>)
        } else {
        }
        %jit3A = arith.constant 8 : i32
        %eq3A_578 = arith.constant 0 : i32
        %eq3A_579 = arith.cmpi eq, %jit3A, %eq3A_578 : i32
        %jit3A_580 = arith.constant 1 : i32
        %select_n3A = arith.select %eq3A_579, %jit3A_580, %jit3A : i32
        %rem3A = arith.remsi %add3A_560, %select_n3A : i32
        %ne3A = arith.constant 0 : i32
        %ne3A_581 = arith.cmpi ne, %rem3A, %ne3A : i32
        %lt3A_582 = arith.constant 0 : i32
        %lt3A_583 = arith.cmpi slt, %rem3A, %lt3A_582 : i32
        %lt3A_584 = arith.constant 0 : i32
        %lt3A_585 = arith.cmpi slt, %select_n3A, %lt3A_584 : i32
        %ne3A_586 = arith.xori %lt3A_583, %lt3A_585 : i1
        %and3A = arith.andi %ne3A_586, %ne3A_581 : i1
        %add3A_587 = arith.addi %rem3A, %select_n3A : i32
        %select_n3A_588 = arith.select %and3A, %add3A_587, %rem3A : i32
        %jit3A_589 = arith.constant 4 : i32
        %eq3A_590 = arith.constant 0 : i32
        %eq3A_591 = arith.cmpi eq, %jit3A_589, %eq3A_590 : i32
        %jit3A_592 = arith.constant 1 : i32
        %select_n3A_593 = arith.select %eq3A_591, %jit3A_592, %jit3A_589 : i32
        %rem3A_594 = arith.remsi %add3A_560, %select_n3A_593 : i32
        %ne3A_595 = arith.constant 0 : i32
        %ne3A_596 = arith.cmpi ne, %rem3A_594, %ne3A_595 : i32
        %lt3A_597 = arith.constant 0 : i32
        %lt3A_598 = arith.cmpi slt, %rem3A_594, %lt3A_597 : i32
        %lt3A_599 = arith.constant 0 : i32
        %lt3A_600 = arith.cmpi slt, %select_n3A_593, %lt3A_599 : i32
        %ne3A_601 = arith.xori %lt3A_598, %lt3A_600 : i1
        %and3A_602 = arith.andi %ne3A_601, %ne3A_596 : i1
        %add3A_603 = arith.addi %rem3A_594, %select_n3A_593 : i32
        %select_n3A_604 = arith.select %and3A_602, %add3A_603, %rem3A_594 : i32
        %jit3A_605 = arith.constant 4 : i32
        %eq3A_606 = arith.constant 0 : i32
        %eq3A_607 = arith.cmpi eq, %jit3A_605, %eq3A_606 : i32
        %jit3A_608 = arith.constant 1 : i32
        %select_n3A_609 = arith.select %eq3A_607, %jit3A_608, %jit3A_605 : i32
        %rem3A_610 = arith.remsi %add3A_560, %select_n3A_609 : i32
        %ne3A_611 = arith.constant 0 : i32
        %ne3A_612 = arith.cmpi ne, %rem3A_610, %ne3A_611 : i32
        %lt3A_613 = arith.constant 0 : i32
        %lt3A_614 = arith.cmpi slt, %rem3A_610, %lt3A_613 : i32
        %lt3A_615 = arith.constant 0 : i32
        %lt3A_616 = arith.cmpi slt, %select_n3A_609, %lt3A_615 : i32
        %ne3A_617 = arith.xori %lt3A_614, %lt3A_616 : i1
        %and3A_618 = arith.andi %ne3A_617, %ne3A_612 : i1
        %add3A_619 = arith.addi %rem3A_610, %select_n3A_609 : i32
        %select_n3A_620 = arith.select %and3A_618, %add3A_619, %rem3A_610 : i32
        %dma_wait3A_621 = arith.constant 1 : i32
        %dma_wait3A_622 = arith.constant 0 : i32
        %dma_wait3A_623 = arith.constant 0 : i32
        %dma_wait3A_624 = tpu.memref_slice %arg7[%select_n3A_604, %dma_wait3A_622, %dma_wait3A_623] : memref<4x80x128xf32, #tpu.memory_space<vmem>> -> memref<1x80x128xf32, #tpu.memory_space<vmem>>
        %dma_wait3A_625 = tpu.memref_squeeze %dma_wait3A_624 : memref<1x80x128xf32, #tpu.memory_space<vmem>> -> memref<80x128xf32, #tpu.memory_space<vmem>>
        %dma_wait3A_626 = arith.constant 0 : i32
        %dma_wait3A_627 = tpu.memref_slice %arg6[%select_n3A_588, %dma_wait3A_621, %dma_wait3A_626] : memref<8x2x80xi32, #tpu.memory_space<vmem>> -> memref<1x1x80xi32, #tpu.memory_space<vmem>>
        %dma_wait3A_628 = tpu.memref_squeeze %dma_wait3A_627 : memref<1x1x80xi32, #tpu.memory_space<vmem>> -> memref<80xi32, #tpu.memory_space<vmem>>
        %dma_wait3A_629 = arith.constant 0 : i32
        %dma_wait3A_630 = arith.constant 0 : i32
        %dma_wait3A_631 = tpu.memref_slice %arg2[%dma_wait3A_629, %dma_wait3A_630] : memref<10000x128xf32, #tpu.memory_space<hbm>> -> memref<10000x128xf32, #tpu.memory_space<hbm>>
        %dma_wait3A_632 = tpu.memref_slice %arg10[%select_n3A_620] : memref<4x!tpu.dma_semaphore, #tpu.memory_space<semaphore_mem>> -> memref<1x!tpu.dma_semaphore, #tpu.memory_space<semaphore_mem>>
        %dma_wait3A_633 = tpu.memref_squeeze %dma_wait3A_632 : memref<1x!tpu.dma_semaphore, #tpu.memory_space<semaphore_mem>> -> memref<!tpu.dma_semaphore, #tpu.memory_space<semaphore_mem>>
        tpu.wait_indirect_dma semaphore(%dma_wait3A_633 : memref<!tpu.dma_semaphore, #tpu.memory_space<semaphore_mem>>) src(%dma_wait3A_631 : memref<10000x128xf32, #tpu.memory_space<hbm>>) dst(%dma_wait3A_625 : memref<80x128xf32, #tpu.memory_space<vmem>>)
        %jit3A_634 = arith.constant 4 : i32
        %eq3A_635 = arith.constant 0 : i32
        %eq3A_636 = arith.cmpi eq, %jit3A_634, %eq3A_635 : i32
        %jit3A_637 = arith.constant 1 : i32
        %select_n3A_638 = arith.select %eq3A_636, %jit3A_637, %jit3A_634 : i32
        %rem3A_639 = arith.remsi %add3A_560, %select_n3A_638 : i32
        %ne3A_640 = arith.constant 0 : i32
        %ne3A_641 = arith.cmpi ne, %rem3A_639, %ne3A_640 : i32
        %lt3A_642 = arith.constant 0 : i32
        %lt3A_643 = arith.cmpi slt, %rem3A_639, %lt3A_642 : i32
        %lt3A_644 = arith.constant 0 : i32
        %lt3A_645 = arith.cmpi slt, %select_n3A_638, %lt3A_644 : i32
        %ne3A_646 = arith.xori %lt3A_643, %lt3A_645 : i1
        %and3A_647 = arith.andi %ne3A_646, %ne3A_641 : i1
        %add3A_648 = arith.addi %rem3A_639, %select_n3A_638 : i32
        %select_n3A_649 = arith.select %and3A_647, %add3A_648, %rem3A_639 : i32
        %jit3A_650 = arith.constant 8 : i32
        %eq3A_651 = arith.constant 0 : i32
        %eq3A_652 = arith.cmpi eq, %jit3A_650, %eq3A_651 : i32
        %jit3A_653 = arith.constant 1 : i32
        %select_n3A_654 = arith.select %eq3A_652, %jit3A_653, %jit3A_650 : i32
        %rem3A_655 = arith.remsi %add3A_560, %select_n3A_654 : i32
        %ne3A_656 = arith.constant 0 : i32
        %ne3A_657 = arith.cmpi ne, %rem3A_655, %ne3A_656 : i32
        %lt3A_658 = arith.constant 0 : i32
        %lt3A_659 = arith.cmpi slt, %rem3A_655, %lt3A_658 : i32
        %lt3A_660 = arith.constant 0 : i32
        %lt3A_661 = arith.cmpi slt, %select_n3A_654, %lt3A_660 : i32
        %ne3A_662 = arith.xori %lt3A_659, %lt3A_661 : i1
        %and3A_663 = arith.andi %ne3A_662, %ne3A_657 : i1
        %add3A_664 = arith.addi %rem3A_655, %select_n3A_654 : i32
        %select_n3A_665 = arith.select %and3A_663, %add3A_664, %rem3A_655 : i32
        %jit3A_666 = arith.constant 4 : i32
        %eq3A_667 = arith.constant 0 : i32
        %eq3A_668 = arith.cmpi eq, %jit3A_666, %eq3A_667 : i32
        %jit3A_669 = arith.constant 1 : i32
        %select_n3A_670 = arith.select %eq3A_668, %jit3A_669, %jit3A_666 : i32
        %rem3A_671 = arith.remsi %add3A_560, %select_n3A_670 : i32
        %ne3A_672 = arith.constant 0 : i32
        %ne3A_673 = arith.cmpi ne, %rem3A_671, %ne3A_672 : i32
        %lt3A_674 = arith.constant 0 : i32
        %lt3A_675 = arith.cmpi slt, %rem3A_671, %lt3A_674 : i32
        %lt3A_676 = arith.constant 0 : i32
        %lt3A_677 = arith.cmpi slt, %select_n3A_670, %lt3A_676 : i32
        %ne3A_678 = arith.xori %lt3A_675, %lt3A_677 : i1
        %and3A_679 = arith.andi %ne3A_678, %ne3A_673 : i1
        %add3A_680 = arith.addi %rem3A_671, %select_n3A_670 : i32
        %select_n3A_681 = arith.select %and3A_679, %add3A_680, %rem3A_671 : i32
        %dma_start3A_682 = arith.constant 0 : i32
        %dma_start3A_683 = arith.constant 0 : i32
        %dma_start3A_684 = arith.constant 0 : i32
        %dma_start3A_685 = tpu.memref_slice %arg7[%select_n3A_649, %dma_start3A_683, %dma_start3A_684] : memref<4x80x128xf32, #tpu.memory_space<vmem>> -> memref<1x80x128xf32, #tpu.memory_space<vmem>>
        %dma_start3A_686 = tpu.memref_squeeze %dma_start3A_685 : memref<1x80x128xf32, #tpu.memory_space<vmem>> -> memref<80x128xf32, #tpu.memory_space<vmem>>
        %dma_start3A_687 = arith.constant 0 : i32
        %dma_start3A_688 = tpu.memref_slice %arg6[%select_n3A_665, %dma_start3A_682, %dma_start3A_687] : memref<8x2x80xi32, #tpu.memory_space<vmem>> -> memref<1x1x80xi32, #tpu.memory_space<vmem>>
        %dma_start3A_689 = tpu.memref_squeeze %dma_start3A_688 : memref<1x1x80xi32, #tpu.memory_space<vmem>> -> memref<80xi32, #tpu.memory_space<vmem>>
        %dma_start3A_690 = arith.constant 0 : i32
        %dma_start3A_691 = arith.constant 0 : i32
        %dma_start3A_692 = tpu.memref_slice %arg8[%dma_start3A_690, %dma_start3A_691] : memref<10000x128xf32, #tpu.memory_space<vmem_shared>> -> memref<10000x128xf32, #tpu.memory_space<vmem_shared>>
        %dma_start3A_693 = tpu.memref_slice %arg11[%select_n3A_681] : memref<4x!tpu.dma_semaphore, #tpu.memory_space<semaphore_mem>> -> memref<1x!tpu.dma_semaphore, #tpu.memory_space<semaphore_mem>>
        %dma_start3A_694 = tpu.memref_squeeze %dma_start3A_693 : memref<1x!tpu.dma_semaphore, #tpu.memory_space<semaphore_mem>> -> memref<!tpu.dma_semaphore, #tpu.memory_space<semaphore_mem>>
        tpu.enqueue_indirect_dma source(%dma_start3A_686 : memref<80x128xf32, #tpu.memory_space<vmem>>) target(%dma_start3A_692 : memref<10000x128xf32, #tpu.memory_space<vmem_shared>>) offsets(%dma_start3A_689 : memref<80xi32, #tpu.memory_space<vmem>>) semaphore(%dma_start3A_694 : memref<!tpu.dma_semaphore, #tpu.memory_space<semaphore_mem>>) {add = true}
      }
      %scan3A_523 = arith.constant 250 : i32
      %dma_wait3A_524 = arith.constant 0 : i32
      %dma_wait3A_525 = arith.constant 0 : i32
      %dma_wait3A_526 = arith.constant 0 : i32
      %dma_wait3A_527 = arith.constant 0 : i32
      %dma_wait3A_528 = arith.constant 0 : i32
      %dma_wait3A_529 = arith.constant 0 : i32
      %dma_wait3A_530 = tpu.memref_slice %arg7[%dma_wait3A_524, %dma_wait3A_528, %dma_wait3A_529] : memref<4x80x128xf32, #tpu.memory_space<vmem>> -> memref<1x80x128xf32, #tpu.memory_space<vmem>>
      %dma_wait3A_531 = tpu.memref_squeeze %dma_wait3A_530 : memref<1x80x128xf32, #tpu.memory_space<vmem>> -> memref<80x128xf32, #tpu.memory_space<vmem>>
      %dma_wait3A_532 = arith.constant 0 : i32
      %dma_wait3A_533 = tpu.memref_slice %arg6[%dma_wait3A_525, %dma_wait3A_526, %dma_wait3A_532] : memref<8x2x80xi32, #tpu.memory_space<vmem>> -> memref<1x1x80xi32, #tpu.memory_space<vmem>>
      %dma_wait3A_534 = tpu.memref_squeeze %dma_wait3A_533 : memref<1x1x80xi32, #tpu.memory_space<vmem>> -> memref<80xi32, #tpu.memory_space<vmem>>
      %dma_wait3A_535 = arith.constant 0 : i32
      %dma_wait3A_536 = arith.constant 0 : i32
      %dma_wait3A_537 = tpu.memref_slice %arg8[%dma_wait3A_535, %dma_wait3A_536] : memref<10000x128xf32, #tpu.memory_space<vmem_shared>> -> memref<10000x128xf32, #tpu.memory_space<vmem_shared>>
      %dma_wait3A_538 = tpu.memref_slice %arg11[%dma_wait3A_527] : memref<4x!tpu.dma_semaphore, #tpu.memory_space<semaphore_mem>> -> memref<1x!tpu.dma_semaphore, #tpu.memory_space<semaphore_mem>>
      %dma_wait3A_539 = tpu.memref_squeeze %dma_wait3A_538 : memref<1x!tpu.dma_semaphore, #tpu.memory_space<semaphore_mem>> -> memref<!tpu.dma_semaphore, #tpu.memory_space<semaphore_mem>>
      tpu.wait_indirect_dma semaphore(%dma_wait3A_539 : memref<!tpu.dma_semaphore, #tpu.memory_space<semaphore_mem>>) src(%dma_wait3A_531 : memref<80x128xf32, #tpu.memory_space<vmem>>) dst(%dma_wait3A_537 : memref<10000x128xf32, #tpu.memory_space<vmem_shared>>)
      %dma_wait3A_540 = arith.constant 1 : i32
      %dma_wait3A_541 = arith.constant 1 : i32
      %dma_wait3A_542 = arith.constant 0 : i32
      %dma_wait3A_543 = arith.constant 1 : i32
      %dma_wait3A_544 = arith.constant 0 : i32
      %dma_wait3A_545 = arith.constant 0 : i32
      %dma_wait3A_546 = tpu.memref_slice %arg7[%dma_wait3A_540, %dma_wait3A_544, %dma_wait3A_545] : memref<4x80x128xf32, #tpu.memory_space<vmem>> -> memref<1x80x128xf32, #tpu.memory_space<vmem>>
      %dma_wait3A_547 = tpu.memref_squeeze %dma_wait3A_546 : memref<1x80x128xf32, #tpu.memory_space<vmem>> -> memref<80x128xf32, #tpu.memory_space<vmem>>
      %dma_wait3A_548 = arith.constant 0 : i32
      %dma_wait3A_549 = tpu.memref_slice %arg6[%dma_wait3A_541, %dma_wait3A_542, %dma_wait3A_548] : memref<8x2x80xi32, #tpu.memory_space<vmem>> -> memref<1x1x80xi32, #tpu.memory_space<vmem>>
      %dma_wait3A_550 = tpu.memref_squeeze %dma_wait3A_549 : memref<1x1x80xi32, #tpu.memory_space<vmem>> -> memref<80xi32, #tpu.memory_space<vmem>>
      %dma_wait3A_551 = arith.constant 0 : i32
      %dma_wait3A_552 = arith.constant 0 : i32
      %dma_wait3A_553 = tpu.memref_slice %arg8[%dma_wait3A_551, %dma_wait3A_552] : memref<10000x128xf32, #tpu.memory_space<vmem_shared>> -> memref<10000x128xf32, #tpu.memory_space<vmem_shared>>
      %dma_wait3A_554 = tpu.memref_slice %arg11[%dma_wait3A_543] : memref<4x!tpu.dma_semaphore, #tpu.memory_space<semaphore_mem>> -> memref<1x!tpu.dma_semaphore, #tpu.memory_space<semaphore_mem>>
      %dma_wait3A_555 = tpu.memref_squeeze %dma_wait3A_554 : memref<1x!tpu.dma_semaphore, #tpu.memory_space<semaphore_mem>> -> memref<!tpu.dma_semaphore, #tpu.memory_space<semaphore_mem>>
      tpu.wait_indirect_dma semaphore(%dma_wait3A_555 : memref<!tpu.dma_semaphore, #tpu.memory_space<semaphore_mem>>) src(%dma_wait3A_547 : memref<80x128xf32, #tpu.memory_space<vmem>>) dst(%dma_wait3A_553 : memref<10000x128xf32, #tpu.memory_space<vmem_shared>>)
    } else {
    }
    %barrier3A_308 = arith.constant 0 : index
    tpu.barrier barrier_id(%barrier3A_308)
    %eq3A_309 = arith.constant 0 : i32
    %eq3A_310 = arith.cmpi eq, %arg0, %eq3A_309 : i32
    %convert_element_type3A_311 = arith.extui %eq3A_310 : i1 to i32
    %cond3A_312 = arith.constant 0 : i32
    %cond3A_313 = arith.cmpi ne, %convert_element_type3A_311, %cond3A_312 : i32
    scf.if %cond3A_313 {
      "tpu.region"() ({
        %run_scoped3A = tpu.sem_alloc : memref<!tpu.dma_semaphore, #tpu.memory_space<semaphore_mem>>
        %dma_start3A_324 = arith.constant 0 : i32
        %dma_start3A_325 = tpu.memref_slice %arg4[%mul3A_0, %dma_start3A_324] : memref<10000x128xf32, #tpu.memory_space<hbm>> -> memref<624x128xf32, #tpu.memory_space<hbm>>
        %dma_start3A_326 = arith.constant 0 : i32
        %dma_start3A_327 = tpu.memref_slice %arg8[%mul3A_0, %dma_start3A_326] : memref<10000x128xf32, #tpu.memory_space<vmem_shared>> -> memref<624x128xf32, #tpu.memory_space<vmem_shared>>
        tpu.enqueue_dma source(%dma_start3A_327 : memref<624x128xf32, #tpu.memory_space<vmem_shared>>) target(%dma_start3A_325 : memref<624x128xf32, #tpu.memory_space<hbm>>) target_semaphore(%run_scoped3A : memref<!tpu.dma_semaphore, #tpu.memory_space<semaphore_mem>>)
        %dma_wait3A_328 = arith.constant 0 : i32
        %dma_wait3A_329 = tpu.memref_slice %arg4[%mul3A_0, %dma_wait3A_328] : memref<10000x128xf32, #tpu.memory_space<hbm>> -> memref<624x128xf32, #tpu.memory_space<hbm>>
        %dma_wait3A_330 = arith.constant 0 : i32
        %dma_wait3A_331 = tpu.memref_slice %arg8[%mul3A_0, %dma_wait3A_330] : memref<10000x128xf32, #tpu.memory_space<vmem_shared>> -> memref<624x128xf32, #tpu.memory_space<vmem_shared>>
        tpu.wait_dma2 semaphore(%run_scoped3A : memref<!tpu.dma_semaphore, #tpu.memory_space<semaphore_mem>>) src(%dma_wait3A_331 : memref<624x128xf32, #tpu.memory_space<vmem_shared>>) dst(%dma_wait3A_329 : memref<624x128xf32, #tpu.memory_space<hbm>>)
        tpu.yield
      }) : () -> ()
      %eq3A_319 = arith.constant 15 : i32
      %eq3A_320 = arith.cmpi eq, %arg1, %eq3A_319 : i32
      %convert_element_type3A_321 = arith.extui %eq3A_320 : i1 to i32
      %cond3A_322 = arith.constant 0 : i32
      %cond3A_323 = arith.cmpi ne, %convert_element_type3A_321, %cond3A_322 : i32
      scf.if %cond3A_323 {
        "tpu.region"() ({
          %run_scoped3A = tpu.sem_alloc : memref<!tpu.dma_semaphore, #tpu.memory_space<semaphore_mem>>
          %dma_start3A_324 = arith.constant 9984 : i32
          %dma_start3A_325 = arith.constant 0 : i32
          %dma_start3A_326 = tpu.memref_slice %arg4[%dma_start3A_324, %dma_start3A_325] : memref<10000x128xf32, #tpu.memory_space<hbm>> -> memref<16x128xf32, #tpu.memory_space<hbm>>
          %dma_start3A_327 = arith.constant 9984 : i32
          %dma_start3A_328 = arith.constant 0 : i32
          %dma_start3A_329 = tpu.memref_slice %arg8[%dma_start3A_327, %dma_start3A_328] : memref<10000x128xf32, #tpu.memory_space<vmem_shared>> -> memref<16x128xf32, #tpu.memory_space<vmem_shared>>
          tpu.enqueue_dma source(%dma_start3A_329 : memref<16x128xf32, #tpu.memory_space<vmem_shared>>) target(%dma_start3A_326 : memref<16x128xf32, #tpu.memory_space<hbm>>) target_semaphore(%run_scoped3A : memref<!tpu.dma_semaphore, #tpu.memory_space<semaphore_mem>>)
          %dma_wait3A_330 = arith.constant 9984 : i32
          %dma_wait3A_331 = arith.constant 0 : i32
          %dma_wait3A_332 = tpu.memref_slice %arg4[%dma_wait3A_330, %dma_wait3A_331] : memref<10000x128xf32, #tpu.memory_space<hbm>> -> memref<16x128xf32, #tpu.memory_space<hbm>>
          %dma_wait3A_333 = arith.constant 9984 : i32
          %dma_wait3A_334 = arith.constant 0 : i32
          %dma_wait3A_335 = tpu.memref_slice %arg8[%dma_wait3A_333, %dma_wait3A_334] : memref<10000x128xf32, #tpu.memory_space<vmem_shared>> -> memref<16x128xf32, #tpu.memory_space<vmem_shared>>
          tpu.wait_dma2 semaphore(%run_scoped3A : memref<!tpu.dma_semaphore, #tpu.memory_space<semaphore_mem>>) src(%dma_wait3A_335 : memref<16x128xf32, #tpu.memory_space<vmem_shared>>) dst(%dma_wait3A_332 : memref<16x128xf32, #tpu.memory_space<hbm>>)
          tpu.yield
        }) : () -> ()
      } else {
      }
    } else {
    }
    %eq3A_314 = arith.constant 1 : i32
    %eq3A_315 = arith.cmpi eq, %arg0, %eq3A_314 : i32
    %convert_element_type3A_316 = arith.extui %eq3A_315 : i1 to i32
    %cond3A_317 = arith.constant 0 : i32
    %cond3A_318 = arith.cmpi ne, %convert_element_type3A_316, %cond3A_317 : i32
    scf.if %cond3A_318 {
      "tpu.region"() ({
        %run_scoped3A = tpu.sem_alloc : memref<!tpu.dma_semaphore, #tpu.memory_space<semaphore_mem>>
        %dma_start3A_324 = arith.constant 0 : i32
        %dma_start3A_325 = tpu.memref_slice %arg5[%mul3A_0, %dma_start3A_324] : memref<10000x128xf32, #tpu.memory_space<hbm>> -> memref<624x128xf32, #tpu.memory_space<hbm>>
        %dma_start3A_326 = arith.constant 0 : i32
        %dma_start3A_327 = tpu.memref_slice %arg8[%mul3A_0, %dma_start3A_326] : memref<10000x128xf32, #tpu.memory_space<vmem_shared>> -> memref<624x128xf32, #tpu.memory_space<vmem_shared>>
        tpu.enqueue_dma source(%dma_start3A_327 : memref<624x128xf32, #tpu.memory_space<vmem_shared>>) target(%dma_start3A_325 : memref<624x128xf32, #tpu.memory_space<hbm>>) target_semaphore(%run_scoped3A : memref<!tpu.dma_semaphore, #tpu.memory_space<semaphore_mem>>)
        %dma_wait3A_328 = arith.constant 0 : i32
        %dma_wait3A_329 = tpu.memref_slice %arg5[%mul3A_0, %dma_wait3A_328] : memref<10000x128xf32, #tpu.memory_space<hbm>> -> memref<624x128xf32, #tpu.memory_space<hbm>>
        %dma_wait3A_330 = arith.constant 0 : i32
        %dma_wait3A_331 = tpu.memref_slice %arg8[%mul3A_0, %dma_wait3A_330] : memref<10000x128xf32, #tpu.memory_space<vmem_shared>> -> memref<624x128xf32, #tpu.memory_space<vmem_shared>>
        tpu.wait_dma2 semaphore(%run_scoped3A : memref<!tpu.dma_semaphore, #tpu.memory_space<semaphore_mem>>) src(%dma_wait3A_331 : memref<624x128xf32, #tpu.memory_space<vmem_shared>>) dst(%dma_wait3A_329 : memref<624x128xf32, #tpu.memory_space<hbm>>)
        tpu.yield
      }) : () -> ()
      %eq3A_319 = arith.constant 15 : i32
      %eq3A_320 = arith.cmpi eq, %arg1, %eq3A_319 : i32
      %convert_element_type3A_321 = arith.extui %eq3A_320 : i1 to i32
      %cond3A_322 = arith.constant 0 : i32
      %cond3A_323 = arith.cmpi ne, %convert_element_type3A_321, %cond3A_322 : i32
      scf.if %cond3A_323 {
        "tpu.region"() ({
          %run_scoped3A = tpu.sem_alloc : memref<!tpu.dma_semaphore, #tpu.memory_space<semaphore_mem>>
          %dma_start3A_324 = arith.constant 9984 : i32
          %dma_start3A_325 = arith.constant 0 : i32
          %dma_start3A_326 = tpu.memref_slice %arg5[%dma_start3A_324, %dma_start3A_325] : memref<10000x128xf32, #tpu.memory_space<hbm>> -> memref<16x128xf32, #tpu.memory_space<hbm>>
          %dma_start3A_327 = arith.constant 9984 : i32
          %dma_start3A_328 = arith.constant 0 : i32
          %dma_start3A_329 = tpu.memref_slice %arg8[%dma_start3A_327, %dma_start3A_328] : memref<10000x128xf32, #tpu.memory_space<vmem_shared>> -> memref<16x128xf32, #tpu.memory_space<vmem_shared>>
          tpu.enqueue_dma source(%dma_start3A_329 : memref<16x128xf32, #tpu.memory_space<vmem_shared>>) target(%dma_start3A_326 : memref<16x128xf32, #tpu.memory_space<hbm>>) target_semaphore(%run_scoped3A : memref<!tpu.dma_semaphore, #tpu.memory_space<semaphore_mem>>)
          %dma_wait3A_330 = arith.constant 9984 : i32
          %dma_wait3A_331 = arith.constant 0 : i32
          %dma_wait3A_332 = tpu.memref_slice %arg5[%dma_wait3A_330, %dma_wait3A_331] : memref<10000x128xf32, #tpu.memory_space<hbm>> -> memref<16x128xf32, #tpu.memory_space<hbm>>
          %dma_wait3A_333 = arith.constant 9984 : i32
          %dma_wait3A_334 = arith.constant 0 : i32
          %dma_wait3A_335 = tpu.memref_slice %arg8[%dma_wait3A_333, %dma_wait3A_334] : memref<10000x128xf32, #tpu.memory_space<vmem_shared>> -> memref<16x128xf32, #tpu.memory_space<vmem_shared>>
          tpu.wait_dma2 semaphore(%run_scoped3A : memref<!tpu.dma_semaphore, #tpu.memory_space<semaphore_mem>>) src(%dma_wait3A_335 : memref<16x128xf32, #tpu.memory_space<vmem_shared>>) dst(%dma_wait3A_332 : memref<16x128xf32, #tpu.memory_space<hbm>>)
          tpu.yield
        }) : () -> ()
      } else {
      }
    } else {
    }
    return
  }
}

module attributes {stable_mosaic.version = 14 : i64} {
  func.func @_embed_body(%arg0: memref<10000x128xf32, #tpu.memory_space<vmem>>, %arg1: memref<128x128xf32, #tpu.memory_space<vmem>>, %arg2: memref<10000x128xf32, #tpu.memory_space<vmem>>, %arg3: memref<10000x128xf32, #tpu.memory_space<vmem>>) attributes {dimension_semantics = [], scalar_prefetch = 0 : i64, scratch_operands = 0 : i64, tpu.core_type = #tpu.core_type<tc>} {
    %get3A = arith.constant 0 : index
    %get3A_0 = arith.constant 0 : index
    %get3A_1 = vector.load %arg0[%get3A, %get3A_0] : memref<10000x128xf32, #tpu.memory_space<vmem>>, vector<10000x128xf32>
    %get3A_2 = arith.constant 0 : index
    %get3A_3 = arith.constant 0 : index
    %get3A_4 = vector.load %arg1[%get3A_2, %get3A_3] : memref<128x128xf32, #tpu.memory_space<vmem>>, vector<128x128xf32>
    %dot_general3A = arith.constant dense<0.000000e+00> : vector<10000x128xf32>
    %dot_general3A_5 = tpu.matmul %get3A_1, %get3A_4, %dot_general3A {dimension_numbers = #tpu.dot_dimension_numbers<[1], [1], [0], [0], [0, 0, 1, 0], [], []>, transpose_lhs_hint = false} : vector<10000x128xf32>, vector<128x128xf32>, vector<10000x128xf32> -> vector<10000x128xf32>
    %swap3A = arith.constant 0 : index
    %swap3A_6 = arith.constant 0 : index
    %swap3A_7 = vector.load %arg2[%swap3A, %swap3A_6] : memref<10000x128xf32, #tpu.memory_space<vmem>>, vector<10000x128xf32>
    tpu.vector_store %arg2[%swap3A, %swap3A_6], %dot_general3A_5 {strides = array<i32>} : memref<10000x128xf32, #tpu.memory_space<vmem>>, vector<10000x128xf32>,
    %max3A = arith.constant 0.000000e+00 : f32
    %max3A_8 = vector.broadcast %max3A : f32 to vector<10000x128xf32>
    %max3A_9 = arith.maximumf %dot_general3A_5, %max3A_8 : vector<10000x128xf32>
    %swap3A_10 = arith.constant 0 : index
    %swap3A_11 = arith.constant 0 : index
    %swap3A_12 = vector.load %arg3[%swap3A_10, %swap3A_11] : memref<10000x128xf32, #tpu.memory_space<vmem>>, vector<10000x128xf32>
    tpu.vector_store %arg3[%swap3A_10, %swap3A_11], %max3A_9 {strides = array<i32>} : memref<10000x128xf32, #tpu.memory_space<vmem>>, vector<10000x128xf32>,
    return
  }
}

module attributes {stable_mosaic.version = 14 : i64} {
  func.func @_iter_body(%arg0: memref<10000x128xf32, #tpu.memory_space<vmem>>, %arg1: memref<10000x128xf32, #tpu.memory_space<vmem>>, %arg2: memref<10000x128xf32, #tpu.memory_space<vmem>>, %arg3: memref<128x128xf32, #tpu.memory_space<vmem>>, %arg4: memref<128x128xf32, #tpu.memory_space<vmem>>, %arg5: memref<10000x128xf32, #tpu.memory_space<vmem>>) attributes {dimension_semantics = [], scalar_prefetch = 0 : i64, scratch_operands = 0 : i64, tpu.core_type = #tpu.core_type<tc>} {
    %get3A = arith.constant 0 : index
    %get3A_0 = arith.constant 0 : index
    %get3A_1 = vector.load %arg1[%get3A, %get3A_0] : memref<10000x128xf32, #tpu.memory_space<vmem>>, vector<10000x128xf32>
    %get3A_2 = arith.constant 0 : index
    %get3A_3 = arith.constant 0 : index
    %get3A_4 = vector.load %arg3[%get3A_2, %get3A_3] : memref<128x128xf32, #tpu.memory_space<vmem>>, vector<128x128xf32>
    %dot_general3A = arith.constant dense<0.000000e+00> : vector<10000x128xf32>
    %dot_general3A_5 = tpu.matmul %get3A_1, %get3A_4, %dot_general3A {dimension_numbers = #tpu.dot_dimension_numbers<[1], [1], [0], [0], [0, 0, 1, 0], [], []>, transpose_lhs_hint = false} : vector<10000x128xf32>, vector<128x128xf32>, vector<10000x128xf32> -> vector<10000x128xf32>
    %get3A_6 = arith.constant 0 : index
    %get3A_7 = arith.constant 0 : index
    %get3A_8 = vector.load %arg2[%get3A_6, %get3A_7] : memref<10000x128xf32, #tpu.memory_space<vmem>>, vector<10000x128xf32>
    %get3A_9 = arith.constant 0 : index
    %get3A_10 = arith.constant 0 : index
    %get3A_11 = vector.load %arg4[%get3A_9, %get3A_10] : memref<128x128xf32, #tpu.memory_space<vmem>>, vector<128x128xf32>
    %dot_general3A_12 = arith.constant dense<0.000000e+00> : vector<10000x128xf32>
    %dot_general3A_13 = tpu.matmul %get3A_8, %get3A_11, %dot_general3A_12 {dimension_numbers = #tpu.dot_dimension_numbers<[1], [1], [0], [0], [0, 0, 1, 0], [], []>, transpose_lhs_hint = false} : vector<10000x128xf32>, vector<128x128xf32>, vector<10000x128xf32> -> vector<10000x128xf32>
    %add3A = arith.addf %dot_general3A_5, %dot_general3A_13 : vector<10000x128xf32>
    %get3A_14 = arith.constant 0 : index
    %get3A_15 = arith.constant 0 : index
    %get3A_16 = vector.load %arg0[%get3A_14, %get3A_15] : memref<10000x128xf32, #tpu.memory_space<vmem>>, vector<10000x128xf32>
    %add3A_17 = arith.addf %get3A_16, %add3A : vector<10000x128xf32>
    %max3A = arith.constant 0.000000e+00 : f32
    %max3A_18 = vector.broadcast %max3A : f32 to vector<10000x128xf32>
    %max3A_19 = arith.maximumf %add3A_17, %max3A_18 : vector<10000x128xf32>
    %swap3A = arith.constant 0 : index
    %swap3A_20 = arith.constant 0 : index
    %swap3A_21 = vector.load %arg5[%swap3A, %swap3A_20] : memref<10000x128xf32, #tpu.memory_space<vmem>>, vector<10000x128xf32>
    tpu.vector_store %arg5[%swap3A, %swap3A_20], %max3A_19 {strides = array<i32>} : memref<10000x128xf32, #tpu.memory_space<vmem>>, vector<10000x128xf32>,
    return
  }
}

module attributes {stable_mosaic.version = 14 : i64} {
  func.func @_final_body(%arg0: memref<10000x128xf32, #tpu.memory_space<vmem>>, %arg1: memref<10000x128xf32, #tpu.memory_space<vmem>>, %arg2: memref<10000x128xf32, #tpu.memory_space<vmem>>, %arg3: memref<128x128xf32, #tpu.memory_space<vmem>>, %arg4: memref<128x128xf32, #tpu.memory_space<vmem>>, %arg5: memref<1x128xf32, #tpu.memory_space<vmem>>) attributes {dimension_semantics = [], scalar_prefetch = 0 : i64, scratch_operands = 0 : i64, tpu.core_type = #tpu.core_type<tc>} {
    %get3A = arith.constant 0 : index
    %get3A_0 = arith.constant 0 : index
    %get3A_1 = vector.load %arg1[%get3A, %get3A_0] : memref<10000x128xf32, #tpu.memory_space<vmem>>, vector<10000x128xf32>
    %get3A_2 = arith.constant 0 : index
    %get3A_3 = arith.constant 0 : index
    %get3A_4 = vector.load %arg3[%get3A_2, %get3A_3] : memref<128x128xf32, #tpu.memory_space<vmem>>, vector<128x128xf32>
    %dot_general3A = arith.constant dense<0.000000e+00> : vector<10000x128xf32>
    %dot_general3A_5 = tpu.matmul %get3A_1, %get3A_4, %dot_general3A {dimension_numbers = #tpu.dot_dimension_numbers<[1], [1], [0], [0], [0, 0, 1, 0], [], []>, transpose_lhs_hint = false} : vector<10000x128xf32>, vector<128x128xf32>, vector<10000x128xf32> -> vector<10000x128xf32>
    %get3A_6 = arith.constant 0 : index
    %get3A_7 = arith.constant 0 : index
    %get3A_8 = vector.load %arg2[%get3A_6, %get3A_7] : memref<10000x128xf32, #tpu.memory_space<vmem>>, vector<10000x128xf32>
    %get3A_9 = arith.constant 0 : index
    %get3A_10 = arith.constant 0 : index
    %get3A_11 = vector.load %arg4[%get3A_9, %get3A_10] : memref<128x128xf32, #tpu.memory_space<vmem>>, vector<128x128xf32>
    %dot_general3A_12 = arith.constant dense<0.000000e+00> : vector<10000x128xf32>
    %dot_general3A_13 = tpu.matmul %get3A_8, %get3A_11, %dot_general3A_12 {dimension_numbers = #tpu.dot_dimension_numbers<[1], [1], [0], [0], [0, 0, 1, 0], [], []>, transpose_lhs_hint = false} : vector<10000x128xf32>, vector<128x128xf32>, vector<10000x128xf32> -> vector<10000x128xf32>
    %add3A = arith.addf %dot_general3A_5, %dot_general3A_13 : vector<10000x128xf32>
    %get3A_14 = arith.constant 0 : index
    %get3A_15 = arith.constant 0 : index
    %get3A_16 = vector.load %arg0[%get3A_14, %get3A_15] : memref<10000x128xf32, #tpu.memory_space<vmem>>, vector<10000x128xf32>
    %add3A_17 = arith.addf %get3A_16, %add3A : vector<10000x128xf32>
    %max3A = arith.constant 0.000000e+00 : f32
    %max3A_18 = vector.broadcast %max3A : f32 to vector<10000x128xf32>
    %max3A_19 = arith.maximumf %add3A_17, %max3A_18 : vector<10000x128xf32>
    %reduce_sum3A = arith.constant dense<0.000000e+00> : vector<128xf32>
    %reduce_sum3A_20 = vector.multi_reduction <add>, %max3A_19, %reduce_sum3A [0] : vector<10000x128xf32> to vector<128xf32>
    %broadcast_in_dim3A = vector.shape_cast %reduce_sum3A_20 : vector<128xf32> to vector<1x128xf32>
    %swap3A = arith.constant 0 : index
    %swap3A_21 = arith.constant 0 : index
    %swap3A_22 = vector.load %arg5[%swap3A, %swap3A_21] : memref<1x128xf32, #tpu.memory_space<vmem>>, vector<1x128xf32>
    tpu.vector_store %arg5[%swap3A, %swap3A_21], %broadcast_in_dim3A {strides = array<i32>} : memref<1x128xf32, #tpu.memory_space<vmem>>, vector<1x128xf32>,
    return
  }
}

</mosaic_0001>

<sc_bundles>
// kernel: kernel.10.cloned.1.call-start
scs
__scs_entry_jumppad:
0x0: {  	(pc) =	sbr.rel $0x88, $3  }
0x1: {  	(tag) =	ssettag $0x0;
	lr =	simm.s32 $0x1  }
0x2: {  	[smem:$0x3F9C] =	sst lr;
	_ =	strace $0xD0000000  }
0x3: {  	_ = 	snop  }
0x4: {  	_ = 	snop  }
0x5: {  	_ = 	snop  }
0x6: {  	_ = 	snop  }
0x7: {  	_ = 	snop  }
__scs_overlays_trampoline_lowered:
0x8: {  	[smem:$0x3FAB] =	sst s0  }
0x9: {  	[smem:$0x3FAC] =	sst s1  }
0xa: {  	[smem:$0x3FAD] =	sst s2  }
0xb: {  	[smem:$0x3FAE] =	sst s3  }
0xc: {  	[smem:$0x3FAF] =	sst s4  }
0xd: {  	[smem:$0x3FB0] =	sst s5  }
0xe: {  	[smem:$0x3FB1] =	sst s6  }
0xf: {  	[smem:$0x3FB2] =	sst s7  }
0x10: {  	[smem:$0x3FB3] =	sst s8  }
0x11: {  	[smem:$0x3FB4] =	sst s9;
	s0 =	simm.s32 @!p0 $0x0  }
0x12: {  	s1 =	sld [smem:$0x3F9A];
	s0 =	simm.s32 @p0 $0x1  }
0x13: {  	[smem:$0x3FB5] =	sst s0;
	s0 =	simm.s32 @!p1 $0x0  }
0x14: {  	s2 =	sld [smem:$0x3F99];
	s0 =	simm.s32 @p1 $0x1  }
0x15: {  	[smem:$0x3FB6] =	sst s0;
	s0 =	simm.s32 @!p2 $0x0  }
0x16: {  	s3 =	sld [smem:$0x3FDB];
	s0 =	simm.s32 @p2 $0x1  }
0x17: {  	s4 =	simm.s32 $0x1BF5;
	[smem:$0x3FB8] =	sst s0  }
0x18: {  	s0 =	sld [smem:$0x3F9B];
	_ =	swait.ge [sflag:s4], $0x0  }
0x19: {  	s7 =	sld [smem:$0x3F9C]  }
0x1a: {  	s8 =	sadd.s32 $0xFFFFE003, lr  }
0x1b: {  	s9 =	sadd.s32 $0xFFFFFEF7, lr;
	s5 =	simm.s32 $0xFFFFFFFF;
	p2 =	slt.u32 s8, $0xFFFFF086  }
0x1c: {  	p1 =	slt.u32 s9, $0xF7A;
	s5 =	simm.s32 @!p2 $0x0  }
0x1d: {  	s5 =	simm.s32 @p1 $0x1;
	p0 =	seq.s32 s7, s2  }
0x1e: {  	s7 =	smul.u32 @!p0 $0xF7A, s2;
	p2 =	seq.s32 @!p0 s5, $0x0  }
0x1f: {  	s9 =	smul.u32 $0xF7A, s1;
	s8 =	simm.s32 @!p0 $0x1BF5;
	p2 =	por !p2, p0  }
0x20: {  	[sflag:s8] =	ssyncset.s32 @!p0 $0xFFFFF086;
	s6 =	sadd.s32 @!p0 s3, s7;
	s7 =	simm.s32 @!p0 $0x108  }
0x21: {  	s3 =	sadd.s32 s3, s9;
	s6 =	sadd.s32 @!p0 $0x88, s6;
	s7 =	simm.s32 @p2 $0x1082  }
0x22: {  	[simem:s7], [sflag:s8] =	dma.local @!p0 [hbm:s6], $0xF7A  }
0x23: {  	s9 =	sor.u32 $0xD0000000, s2;
	s6 =	simm.s32 $0x108;
	_ =	swait.ge @!p0 [sflag:s8], $0x0  }
0x24: {  	s3 =	sadd.s32 $0x88, s3;
	s6 =	simm.s32 @!p1 $0x1082;
	[sflag:s4] =	ssyncset.s32 $0xFFFFF086  }
0x25: {  	[simem:s6], [sflag:s4] =	dma.local [hbm:s3], $0xF7A  }
0x26: {  	[smem:$0x3F9C] =	sst s1;
	(tag) =	ssettag s2;
	_ =	strace s9  }
0x27: {  	s1 =	sld [smem:$0x3FAC]  }
0x28: {  	s2 =	sld [smem:$0x3FAD]  }
0x29: {  	s4 =	sld [smem:$0x3FAF]  }
0x2a: {  	p0 =	seq.s32 s5, $0x0;
	s5 =	sld [smem:$0x3FB0]  }
0x2b: {  	s6 =	sld [smem:$0x3FB1]  }
0x2c: {  	s7 =	sld [smem:$0x3FB2]  }
0x2d: {  	s3 =	simm.s32 $0x108;
	s8 =	sld [smem:$0x3FB3]  }
0x2e: {  	s3 =	simm.s32 @!p0 $0x1082;
	s9 =	sld [smem:$0x3FB4]  }
0x2f: {  	lr =	sadd.s32 s0, s3;
	s0 =	sld [smem:$0x3FAB]  }
0x30: {  	s3 =	sld [smem:$0x3FAE]  }
0x31: {  	[smem:$0x3FB7] =	sst s10  }
0x32: {  	s10 =	sld [smem:$0x3FB5];
	_ =	sdelay $0x3  }
0x33: {  	p0 =	seq.s32 s10, $0x1;
	s10 =	sld [smem:$0x3FB7];
	_ =	sdelay $0x3  }
0x34: {  	[smem:$0x3FB7] =	sst s10  }
0x35: {  	s10 =	sld [smem:$0x3FB6];
	_ =	sdelay $0x3  }
0x36: {  	p1 =	seq.s32 s10, $0x1;
	s10 =	sld [smem:$0x3FB7];
	_ =	sdelay $0x3  }
0x37: {  	[smem:$0x3FB7] =	sst s10  }
0x38: {  	s10 =	sld [smem:$0x3FB8]  }
0x39: {  	_ = 	snop;
	(pc) =	sbr.ind lr, $3  }
0x3a: {  	_ = 	snop  }
0x3b: {  	_ = 	snop  }
0x3c: {  	p2 =	seq.s32 s10, $0x1;
	s10 =	sld [smem:$0x3FB7]  }
0x3d: {  	_ =	shalt  }
0x3e: {  	_ =	shalt  }
0x3f: {  	_ =	shalt  }
0x40: {  	_ =	shalt  }
0x41: {  	_ =	shalt  }
0x42: {  	_ =	shalt  }
0x43: {  	_ =	shalt  }
0x44: {  	_ =	shalt  }
0x45: {  	_ =	shalt  }
0x46: {  	_ =	shalt  }
0x47: {  	_ =	shalt  }
0x48: {  	_ =	shalt  }
0x49: {  	_ =	shalt  }
0x4a: {  	_ =	shalt  }
0x4b: {  	_ =	shalt  }
0x4c: {  	_ =	shalt  }
0x4d: {  	_ =	shalt  }
0x4e: {  	_ =	shalt  }
0x4f: {  	_ =	shalt  }
0x50: {  	_ =	shalt  }
0x51: {  	_ =	shalt  }
0x52: {  	_ =	shalt  }
0x53: {  	_ =	shalt  }
0x54: {  	_ =	shalt  }
0x55: {  	_ =	shalt  }
0x56: {  	_ =	shalt  }
0x57: {  	_ =	shalt  }
0x58: {  	_ =	shalt  }
0x59: {  	_ =	shalt  }
0x5a: {  	_ =	shalt  }
0x5b: {  	_ =	shalt  }
0x5c: {  	_ =	shalt  }
0x5d: {  	_ =	shalt  }
0x5e: {  	_ =	shalt  }
0x5f: {  	_ =	shalt  }
0x60: {  	_ =	shalt  }
0x61: {  	_ =	shalt  }
0x62: {  	_ =	shalt  }
0x63: {  	_ =	shalt  }
0x64: {  	_ =	shalt  }
0x65: {  	_ =	shalt  }
0x66: {  	_ =	shalt  }
0x67: {  	_ =	shalt  }
0x68: {  	_ =	shalt  }
0x69: {  	_ =	shalt  }
0x6a: {  	_ =	shalt  }
0x6b: {  	_ =	shalt  }
0x6c: {  	_ =	shalt  }
0x6d: {  	_ =	shalt  }
0x6e: {  	_ =	shalt  }
0x6f: {  	_ =	shalt  }
0x70: {  	_ =	shalt  }
0x71: {  	_ =	shalt  }
0x72: {  	_ =	shalt  }
0x73: {  	_ =	shalt  }
0x74: {  	_ =	shalt  }
0x75: {  	_ =	shalt  }
0x76: {  	_ =	shalt  }
0x77: {  	_ =	shalt  }
0x78: {  	_ =	shalt  }
0x79: {  	_ =	shalt  }
0x7a: {  	_ =	shalt  }
0x7b: {  	_ =	shalt  }
0x7c: {  	_ =	shalt  }
0x7d: {  	_ =	shalt  }
0x7e: {  	_ =	shalt  }
0x7f: {  	_ =	shalt  }
0x80: {  	_ =	shalt  }
0x81: {  	_ =	shalt  }
0x82: {  	_ =	shalt  }
0x83: {  	_ =	shalt  }
0x84: {  	_ =	shalt  }
0x85: {  	_ =	shalt  }
0x86: {  	_ =	shalt  }
0x87: {  	_ =	shalt  }
.Lfunc_end0:
.L_simem_size_0:
called_computation.1_lowered:
.L_overlay_start_0:
0x88: {  	s2 =	sld [smem:$0x3FD9]  }
0x89: {  	s3 =	sld [smem:$0x3FFE];
	_ =	sdelay $0x1  }
0x8a: {  	s1 =	srdreg.scid  }
0x8b: {  	s0 =	sand.u32 $0x1, s1  }
0x8c: {  	s16 =	sshll.u32 s0, $0xA;
	s2 =	sadd.s32 s3, s2  }
0x8d: {  	s2 =	sadd.s32 s2, s16  }
0x8e: {  	[smem:$0x3FC3] =	sst s2  }
0x8f: {  	_ = 	snop  }
0x90: {  	(tm) =	ssettm $0x1  }
0x91: {  	s17 =	sld [smem:$0x3FFB];
	_ =	sdelay $0x3  }
0x92: {  	_ =	strace s17  }
0x93: {  	s2 =	sld [smem:$0x3FFC];
	_ =	sdelay $0x3  }
0x94: {  	_ =	strace s2  }
0x95: {  	s2 =	sld [smem:$0x3FFD];
	_ =	sdelay $0x3  }
0x96: {  	_ =	strace s2  }
0x97: {  	_ =	strace $0x8FFFFFFF  }
0x98: {  	s18 =	sld [smem:$0x3FDB];
	_ =	sdelay $0x1  }
0x99: {  	s19 =	simm.s32 $_scs_section_size  }
0x9a: {  	s4 =	simm.s32 $_size__tile_overlayer_lowered;
	s5 =	simm.s32 $_tile_overlayer_lowered  }
0x9b: {  	s22 =	simm.s32 $0x1BFF;
	s21 =	sshll.u32 s5, $0x1;
	s2 =	sadd.s32 s19, s18  }
0x9c: {  	s6 =	simm.s32 $0x0;
	s20 =	sshll.u32 s4, $0x1;
	s4 =	sadd.s32 s21, s2  }
0x9d: {  	[timem:s6], [sflag:s22] =	dma.local [hbm:s4], s20  }
0x9e: {  	_ =	swait.ge [sflag:s22], s20  }
0x9f: {  	s3 =	ssub.s32 $0x0, s20;
	[sflag:s22] =	ssyncset.done $0x0  }
0xa0: {  	[sflag:s22] =	ssyncadd.s32 s3;
	_ =	sdelay $0x1  }
0xa1: {  	s23 =	simm.s32 $0x1B8B  }
0xa2: {  	_ =	swait.ge [sflag:s23], $0x1  }
0xa3: {  	[sflag:s23] =	ssyncset.done $0x0  }
0xa4: {  	s25 =	simm.s32 $0x1B8E;
	s24 =	sld [smem:$0x3FFE];
	[sflag:s23] =	ssyncadd.s32 $0xFFFFFFFF  }
0xa5: {  	s26 =	simm.s32 $execute0_lowered;
	[smem:$0x3FD2] =	sst s25  }
0xa6: {  	s4 =	sshll.u32 s26, $0x1;
	_ =	strace $0x80000049;
	[dreg:$0x1] =	wrdreg $0xFFFFFFFF  }
0xa7: {  	s28 =	simm.s32 $_size_execute0_lowered;
	s2 =	sadd.s32 s2, s4;
	[dreg:$0x0] =	wrdreg $0x0  }
0xa8: {  	s4 =	sshll.u32 s28, $0x1;
	[dreg:$0x2] =	wrdreg s2  }
0xa9: {  	[dreg:$0x3] =	wrdreg s4  }
0xaa: {  	[dreg:$0x4] =	wrdreg $0xC0  }
0xab: {  	_ =	task [dreg:s6], $0x5FFFF  }
0xac: {  	[dreg:$0x1] =	wrdreg $0xFFFFFFFF  }
0xad: {  	[dreg:$0x0] =	wrdreg $0x60  }
0xae: {  	[dreg:$0x2] =	wrdreg s24  }
0xaf: {  	[dreg:$0x3] =	wrdreg $0xA8000  }
0xb0: {  	[dreg:$0x4] =	wrdreg $0x9  }
0xb1: {  	_ =	task.clear_ibuf [dreg:s6], $0x5FFFF;
	_ =	strace $0x90000049  }
0xb2: {  	s29 =	simm.s32 $0x9;
	_ =	strace $0x8000004B  }
0xb3: {  	_ =	swait.ge [sflag:s29], $0x1  }
0xb4: {  	[sflag:s29] =	ssyncadd.s32 $0xFFFFFFFF  }
0xb5: {  	_ =	strace $0x9000004B  }
0xb6: {  	_ =	sfence  }
0xb7: {  	s30 =	sld [smem:$0x0];
	_ =	sdelay $0x2  }
0xb8: {  	s31 =	sshll.u32 s1, $0xD;
	s1 =	sshrl.u32 s1, $0x2  }
0xb9: {  	s3 =	sand.u32 $0x4000, s31;
	s1 =	sadd.s32 s1, s30  }
0xba: {  	s0 =	sor.u32 s3, s0;
	s1 =	sshll.u32 s1, $0x11  }
0xbb: {  	s0 =	sor.u32 s1, s0  }
0xbc: {  	s0 =	sadd.s32 $0x8F2B, s0  }
0xbd: {  	[sflag:s0] =	ssyncadd.remote.s32 $0x1  }
0xbe: {  	_ =	sfence.sel $0xFFFF  }
0xbf: {  	[dreg:$0x0] =	wrdreg $0xFFFFFFFF;
	(pc) =	sbr.abs _section_cstart, $3  }
0xc0: {  	[dreg:$0x1] =	wrdreg $0xFFFFFFFF  }
0xc1: {  	_ =	task.clear_ibuf [dreg:s6], $0x2FFFF;
	_ =	strace $0x9FFFFFFF  }
0xc2: {  	(tm) =	ssettm $0x7FFFFFFF  }
0xc3: {  	_ =	shalt  }
tec
execute0_lowered:
.L_overlay_start_1:
0x0: {  	(tag) =	ssettag $0x1  }
0x1: {  	s0 =	rddreg [dreg:$0x0]  }
0x2: {  	s1 =	rddreg [dreg:$0x1];
	s3 =	simm.s32 $0x0;
	s2 =	srdreg.scid  }
0x3: {  	s9 =	stileid.u32;
	s29 =	simm.s32 $0x800;
	s30 =	simm.s32 $0x9  }
0x4: {  	s31 =	simm.s32 $0xA;
	[smem:$0x7FF] =	sst s3;
	s5 =	smul.u32 $0x4E000, s9  }
0x5: {  	s2 =	sand.u32 $0x1, s2;
	s4 =	sadd.s32 $0x22000, s0;
	s13 =	smul.u32 $0xFA00, s9  }
0x6: {  	s6 =	sadd.s32 $0x2C00, s0;
	s10 =	sadd.s32 $0x49200, s0;
	s19 =	smul.u32 $0x1F40, s9  }
0x7: {  	s11 =	sadd.s32 $0x70400, s0;
	s22 =	smul.u32 $0x2700, s9;
	p1 =	sne.s32 s9, $0xF  }
0x8: {  	_ =	strace $0x8000004A;
	s7 =	ssub.s32 $0x2, s2;
	[dreg:$0x4] =	wrdreg s11  }
0x9: {  	p2 =	seq.s32 s9, $0xF;
	[dreg:$0x3] =	wrdreg s10;
	s8 =	sshrl.u32 s7, $0x1  }
0xa: {  	s5 =	sshrl.u32 s5, $0x2;
	s25 =	sadd.s32 s11, s22;
	s26 =	sadd.s32 s10, s22  }
0xb: {  	s0 =	ssub.s32 s7, s8;
	s7 =	sadd.s32 s5, s1;
	[dreg:$0x11] =	wrdreg s25  }
0xc: {  	s9 =	simm.s32 $0xD;
	[dreg:$0x12] =	wrdreg s26;
	s5 =	sadd.s32 $0x2800, s7  }
0xd: {  	p0 =	sne.s32 s2, $0x0;
	s12 =	sadd.s32 $0x5000, s7;
	[dreg:$0x5] =	wrdreg s5  }
0xe: {  	s2 =	simm.s32 $0x3000;
	s14 =	sadd.s32 $0x7800, s7;
	[dreg:$0x6] =	wrdreg s12  }
0xf: {  	s22 =	simm.s32 $0x3;
	s15 =	sadd.s32 $0xA000, s7;
	[dreg:$0x7] =	wrdreg s14  }
0x10: {  	s10 =	simm.s32 $0xE;
	s16 =	sadd.s32 $0xC800, s7;
	[dreg:$0x8] =	wrdreg s15  }
0x11: {  	s11 =	simm.s32 $0x11;
	s17 =	sadd.s32 $0xF000, s7;
	[dreg:$0x9] =	wrdreg s16  }
0x12: {  	s8 =	simm.s32 $0x4;
	s18 =	sadd.s32 $0x11800, s7;
	[dreg:$0xa] =	wrdreg s17  }
0x13: {  	s0 =	smax.u32 s0, $0x1;
	[dreg:$0xb] =	wrdreg s18;
	s5 =	sshrl.u32 s13, $0x3  }
0x14: {  	s15 =	sadd.s32 $0x138000, s1;
	[dreg:$0x13] =	wrdreg s0;
	s0 =	simm.s32 $0x100  }
0x15: {  	s18 =	simm.s32 $0x300;
	s16 =	sadd.s32 s6, s5;
	s5 =	sadd.s32 s19, s6  }
0x16: {  	s6 =	simm.s32 $0x2;
	s20 =	sadd.s32 $0x20, s16;
	s21 =	sadd.s32 $0x40, s16  }
.Ltmp0:
0x17: {  	s12 =	sadd.s32 $0x60, s16;
	[dreg:$0xc] =	wrdreg s20;
	(pc) =	sbr.rel .LBB2_1-.Ltmp0, $4  }
0x18: {  	s23 =	sadd.s32 $0x80, s16;
	s24 =	sadd.s32 $0xA0, s16;
	[dreg:$0xd] =	wrdreg s21  }
0x19: {  	s17 =	sadd.s32 $0x100, s5;
	s26 =	sadd.s32 $0xC0, s16;
	[dreg:$0xe] =	wrdreg s12  }
0x1a: {  	s28 =	sadd.s32 $0xE0, s16;
	s5 =	simm.s32 $0x1;
	[dreg:$0xf] =	wrdreg s23  }
0x1b: {  	v0 =	vimm.f32 $0.0e+00;
	[dreg:$0x10] =	wrdreg s24;
	s23 =	simm.s32 $0x50;
	s12 =	simm.s32 $0x0  }
.LBB2_18:
0x1c: {  	s14 =	sadd.s32 $0x27000, s14;
	s18 =	sshrl.u32 s15, $0x3  }
0x1d: {  	[hbm:s14], [sflag:s13] =	dma.local [spmem:s18], $0x100  }
0x1e: {  	_ =	swait.ge [sflag:s11], $0x100  }
0x1f: {  	[sflag:s11] =	ssyncset.done $0x0  }
0x20: {  	[sflag:s11] =	ssyncadd.s32 $0xFFFFFF00  }
.LBB2_19:
0x21: {  	s12 =	sadd.s32 $0x1, s12;
	s13 =	rddreg [dreg:$0x13]  }
0x22: {  	p3 =	sne.s32 s12, s13  }
.Ltmp1:
0x23: {  	_ = 	snop;
	(pc) =	sbr.rel @!p3 .LBB2_20-.Ltmp1, $2  }
0x24: {  	_ =	sdelay $0x2  }
0x25: {  	s18 =	simm.s32 $0x300  }
.LBB2_1:
0x26: {  	s13 =	simm.s32 $0x70;
	s14 =	simm.s32 $0x3C0  }
.LBB2_2:
0x27: {  	p3 =	sne.s32 s14, $0x9FC0;
	[tilespmem:s13+$0x800] =	vst v0  }
0x28: {  	[tilespmem:s13+$0x790] =	vst v0  }
0x29: {  	[tilespmem:s13+$0x7A0] =	vst v0  }
.Ltmp2:
0x2a: {  	[tilespmem:s13+$0x7B0] =	vst v0;
	(pc) =	sbr.rel @p3 .LBB2_2-.Ltmp2, $4  }
0x2b: {  	[tilespmem:s13+$0x7C0] =	vst v0  }
0x2c: {  	[tilespmem:s13+$0x7D0] =	vst v0  }
0x2d: {  	[tilespmem:s13+$0x7E0] =	vst v0  }
0x2e: {  	[tilespmem:s13+$0x7F0] =	vst v0;
	s13 =	sshra.s32 s14, $0x2;
	s14 =	sadd.s32 $0x200, s14  }
0x2f: {  	[tilespmem:s13+$0x800] =	vst v0  }
0x30: {  	[tilespmem:s13+$0x790] =	vst v0  }
0x31: {  	[tilespmem:s13+$0x7A0] =	vst v0  }
0x32: {  	[tilespmem:s13+$0x7B0] =	vst v0  }
0x33: {  	[tilespmem:s13+$0x7C0] =	vst v0  }
0x34: {  	[tilespmem:s13+$0x7D0] =	vst v0  }
0x35: {  	[tilespmem:s13+$0x7E0] =	vst v0  }
0x36: {  	[tilespmem:s13+$0x7F0] =	vst v0  }
0x37: {  	[spmem:s7] =	stream.linear.scatter [tilespmem:s29], [sflag:$0x9], $0x2800, $0x38;
	[tilespmem:$0x1E080] =	vst v63  }
0x38: {  	s21 =	rddreg [dreg:$0x5]  }
0x39: {  	[spmem:s21] =	stream.linear.scatter [tilespmem:s29], [sflag:$0x9], $0x2800, $0x38;
	[tilespmem:$0x1E080] =	vst v63  }
0x3a: {  	s24 =	rddreg [dreg:$0x6]  }
0x3b: {  	[spmem:s24] =	stream.linear.scatter [tilespmem:s29], [sflag:$0x9], $0x2800, $0x38;
	[tilespmem:$0x1E080] =	vst v63  }
0x3c: {  	s25 =	rddreg [dreg:$0x7]  }
0x3d: {  	[spmem:s25] =	stream.linear.scatter [tilespmem:s29], [sflag:$0x9], $0x2800, $0x38;
	[tilespmem:$0x1E080] =	vst v63  }
0x3e: {  	s14 =	rddreg [dreg:$0x8]  }
0x3f: {  	[spmem:s14] =	stream.linear.scatter [tilespmem:s29], [sflag:$0x9], $0x2800, $0x38;
	[tilespmem:$0x1E080] =	vst v63  }
0x40: {  	s19 =	rddreg [dreg:$0x9]  }
0x41: {  	[spmem:s19] =	stream.linear.scatter [tilespmem:s29], [sflag:$0x9], $0x2800, $0x38;
	[tilespmem:$0x1E080] =	vst v63  }
0x42: {  	s20 =	rddreg [dreg:$0xa]  }
0x43: {  	[spmem:s20] =	stream.linear.scatter [tilespmem:s29], [sflag:$0x9], $0x2800, $0x38;
	[tilespmem:$0x1E080] =	vst v63  }
0x44: {  	s21 =	rddreg [dreg:$0xb]  }
0x45: {  	[spmem:s21] =	stream.linear.scatter [tilespmem:s29], [sflag:$0xA], $0x2000, $0x38;
	[tilespmem:$0x1E080] =	vst v63  }
0x46: {  	s13 =	simm.s32 @!p1 $0x800  }
0x47: {  	[spmem:s15] =	stream.linear.scatter @!p1 [tilespmem:s13], [sflag:$0xB], $0x800, $0x38;
	[tilespmem:$0x1E080] =	vst v63  }
0x48: {  	_ =	swait.ge [sflag:s30], $0x2800  }
0x49: {  	[sflag:s30] =	ssyncset.done $0x0  }
0x4a: {  	[sflag:s30] =	ssyncadd.s32 $0xFFFFD800  }
0x4b: {  	_ =	swait.ge [sflag:s30], $0x2800  }
0x4c: {  	[sflag:s30] =	ssyncset.done $0x0  }
0x4d: {  	[sflag:s30] =	ssyncadd.s32 $0xFFFFD800  }
0x4e: {  	_ =	swait.ge [sflag:s30], $0x2800  }
0x4f: {  	[sflag:s30] =	ssyncset.done $0x0  }
0x50: {  	[sflag:s30] =	ssyncadd.s32 $0xFFFFD800  }
0x51: {  	_ =	swait.ge [sflag:s30], $0x2800  }
0x52: {  	[sflag:s30] =	ssyncset.done $0x0  }
0x53: {  	[sflag:s30] =	ssyncadd.s32 $0xFFFFD800  }
0x54: {  	_ =	swait.ge [sflag:s30], $0x2800  }
0x55: {  	[sflag:s30] =	ssyncset.done $0x0  }
0x56: {  	[sflag:s30] =	ssyncadd.s32 $0xFFFFD800  }
0x57: {  	_ =	swait.ge [sflag:s30], $0x2800  }
0x58: {  	[sflag:s30] =	ssyncset.done $0x0  }
0x59: {  	[sflag:s30] =	ssyncadd.s32 $0xFFFFD800  }
0x5a: {  	_ =	swait.ge [sflag:s30], $0x2800  }
0x5b: {  	[sflag:s30] =	ssyncset.done $0x0  }
0x5c: {  	[sflag:s30] =	ssyncadd.s32 $0xFFFFD800  }
0x5d: {  	_ =	swait.ge [sflag:s31], $0x2000  }
0x5e: {  	[sflag:s31] =	ssyncset.done $0x0  }
0x5f: {  	s13 =	simm.s32 @!p1 $0xB;
	[sflag:s31] =	ssyncadd.s32 $0xFFFFE000  }
0x60: {  	_ =	swait.ge @!p1 [sflag:s13], $0x800  }
0x61: {  	[sflag:s13] =	ssyncset.done @!p1 $0x0  }
0x62: {  	[sflag:s13] =	ssyncadd.s32 @!p1 $0xFFFFF800  }
0x63: {  	[bflag:$0x0] =	sbarrier.arrive $0xFFFF  }
0x64: {  	[tilespmem:s3], [sflag:$0x1] =	stream.linear.gather [hbm4b:s16+s3], $0x100, $0x38;
	[tilespmem:$0x1E080] =	vst v63  }
0x65: {  	s24 =	rddreg [dreg:$0xc]  }
0x66: {  	[tilespmem:s0], [sflag:$0x2] =	stream.linear.gather [hbm4b:s24+s3], $0x100, $0x38;
	[tilespmem:$0x1E080] =	vst v63  }
0x67: {  	s14 =	simm.s32 $0x200;
	s25 =	rddreg [dreg:$0xd]  }
0x68: {  	[tilespmem:s14], [sflag:$0x3] =	stream.linear.gather [hbm4b:s25+s3], $0x100, $0x38;
	[tilespmem:$0x1E080] =	vst v63  }
0x69: {  	s19 =	rddreg [dreg:$0xe]  }
0x6a: {  	[tilespmem:s18], [sflag:$0x4] =	stream.linear.gather [hbm4b:s19+s3], $0x100, $0x38;
	[tilespmem:$0x1E080] =	vst v63  }
0x6b: {  	s21 =	simm.s32 $0x400;
	s20 =	rddreg [dreg:$0xf]  }
0x6c: {  	[tilespmem:s21], [sflag:$0x5] =	stream.linear.gather [hbm4b:s20+s3], $0x100, $0x38;
	[tilespmem:$0x1E080] =	vst v63  }
.Ltmp3:
0x6d: {  	s24 =	rddreg [dreg:$0x10];
	s25 =	simm.s32 $0x500;
	(pc) =	sbr.rel @p0 .LBB2_11-.Ltmp3, $4  }
0x6e: {  	[tilespmem:s25], [sflag:$0x6] =	stream.linear.gather [hbm4b:s24+s3], $0x100, $0x38;
	[tilespmem:$0x1E080] =	vst v63  }
0x6f: {  	_ =	swait.ge [sflag:s5], $0x100  }
0x70: {  	[sflag:s5] =	ssyncset.done $0x0  }
0x71: {  	[sflag:s5] =	ssyncadd.s32 $0xFFFFFF00  }
0x72: {  	[tilespmem:s29], [sflag:$0x9] =	stream.indirect.gather [hbm4b:s4+s23], $0x80, s3, s23, $0xb8;
	[tilespmem:$0x1E080] =	vst v63  }
0x73: {  	_ =	swait.ge [sflag:s6], $0x100  }
0x74: {  	[sflag:s6] =	ssyncset.done $0x0  }
0x75: {  	[sflag:s6] =	ssyncadd.s32 $0xFFFFFF00  }
0x76: {  	[tilespmem:s2], [sflag:$0xA] =	stream.indirect.gather [hbm4b:s4+s23], $0x80, s0, s23, $0xb8;
	[tilespmem:$0x1E080] =	vst v63  }
0x77: {  	s13 =	simm.s32 $0x600  }
0x78: {  	[tilespmem:s13], [sflag:$0x7] =	stream.linear.gather [hbm4b:s26+s3], $0x100, $0x38;
	[tilespmem:$0x1E080] =	vst v63  }
0x79: {  	_ =	swait.ge [sflag:s22], $0x100  }
0x7a: {  	[sflag:s22] =	ssyncset.done $0x0  }
0x7b: {  	s14 =	simm.s32 $0x5800;
	s13 =	simm.s32 $0x200;
	[sflag:s22] =	ssyncadd.s32 $0xFFFFFF00  }
0x7c: {  	[tilespmem:s14], [sflag:$0xB] =	stream.indirect.gather [hbm4b:s4+s23], $0x80, s13, s23, $0xb8;
	[tilespmem:$0x1E080] =	vst v63  }
0x7d: {  	_ =	swait.ge [sflag:s30], $0x2800  }
0x7e: {  	[sflag:s30] =	ssyncset.done $0x0  }
0x7f: {  	s20 =	simm.s32 $0x80;
	[sflag:s30] =	ssyncadd.s32 $0xFFFFD800  }
0x80: {  	[spmem:s1] =	stream.indirect.scatter.add.f32 [tilespmem:s29], [sflag:$0xD], $0x80, s20, s23, $0xb8;
	[tilespmem:$0x1E080] =	vst v63  }
0x81: {  	s21 =	simm.s32 $0x700  }
0x82: {  	[tilespmem:s21], [sflag:$0x8] =	stream.linear.gather [hbm4b:s28+s3], $0x100, $0x38;
	[tilespmem:$0x1E080] =	vst v63  }
0x83: {  	_ =	swait.ge [sflag:s8], $0x100  }
0x84: {  	[sflag:s8] =	ssyncset.done $0x0  }
0x85: {  	s24 =	simm.s32 $0x8000;
	[sflag:s8] =	ssyncadd.s32 $0xFFFFFF00  }
0x86: {  	[tilespmem:s24], [sflag:$0xC] =	stream.indirect.gather [hbm4b:s4+s23], $0x80, s18, s23, $0xb8;
	[tilespmem:$0x1E080] =	vst v63  }
.Ltmp4:
0x87: {  	_ =	swait.ge [sflag:s31], $0x2800;
	(pc) =	sbr.rel .LBB2_5-.Ltmp4, $4  }
0x88: {  	[sflag:s31] =	ssyncset.done $0x0  }
0x89: {  	s25 =	simm.s32 $0x180;
	[sflag:s31] =	ssyncadd.s32 $0xFFFFD800  }
0x8a: {  	[spmem:s1] =	stream.indirect.scatter.add.f32 [tilespmem:s2], [sflag:$0xE], $0x80, s25, s23, $0xb8;
	[tilespmem:$0x1E080] =	vst v63  }
0x8b: {  	s14 =	simm.s32 $0x8;
	s25 =	smov.u32 s17  }
.LBB2_6:
0x8c: {  	s19 =	sand.u32 $0x7, s14  }
0x8d: {  	s20 =	sshll.u32 s19, $0x8;
	s19 =	sadd.s32 $0x1, s19  }
0x8e: {  	[tilespmem:s20], [sflag:s19] =	stream.linear.gather [hbm4b:s25+s3], $0x100, $0x38;
	[tilespmem:$0x1E080] =	vst v63  }
.LBB2_8:
0x8f: {  	s19 =	sadd.s32 $0xFFFFFFFC, s14  }
0x90: {  	s20 =	sand.u32 $0x7, s19;
	s19 =	sand.u32 $0x3, s19  }
0x91: {  	s21 =	sadd.s32 $0x1, s20;
	s24 =	smul.u32 $0xA000, s19  }
0x92: {  	_ =	swait.ge [sflag:s21], $0x100  }
0x93: {  	s20 =	sshll.u32 s20, $0x8;
	[sflag:s21] =	ssyncset.done $0x0;
	s24 =	sshrl.u32 s24, $0x2  }
0x94: {  	s19 =	sadd.s32 $0x9, s19;
	[sflag:s21] =	ssyncadd.s32 $0xFFFFFF00;
	s21 =	sadd.s32 $0x800, s24  }
0x95: {  	[tilespmem:s21], [sflag:s19] =	stream.indirect.gather [hbm4b:s4+s23], $0x80, s20, s23, $0xb8;
	[tilespmem:$0x1E080] =	vst v63  }
.LBB2_9:
0x96: {  	s14 =	sadd.s32 $0x1, s14  }
0x97: {  	s19 =	smul.u32 $0xA000, s18;
	p3 =	sne.s32 s14, $0x100  }
.Ltmp5:
0x98: {  	s20 =	sadd.s32 $0x9, s18;
	s21 =	sand.u32 $0x700, s13;
	(pc) =	sbr.rel @!p3 .LBB2_10-.Ltmp5, $4  }
0x99: {  	s24 =	sadd.s32 $0xD, s18;
	s13 =	sadd.s32 $0x100, s13;
	_ =	swait.ge [sflag:s20], $0x2800  }
0x9a: {  	s25 =	sadd.s32 $0x20, s25;
	s19 =	sshrl.u32 s19, $0x2;
	[sflag:s20] =	ssyncset.done $0x0  }
0x9b: {  	s21 =	sor.u32 $0x80, s21;
	s19 =	sadd.s32 $0x800, s19;
	[sflag:s20] =	ssyncadd.s32 $0xFFFFD800  }
0x9c: {  	[spmem:s1] =	stream.indirect.scatter.add.f32 [tilespmem:s19], [sflag:s24], $0x80, s21, s23, $0xb8;
	[tilespmem:$0x1E080] =	vst v63  }
.LBB2_5:
0x9d: {  	s19 =	sadd.s32 $0xFFFFFFFA, s14  }
0x9e: {  	s18 =	sand.u32 $0x3, s19;
	p3 =	sgt.u32 s19, $0xF3  }
.Ltmp6:
0x9f: {  	s20 =	sxor.u32 $0x2, s18;
	(pc) =	sbr.rel @!p3 .LBB2_6-.Ltmp6, $4  }
0xa0: {  	s20 =	sadd.s32 $0xD, s20  }
0xa1: {  	_ =	swait.ge [sflag:s20], $0x2800  }
0xa2: {  	[sflag:s20] =	ssyncset.done $0x0  }
0xa3: {  	[sflag:s20] =	ssyncadd.s32 $0xFFFFD800  }
0xa4: {  	p3 =	sgt.u32 s19, $0xF7  }
.Ltmp7:
0xa5: {  	_ = 	snop;
	(pc) =	sbr.rel @p3 .LBB2_9-.Ltmp7, $4  }
.Ltmp8:
0xa6: {  	_ = 	snop;
	(pc) =	sbr.rel @!p3 .LBB2_8-.Ltmp8, $4  }
0xa7: {  	_ = 	snop  }
0xa8: {  	_ = 	snop  }
0xa9: {  	_ = 	snop  }
0xaa: {  	_ = 	snop  }
.LBB2_11:
0xab: {  	s13 =	simm.s32 $0x80  }
0xac: {  	[tilespmem:s29], [sflag:$0x9] =	stream.indirect.gather [hbm4b:s4+s23], $0x80, s13, s23, $0xb8;
	[tilespmem:$0x1E080] =	vst v63  }
0xad: {  	_ =	swait.ge [sflag:s6], $0x100  }
0xae: {  	[sflag:s6] =	ssyncset.done $0x0  }
0xaf: {  	s18 =	simm.s32 $0x180;
	[sflag:s6] =	ssyncadd.s32 $0xFFFFFF00  }
0xb0: {  	[tilespmem:s2], [sflag:$0xA] =	stream.indirect.gather [hbm4b:s4+s23], $0x80, s18, s23, $0xb8;
	[tilespmem:$0x1E080] =	vst v63  }
0xb1: {  	s19 =	simm.s32 $0x600  }
0xb2: {  	[tilespmem:s19], [sflag:$0x7] =	stream.linear.gather [hbm4b:s26+s3], $0x100, $0x38;
	[tilespmem:$0x1E080] =	vst v63  }
0xb3: {  	_ =	swait.ge [sflag:s22], $0x100  }
0xb4: {  	[sflag:s22] =	ssyncset.done $0x0  }
0xb5: {  	s20 =	simm.s32 $0x5800;
	s14 =	simm.s32 $0x280;
	[sflag:s22] =	ssyncadd.s32 $0xFFFFFF00  }
0xb6: {  	[tilespmem:s20], [sflag:$0xB] =	stream.indirect.gather [hbm4b:s4+s23], $0x80, s14, s23, $0xb8;
	[tilespmem:$0x1E080] =	vst v63  }
0xb7: {  	_ =	swait.ge [sflag:s30], $0x2800  }
0xb8: {  	[sflag:s30] =	ssyncset.done $0x0  }
0xb9: {  	[sflag:s30] =	ssyncadd.s32 $0xFFFFD800  }
0xba: {  	[spmem:s1] =	stream.indirect.scatter.add.f32 [tilespmem:s29], [sflag:$0xD], $0x80, s3, s23, $0xb8;
	[tilespmem:$0x1E080] =	vst v63  }
0xbb: {  	s21 =	simm.s32 $0x700  }
0xbc: {  	[tilespmem:s21], [sflag:$0x8] =	stream.linear.gather [hbm4b:s28+s3], $0x100, $0x38;
	[tilespmem:$0x1E080] =	vst v63  }
0xbd: {  	_ =	swait.ge [sflag:s8], $0x100  }
0xbe: {  	[sflag:s8] =	ssyncset.done $0x0  }
0xbf: {  	s24 =	simm.s32 $0x8000;
	s25 =	simm.s32 $0x380;
	[sflag:s8] =	ssyncadd.s32 $0xFFFFFF00  }
0xc0: {  	[tilespmem:s24], [sflag:$0xC] =	stream.indirect.gather [hbm4b:s4+s23], $0x80, s25, s23, $0xb8;
	[tilespmem:$0x1E080] =	vst v63  }
.Ltmp9:
0xc1: {  	_ = 	snop;
	(pc) =	sbr.rel .LBB2_12-.Ltmp9, $4  }
0xc2: {  	_ =	swait.ge [sflag:s31], $0x2800  }
0xc3: {  	s13 =	simm.s32 $0x8;
	[sflag:s31] =	ssyncset.done $0x0  }
0xc4: {  	s14 =	simm.s32 $0x200;
	s25 =	smov.u32 s17;
	[sflag:s31] =	ssyncadd.s32 $0xFFFFD800  }
0xc5: {  	[spmem:s1] =	stream.indirect.scatter.add.f32 [tilespmem:s2], [sflag:$0xE], $0x80, s0, s23, $0xb8;
	[tilespmem:$0x1E080] =	vst v63  }
.LBB2_13:
0xc6: {  	s19 =	sand.u32 $0x7, s13  }
0xc7: {  	s20 =	sshll.u32 s19, $0x8;
	s19 =	sadd.s32 $0x1, s19  }
0xc8: {  	[tilespmem:s20], [sflag:s19] =	stream.linear.gather [hbm4b:s25+s3], $0x100, $0x38;
	[tilespmem:$0x1E080] =	vst v63  }
.LBB2_15:
0xc9: {  	s19 =	sadd.s32 $0xFFFFFFFC, s13  }
0xca: {  	s20 =	sand.u32 $0x7, s19;
	s19 =	sand.u32 $0x3, s19  }
0xcb: {  	s21 =	sadd.s32 $0x1, s20;
	s24 =	smul.u32 $0xA000, s19  }
0xcc: {  	s20 =	sshll.u32 s20, $0x8;
	_ =	swait.ge [sflag:s21], $0x100  }
0xcd: {  	s19 =	sadd.s32 $0x9, s19;
	[sflag:s21] =	ssyncset.done $0x0;
	s24 =	sshrl.u32 s24, $0x2  }
0xce: {  	s20 =	sor.u32 $0x80, s20;
	[sflag:s21] =	ssyncadd.s32 $0xFFFFFF00;
	s21 =	sadd.s32 $0x800, s24  }
0xcf: {  	[tilespmem:s21], [sflag:s19] =	stream.indirect.gather [hbm4b:s4+s23], $0x80, s20, s23, $0xb8;
	[tilespmem:$0x1E080] =	vst v63  }
.LBB2_16:
0xd0: {  	s13 =	sadd.s32 $0x1, s13  }
0xd1: {  	s19 =	smul.u32 $0xA000, s18;
	p3 =	sne.s32 s13, $0x100  }
.Ltmp10:
0xd2: {  	s20 =	sadd.s32 $0x9, s18;
	(pc) =	sbr.rel @!p3 .LBB2_17-.Ltmp10, $4  }
0xd3: {  	s21 =	sand.u32 $0x700, s14;
	s24 =	sadd.s32 $0xD, s18;
	_ =	swait.ge [sflag:s20], $0x2800  }
0xd4: {  	s14 =	sadd.s32 $0x100, s14;
	s19 =	sshrl.u32 s19, $0x2;
	[sflag:s20] =	ssyncset.done $0x0  }
0xd5: {  	s25 =	sadd.s32 $0x20, s25;
	s19 =	sadd.s32 $0x800, s19;
	[sflag:s20] =	ssyncadd.s32 $0xFFFFD800  }
0xd6: {  	[spmem:s1] =	stream.indirect.scatter.add.f32 [tilespmem:s19], [sflag:s24], $0x80, s21, s23, $0xb8;
	[tilespmem:$0x1E080] =	vst v63  }
.LBB2_12:
0xd7: {  	s19 =	sadd.s32 $0xFFFFFFFA, s13  }
0xd8: {  	s18 =	sand.u32 $0x3, s19;
	p3 =	sgt.u32 s19, $0xF3  }
.Ltmp11:
0xd9: {  	s20 =	sxor.u32 $0x2, s18;
	(pc) =	sbr.rel @!p3 .LBB2_13-.Ltmp11, $4  }
0xda: {  	s20 =	sadd.s32 $0xD, s20  }
0xdb: {  	_ =	swait.ge [sflag:s20], $0x2800  }
0xdc: {  	[sflag:s20] =	ssyncset.done $0x0  }
0xdd: {  	[sflag:s20] =	ssyncadd.s32 $0xFFFFD800  }
0xde: {  	p3 =	sgt.u32 s19, $0xF7  }
.Ltmp12:
0xdf: {  	_ = 	snop;
	(pc) =	sbr.rel @p3 .LBB2_16-.Ltmp12, $4  }
.Ltmp13:
0xe0: {  	_ = 	snop;
	(pc) =	sbr.rel @!p3 .LBB2_15-.Ltmp13, $4  }
0xe1: {  	_ = 	snop  }
0xe2: {  	_ = 	snop  }
0xe3: {  	_ = 	snop  }
0xe4: {  	_ = 	snop  }
.LBB2_10:
0xe5: {  	_ =	swait.ge [sflag:s9], $0x2800  }
0xe6: {  	[sflag:s9] =	ssyncset.done $0x0  }
0xe7: {  	[sflag:s9] =	ssyncadd.s32 $0xFFFFD800  }
0xe8: {  	_ =	swait.ge [sflag:s10], $0x2800  }
0xe9: {  	[sflag:s10] =	ssyncset.done $0x0  }
0xea: {  	s13 =	stileid.u32;
	[sflag:s10] =	ssyncadd.s32 $0xFFFFD800  }
0xeb: {  	s13 =	sshll.u32 s13, $0x6;
	[bflag:$0x0] =	sbarrier.arrive $0xFFFF  }
0xec: {  	s14 =	sshrl.u32 s7, $0x3;
	s13 =	sor.u32 $0x1C11, s13;
	s18 =	rddreg [dreg:$0x12]  }
0xed: {  	[hbm:s18], [sflag:s13] =	dma.local [spmem:s14], $0x2700  }
.Ltmp14:
0xee: {  	_ = 	snop;
	(pc) =	sbr.rel @p2 .LBB2_18-.Ltmp14, $4  }
.Ltmp15:
0xef: {  	_ = 	snop;
	(pc) =	sbr.rel @!p2 .LBB2_19-.Ltmp15, $4  }
0xf0: {  	_ =	swait.ge [sflag:s11], $0x2700  }
0xf1: {  	[sflag:s11] =	ssyncset.done $0x0  }
0xf2: {  	s14 =	rddreg [dreg:$0x3];
	[sflag:s11] =	ssyncadd.s32 $0xFFFFD900  }
0xf3: {  	_ = 	snop  }
.LBB2_17:
0xf4: {  	_ =	swait.ge [sflag:s9], $0x2800  }
0xf5: {  	[sflag:s9] =	ssyncset.done $0x0  }
0xf6: {  	[sflag:s9] =	ssyncadd.s32 $0xFFFFD800  }
0xf7: {  	_ =	swait.ge [sflag:s10], $0x2800  }
0xf8: {  	[sflag:s10] =	ssyncset.done $0x0  }
0xf9: {  	s13 =	stileid.u32;
	[sflag:s10] =	ssyncadd.s32 $0xFFFFD800  }
0xfa: {  	s13 =	sshll.u32 s13, $0x6;
	[bflag:$0x0] =	sbarrier.arrive $0xFFFF  }
0xfb: {  	s14 =	sshrl.u32 s7, $0x3;
	s13 =	sor.u32 $0x1C11, s13;
	s18 =	rddreg [dreg:$0x11]  }
0xfc: {  	[hbm:s18], [sflag:s13] =	dma.local [spmem:s14], $0x2700  }
.Ltmp16:
0xfd: {  	_ = 	snop;
	(pc) =	sbr.rel @p1 .LBB2_19-.Ltmp16, $4  }
.Ltmp17:
0xfe: {  	_ = 	snop;
	(pc) =	sbr.rel @!p1 .LBB2_18-.Ltmp17, $4  }
0xff: {  	_ =	swait.ge [sflag:s11], $0x2700  }
0x100: {  	[sflag:s11] =	ssyncset.done $0x0  }
0x101: {  	s14 =	rddreg [dreg:$0x4];
	[sflag:s11] =	ssyncadd.s32 $0xFFFFD900  }
0x102: {  	_ = 	snop  }
.LBB2_20:
0x103: {  	_ =	sfence.sel $0x180000  }
0x104: {  	[bflag:$0x0] =	sbarrier.arrive $0xFFFF  }
0x105: {  	_ =	strace $0x9000004A  }
0x106: {  	s0 =	stileid.u32;
	[bflag:$0x2] =	sbarrier.arrive $0xFFFF  }
0x107: {  	p0 =	sne.s32 s0, $0x0;
	s0 =	rddreg [dreg:$0x2]  }
0x108: {  	s0 =	sadd.s32 @!p0 $0x100000, s0  }
0x109: {  	[sflag:s0] =	ssyncadd.tile.s32 @!p0 $0x1;
	_ =	shalt  }
.Lfunc_end2:
_tile_overlayer_lowered:
.L_overlay_start_2:
0x10a: {  	(tag) =	ssettag $0x2  }
0x10b: {  	s0 =	rddreg [dreg:$0x0];
	s2 =	stileid.u32  }
0x10c: {  	s1 =	rddreg [dreg:$0x1];
	p0 =	sne.s32 s2, $0x0  }
0x10d: {  	s3 =	rddreg [dreg:$0x2];
	[bflag:$0x3] =	sbarrier.arrive $0xFFFF;
	s2 =	simm.s32 @!p0 $0x1C11  }
0x10e: {  	[timem:s3], [sflag:s2] =	dma.local @!p0 [hbm:s0], s1  }
0x10f: {  	s0 =	simm.s32 @!p0 $0x11  }
0x110: {  	_ =	swait.ge @!p0 [sflag:s0], s1  }
0x111: {  	s1 =	ssub.s32 @!p0 $0x0, s1;
	[sflag:s0] =	ssyncset.done @!p0 $0x0  }
0x112: {  	[sflag:s0] =	ssyncadd.s32 @!p0 s1  }
0x113: {  	[bflag:$0x3] =	sbarrier.arrive $0xFFFF  }
0x114: {  	_ =	shalt  }

// kernel: kernel.7.cloned.1.call-start
scs
__scs_entry_jumppad:
0x0: {  	(pc) =	sbr.rel $0x88, $3  }
0x1: {  	(tag) =	ssettag $0x0;
	lr =	simm.s32 $0x1  }
0x2: {  	[smem:$0x3F9C] =	sst lr;
	_ =	strace $0xD0000000  }
0x3: {  	_ = 	snop  }
0x4: {  	_ = 	snop  }
0x5: {  	_ = 	snop  }
0x6: {  	_ = 	snop  }
0x7: {  	_ = 	snop  }
__scs_overlays_trampoline_lowered:
0x8: {  	[smem:$0x3FAB] =	sst s0  }
0x9: {  	[smem:$0x3FAC] =	sst s1  }
0xa: {  	[smem:$0x3FAD] =	sst s2  }
0xb: {  	[smem:$0x3FAE] =	sst s3  }
0xc: {  	[smem:$0x3FAF] =	sst s4  }
0xd: {  	[smem:$0x3FB0] =	sst s5  }
0xe: {  	[smem:$0x3FB1] =	sst s6  }
0xf: {  	[smem:$0x3FB2] =	sst s7  }
0x10: {  	[smem:$0x3FB3] =	sst s8  }
0x11: {  	[smem:$0x3FB4] =	sst s9;
	s0 =	simm.s32 @!p0 $0x0  }
0x12: {  	s1 =	sld [smem:$0x3F9A];
	s0 =	simm.s32 @p0 $0x1  }
0x13: {  	[smem:$0x3FB5] =	sst s0;
	s0 =	simm.s32 @!p1 $0x0  }
0x14: {  	s2 =	sld [smem:$0x3F99];
	s0 =	simm.s32 @p1 $0x1  }
0x15: {  	[smem:$0x3FB6] =	sst s0;
	s0 =	simm.s32 @!p2 $0x0  }
0x16: {  	s3 =	sld [smem:$0x3FDB];
	s0 =	simm.s32 @p2 $0x1  }
0x17: {  	s4 =	simm.s32 $0x1BF5;
	[smem:$0x3FB8] =	sst s0  }
0x18: {  	s0 =	sld [smem:$0x3F9B];
	_ =	swait.ge [sflag:s4], $0x0  }
0x19: {  	s7 =	sld [smem:$0x3F9C]  }
0x1a: {  	s8 =	sadd.s32 $0xFFFFE003, lr  }
0x1b: {  	s9 =	sadd.s32 $0xFFFFFEF7, lr;
	s5 =	simm.s32 $0xFFFFFFFF;
	p2 =	slt.u32 s8, $0xFFFFF086  }
0x1c: {  	p1 =	slt.u32 s9, $0xF7A;
	s5 =	simm.s32 @!p2 $0x0  }
0x1d: {  	s5 =	simm.s32 @p1 $0x1;
	p0 =	seq.s32 s7, s2  }
0x1e: {  	s7 =	smul.u32 @!p0 $0xF7A, s2;
	p2 =	seq.s32 @!p0 s5, $0x0  }
0x1f: {  	s9 =	smul.u32 $0xF7A, s1;
	s8 =	simm.s32 @!p0 $0x1BF5;
	p2 =	por !p2, p0  }
0x20: {  	[sflag:s8] =	ssyncset.s32 @!p0 $0xFFFFF086;
	s6 =	sadd.s32 @!p0 s3, s7;
	s7 =	simm.s32 @!p0 $0x108  }
0x21: {  	s3 =	sadd.s32 s3, s9;
	s6 =	sadd.s32 @!p0 $0x88, s6;
	s7 =	simm.s32 @p2 $0x1082  }
0x22: {  	[simem:s7], [sflag:s8] =	dma.local @!p0 [hbm:s6], $0xF7A  }
0x23: {  	s9 =	sor.u32 $0xD0000000, s2;
	s6 =	simm.s32 $0x108;
	_ =	swait.ge @!p0 [sflag:s8], $0x0  }
0x24: {  	s3 =	sadd.s32 $0x88, s3;
	s6 =	simm.s32 @!p1 $0x1082;
	[sflag:s4] =	ssyncset.s32 $0xFFFFF086  }
0x25: {  	[simem:s6], [sflag:s4] =	dma.local [hbm:s3], $0xF7A  }
0x26: {  	[smem:$0x3F9C] =	sst s1;
	(tag) =	ssettag s2;
	_ =	strace s9  }
0x27: {  	s1 =	sld [smem:$0x3FAC]  }
0x28: {  	s2 =	sld [smem:$0x3FAD]  }
0x29: {  	s4 =	sld [smem:$0x3FAF]  }
0x2a: {  	p0 =	seq.s32 s5, $0x0;
	s5 =	sld [smem:$0x3FB0]  }
0x2b: {  	s6 =	sld [smem:$0x3FB1]  }
0x2c: {  	s7 =	sld [smem:$0x3FB2]  }
0x2d: {  	s3 =	simm.s32 $0x108;
	s8 =	sld [smem:$0x3FB3]  }
0x2e: {  	s3 =	simm.s32 @!p0 $0x1082;
	s9 =	sld [smem:$0x3FB4]  }
0x2f: {  	lr =	sadd.s32 s0, s3;
	s0 =	sld [smem:$0x3FAB]  }
0x30: {  	s3 =	sld [smem:$0x3FAE]  }
0x31: {  	[smem:$0x3FB7] =	sst s10  }
0x32: {  	s10 =	sld [smem:$0x3FB5];
	_ =	sdelay $0x3  }
0x33: {  	p0 =	seq.s32 s10, $0x1;
	s10 =	sld [smem:$0x3FB7];
	_ =	sdelay $0x3  }
0x34: {  	[smem:$0x3FB7] =	sst s10  }
0x35: {  	s10 =	sld [smem:$0x3FB6];
	_ =	sdelay $0x3  }
0x36: {  	p1 =	seq.s32 s10, $0x1;
	s10 =	sld [smem:$0x3FB7];
	_ =	sdelay $0x3  }
0x37: {  	[smem:$0x3FB7] =	sst s10  }
0x38: {  	s10 =	sld [smem:$0x3FB8]  }
0x39: {  	_ = 	snop;
	(pc) =	sbr.ind lr, $3  }
0x3a: {  	_ = 	snop  }
0x3b: {  	_ = 	snop  }
0x3c: {  	p2 =	seq.s32 s10, $0x1;
	s10 =	sld [smem:$0x3FB7]  }
0x3d: {  	_ =	shalt  }
0x3e: {  	_ =	shalt  }
0x3f: {  	_ =	shalt  }
0x40: {  	_ =	shalt  }
0x41: {  	_ =	shalt  }
0x42: {  	_ =	shalt  }
0x43: {  	_ =	shalt  }
0x44: {  	_ =	shalt  }
0x45: {  	_ =	shalt  }
0x46: {  	_ =	shalt  }
0x47: {  	_ =	shalt  }
0x48: {  	_ =	shalt  }
0x49: {  	_ =	shalt  }
0x4a: {  	_ =	shalt  }
0x4b: {  	_ =	shalt  }
0x4c: {  	_ =	shalt  }
0x4d: {  	_ =	shalt  }
0x4e: {  	_ =	shalt  }
0x4f: {  	_ =	shalt  }
0x50: {  	_ =	shalt  }
0x51: {  	_ =	shalt  }
0x52: {  	_ =	shalt  }
0x53: {  	_ =	shalt  }
0x54: {  	_ =	shalt  }
0x55: {  	_ =	shalt  }
0x56: {  	_ =	shalt  }
0x57: {  	_ =	shalt  }
0x58: {  	_ =	shalt  }
0x59: {  	_ =	shalt  }
0x5a: {  	_ =	shalt  }
0x5b: {  	_ =	shalt  }
0x5c: {  	_ =	shalt  }
0x5d: {  	_ =	shalt  }
0x5e: {  	_ =	shalt  }
0x5f: {  	_ =	shalt  }
0x60: {  	_ =	shalt  }
0x61: {  	_ =	shalt  }
0x62: {  	_ =	shalt  }
0x63: {  	_ =	shalt  }
0x64: {  	_ =	shalt  }
0x65: {  	_ =	shalt  }
0x66: {  	_ =	shalt  }
0x67: {  	_ =	shalt  }
0x68: {  	_ =	shalt  }
0x69: {  	_ =	shalt  }
0x6a: {  	_ =	shalt  }
0x6b: {  	_ =	shalt  }
0x6c: {  	_ =	shalt  }
0x6d: {  	_ =	shalt  }
0x6e: {  	_ =	shalt  }
0x6f: {  	_ =	shalt  }
0x70: {  	_ =	shalt  }
0x71: {  	_ =	shalt  }
0x72: {  	_ =	shalt  }
0x73: {  	_ =	shalt  }
0x74: {  	_ =	shalt  }
0x75: {  	_ =	shalt  }
0x76: {  	_ =	shalt  }
0x77: {  	_ =	shalt  }
0x78: {  	_ =	shalt  }
0x79: {  	_ =	shalt  }
0x7a: {  	_ =	shalt  }
0x7b: {  	_ =	shalt  }
0x7c: {  	_ =	shalt  }
0x7d: {  	_ =	shalt  }
0x7e: {  	_ =	shalt  }
0x7f: {  	_ =	shalt  }
0x80: {  	_ =	shalt  }
0x81: {  	_ =	shalt  }
0x82: {  	_ =	shalt  }
0x83: {  	_ =	shalt  }
0x84: {  	_ =	shalt  }
0x85: {  	_ =	shalt  }
0x86: {  	_ =	shalt  }
0x87: {  	_ =	shalt  }
.Lfunc_end0:
.L_simem_size_0:
called_computation_lowered:
.L_overlay_start_0:
0x88: {  	s2 =	sld [smem:$0x3FD9]  }
0x89: {  	s3 =	sld [smem:$0x3FFE];
	_ =	sdelay $0x1  }
0x8a: {  	s1 =	srdreg.scid  }
0x8b: {  	s0 =	sand.u32 $0x1, s1  }
0x8c: {  	s16 =	sshll.u32 s0, $0xA;
	s2 =	sadd.s32 s3, s2  }
0x8d: {  	s2 =	sadd.s32 s2, s16  }
0x8e: {  	[smem:$0x3FC3] =	sst s2  }
0x8f: {  	_ = 	snop  }
0x90: {  	(tm) =	ssettm $0x1  }
0x91: {  	s17 =	sld [smem:$0x3FFB];
	_ =	sdelay $0x3  }
0x92: {  	_ =	strace s17  }
0x93: {  	s2 =	sld [smem:$0x3FFC];
	_ =	sdelay $0x3  }
0x94: {  	_ =	strace s2  }
0x95: {  	s2 =	sld [smem:$0x3FFD];
	_ =	sdelay $0x3  }
0x96: {  	_ =	strace s2  }
0x97: {  	_ =	strace $0x8FFFFFFF  }
0x98: {  	s18 =	sld [smem:$0x3FDB];
	_ =	sdelay $0x1  }
0x99: {  	s19 =	simm.s32 $_scs_section_size  }
0x9a: {  	s4 =	simm.s32 $_size__tile_overlayer_lowered;
	s5 =	simm.s32 $_tile_overlayer_lowered  }
0x9b: {  	s22 =	simm.s32 $0x1BFF;
	s21 =	sshll.u32 s5, $0x1;
	s2 =	sadd.s32 s19, s18  }
0x9c: {  	s6 =	simm.s32 $0x0;
	s20 =	sshll.u32 s4, $0x1;
	s4 =	sadd.s32 s21, s2  }
0x9d: {  	[timem:s6], [sflag:s22] =	dma.local [hbm:s4], s20  }
0x9e: {  	_ =	swait.ge [sflag:s22], s20  }
0x9f: {  	s3 =	ssub.s32 $0x0, s20;
	[sflag:s22] =	ssyncset.done $0x0  }
0xa0: {  	[sflag:s22] =	ssyncadd.s32 s3;
	_ =	sdelay $0x1  }
0xa1: {  	s23 =	simm.s32 $0x1B8B  }
0xa2: {  	_ =	swait.ge [sflag:s23], $0x1  }
0xa3: {  	[sflag:s23] =	ssyncset.done $0x0  }
0xa4: {  	s25 =	simm.s32 $0x1B8E;
	s24 =	sld [smem:$0x3FFE];
	[sflag:s23] =	ssyncadd.s32 $0xFFFFFFFF  }
0xa5: {  	s26 =	simm.s32 $execute0_lowered;
	[smem:$0x3FD2] =	sst s25  }
0xa6: {  	s4 =	sshll.u32 s26, $0x1;
	_ =	strace $0x80000046;
	[dreg:$0x1] =	wrdreg $0xFFFFFFFF  }
0xa7: {  	s28 =	simm.s32 $_size_execute0_lowered;
	s2 =	sadd.s32 s2, s4;
	[dreg:$0x0] =	wrdreg $0x0  }
0xa8: {  	s4 =	sshll.u32 s28, $0x1;
	[dreg:$0x2] =	wrdreg s2  }
0xa9: {  	[dreg:$0x3] =	wrdreg s4  }
0xaa: {  	[dreg:$0x4] =	wrdreg $0xC0  }
0xab: {  	_ =	task [dreg:s6], $0x5FFFF  }
0xac: {  	[dreg:$0x1] =	wrdreg $0xFFFFFFFF  }
0xad: {  	[dreg:$0x0] =	wrdreg $0x60  }
0xae: {  	[dreg:$0x2] =	wrdreg s24  }
0xaf: {  	[dreg:$0x3] =	wrdreg $0xA8000  }
0xb0: {  	[dreg:$0x4] =	wrdreg $0x9  }
0xb1: {  	_ =	task.clear_ibuf [dreg:s6], $0x5FFFF;
	_ =	strace $0x90000046  }
0xb2: {  	s29 =	simm.s32 $0x9;
	_ =	strace $0x80000048  }
0xb3: {  	_ =	swait.ge [sflag:s29], $0x1  }
0xb4: {  	[sflag:s29] =	ssyncadd.s32 $0xFFFFFFFF  }
0xb5: {  	_ =	strace $0x90000048  }
0xb6: {  	_ =	sfence  }
0xb7: {  	s30 =	sld [smem:$0x0];
	_ =	sdelay $0x2  }
0xb8: {  	s31 =	sshll.u32 s1, $0xD;
	s1 =	sshrl.u32 s1, $0x2  }
0xb9: {  	s3 =	sand.u32 $0x4000, s31;
	s1 =	sadd.s32 s1, s30  }
0xba: {  	s0 =	sor.u32 s3, s0;
	s1 =	sshll.u32 s1, $0x11  }
0xbb: {  	s0 =	sor.u32 s1, s0  }
0xbc: {  	s0 =	sadd.s32 $0x8F2B, s0  }
0xbd: {  	[sflag:s0] =	ssyncadd.remote.s32 $0x1  }
0xbe: {  	_ =	sfence.sel $0xFFFF  }
0xbf: {  	[dreg:$0x0] =	wrdreg $0xFFFFFFFF;
	(pc) =	sbr.abs _section_cstart, $3  }
0xc0: {  	[dreg:$0x1] =	wrdreg $0xFFFFFFFF  }
0xc1: {  	_ =	task.clear_ibuf [dreg:s6], $0x2FFFF;
	_ =	strace $0x9FFFFFFF  }
0xc2: {  	(tm) =	ssettm $0x7FFFFFFF  }
0xc3: {  	_ =	shalt  }
tec
execute0_lowered:
.L_overlay_start_1:
0x0: {  	(tag) =	ssettag $0x1  }
0x1: {  	s0 =	rddreg [dreg:$0x0]  }
0x2: {  	s1 =	rddreg [dreg:$0x1];
	s3 =	simm.s32 $0x0;
	s2 =	srdreg.scid  }
0x3: {  	s9 =	stileid.u32;
	s29 =	simm.s32 $0x800;
	s30 =	simm.s32 $0x9  }
0x4: {  	s31 =	simm.s32 $0xA;
	[smem:$0x7FF] =	sst s3;
	s5 =	smul.u32 $0x4E000, s9  }
0x5: {  	s2 =	sand.u32 $0x1, s2;
	s4 =	sadd.s32 $0x22000, s0;
	s13 =	smul.u32 $0xFA00, s9  }
0x6: {  	s6 =	sadd.s32 $0x2C00, s0;
	s10 =	sadd.s32 $0x49200, s0;
	s19 =	smul.u32 $0x1F40, s9  }
0x7: {  	s11 =	sadd.s32 $0x70400, s0;
	s22 =	smul.u32 $0x2700, s9;
	p1 =	sne.s32 s9, $0xF  }
0x8: {  	_ =	strace $0x80000047;
	s7 =	ssub.s32 $0x2, s2;
	[dreg:$0x4] =	wrdreg s11  }
0x9: {  	p2 =	seq.s32 s9, $0xF;
	[dreg:$0x3] =	wrdreg s10;
	s8 =	sshrl.u32 s7, $0x1  }
0xa: {  	s5 =	sshrl.u32 s5, $0x2;
	s25 =	sadd.s32 s11, s22;
	s26 =	sadd.s32 s10, s22  }
0xb: {  	s0 =	ssub.s32 s7, s8;
	s7 =	sadd.s32 s5, s1;
	[dreg:$0x11] =	wrdreg s25  }
0xc: {  	s9 =	simm.s32 $0xD;
	[dreg:$0x12] =	wrdreg s26;
	s5 =	sadd.s32 $0x2800, s7  }
0xd: {  	p0 =	sne.s32 s2, $0x0;
	s12 =	sadd.s32 $0x5000, s7;
	[dreg:$0x5] =	wrdreg s5  }
0xe: {  	s2 =	simm.s32 $0x3000;
	s14 =	sadd.s32 $0x7800, s7;
	[dreg:$0x6] =	wrdreg s12  }
0xf: {  	s22 =	simm.s32 $0x3;
	s15 =	sadd.s32 $0xA000, s7;
	[dreg:$0x7] =	wrdreg s14  }
0x10: {  	s10 =	simm.s32 $0xE;
	s16 =	sadd.s32 $0xC800, s7;
	[dreg:$0x8] =	wrdreg s15  }
0x11: {  	s11 =	simm.s32 $0x11;
	s17 =	sadd.s32 $0xF000, s7;
	[dreg:$0x9] =	wrdreg s16  }
0x12: {  	s8 =	simm.s32 $0x4;
	s18 =	sadd.s32 $0x11800, s7;
	[dreg:$0xa] =	wrdreg s17  }
0x13: {  	s0 =	smax.u32 s0, $0x1;
	[dreg:$0xb] =	wrdreg s18;
	s5 =	sshrl.u32 s13, $0x3  }
0x14: {  	s15 =	sadd.s32 $0x138000, s1;
	[dreg:$0x13] =	wrdreg s0;
	s0 =	simm.s32 $0x100  }
0x15: {  	s18 =	simm.s32 $0x300;
	s16 =	sadd.s32 s6, s5;
	s5 =	sadd.s32 s19, s6  }
0x16: {  	s6 =	simm.s32 $0x2;
	s20 =	sadd.s32 $0x20, s16;
	s21 =	sadd.s32 $0x40, s16  }
.Ltmp0:
0x17: {  	s12 =	sadd.s32 $0x60, s16;
	[dreg:$0xc] =	wrdreg s20;
	(pc) =	sbr.rel .LBB2_1-.Ltmp0, $4  }
0x18: {  	s23 =	sadd.s32 $0x80, s16;
	s24 =	sadd.s32 $0xA0, s16;
	[dreg:$0xd] =	wrdreg s21  }
0x19: {  	s17 =	sadd.s32 $0x100, s5;
	s26 =	sadd.s32 $0xC0, s16;
	[dreg:$0xe] =	wrdreg s12  }
0x1a: {  	s28 =	sadd.s32 $0xE0, s16;
	s5 =	simm.s32 $0x1;
	[dreg:$0xf] =	wrdreg s23  }
0x1b: {  	v0 =	vimm.f32 $0.0e+00;
	[dreg:$0x10] =	wrdreg s24;
	s23 =	simm.s32 $0x50;
	s12 =	simm.s32 $0x0  }
.LBB2_18:
0x1c: {  	s14 =	sadd.s32 $0x27000, s14;
	s18 =	sshrl.u32 s15, $0x3  }
0x1d: {  	[hbm:s14], [sflag:s13] =	dma.local [spmem:s18], $0x100  }
0x1e: {  	_ =	swait.ge [sflag:s11], $0x100  }
0x1f: {  	[sflag:s11] =	ssyncset.done $0x0  }
0x20: {  	[sflag:s11] =	ssyncadd.s32 $0xFFFFFF00  }
.LBB2_19:
0x21: {  	s12 =	sadd.s32 $0x1, s12;
	s13 =	rddreg [dreg:$0x13]  }
0x22: {  	p3 =	sne.s32 s12, s13  }
.Ltmp1:
0x23: {  	_ = 	snop;
	(pc) =	sbr.rel @!p3 .LBB2_20-.Ltmp1, $2  }
0x24: {  	_ =	sdelay $0x2  }
0x25: {  	s18 =	simm.s32 $0x300  }
.LBB2_1:
0x26: {  	s13 =	simm.s32 $0x70;
	s14 =	simm.s32 $0x3C0  }
.LBB2_2:
0x27: {  	p3 =	sne.s32 s14, $0x9FC0;
	[tilespmem:s13+$0x800] =	vst v0  }
0x28: {  	[tilespmem:s13+$0x790] =	vst v0  }
0x29: {  	[tilespmem:s13+$0x7A0] =	vst v0  }
.Ltmp2:
0x2a: {  	[tilespmem:s13+$0x7B0] =	vst v0;
	(pc) =	sbr.rel @p3 .LBB2_2-.Ltmp2, $4  }
0x2b: {  	[tilespmem:s13+$0x7C0] =	vst v0  }
0x2c: {  	[tilespmem:s13+$0x7D0] =	vst v0  }
0x2d: {  	[tilespmem:s13+$0x7E0] =	vst v0  }
0x2e: {  	[tilespmem:s13+$0x7F0] =	vst v0;
	s13 =	sshra.s32 s14, $0x2;
	s14 =	sadd.s32 $0x200, s14  }
0x2f: {  	[tilespmem:s13+$0x800] =	vst v0  }
0x30: {  	[tilespmem:s13+$0x790] =	vst v0  }
0x31: {  	[tilespmem:s13+$0x7A0] =	vst v0  }
0x32: {  	[tilespmem:s13+$0x7B0] =	vst v0  }
0x33: {  	[tilespmem:s13+$0x7C0] =	vst v0  }
0x34: {  	[tilespmem:s13+$0x7D0] =	vst v0  }
0x35: {  	[tilespmem:s13+$0x7E0] =	vst v0  }
0x36: {  	[tilespmem:s13+$0x7F0] =	vst v0  }
0x37: {  	[spmem:s7] =	stream.linear.scatter [tilespmem:s29], [sflag:$0x9], $0x2800, $0x38;
	[tilespmem:$0x1E080] =	vst v63  }
0x38: {  	s21 =	rddreg [dreg:$0x5]  }
0x39: {  	[spmem:s21] =	stream.linear.scatter [tilespmem:s29], [sflag:$0x9], $0x2800, $0x38;
	[tilespmem:$0x1E080] =	vst v63  }
0x3a: {  	s24 =	rddreg [dreg:$0x6]  }
0x3b: {  	[spmem:s24] =	stream.linear.scatter [tilespmem:s29], [sflag:$0x9], $0x2800, $0x38;
	[tilespmem:$0x1E080] =	vst v63  }
0x3c: {  	s25 =	rddreg [dreg:$0x7]  }
0x3d: {  	[spmem:s25] =	stream.linear.scatter [tilespmem:s29], [sflag:$0x9], $0x2800, $0x38;
	[tilespmem:$0x1E080] =	vst v63  }
0x3e: {  	s14 =	rddreg [dreg:$0x8]  }
0x3f: {  	[spmem:s14] =	stream.linear.scatter [tilespmem:s29], [sflag:$0x9], $0x2800, $0x38;
	[tilespmem:$0x1E080] =	vst v63  }
0x40: {  	s19 =	rddreg [dreg:$0x9]  }
0x41: {  	[spmem:s19] =	stream.linear.scatter [tilespmem:s29], [sflag:$0x9], $0x2800, $0x38;
	[tilespmem:$0x1E080] =	vst v63  }
0x42: {  	s20 =	rddreg [dreg:$0xa]  }
0x43: {  	[spmem:s20] =	stream.linear.scatter [tilespmem:s29], [sflag:$0x9], $0x2800, $0x38;
	[tilespmem:$0x1E080] =	vst v63  }
0x44: {  	s21 =	rddreg [dreg:$0xb]  }
0x45: {  	[spmem:s21] =	stream.linear.scatter [tilespmem:s29], [sflag:$0xA], $0x2000, $0x38;
	[tilespmem:$0x1E080] =	vst v63  }
0x46: {  	s13 =	simm.s32 @!p1 $0x800  }
0x47: {  	[spmem:s15] =	stream.linear.scatter @!p1 [tilespmem:s13], [sflag:$0xB], $0x800, $0x38;
	[tilespmem:$0x1E080] =	vst v63  }
0x48: {  	_ =	swait.ge [sflag:s30], $0x2800  }
0x49: {  	[sflag:s30] =	ssyncset.done $0x0  }
0x4a: {  	[sflag:s30] =	ssyncadd.s32 $0xFFFFD800  }
0x4b: {  	_ =	swait.ge [sflag:s30], $0x2800  }
0x4c: {  	[sflag:s30] =	ssyncset.done $0x0  }
0x4d: {  	[sflag:s30] =	ssyncadd.s32 $0xFFFFD800  }
0x4e: {  	_ =	swait.ge [sflag:s30], $0x2800  }
0x4f: {  	[sflag:s30] =	ssyncset.done $0x0  }
0x50: {  	[sflag:s30] =	ssyncadd.s32 $0xFFFFD800  }
0x51: {  	_ =	swait.ge [sflag:s30], $0x2800  }
0x52: {  	[sflag:s30] =	ssyncset.done $0x0  }
0x53: {  	[sflag:s30] =	ssyncadd.s32 $0xFFFFD800  }
0x54: {  	_ =	swait.ge [sflag:s30], $0x2800  }
0x55: {  	[sflag:s30] =	ssyncset.done $0x0  }
0x56: {  	[sflag:s30] =	ssyncadd.s32 $0xFFFFD800  }
0x57: {  	_ =	swait.ge [sflag:s30], $0x2800  }
0x58: {  	[sflag:s30] =	ssyncset.done $0x0  }
0x59: {  	[sflag:s30] =	ssyncadd.s32 $0xFFFFD800  }
0x5a: {  	_ =	swait.ge [sflag:s30], $0x2800  }
0x5b: {  	[sflag:s30] =	ssyncset.done $0x0  }
0x5c: {  	[sflag:s30] =	ssyncadd.s32 $0xFFFFD800  }
0x5d: {  	_ =	swait.ge [sflag:s31], $0x2000  }
0x5e: {  	[sflag:s31] =	ssyncset.done $0x0  }
0x5f: {  	s13 =	simm.s32 @!p1 $0xB;
	[sflag:s31] =	ssyncadd.s32 $0xFFFFE000  }
0x60: {  	_ =	swait.ge @!p1 [sflag:s13], $0x800  }
0x61: {  	[sflag:s13] =	ssyncset.done @!p1 $0x0  }
0x62: {  	[sflag:s13] =	ssyncadd.s32 @!p1 $0xFFFFF800  }
0x63: {  	[bflag:$0x0] =	sbarrier.arrive $0xFFFF  }
0x64: {  	[tilespmem:s3], [sflag:$0x1] =	stream.linear.gather [hbm4b:s16+s3], $0x100, $0x38;
	[tilespmem:$0x1E080] =	vst v63  }
0x65: {  	s24 =	rddreg [dreg:$0xc]  }
0x66: {  	[tilespmem:s0], [sflag:$0x2] =	stream.linear.gather [hbm4b:s24+s3], $0x100, $0x38;
	[tilespmem:$0x1E080] =	vst v63  }
0x67: {  	s14 =	simm.s32 $0x200;
	s25 =	rddreg [dreg:$0xd]  }
0x68: {  	[tilespmem:s14], [sflag:$0x3] =	stream.linear.gather [hbm4b:s25+s3], $0x100, $0x38;
	[tilespmem:$0x1E080] =	vst v63  }
0x69: {  	s19 =	rddreg [dreg:$0xe]  }
0x6a: {  	[tilespmem:s18], [sflag:$0x4] =	stream.linear.gather [hbm4b:s19+s3], $0x100, $0x38;
	[tilespmem:$0x1E080] =	vst v63  }
0x6b: {  	s21 =	simm.s32 $0x400;
	s20 =	rddreg [dreg:$0xf]  }
0x6c: {  	[tilespmem:s21], [sflag:$0x5] =	stream.linear.gather [hbm4b:s20+s3], $0x100, $0x38;
	[tilespmem:$0x1E080] =	vst v63  }
.Ltmp3:
0x6d: {  	s24 =	rddreg [dreg:$0x10];
	s25 =	simm.s32 $0x500;
	(pc) =	sbr.rel @p0 .LBB2_11-.Ltmp3, $4  }
0x6e: {  	[tilespmem:s25], [sflag:$0x6] =	stream.linear.gather [hbm4b:s24+s3], $0x100, $0x38;
	[tilespmem:$0x1E080] =	vst v63  }
0x6f: {  	_ =	swait.ge [sflag:s5], $0x100  }
0x70: {  	[sflag:s5] =	ssyncset.done $0x0  }
0x71: {  	[sflag:s5] =	ssyncadd.s32 $0xFFFFFF00  }
0x72: {  	[tilespmem:s29], [sflag:$0x9] =	stream.indirect.gather [hbm4b:s4+s23], $0x80, s3, s23, $0xb8;
	[tilespmem:$0x1E080] =	vst v63  }
0x73: {  	_ =	swait.ge [sflag:s6], $0x100  }
0x74: {  	[sflag:s6] =	ssyncset.done $0x0  }
0x75: {  	[sflag:s6] =	ssyncadd.s32 $0xFFFFFF00  }
0x76: {  	[tilespmem:s2], [sflag:$0xA] =	stream.indirect.gather [hbm4b:s4+s23], $0x80, s0, s23, $0xb8;
	[tilespmem:$0x1E080] =	vst v63  }
0x77: {  	s13 =	simm.s32 $0x600  }
0x78: {  	[tilespmem:s13], [sflag:$0x7] =	stream.linear.gather [hbm4b:s26+s3], $0x100, $0x38;
	[tilespmem:$0x1E080] =	vst v63  }
0x79: {  	_ =	swait.ge [sflag:s22], $0x100  }
0x7a: {  	[sflag:s22] =	ssyncset.done $0x0  }
0x7b: {  	s14 =	simm.s32 $0x5800;
	s13 =	simm.s32 $0x200;
	[sflag:s22] =	ssyncadd.s32 $0xFFFFFF00  }
0x7c: {  	[tilespmem:s14], [sflag:$0xB] =	stream.indirect.gather [hbm4b:s4+s23], $0x80, s13, s23, $0xb8;
	[tilespmem:$0x1E080] =	vst v63  }
0x7d: {  	_ =	swait.ge [sflag:s30], $0x2800  }
0x7e: {  	[sflag:s30] =	ssyncset.done $0x0  }
0x7f: {  	s20 =	simm.s32 $0x80;
	[sflag:s30] =	ssyncadd.s32 $0xFFFFD800  }
0x80: {  	[spmem:s1] =	stream.indirect.scatter.add.f32 [tilespmem:s29], [sflag:$0xD], $0x80, s20, s23, $0xb8;
	[tilespmem:$0x1E080] =	vst v63  }
0x81: {  	s21 =	simm.s32 $0x700  }
0x82: {  	[tilespmem:s21], [sflag:$0x8] =	stream.linear.gather [hbm4b:s28+s3], $0x100, $0x38;
	[tilespmem:$0x1E080] =	vst v63  }
0x83: {  	_ =	swait.ge [sflag:s8], $0x100  }
0x84: {  	[sflag:s8] =	ssyncset.done $0x0  }
0x85: {  	s24 =	simm.s32 $0x8000;
	[sflag:s8] =	ssyncadd.s32 $0xFFFFFF00  }
0x86: {  	[tilespmem:s24], [sflag:$0xC] =	stream.indirect.gather [hbm4b:s4+s23], $0x80, s18, s23, $0xb8;
	[tilespmem:$0x1E080] =	vst v63  }
.Ltmp4:
0x87: {  	_ =	swait.ge [sflag:s31], $0x2800;
	(pc) =	sbr.rel .LBB2_5-.Ltmp4, $4  }
0x88: {  	[sflag:s31] =	ssyncset.done $0x0  }
0x89: {  	s25 =	simm.s32 $0x180;
	[sflag:s31] =	ssyncadd.s32 $0xFFFFD800  }
0x8a: {  	[spmem:s1] =	stream.indirect.scatter.add.f32 [tilespmem:s2], [sflag:$0xE], $0x80, s25, s23, $0xb8;
	[tilespmem:$0x1E080] =	vst v63  }
0x8b: {  	s14 =	simm.s32 $0x8;
	s25 =	smov.u32 s17  }
.LBB2_6:
0x8c: {  	s19 =	sand.u32 $0x7, s14  }
0x8d: {  	s20 =	sshll.u32 s19, $0x8;
	s19 =	sadd.s32 $0x1, s19  }
0x8e: {  	[tilespmem:s20], [sflag:s19] =	stream.linear.gather [hbm4b:s25+s3], $0x100, $0x38;
	[tilespmem:$0x1E080] =	vst v63  }
.LBB2_8:
0x8f: {  	s19 =	sadd.s32 $0xFFFFFFFC, s14  }
0x90: {  	s20 =	sand.u32 $0x7, s19;
	s19 =	sand.u32 $0x3, s19  }
0x91: {  	s21 =	sadd.s32 $0x1, s20;
	s24 =	smul.u32 $0xA000, s19  }
0x92: {  	_ =	swait.ge [sflag:s21], $0x100  }
0x93: {  	s20 =	sshll.u32 s20, $0x8;
	[sflag:s21] =	ssyncset.done $0x0;
	s24 =	sshrl.u32 s24, $0x2  }
0x94: {  	s19 =	sadd.s32 $0x9, s19;
	[sflag:s21] =	ssyncadd.s32 $0xFFFFFF00;
	s21 =	sadd.s32 $0x800, s24  }
0x95: {  	[tilespmem:s21], [sflag:s19] =	stream.indirect.gather [hbm4b:s4+s23], $0x80, s20, s23, $0xb8;
	[tilespmem:$0x1E080] =	vst v63  }
.LBB2_9:
0x96: {  	s14 =	sadd.s32 $0x1, s14  }
0x97: {  	s19 =	smul.u32 $0xA000, s18;
	p3 =	sne.s32 s14, $0x100  }
.Ltmp5:
0x98: {  	s20 =	sadd.s32 $0x9, s18;
	s21 =	sand.u32 $0x700, s13;
	(pc) =	sbr.rel @!p3 .LBB2_10-.Ltmp5, $4  }
0x99: {  	s24 =	sadd.s32 $0xD, s18;
	s13 =	sadd.s32 $0x100, s13;
	_ =	swait.ge [sflag:s20], $0x2800  }
0x9a: {  	s25 =	sadd.s32 $0x20, s25;
	s19 =	sshrl.u32 s19, $0x2;
	[sflag:s20] =	ssyncset.done $0x0  }
0x9b: {  	s21 =	sor.u32 $0x80, s21;
	s19 =	sadd.s32 $0x800, s19;
	[sflag:s20] =	ssyncadd.s32 $0xFFFFD800  }
0x9c: {  	[spmem:s1] =	stream.indirect.scatter.add.f32 [tilespmem:s19], [sflag:s24], $0x80, s21, s23, $0xb8;
	[tilespmem:$0x1E080] =	vst v63  }
.LBB2_5:
0x9d: {  	s19 =	sadd.s32 $0xFFFFFFFA, s14  }
0x9e: {  	s18 =	sand.u32 $0x3, s19;
	p3 =	sgt.u32 s19, $0xF3  }
.Ltmp6:
0x9f: {  	s20 =	sxor.u32 $0x2, s18;
	(pc) =	sbr.rel @!p3 .LBB2_6-.Ltmp6, $4  }
0xa0: {  	s20 =	sadd.s32 $0xD, s20  }
0xa1: {  	_ =	swait.ge [sflag:s20], $0x2800  }
0xa2: {  	[sflag:s20] =	ssyncset.done $0x0  }
0xa3: {  	[sflag:s20] =	ssyncadd.s32 $0xFFFFD800  }
0xa4: {  	p3 =	sgt.u32 s19, $0xF7  }
.Ltmp7:
0xa5: {  	_ = 	snop;
	(pc) =	sbr.rel @p3 .LBB2_9-.Ltmp7, $4  }
.Ltmp8:
0xa6: {  	_ = 	snop;
	(pc) =	sbr.rel @!p3 .LBB2_8-.Ltmp8, $4  }
0xa7: {  	_ = 	snop  }
0xa8: {  	_ = 	snop  }
0xa9: {  	_ = 	snop  }
0xaa: {  	_ = 	snop  }
.LBB2_11:
0xab: {  	s13 =	simm.s32 $0x80  }
0xac: {  	[tilespmem:s29], [sflag:$0x9] =	stream.indirect.gather [hbm4b:s4+s23], $0x80, s13, s23, $0xb8;
	[tilespmem:$0x1E080] =	vst v63  }
0xad: {  	_ =	swait.ge [sflag:s6], $0x100  }
0xae: {  	[sflag:s6] =	ssyncset.done $0x0  }
0xaf: {  	s18 =	simm.s32 $0x180;
	[sflag:s6] =	ssyncadd.s32 $0xFFFFFF00  }
0xb0: {  	[tilespmem:s2], [sflag:$0xA] =	stream.indirect.gather [hbm4b:s4+s23], $0x80, s18, s23, $0xb8;
	[tilespmem:$0x1E080] =	vst v63  }
0xb1: {  	s19 =	simm.s32 $0x600  }
0xb2: {  	[tilespmem:s19], [sflag:$0x7] =	stream.linear.gather [hbm4b:s26+s3], $0x100, $0x38;
	[tilespmem:$0x1E080] =	vst v63  }
0xb3: {  	_ =	swait.ge [sflag:s22], $0x100  }
0xb4: {  	[sflag:s22] =	ssyncset.done $0x0  }
0xb5: {  	s20 =	simm.s32 $0x5800;
	s14 =	simm.s32 $0x280;
	[sflag:s22] =	ssyncadd.s32 $0xFFFFFF00  }
0xb6: {  	[tilespmem:s20], [sflag:$0xB] =	stream.indirect.gather [hbm4b:s4+s23], $0x80, s14, s23, $0xb8;
	[tilespmem:$0x1E080] =	vst v63  }
0xb7: {  	_ =	swait.ge [sflag:s30], $0x2800  }
0xb8: {  	[sflag:s30] =	ssyncset.done $0x0  }
0xb9: {  	[sflag:s30] =	ssyncadd.s32 $0xFFFFD800  }
0xba: {  	[spmem:s1] =	stream.indirect.scatter.add.f32 [tilespmem:s29], [sflag:$0xD], $0x80, s3, s23, $0xb8;
	[tilespmem:$0x1E080] =	vst v63  }
0xbb: {  	s21 =	simm.s32 $0x700  }
0xbc: {  	[tilespmem:s21], [sflag:$0x8] =	stream.linear.gather [hbm4b:s28+s3], $0x100, $0x38;
	[tilespmem:$0x1E080] =	vst v63  }
0xbd: {  	_ =	swait.ge [sflag:s8], $0x100  }
0xbe: {  	[sflag:s8] =	ssyncset.done $0x0  }
0xbf: {  	s24 =	simm.s32 $0x8000;
	s25 =	simm.s32 $0x380;
	[sflag:s8] =	ssyncadd.s32 $0xFFFFFF00  }
0xc0: {  	[tilespmem:s24], [sflag:$0xC] =	stream.indirect.gather [hbm4b:s4+s23], $0x80, s25, s23, $0xb8;
	[tilespmem:$0x1E080] =	vst v63  }
.Ltmp9:
0xc1: {  	_ = 	snop;
	(pc) =	sbr.rel .LBB2_12-.Ltmp9, $4  }
0xc2: {  	_ =	swait.ge [sflag:s31], $0x2800  }
0xc3: {  	s13 =	simm.s32 $0x8;
	[sflag:s31] =	ssyncset.done $0x0  }
0xc4: {  	s14 =	simm.s32 $0x200;
	s25 =	smov.u32 s17;
	[sflag:s31] =	ssyncadd.s32 $0xFFFFD800  }
0xc5: {  	[spmem:s1] =	stream.indirect.scatter.add.f32 [tilespmem:s2], [sflag:$0xE], $0x80, s0, s23, $0xb8;
	[tilespmem:$0x1E080] =	vst v63  }
.LBB2_13:
0xc6: {  	s19 =	sand.u32 $0x7, s13  }
0xc7: {  	s20 =	sshll.u32 s19, $0x8;
	s19 =	sadd.s32 $0x1, s19  }
0xc8: {  	[tilespmem:s20], [sflag:s19] =	stream.linear.gather [hbm4b:s25+s3], $0x100, $0x38;
	[tilespmem:$0x1E080] =	vst v63  }
.LBB2_15:
0xc9: {  	s19 =	sadd.s32 $0xFFFFFFFC, s13  }
0xca: {  	s20 =	sand.u32 $0x7, s19;
	s19 =	sand.u32 $0x3, s19  }
0xcb: {  	s21 =	sadd.s32 $0x1, s20;
	s24 =	smul.u32 $0xA000, s19  }
0xcc: {  	s20 =	sshll.u32 s20, $0x8;
	_ =	swait.ge [sflag:s21], $0x100  }
0xcd: {  	s19 =	sadd.s32 $0x9, s19;
	[sflag:s21] =	ssyncset.done $0x0;
	s24 =	sshrl.u32 s24, $0x2  }
0xce: {  	s20 =	sor.u32 $0x80, s20;
	[sflag:s21] =	ssyncadd.s32 $0xFFFFFF00;
	s21 =	sadd.s32 $0x800, s24  }
0xcf: {  	[tilespmem:s21], [sflag:s19] =	stream.indirect.gather [hbm4b:s4+s23], $0x80, s20, s23, $0xb8;
	[tilespmem:$0x1E080] =	vst v63  }
.LBB2_16:
0xd0: {  	s13 =	sadd.s32 $0x1, s13  }
0xd1: {  	s19 =	smul.u32 $0xA000, s18;
	p3 =	sne.s32 s13, $0x100  }
.Ltmp10:
0xd2: {  	s20 =	sadd.s32 $0x9, s18;
	(pc) =	sbr.rel @!p3 .LBB2_17-.Ltmp10, $4  }
0xd3: {  	s21 =	sand.u32 $0x700, s14;
	s24 =	sadd.s32 $0xD, s18;
	_ =	swait.ge [sflag:s20], $0x2800  }
0xd4: {  	s14 =	sadd.s32 $0x100, s14;
	s19 =	sshrl.u32 s19, $0x2;
	[sflag:s20] =	ssyncset.done $0x0  }
0xd5: {  	s25 =	sadd.s32 $0x20, s25;
	s19 =	sadd.s32 $0x800, s19;
	[sflag:s20] =	ssyncadd.s32 $0xFFFFD800  }
0xd6: {  	[spmem:s1] =	stream.indirect.scatter.add.f32 [tilespmem:s19], [sflag:s24], $0x80, s21, s23, $0xb8;
	[tilespmem:$0x1E080] =	vst v63  }
.LBB2_12:
0xd7: {  	s19 =	sadd.s32 $0xFFFFFFFA, s13  }
0xd8: {  	s18 =	sand.u32 $0x3, s19;
	p3 =	sgt.u32 s19, $0xF3  }
.Ltmp11:
0xd9: {  	s20 =	sxor.u32 $0x2, s18;
	(pc) =	sbr.rel @!p3 .LBB2_13-.Ltmp11, $4  }
0xda: {  	s20 =	sadd.s32 $0xD, s20  }
0xdb: {  	_ =	swait.ge [sflag:s20], $0x2800  }
0xdc: {  	[sflag:s20] =	ssyncset.done $0x0  }
0xdd: {  	[sflag:s20] =	ssyncadd.s32 $0xFFFFD800  }
0xde: {  	p3 =	sgt.u32 s19, $0xF7  }
.Ltmp12:
0xdf: {  	_ = 	snop;
	(pc) =	sbr.rel @p3 .LBB2_16-.Ltmp12, $4  }
.Ltmp13:
0xe0: {  	_ = 	snop;
	(pc) =	sbr.rel @!p3 .LBB2_15-.Ltmp13, $4  }
0xe1: {  	_ = 	snop  }
0xe2: {  	_ = 	snop  }
0xe3: {  	_ = 	snop  }
0xe4: {  	_ = 	snop  }
.LBB2_10:
0xe5: {  	_ =	swait.ge [sflag:s9], $0x2800  }
0xe6: {  	[sflag:s9] =	ssyncset.done $0x0  }
0xe7: {  	[sflag:s9] =	ssyncadd.s32 $0xFFFFD800  }
0xe8: {  	_ =	swait.ge [sflag:s10], $0x2800  }
0xe9: {  	[sflag:s10] =	ssyncset.done $0x0  }
0xea: {  	s13 =	stileid.u32;
	[sflag:s10] =	ssyncadd.s32 $0xFFFFD800  }
0xeb: {  	s13 =	sshll.u32 s13, $0x6;
	[bflag:$0x0] =	sbarrier.arrive $0xFFFF  }
0xec: {  	s14 =	sshrl.u32 s7, $0x3;
	s13 =	sor.u32 $0x1C11, s13;
	s18 =	rddreg [dreg:$0x12]  }
0xed: {  	[hbm:s18], [sflag:s13] =	dma.local [spmem:s14], $0x2700  }
.Ltmp14:
0xee: {  	_ = 	snop;
	(pc) =	sbr.rel @p2 .LBB2_18-.Ltmp14, $4  }
.Ltmp15:
0xef: {  	_ = 	snop;
	(pc) =	sbr.rel @!p2 .LBB2_19-.Ltmp15, $4  }
0xf0: {  	_ =	swait.ge [sflag:s11], $0x2700  }
0xf1: {  	[sflag:s11] =	ssyncset.done $0x0  }
0xf2: {  	s14 =	rddreg [dreg:$0x3];
	[sflag:s11] =	ssyncadd.s32 $0xFFFFD900  }
0xf3: {  	_ = 	snop  }
.LBB2_17:
0xf4: {  	_ =	swait.ge [sflag:s9], $0x2800  }
0xf5: {  	[sflag:s9] =	ssyncset.done $0x0  }
0xf6: {  	[sflag:s9] =	ssyncadd.s32 $0xFFFFD800  }
0xf7: {  	_ =	swait.ge [sflag:s10], $0x2800  }
0xf8: {  	[sflag:s10] =	ssyncset.done $0x0  }
0xf9: {  	s13 =	stileid.u32;
	[sflag:s10] =	ssyncadd.s32 $0xFFFFD800  }
0xfa: {  	s13 =	sshll.u32 s13, $0x6;
	[bflag:$0x0] =	sbarrier.arrive $0xFFFF  }
0xfb: {  	s14 =	sshrl.u32 s7, $0x3;
	s13 =	sor.u32 $0x1C11, s13;
	s18 =	rddreg [dreg:$0x11]  }
0xfc: {  	[hbm:s18], [sflag:s13] =	dma.local [spmem:s14], $0x2700  }
.Ltmp16:
0xfd: {  	_ = 	snop;
	(pc) =	sbr.rel @p1 .LBB2_19-.Ltmp16, $4  }
.Ltmp17:
0xfe: {  	_ = 	snop;
	(pc) =	sbr.rel @!p1 .LBB2_18-.Ltmp17, $4  }
0xff: {  	_ =	swait.ge [sflag:s11], $0x2700  }
0x100: {  	[sflag:s11] =	ssyncset.done $0x0  }
0x101: {  	s14 =	rddreg [dreg:$0x4];
	[sflag:s11] =	ssyncadd.s32 $0xFFFFD900  }
0x102: {  	_ = 	snop  }
.LBB2_20:
0x103: {  	_ =	sfence.sel $0x180000  }
0x104: {  	[bflag:$0x0] =	sbarrier.arrive $0xFFFF  }
0x105: {  	_ =	strace $0x90000047  }
0x106: {  	s0 =	stileid.u32;
	[bflag:$0x2] =	sbarrier.arrive $0xFFFF  }
0x107: {  	p0 =	sne.s32 s0, $0x0;
	s0 =	rddreg [dreg:$0x2]  }
0x108: {  	s0 =	sadd.s32 @!p0 $0x100000, s0  }
0x109: {  	[sflag:s0] =	ssyncadd.tile.s32 @!p0 $0x1;
	_ =	shalt  }
.Lfunc_end2:
_tile_overlayer_lowered:
.L_overlay_start_2:
0x10a: {  	(tag) =	ssettag $0x2  }
0x10b: {  	s0 =	rddreg [dreg:$0x0];
	s2 =	stileid.u32  }
0x10c: {  	s1 =	rddreg [dreg:$0x1];
	p0 =	sne.s32 s2, $0x0  }
0x10d: {  	s3 =	rddreg [dreg:$0x2];
	[bflag:$0x3] =	sbarrier.arrive $0xFFFF;
	s2 =	simm.s32 @!p0 $0x1C11  }
0x10e: {  	[timem:s3], [sflag:s2] =	dma.local @!p0 [hbm:s0], s1  }
0x10f: {  	s0 =	simm.s32 @!p0 $0x11  }
0x110: {  	_ =	swait.ge @!p0 [sflag:s0], s1  }
0x111: {  	s1 =	ssub.s32 @!p0 $0x0, s1;
	[sflag:s0] =	ssyncset.done @!p0 $0x0  }
0x112: {  	[sflag:s0] =	ssyncadd.s32 @!p0 s1  }
0x113: {  	[bflag:$0x3] =	sbarrier.arrive $0xFFFF  }
0x114: {  	_ =	shalt  }

</sc_bundles>
